<compile_context>
chip_gen: v7x
topology: tpu7x:2x2x1
jax: 0.10.2.dev20260603
libtpu: 0.0.44.dev20260713+nightly
codegen_flags: <defaults>
</compile_context>

<pallas_src>
import dataclasses

import jax
import jax.numpy as jnp
from jax.experimental import pallas as pl
from jax.experimental.pallas import tpu as pltpu
from jax.experimental.pallas import tpu_sc as plsc

_LANES = 16
_NTILES = 32


def kernel(timedelta, table):
    B, T = timedelta.shape
    V, D = table.shape
    BT = B // _NTILES
    STRIDE = V * D + 1
    NV = BT // _LANES

    idx_t = timedelta.T.astype(jnp.int32)
    table_flat = table.reshape(-1)

    mesh = plsc.VectorSubcoreMesh(core_axis_name="core", subcore_axis_name="subcore")

    cp = pltpu.CompilerParams()
    if "needs_layout_passes" in pltpu.CompilerParams.__dataclass_fields__:
        cp = dataclasses.replace(cp, needs_layout_passes=False)

    @pl.kernel(
        compiler_params=cp,
        out_type=jax.ShapeDtypeStruct((T, D, B), table.dtype),
        mesh=mesh,
        scratch_types=[
            pltpu.VMEM((V * D,), table.dtype),
            pltpu.VMEM((_LANES * STRIDE,), table.dtype),
            pltpu.SemaphoreType.DMA,
        ],
    )
    def _lookup(table_hbm, i_hbm, o_hbm, tab_vmem, rep_vmem, sem):
        pltpu.async_copy(table_hbm, tab_vmem, sem).wait()

        @pl.loop(0, _LANES)
        def _(c):
            @pl.loop(0, V * D // _LANES)
            def _(i):
                rep_vmem[pl.ds(c * STRIDE + i * _LANES, _LANES)] = tab_vmem[
                    pl.ds(i * _LANES, _LANES)
                ]

        lane_off = jax.lax.iota(jnp.int32, _LANES) * STRIDE

        def body(i_vmem, o_vmem):
            @plsc.parallel_loop(0, NV // 2, 1, unroll=2)
            def _(kk):
                k = kk * 2
                rows0 = i_vmem[0, pl.ds(k * _LANES, _LANES)]
                rows1 = i_vmem[0, pl.ds((k + 1) * _LANES, _LANES)]
                base0 = rows0 * D + lane_off
                base1 = rows1 * D + lane_off
                for d0 in range(0, D, 8):
                    vals = [
                        plsc.load_gather(rep_vmem, [base0 + (d0 + j)])
                        for j in range(8)
                    ] + [
                        plsc.load_gather(rep_vmem, [base1 + (d0 + j)])
                        for j in range(8)
                    ]
                    for j in range(8):
                        o_vmem[0, d0 + j, pl.ds(k * _LANES, _LANES)] = vals[j]
                    for j in range(8):
                        o_vmem[0, d0 + j, pl.ds((k + 1) * _LANES, _LANES)] = vals[8 + j]

        pltpu.emit_pipeline(
            body,
            grid=(_NTILES, T),
            in_specs=[pl.BlockSpec((1, BT), index_map=lambda i, t: (t, i))],
            out_specs=[pl.BlockSpec((1, D, BT), index_map=lambda i, t: (t, 0, i))],
            core_axis_name=("core", "subcore"),
            dimension_semantics=(pltpu.PARALLEL, pltpu.ARBITRARY),
        )(i_hbm, o_hbm)

    out = _lookup(table_flat, idx_t)
    return jnp.transpose(out, (2, 0, 1))

# --- scband reference (transcript-rebuilt; emitter-appended) ---
"""Pipeline reference for scband-timedelta-embedding-model-19920058319189 (READ-ONLY COPY).

The authoritative reference and input builder live on the scoring server;
editing this copy changes nothing except your own understanding.
"""

import jax, jax.numpy as jnp
import numpy as np


def setup_inputs(seed: int = 0) -> dict:
    key = jax.random.key(seed)
    k1, k2 = jax.random.split(key)
    timedelta = jax.random.randint(k1, (16384, 200), 0, 48, dtype=jnp.int64)
    # nn.Embedding default init: N(0, 1)
    table = jax.random.normal(k2, (48, 64), dtype=jnp.float32)
    return {"timedelta": timedelta, "table": table}


def reference(timedelta, table):
    # embed = self.timedelta_embedding(timedelta)
    embed = jnp.take(table, timedelta, axis=0)
    return embed

if __name__ == "__main__":
    import jax
    _d = setup_inputs()
    print(jax.jit(kernel)(*tuple(_d.values())))

</pallas_src>

<mosaic_0001>
#map = affine_map<(d0, d1) -> (0)>
#map1 = affine_map<(d0, d1) -> (0, 0)>
#map2 = affine_map<(d0, d1) -> (0, 0, 0)>
module attributes {stable_mosaic.version = 14 : i64} {
  func.func @_lookup(%arg0: i32, %arg1: i32, %arg2: memref<3072xf32, #tpu.memory_space<hbm>>, %arg3: memref<200x16384xi32, #tpu.memory_space<hbm>>, %arg4: memref<200x64x16384xf32, #tpu.memory_space<hbm>>, %arg5: memref<3072xf32, #tpu.memory_space<vmem>>, %arg6: memref<49168xf32, #tpu.memory_space<vmem>>, %arg7: memref<!tpu.dma_semaphore, #tpu.memory_space<semaphore_mem>>) attributes {dimension_semantics = [#tpu.dimension_semantics<core_parallel>, #tpu.dimension_semantics<subcore_parallel>], iteration_bounds = array<i64: 2, 16>, scalar_prefetch = 0 : i64, scratch_operands = 3 : i64, tpu.core_type = #tpu.core_type<sc_vector_subcore>, window_params = [{transform_indices = #map}, {transform_indices = #map1}, {transform_indices = #map2}]} {
    tpu.enqueue_dma source(%arg2 : memref<3072xf32, #tpu.memory_space<hbm>>) target(%arg5 : memref<3072xf32, #tpu.memory_space<vmem>>) target_semaphore(%arg7 : memref<!tpu.dma_semaphore, #tpu.memory_space<semaphore_mem>>)
    tpu.wait_dma2 semaphore(%arg7 : memref<!tpu.dma_semaphore, #tpu.memory_space<semaphore_mem>>) src(%arg2 : memref<3072xf32, #tpu.memory_space<hbm>>) dst(%arg5 : memref<3072xf32, #tpu.memory_space<vmem>>)
    %scan3A = arith.constant 0 : i32
    %scan3A_0 = arith.constant 16 : i32
    %scan3A_1 = arith.addi %scan3A, %scan3A_0 : i32
    %scan3A_2 = arith.constant 1 : i32
    scf.for %scan3A_14 = %scan3A to %scan3A_1 step %scan3A_2  : i32 {
      %mul3A_15 = arith.constant 1 : i32
      %mul3A_16 = arith.muli %scan3A_14, %mul3A_15 : i32
      %add3A_17 = arith.constant 0 : i32
      %add3A_18 = arith.addi %add3A_17, %mul3A_16 : i32
      %scan3A_19 = arith.constant 0 : i32
      %scan3A_20 = arith.constant 192 : i32
      %scan3A_21 = arith.addi %scan3A_19, %scan3A_20 : i32
      %scan3A_22 = arith.constant 1 : i32
      scf.for %scan3A_24 = %scan3A_19 to %scan3A_21 step %scan3A_22  : i32 {
        %mul3A_25 = arith.constant 1 : i32
        %mul3A_26 = arith.muli %scan3A_24, %mul3A_25 : i32
        %add3A_27 = arith.constant 0 : i32
        %add3A_28 = arith.addi %add3A_27, %mul3A_26 : i32
        %mul3A_29 = arith.constant 16 : i32
        %mul3A_30 = arith.muli %add3A_28, %mul3A_29 : i32
        %get3A = arith.index_cast %mul3A_30 : i32 to index
        %get3A_31 = tpu.vector_load %arg5[%get3A] {strides = array<i32>} : memref<3072xf32, #tpu.memory_space<vmem>>, vector<16xf32>,
        %mul3A_32 = arith.constant 3073 : i32
        %mul3A_33 = arith.muli %add3A_18, %mul3A_32 : i32
        %mul3A_34 = arith.constant 16 : i32
        %mul3A_35 = arith.muli %add3A_28, %mul3A_34 : i32
        %add3A_36 = arith.addi %mul3A_33, %mul3A_35 : i32
        %swap3A = arith.index_cast %add3A_36 : i32 to index
        %swap3A_37 = tpu.vector_load %arg6[%swap3A] {strides = array<i32>} : memref<49168xf32, #tpu.memory_space<vmem>>, vector<16xf32>,
        tpu.vector_store %arg6[%swap3A], %get3A_31 {strides = array<i32>} : memref<49168xf32, #tpu.memory_space<vmem>>, vector<16xf32>,
      }
      %scan3A_23 = arith.constant 192 : i32
    }
    %scan3A_3 = arith.constant 16 : i32
    %iota3A = tpu.iota {dimensions = array<i32: 0>} : vector<16xi32>
    %mul3A = arith.constant 3073 : i32
    %mul3A_4 = vector.broadcast %mul3A : i32 to vector<16xi32>
    %mul3A_5 = arith.muli %iota3A, %mul3A_4 : vector<16xi32>
    %mul3A_6 = arith.constant 1 : i32
    %mul3A_7 = arith.muli %arg1, %mul3A_6 : i32
    %add3A = arith.constant 0 : i32
    %add3A_8 = arith.addi %add3A, %mul3A_7 : i32
    %mul3A_9 = arith.constant 16 : i32
    %mul3A_10 = arith.muli %arg0, %mul3A_9 : i32
    %add3A_11 = arith.addi %add3A_8, %mul3A_10 : i32
    %mul3A_12 = arith.constant 1 : i32
    %mul3A_13 = arith.muli %add3A_11, %mul3A_12 : i32
    "tpu.region"() ({
      %run_scoped3A = memref.alloca() : memref<2x1x512xi32, #tpu.memory_space<vmem>>
      %run_scoped3A_14 = tpu.sem_alloc : memref<2x!tpu.dma_semaphore, #tpu.memory_space<semaphore_mem>>
      %run_scoped3A_15 = memref.alloca() : memref<2x1x64x512xf32, #tpu.memory_space<vmem>>
      %run_scoped3A_16 = tpu.sem_alloc : memref<2x!tpu.dma_semaphore, #tpu.memory_space<semaphore_mem>>
      %add3A_17 = arith.constant 0 : i32
      %add3A_18 = arith.addi %add3A_17, %mul3A_13 : i32
      %select_n3A = arith.constant true
      %select_n3A_19 = arith.constant 0 : i32
      %select_n3A_20 = arith.constant -1 : i32
      %select_n3A_21 = arith.select %select_n3A, %select_n3A_20, %select_n3A_19 : i32
      %eq3A = arith.constant -1 : i32
      %eq3A_22 = arith.cmpi eq, %select_n3A_21, %eq3A : i32
      %select_n3A_23 = arith.constant 199 : i32
      %select_n3A_24 = arith.select %eq3A_22, %select_n3A_23, %select_n3A_21 : i32
      %select_n3A_25 = arith.constant 0 : i32
      %select_n3A_26 = arith.constant -1 : i32
      %select_n3A_27 = arith.select %eq3A_22, %select_n3A_26, %select_n3A_25 : i32
      %eq3A_28 = arith.constant -1 : i32
      %eq3A_29 = arith.cmpi eq, %select_n3A_27, %eq3A_28 : i32
      %select_n3A_30 = arith.constant 0 : i32
      %select_n3A_31 = arith.select %eq3A_29, %select_n3A_30, %select_n3A_27 : i32
      %add3A_32 = arith.constant 0 : i32
      %add3A_33 = arith.addi %add3A_32, %mul3A_13 : i32
      %add3A_34 = arith.constant 0 : i32
      %add3A_35 = arith.addi %select_n3A_24, %add3A_34 : i32
      %select_n3A_36 = arith.constant true
      %select_n3A_37 = arith.constant 0 : i32
      %select_n3A_38 = arith.constant 1 : i32
      %select_n3A_39 = arith.select %select_n3A_36, %select_n3A_38, %select_n3A_37 : i32
      %eq3A_40 = arith.constant 200 : i32
      %eq3A_41 = arith.cmpi eq, %select_n3A_39, %eq3A_40 : i32
      %select_n3A_42 = arith.constant 0 : i32
      %select_n3A_43 = arith.select %eq3A_41, %select_n3A_42, %select_n3A_39 : i32
      %select_n3A_44 = arith.constant 0 : i32
      %select_n3A_45 = arith.constant 1 : i32
      %select_n3A_46 = arith.select %eq3A_41, %select_n3A_45, %select_n3A_44 : i32
      %eq3A_47 = arith.constant 1 : i32
      %eq3A_48 = arith.cmpi eq, %select_n3A_46, %eq3A_47 : i32
      %select_n3A_49 = arith.constant 0 : i32
      %select_n3A_50 = arith.select %eq3A_48, %select_n3A_49, %select_n3A_46 : i32
      %add3A_51 = arith.constant 0 : i32
      %add3A_52 = arith.addi %add3A_51, %mul3A_13 : i32
      %add3A_53 = arith.constant 0 : i32
      %add3A_54 = arith.addi %select_n3A_43, %add3A_53 : i32
      %add3A_55 = arith.constant 1 : i32
      %add3A_56 = arith.addi %select_n3A_43, %add3A_55 : i32
      %select_n3A_57 = arith.constant true
      %select_n3A_58 = arith.select %select_n3A_57, %add3A_56, %select_n3A_43 : i32
      %eq3A_59 = arith.constant 200 : i32
      %eq3A_60 = arith.cmpi eq, %select_n3A_58, %eq3A_59 : i32
      %select_n3A_61 = arith.constant 0 : i32
      %select_n3A_62 = arith.select %eq3A_60, %select_n3A_61, %select_n3A_58 : i32
      %select_n3A_63 = arith.constant 0 : i32
      %select_n3A_64 = arith.constant 1 : i32
      %select_n3A_65 = arith.select %eq3A_60, %select_n3A_64, %select_n3A_63 : i32
      %eq3A_66 = arith.constant 1 : i32
      %eq3A_67 = arith.cmpi eq, %select_n3A_65, %eq3A_66 : i32
      %select_n3A_68 = arith.constant 0 : i32
      %select_n3A_69 = arith.select %eq3A_67, %select_n3A_68, %select_n3A_65 : i32
      %add3A_70 = arith.constant 0 : i32
      %add3A_71 = arith.addi %add3A_70, %mul3A_13 : i32
      %add3A_72 = arith.constant 0 : i32
      %add3A_73 = arith.addi %select_n3A_62, %add3A_72 : i32
      "tpu.trace_start"() <{level = 10 : i32, message = "ep_initialize_0"}> : () -> ()
      %rem3A = arith.constant 0 : i32
      %rem3A_74 = arith.constant 2 : i32
      %rem3A_75 = arith.remui %rem3A, %rem3A_74 : i32
      %mul3A_76 = arith.constant 512 : i32
      %mul3A_77 = arith.muli %mul3A_76, %add3A_18 : i32
      %dma_start3A = arith.constant 0 : i32
      %dma_start3A_78 = arith.constant 0 : i32
      %dma_start3A_79 = tpu.memref_slice %run_scoped3A[%rem3A_75, %dma_start3A, %dma_start3A_78] : memref<2x1x512xi32, #tpu.memory_space<vmem>> -> memref<1x1x512xi32, #tpu.memory_space<vmem>>
      %dma_start3A_80 = tpu.memref_squeeze %dma_start3A_79 : memref<1x1x512xi32, #tpu.memory_space<vmem>> -> memref<1x512xi32, #tpu.memory_space<vmem>>
      %dma_start3A_81 = arith.constant 0 : i32
      %dma_start3A_82 = tpu.memref_slice %arg3[%dma_start3A_81, %mul3A_77] : memref<200x16384xi32, #tpu.memory_space<hbm>> -> memref<1x512xi32, #tpu.memory_space<hbm>>
      %dma_start3A_83 = tpu.memref_slice %run_scoped3A_14[%rem3A_75] : memref<2x!tpu.dma_semaphore, #tpu.memory_space<semaphore_mem>> -> memref<1x!tpu.dma_semaphore, #tpu.memory_space<semaphore_mem>>
      %dma_start3A_84 = tpu.memref_squeeze %dma_start3A_83 : memref<1x!tpu.dma_semaphore, #tpu.memory_space<semaphore_mem>> -> memref<!tpu.dma_semaphore, #tpu.memory_space<semaphore_mem>>
      %dma_start3A_85 = arith.constant 0 : i32
      %dma_start3A_86 = arith.constant 0 : i32
      %dma_start3A_87 = tpu.memref_slice %run_scoped3A[%rem3A_75, %dma_start3A_85, %dma_start3A_86] : memref<2x1x512xi32, #tpu.memory_space<vmem>> -> memref<1x1x512xi32, #tpu.memory_space<vmem>>
      %dma_start3A_88 = tpu.memref_squeeze %dma_start3A_87 : memref<1x1x512xi32, #tpu.memory_space<vmem>> -> memref<1x512xi32, #tpu.memory_space<vmem>>
      %dma_start3A_89 = arith.constant 0 : i32
      %dma_start3A_90 = tpu.memref_slice %arg3[%dma_start3A_89, %mul3A_77] : memref<200x16384xi32, #tpu.memory_space<hbm>> -> memref<1x512xi32, #tpu.memory_space<hbm>>
      tpu.enqueue_dma source(%dma_start3A_90 : memref<1x512xi32, #tpu.memory_space<hbm>>) target(%dma_start3A_88 : memref<1x512xi32, #tpu.memory_space<vmem>>) target_semaphore(%dma_start3A_84 : memref<!tpu.dma_semaphore, #tpu.memory_space<semaphore_mem>>)
      %add3A_91 = arith.constant 0 : i32
      %add3A_92 = arith.constant 1 : i32
      %add3A_93 = arith.addi %add3A_91, %add3A_92 : i32
      %select_n3A_94 = arith.constant true
      %select_n3A_95 = arith.constant 0 : i32
      %select_n3A_96 = arith.select %select_n3A_94, %add3A_93, %select_n3A_95 : i32
      "tpu.trace_stop"() : () -> ()
      %scan3A_97 = arith.constant 0 : i32
      %scan3A_98 = arith.constant 0 : i32
      %scan3A_99 = arith.constant 0 : i32
      %scan3A_100 = arith.constant 0 : i32
      %scan3A_101 = arith.constant 0 : i32
      %scan3A_102 = arith.constant 0 : i32
      %scan3A_103 = arith.constant 200 : i32
      %scan3A_104 = arith.addi %scan3A_102, %scan3A_103 : i32
      %scan3A_105 = arith.constant 1 : i32
      %scan3A_106:6 = scf.for %scan3A_204 = %scan3A_102 to %scan3A_104 step %scan3A_105 iter_args(%scan3A_205 = %select_n3A_96, %scan3A_206 = %scan3A_97, %scan3A_207 = %scan3A_98, %scan3A_208 = %scan3A_99, %scan3A_209 = %scan3A_100, %scan3A_210 = %scan3A_101) -> (i32, i32, i32, i32, i32, i32)  : i32 {
        %eq3A_211 = arith.constant 0 : i32
        %eq3A_212 = arith.cmpi eq, %scan3A_204, %eq3A_211 : i32
        %eq3A_213 = arith.constant 199 : i32
        %eq3A_214 = arith.cmpi eq, %scan3A_204, %eq3A_213 : i32
        %add3A_215 = arith.constant 0 : i32
        %add3A_216 = arith.addi %add3A_215, %mul3A_13 : i32
        %add3A_217 = arith.constant 0 : i32
        %add3A_218 = arith.addi %scan3A_210, %add3A_217 : i32
        %sub3A_219 = arith.constant 1 : i32
        %sub3A_220 = arith.subi %scan3A_210, %sub3A_219 : i32
        %select_n3A_221 = arith.constant true
        %select_n3A_222 = arith.select %select_n3A_221, %sub3A_220, %scan3A_210 : i32
        %eq3A_223 = arith.constant -1 : i32
        %eq3A_224 = arith.cmpi eq, %select_n3A_222, %eq3A_223 : i32
        %select_n3A_225 = arith.constant 199 : i32
        %select_n3A_226 = arith.select %eq3A_224, %select_n3A_225, %select_n3A_222 : i32
        %select_n3A_227 = arith.constant 0 : i32
        %select_n3A_228 = arith.constant -1 : i32
        %select_n3A_229 = arith.select %eq3A_224, %select_n3A_228, %select_n3A_227 : i32
        %eq3A_230 = arith.constant -1 : i32
        %eq3A_231 = arith.cmpi eq, %select_n3A_229, %eq3A_230 : i32
        %select_n3A_232 = arith.constant 0 : i32
        %select_n3A_233 = arith.select %eq3A_231, %select_n3A_232, %select_n3A_229 : i32
        %add3A_234 = arith.constant 0 : i32
        %add3A_235 = arith.addi %add3A_234, %mul3A_13 : i32
        %add3A_236 = arith.constant 0 : i32
        %add3A_237 = arith.addi %select_n3A_226, %add3A_236 : i32
        %add3A_238 = arith.constant 1 : i32
        %add3A_239 = arith.addi %scan3A_210, %add3A_238 : i32
        %select_n3A_240 = arith.constant true
        %select_n3A_241 = arith.select %select_n3A_240, %add3A_239, %scan3A_210 : i32
        %eq3A_242 = arith.constant 200 : i32
        %eq3A_243 = arith.cmpi eq, %select_n3A_241, %eq3A_242 : i32
        %select_n3A_244 = arith.constant 0 : i32
        %select_n3A_245 = arith.select %eq3A_243, %select_n3A_244, %select_n3A_241 : i32
        %select_n3A_246 = arith.constant 0 : i32
        %select_n3A_247 = arith.constant 1 : i32
        %select_n3A_248 = arith.select %eq3A_243, %select_n3A_247, %select_n3A_246 : i32
        %eq3A_249 = arith.constant 1 : i32
        %eq3A_250 = arith.cmpi eq, %select_n3A_248, %eq3A_249 : i32
        %select_n3A_251 = arith.constant 0 : i32
        %select_n3A_252 = arith.select %eq3A_250, %select_n3A_251, %select_n3A_248 : i32
        %add3A_253 = arith.constant 0 : i32
        %add3A_254 = arith.addi %add3A_253, %mul3A_13 : i32
        %add3A_255 = arith.constant 0 : i32
        %add3A_256 = arith.addi %select_n3A_245, %add3A_255 : i32
        %add3A_257 = arith.constant 1 : i32
        %add3A_258 = arith.addi %select_n3A_245, %add3A_257 : i32
        %select_n3A_259 = arith.constant true
        %select_n3A_260 = arith.select %select_n3A_259, %add3A_258, %select_n3A_245 : i32
        %eq3A_261 = arith.constant 200 : i32
        %eq3A_262 = arith.cmpi eq, %select_n3A_260, %eq3A_261 : i32
        %select_n3A_263 = arith.constant 0 : i32
        %select_n3A_264 = arith.select %eq3A_262, %select_n3A_263, %select_n3A_260 : i32
        %select_n3A_265 = arith.constant 0 : i32
        %select_n3A_266 = arith.constant 1 : i32
        %select_n3A_267 = arith.select %eq3A_262, %select_n3A_266, %select_n3A_265 : i32
        %eq3A_268 = arith.constant 1 : i32
        %eq3A_269 = arith.cmpi eq, %select_n3A_267, %eq3A_268 : i32
        %select_n3A_270 = arith.constant 0 : i32
        %select_n3A_271 = arith.select %eq3A_269, %select_n3A_270, %select_n3A_267 : i32
        %add3A_272 = arith.constant 0 : i32
        %add3A_273 = arith.addi %add3A_272, %mul3A_13 : i32
        %add3A_274 = arith.constant 0 : i32
        %add3A_275 = arith.addi %select_n3A_264, %add3A_274 : i32
        %ne3A = arith.cmpi ne, %add3A_218, %add3A_256 : i32
        %ne3A_276 = arith.cmpi ne, %add3A_216, %add3A_254 : i32
        %or3A = arith.constant false
        %or3A_277 = arith.ori %or3A, %ne3A : i1
        %or3A_278 = arith.ori %or3A_277, %ne3A_276 : i1
        %ge3A = arith.constant 199 : i32
        %ge3A_279 = arith.cmpi sge, %scan3A_204, %ge3A : i32
        %not3A = arith.constant true
        %not3A_280 = arith.xori %ge3A_279, %not3A : i1
        %and3A = arith.andi %or3A_278, %not3A_280 : i1
        %convert_element_type3A = arith.extui %and3A : i1 to i32
        %cond3A = arith.constant 0 : i32
        %cond3A_281 = arith.cmpi ne, %convert_element_type3A, %cond3A : i32
        scf.if %cond3A_281 {
          "tpu.trace_start"() <{level = 10 : i32, message = "ep_copy_in"}> : () -> ()
          %rem3A_408 = arith.constant 2 : i32
          %rem3A_409 = arith.remui %scan3A_205, %rem3A_408 : i32
          %mul3A_410 = arith.constant 1 : i32
          %mul3A_411 = arith.muli %mul3A_410, %add3A_256 : i32
          %mul3A_412 = arith.constant 512 : i32
          %mul3A_413 = arith.muli %mul3A_412, %add3A_254 : i32
          %dma_start3A_414 = arith.constant 0 : i32
          %dma_start3A_415 = arith.constant 0 : i32
          %dma_start3A_416 = tpu.memref_slice %run_scoped3A[%rem3A_409, %dma_start3A_414, %dma_start3A_415] : memref<2x1x512xi32, #tpu.memory_space<vmem>> -> memref<1x1x512xi32, #tpu.memory_space<vmem>>
          %dma_start3A_417 = tpu.memref_squeeze %dma_start3A_416 : memref<1x1x512xi32, #tpu.memory_space<vmem>> -> memref<1x512xi32, #tpu.memory_space<vmem>>
          %dma_start3A_418 = tpu.memref_slice %arg3[%mul3A_411, %mul3A_413] : memref<200x16384xi32, #tpu.memory_space<hbm>> -> memref<1x512xi32, #tpu.memory_space<hbm>>
          %dma_start3A_419 = tpu.memref_slice %run_scoped3A_14[%rem3A_409] : memref<2x!tpu.dma_semaphore, #tpu.memory_space<semaphore_mem>> -> memref<1x!tpu.dma_semaphore, #tpu.memory_space<semaphore_mem>>
          %dma_start3A_420 = tpu.memref_squeeze %dma_start3A_419 : memref<1x!tpu.dma_semaphore, #tpu.memory_space<semaphore_mem>> -> memref<!tpu.dma_semaphore, #tpu.memory_space<semaphore_mem>>
          %dma_start3A_421 = arith.constant 0 : i32
          %dma_start3A_422 = arith.constant 0 : i32
          %dma_start3A_423 = tpu.memref_slice %run_scoped3A[%rem3A_409, %dma_start3A_421, %dma_start3A_422] : memref<2x1x512xi32, #tpu.memory_space<vmem>> -> memref<1x1x512xi32, #tpu.memory_space<vmem>>
          %dma_start3A_424 = tpu.memref_squeeze %dma_start3A_423 : memref<1x1x512xi32, #tpu.memory_space<vmem>> -> memref<1x512xi32, #tpu.memory_space<vmem>>
          %dma_start3A_425 = tpu.memref_slice %arg3[%mul3A_411, %mul3A_413] : memref<200x16384xi32, #tpu.memory_space<hbm>> -> memref<1x512xi32, #tpu.memory_space<hbm>>
          tpu.enqueue_dma source(%dma_start3A_425 : memref<1x512xi32, #tpu.memory_space<hbm>>) target(%dma_start3A_424 : memref<1x512xi32, #tpu.memory_space<vmem>>) target_semaphore(%dma_start3A_420 : memref<!tpu.dma_semaphore, #tpu.memory_space<semaphore_mem>>)
          "tpu.trace_stop"() : () -> ()
        } else {
        }
        %and3A_282 = arith.constant true
        %and3A_283 = arith.andi %and3A, %and3A_282 : i1
        %add3A_284 = arith.constant 1 : i32
        %add3A_285 = arith.addi %scan3A_205, %add3A_284 : i32
        %select_n3A_286 = arith.select %and3A_283, %add3A_285, %scan3A_205 : i32
        %ne3A_287 = arith.cmpi ne, %add3A_218, %add3A_256 : i32
        %ne3A_288 = arith.cmpi ne, %add3A_216, %add3A_254 : i32
        %or3A_289 = arith.constant false
        %or3A_290 = arith.ori %or3A_289, %ne3A_287 : i1
        %or3A_291 = arith.constant false
        %or3A_292 = arith.ori %or3A_290, %or3A_291 : i1
        %or3A_293 = arith.ori %or3A_292, %ne3A_288 : i1
        %ge3A_294 = arith.constant 199 : i32
        %ge3A_295 = arith.cmpi sge, %scan3A_204, %ge3A_294 : i32
        %not3A_296 = arith.constant true
        %not3A_297 = arith.xori %ge3A_295, %not3A_296 : i1
        %and3A_298 = arith.andi %or3A_293, %not3A_297 : i1
        %ne3A_299 = arith.cmpi ne, %add3A_218, %add3A_237 : i32
        %ne3A_300 = arith.cmpi ne, %add3A_216, %add3A_235 : i32
        %or3A_301 = arith.constant false
        %or3A_302 = arith.ori %or3A_301, %ne3A_299 : i1
        %or3A_303 = arith.ori %or3A_302, %ne3A_300 : i1
        %or3A_304 = arith.ori %or3A_303, %eq3A_212 : i1
        %convert_element_type3A_305 = arith.extui %or3A_304 : i1 to i32
        %cond3A_306 = arith.constant 0 : i32
        %cond3A_307 = arith.cmpi ne, %convert_element_type3A_305, %cond3A_306 : i32
        scf.if %cond3A_307 {
          "tpu.trace_start"() <{level = 10 : i32, message = "ep_wait_in"}> : () -> ()
          %mul3A_408 = arith.constant 1 : i32
          %mul3A_409 = arith.muli %mul3A_408, %add3A_218 : i32
          %mul3A_410 = arith.constant 512 : i32
          %mul3A_411 = arith.muli %mul3A_410, %add3A_216 : i32
          %rem3A_412 = arith.constant 2 : i32
          %rem3A_413 = arith.remui %scan3A_206, %rem3A_412 : i32
          %dma_wait3A_414 = arith.constant 0 : i32
          %dma_wait3A_415 = arith.constant 0 : i32
          %dma_wait3A_416 = tpu.memref_slice %run_scoped3A[%rem3A_413, %dma_wait3A_414, %dma_wait3A_415] : memref<2x1x512xi32, #tpu.memory_space<vmem>> -> memref<1x1x512xi32, #tpu.memory_space<vmem>>
          %dma_wait3A_417 = tpu.memref_squeeze %dma_wait3A_416 : memref<1x1x512xi32, #tpu.memory_space<vmem>> -> memref<1x512xi32, #tpu.memory_space<vmem>>
          %dma_wait3A_418 = tpu.memref_slice %arg3[%mul3A_409, %mul3A_411] : memref<200x16384xi32, #tpu.memory_space<hbm>> -> memref<1x512xi32, #tpu.memory_space<hbm>>
          %dma_wait3A_419 = tpu.memref_slice %run_scoped3A_14[%rem3A_413] : memref<2x!tpu.dma_semaphore, #tpu.memory_space<semaphore_mem>> -> memref<1x!tpu.dma_semaphore, #tpu.memory_space<semaphore_mem>>
          %dma_wait3A_420 = tpu.memref_squeeze %dma_wait3A_419 : memref<1x!tpu.dma_semaphore, #tpu.memory_space<semaphore_mem>> -> memref<!tpu.dma_semaphore, #tpu.memory_space<semaphore_mem>>
          %dma_wait3A_421 = arith.constant 0 : i32
          %dma_wait3A_422 = arith.constant 0 : i32
          %dma_wait3A_423 = tpu.memref_slice %run_scoped3A[%rem3A_413, %dma_wait3A_421, %dma_wait3A_422] : memref<2x1x512xi32, #tpu.memory_space<vmem>> -> memref<1x1x512xi32, #tpu.memory_space<vmem>>
          %dma_wait3A_424 = tpu.memref_squeeze %dma_wait3A_423 : memref<1x1x512xi32, #tpu.memory_space<vmem>> -> memref<1x512xi32, #tpu.memory_space<vmem>>
          %dma_wait3A_425 = tpu.memref_slice %arg3[%mul3A_409, %mul3A_411] : memref<200x16384xi32, #tpu.memory_space<hbm>> -> memref<1x512xi32, #tpu.memory_space<hbm>>
          tpu.wait_dma2 semaphore(%dma_wait3A_420 : memref<!tpu.dma_semaphore, #tpu.memory_space<semaphore_mem>>) src(%dma_wait3A_425 : memref<1x512xi32, #tpu.memory_space<hbm>>) dst(%dma_wait3A_424 : memref<1x512xi32, #tpu.memory_space<vmem>>)
          "tpu.trace_stop"() : () -> ()
        } else {
        }
        %ne3A_308 = arith.cmpi ne, %add3A_218, %add3A_237 : i32
        %ne3A_309 = arith.cmpi ne, %add3A_216, %add3A_235 : i32
        %or3A_310 = arith.constant false
        %or3A_311 = arith.ori %or3A_310, %ne3A_308 : i1
        %or3A_312 = arith.constant false
        %or3A_313 = arith.ori %or3A_311, %or3A_312 : i1
        %or3A_314 = arith.ori %or3A_313, %ne3A_309 : i1
        %or3A_315 = arith.ori %or3A_314, %eq3A_212 : i1
        %convert_element_type3A_316 = arith.extui %or3A_315 : i1 to i32
        %cond3A_317 = arith.constant 0 : i32
        %cond3A_318 = arith.cmpi ne, %convert_element_type3A_316, %cond3A_317 : i32
        scf.if %cond3A_318 {
        } else {
        }
        %rem3A_319 = arith.constant 2 : i32
        %rem3A_320 = arith.remui %scan3A_206, %rem3A_319 : i32
        %rem3A_321 = arith.constant 2 : i32
        %rem3A_322 = arith.remui %scan3A_207, %rem3A_321 : i32
        %parallel_loop3A = arith.constant 0 : i32
        %parallel_loop3A_323 = arith.constant 16 : i32
        %parallel_loop3A_324 = arith.constant 1 : i32
        "tpu.trace_start"() <{level = 10 : i32, message = "ep_run_kernel"}> : () -> ()
        scf.for %parallel_loop3A_408 = %parallel_loop3A to %parallel_loop3A_323 step %parallel_loop3A_324  : i32 {
          %parallel_loop3A_409 = arith.constant 2 : i32
          %parallel_loop3A_410 = arith.muli %parallel_loop3A_408, %parallel_loop3A_409 : i32
          %parallel_loop3A_411 = arith.constant 16 : i32
          %parallel_loop3A_412 = arith.muli %parallel_loop3A_410, %parallel_loop3A_411 : i32
          %parallel_loop3A_413 = arith.constant 0 : i32
          %parallel_loop3A_414 = arith.constant 0 : i32
          %parallel_loop3A_415 = arith.constant 0 : i32
          %parallel_loop3A_416 = tpu.memref_slice %run_scoped3A[%rem3A_320, %parallel_loop3A_414, %parallel_loop3A_415] : memref<2x1x512xi32, #tpu.memory_space<vmem>> -> memref<1x1x512xi32, #tpu.memory_space<vmem>>
          %parallel_loop3A_417 = tpu.memref_squeeze %parallel_loop3A_416 : memref<1x1x512xi32, #tpu.memory_space<vmem>> -> memref<1x512xi32, #tpu.memory_space<vmem>>
          %parallel_loop3A_418 = arith.index_cast %parallel_loop3A_413 : i32 to index
          %parallel_loop3A_419 = arith.index_cast %parallel_loop3A_412 : i32 to index
          %parallel_loop3A_420 = tpu.vector_load %parallel_loop3A_417[%parallel_loop3A_418, %parallel_loop3A_419] {strides = array<i32>} : memref<1x512xi32, #tpu.memory_space<vmem>>, vector<16xi32>,
          %parallel_loop3A_421 = arith.constant 1 : i32
          %parallel_loop3A_422 = arith.addi %parallel_loop3A_410, %parallel_loop3A_421 : i32
          %parallel_loop3A_423 = arith.constant 16 : i32
          %parallel_loop3A_424 = arith.muli %parallel_loop3A_422, %parallel_loop3A_423 : i32
          %parallel_loop3A_425 = arith.constant 0 : i32
          %parallel_loop3A_426 = arith.constant 0 : i32
          %parallel_loop3A_427 = arith.constant 0 : i32
          %parallel_loop3A_428 = tpu.memref_slice %run_scoped3A[%rem3A_320, %parallel_loop3A_426, %parallel_loop3A_427] : memref<2x1x512xi32, #tpu.memory_space<vmem>> -> memref<1x1x512xi32, #tpu.memory_space<vmem>>
          %parallel_loop3A_429 = tpu.memref_squeeze %parallel_loop3A_428 : memref<1x1x512xi32, #tpu.memory_space<vmem>> -> memref<1x512xi32, #tpu.memory_space<vmem>>
          %parallel_loop3A_430 = arith.index_cast %parallel_loop3A_425 : i32 to index
          %parallel_loop3A_431 = arith.index_cast %parallel_loop3A_424 : i32 to index
          %parallel_loop3A_432 = tpu.vector_load %parallel_loop3A_429[%parallel_loop3A_430, %parallel_loop3A_431] {strides = array<i32>} : memref<1x512xi32, #tpu.memory_space<vmem>>, vector<16xi32>,
          %parallel_loop3A_433 = arith.constant 64 : i32
          %parallel_loop3A_434 = vector.broadcast %parallel_loop3A_433 : i32 to vector<16xi32>
          %parallel_loop3A_435 = arith.muli %parallel_loop3A_420, %parallel_loop3A_434 : vector<16xi32>
          %parallel_loop3A_436 = arith.addi %parallel_loop3A_435, %mul3A_5 : vector<16xi32>
          %parallel_loop3A_437 = arith.constant 64 : i32
          %parallel_loop3A_438 = vector.broadcast %parallel_loop3A_437 : i32 to vector<16xi32>
          %parallel_loop3A_439 = arith.muli %parallel_loop3A_432, %parallel_loop3A_438 : vector<16xi32>
          %parallel_loop3A_440 = arith.addi %parallel_loop3A_439, %mul3A_5 : vector<16xi32>
          %parallel_loop3A_441 = arith.constant 0 : i32
          %parallel_loop3A_442 = vector.broadcast %parallel_loop3A_441 : i32 to vector<16xi32>
          %parallel_loop3A_443 = arith.addi %parallel_loop3A_436, %parallel_loop3A_442 : vector<16xi32>
          %parallel_loop3A_444 = tpu.vector_load_idx %arg6[%parallel_loop3A_443] : memref<49168xf32, #tpu.memory_space<vmem>>[vector<16xi32>], vector<16xf32>,
          %parallel_loop3A_445 = arith.constant 1 : i32
          %parallel_loop3A_446 = vector.broadcast %parallel_loop3A_445 : i32 to vector<16xi32>
          %parallel_loop3A_447 = arith.addi %parallel_loop3A_436, %parallel_loop3A_446 : vector<16xi32>
          %parallel_loop3A_448 = tpu.vector_load_idx %arg6[%parallel_loop3A_447] : memref<49168xf32, #tpu.memory_space<vmem>>[vector<16xi32>], vector<16xf32>,
          %parallel_loop3A_449 = arith.constant 2 : i32
          %parallel_loop3A_450 = vector.broadcast %parallel_loop3A_449 : i32 to vector<16xi32>
          %parallel_loop3A_451 = arith.addi %parallel_loop3A_436, %parallel_loop3A_450 : vector<16xi32>
          %parallel_loop3A_452 = tpu.vector_load_idx %arg6[%parallel_loop3A_451] : memref<49168xf32, #tpu.memory_space<vmem>>[vector<16xi32>], vector<16xf32>,
          %parallel_loop3A_453 = arith.constant 3 : i32
          %parallel_loop3A_454 = vector.broadcast %parallel_loop3A_453 : i32 to vector<16xi32>
          %parallel_loop3A_455 = arith.addi %parallel_loop3A_436, %parallel_loop3A_454 : vector<16xi32>
          %parallel_loop3A_456 = tpu.vector_load_idx %arg6[%parallel_loop3A_455] : memref<49168xf32, #tpu.memory_space<vmem>>[vector<16xi32>], vector<16xf32>,
          %parallel_loop3A_457 = arith.constant 4 : i32
          %parallel_loop3A_458 = vector.broadcast %parallel_loop3A_457 : i32 to vector<16xi32>
          %parallel_loop3A_459 = arith.addi %parallel_loop3A_436, %parallel_loop3A_458 : vector<16xi32>
          %parallel_loop3A_460 = tpu.vector_load_idx %arg6[%parallel_loop3A_459] : memref<49168xf32, #tpu.memory_space<vmem>>[vector<16xi32>], vector<16xf32>,
          %parallel_loop3A_461 = arith.constant 5 : i32
          %parallel_loop3A_462 = vector.broadcast %parallel_loop3A_461 : i32 to vector<16xi32>
          %parallel_loop3A_463 = arith.addi %parallel_loop3A_436, %parallel_loop3A_462 : vector<16xi32>
          %parallel_loop3A_464 = tpu.vector_load_idx %arg6[%parallel_loop3A_463] : memref<49168xf32, #tpu.memory_space<vmem>>[vector<16xi32>], vector<16xf32>,
          %parallel_loop3A_465 = arith.constant 6 : i32
          %parallel_loop3A_466 = vector.broadcast %parallel_loop3A_465 : i32 to vector<16xi32>
          %parallel_loop3A_467 = arith.addi %parallel_loop3A_436, %parallel_loop3A_466 : vector<16xi32>
          %parallel_loop3A_468 = tpu.vector_load_idx %arg6[%parallel_loop3A_467] : memref<49168xf32, #tpu.memory_space<vmem>>[vector<16xi32>], vector<16xf32>,
          %parallel_loop3A_469 = arith.constant 7 : i32
          %parallel_loop3A_470 = vector.broadcast %parallel_loop3A_469 : i32 to vector<16xi32>
          %parallel_loop3A_471 = arith.addi %parallel_loop3A_436, %parallel_loop3A_470 : vector<16xi32>
          %parallel_loop3A_472 = tpu.vector_load_idx %arg6[%parallel_loop3A_471] : memref<49168xf32, #tpu.memory_space<vmem>>[vector<16xi32>], vector<16xf32>,
          %parallel_loop3A_473 = arith.constant 0 : i32
          %parallel_loop3A_474 = vector.broadcast %parallel_loop3A_473 : i32 to vector<16xi32>
          %parallel_loop3A_475 = arith.addi %parallel_loop3A_440, %parallel_loop3A_474 : vector<16xi32>
          %parallel_loop3A_476 = tpu.vector_load_idx %arg6[%parallel_loop3A_475] : memref<49168xf32, #tpu.memory_space<vmem>>[vector<16xi32>], vector<16xf32>,
          %parallel_loop3A_477 = arith.constant 1 : i32
          %parallel_loop3A_478 = vector.broadcast %parallel_loop3A_477 : i32 to vector<16xi32>
          %parallel_loop3A_479 = arith.addi %parallel_loop3A_440, %parallel_loop3A_478 : vector<16xi32>
          %parallel_loop3A_480 = tpu.vector_load_idx %arg6[%parallel_loop3A_479] : memref<49168xf32, #tpu.memory_space<vmem>>[vector<16xi32>], vector<16xf32>,
          %parallel_loop3A_481 = arith.constant 2 : i32
          %parallel_loop3A_482 = vector.broadcast %parallel_loop3A_481 : i32 to vector<16xi32>
          %parallel_loop3A_483 = arith.addi %parallel_loop3A_440, %parallel_loop3A_482 : vector<16xi32>
          %parallel_loop3A_484 = tpu.vector_load_idx %arg6[%parallel_loop3A_483] : memref<49168xf32, #tpu.memory_space<vmem>>[vector<16xi32>], vector<16xf32>,
          %parallel_loop3A_485 = arith.constant 3 : i32
          %parallel_loop3A_486 = vector.broadcast %parallel_loop3A_485 : i32 to vector<16xi32>
          %parallel_loop3A_487 = arith.addi %parallel_loop3A_440, %parallel_loop3A_486 : vector<16xi32>
          %parallel_loop3A_488 = tpu.vector_load_idx %arg6[%parallel_loop3A_487] : memref<49168xf32, #tpu.memory_space<vmem>>[vector<16xi32>], vector<16xf32>,
          %parallel_loop3A_489 = arith.constant 4 : i32
          %parallel_loop3A_490 = vector.broadcast %parallel_loop3A_489 : i32 to vector<16xi32>
          %parallel_loop3A_491 = arith.addi %parallel_loop3A_440, %parallel_loop3A_490 : vector<16xi32>
          %parallel_loop3A_492 = tpu.vector_load_idx %arg6[%parallel_loop3A_491] : memref<49168xf32, #tpu.memory_space<vmem>>[vector<16xi32>], vector<16xf32>,
          %parallel_loop3A_493 = arith.constant 5 : i32
          %parallel_loop3A_494 = vector.broadcast %parallel_loop3A_493 : i32 to vector<16xi32>
          %parallel_loop3A_495 = arith.addi %parallel_loop3A_440, %parallel_loop3A_494 : vector<16xi32>
          %parallel_loop3A_496 = tpu.vector_load_idx %arg6[%parallel_loop3A_495] : memref<49168xf32, #tpu.memory_space<vmem>>[vector<16xi32>], vector<16xf32>,
          %parallel_loop3A_497 = arith.constant 6 : i32
          %parallel_loop3A_498 = vector.broadcast %parallel_loop3A_497 : i32 to vector<16xi32>
          %parallel_loop3A_499 = arith.addi %parallel_loop3A_440, %parallel_loop3A_498 : vector<16xi32>
          %parallel_loop3A_500 = tpu.vector_load_idx %arg6[%parallel_loop3A_499] : memref<49168xf32, #tpu.memory_space<vmem>>[vector<16xi32>], vector<16xf32>,
          %parallel_loop3A_501 = arith.constant 7 : i32
          %parallel_loop3A_502 = vector.broadcast %parallel_loop3A_501 : i32 to vector<16xi32>
          %parallel_loop3A_503 = arith.addi %parallel_loop3A_440, %parallel_loop3A_502 : vector<16xi32>
          %parallel_loop3A_504 = tpu.vector_load_idx %arg6[%parallel_loop3A_503] : memref<49168xf32, #tpu.memory_space<vmem>>[vector<16xi32>], vector<16xf32>,
          %parallel_loop3A_505 = arith.constant 16 : i32
          %parallel_loop3A_506 = arith.muli %parallel_loop3A_410, %parallel_loop3A_505 : i32
          %parallel_loop3A_507 = arith.constant 0 : i32
          %parallel_loop3A_508 = arith.constant 0 : i32
          %parallel_loop3A_509 = arith.constant 0 : i32
          %parallel_loop3A_510 = arith.constant 0 : i32
          %parallel_loop3A_511 = arith.constant 0 : i32
          %parallel_loop3A_512 = tpu.memref_slice %run_scoped3A_15[%rem3A_322, %parallel_loop3A_509, %parallel_loop3A_510, %parallel_loop3A_511] : memref<2x1x64x512xf32, #tpu.memory_space<vmem>> -> memref<1x1x64x512xf32, #tpu.memory_space<vmem>>
          %parallel_loop3A_513 = tpu.memref_squeeze %parallel_loop3A_512 : memref<1x1x64x512xf32, #tpu.memory_space<vmem>> -> memref<1x64x512xf32, #tpu.memory_space<vmem>>
          %parallel_loop3A_514 = arith.index_cast %parallel_loop3A_507 : i32 to index
          %parallel_loop3A_515 = arith.index_cast %parallel_loop3A_508 : i32 to index
          %parallel_loop3A_516 = arith.index_cast %parallel_loop3A_506 : i32 to index
          %parallel_loop3A_517 = tpu.vector_load %parallel_loop3A_513[%parallel_loop3A_514, %parallel_loop3A_515, %parallel_loop3A_516] {strides = array<i32>} : memref<1x64x512xf32, #tpu.memory_space<vmem>>, vector<16xf32>,
          tpu.vector_store %parallel_loop3A_513[%parallel_loop3A_514, %parallel_loop3A_515, %parallel_loop3A_516], %parallel_loop3A_444 {strides = array<i32>} : memref<1x64x512xf32, #tpu.memory_space<vmem>>, vector<16xf32>,
          %parallel_loop3A_518 = arith.constant 16 : i32
          %parallel_loop3A_519 = arith.muli %parallel_loop3A_410, %parallel_loop3A_518 : i32
          %parallel_loop3A_520 = arith.constant 0 : i32
          %parallel_loop3A_521 = arith.constant 1 : i32
          %parallel_loop3A_522 = arith.constant 0 : i32
          %parallel_loop3A_523 = arith.constant 0 : i32
          %parallel_loop3A_524 = arith.constant 0 : i32
          %parallel_loop3A_525 = tpu.memref_slice %run_scoped3A_15[%rem3A_322, %parallel_loop3A_522, %parallel_loop3A_523, %parallel_loop3A_524] : memref<2x1x64x512xf32, #tpu.memory_space<vmem>> -> memref<1x1x64x512xf32, #tpu.memory_space<vmem>>
          %parallel_loop3A_526 = tpu.memref_squeeze %parallel_loop3A_525 : memref<1x1x64x512xf32, #tpu.memory_space<vmem>> -> memref<1x64x512xf32, #tpu.memory_space<vmem>>
          %parallel_loop3A_527 = arith.index_cast %parallel_loop3A_520 : i32 to index
          %parallel_loop3A_528 = arith.index_cast %parallel_loop3A_521 : i32 to index
          %parallel_loop3A_529 = arith.index_cast %parallel_loop3A_519 : i32 to index
          %parallel_loop3A_530 = tpu.vector_load %parallel_loop3A_526[%parallel_loop3A_527, %parallel_loop3A_528, %parallel_loop3A_529] {strides = array<i32>} : memref<1x64x512xf32, #tpu.memory_space<vmem>>, vector<16xf32>,
          tpu.vector_store %parallel_loop3A_526[%parallel_loop3A_527, %parallel_loop3A_528, %parallel_loop3A_529], %parallel_loop3A_448 {strides = array<i32>} : memref<1x64x512xf32, #tpu.memory_space<vmem>>, vector<16xf32>,
          %parallel_loop3A_531 = arith.constant 16 : i32
          %parallel_loop3A_532 = arith.muli %parallel_loop3A_410, %parallel_loop3A_531 : i32
          %parallel_loop3A_533 = arith.constant 0 : i32
          %parallel_loop3A_534 = arith.constant 2 : i32
          %parallel_loop3A_535 = arith.constant 0 : i32
          %parallel_loop3A_536 = arith.constant 0 : i32
          %parallel_loop3A_537 = arith.constant 0 : i32
          %parallel_loop3A_538 = tpu.memref_slice %run_scoped3A_15[%rem3A_322, %parallel_loop3A_535, %parallel_loop3A_536, %parallel_loop3A_537] : memref<2x1x64x512xf32, #tpu.memory_space<vmem>> -> memref<1x1x64x512xf32, #tpu.memory_space<vmem>>
          %parallel_loop3A_539 = tpu.memref_squeeze %parallel_loop3A_538 : memref<1x1x64x512xf32, #tpu.memory_space<vmem>> -> memref<1x64x512xf32, #tpu.memory_space<vmem>>
          %parallel_loop3A_540 = arith.index_cast %parallel_loop3A_533 : i32 to index
          %parallel_loop3A_541 = arith.index_cast %parallel_loop3A_534 : i32 to index
          %parallel_loop3A_542 = arith.index_cast %parallel_loop3A_532 : i32 to index
          %parallel_loop3A_543 = tpu.vector_load %parallel_loop3A_539[%parallel_loop3A_540, %parallel_loop3A_541, %parallel_loop3A_542] {strides = array<i32>} : memref<1x64x512xf32, #tpu.memory_space<vmem>>, vector<16xf32>,
          tpu.vector_store %parallel_loop3A_539[%parallel_loop3A_540, %parallel_loop3A_541, %parallel_loop3A_542], %parallel_loop3A_452 {strides = array<i32>} : memref<1x64x512xf32, #tpu.memory_space<vmem>>, vector<16xf32>,
          %parallel_loop3A_544 = arith.constant 16 : i32
          %parallel_loop3A_545 = arith.muli %parallel_loop3A_410, %parallel_loop3A_544 : i32
          %parallel_loop3A_546 = arith.constant 0 : i32
          %parallel_loop3A_547 = arith.constant 3 : i32
          %parallel_loop3A_548 = arith.constant 0 : i32
          %parallel_loop3A_549 = arith.constant 0 : i32
          %parallel_loop3A_550 = arith.constant 0 : i32
          %parallel_loop3A_551 = tpu.memref_slice %run_scoped3A_15[%rem3A_322, %parallel_loop3A_548, %parallel_loop3A_549, %parallel_loop3A_550] : memref<2x1x64x512xf32, #tpu.memory_space<vmem>> -> memref<1x1x64x512xf32, #tpu.memory_space<vmem>>
          %parallel_loop3A_552 = tpu.memref_squeeze %parallel_loop3A_551 : memref<1x1x64x512xf32, #tpu.memory_space<vmem>> -> memref<1x64x512xf32, #tpu.memory_space<vmem>>
          %parallel_loop3A_553 = arith.index_cast %parallel_loop3A_546 : i32 to index
          %parallel_loop3A_554 = arith.index_cast %parallel_loop3A_547 : i32 to index
          %parallel_loop3A_555 = arith.index_cast %parallel_loop3A_545 : i32 to index
          %parallel_loop3A_556 = tpu.vector_load %parallel_loop3A_552[%parallel_loop3A_553, %parallel_loop3A_554, %parallel_loop3A_555] {strides = array<i32>} : memref<1x64x512xf32, #tpu.memory_space<vmem>>, vector<16xf32>,
          tpu.vector_store %parallel_loop3A_552[%parallel_loop3A_553, %parallel_loop3A_554, %parallel_loop3A_555], %parallel_loop3A_456 {strides = array<i32>} : memref<1x64x512xf32, #tpu.memory_space<vmem>>, vector<16xf32>,
          %parallel_loop3A_557 = arith.constant 16 : i32
          %parallel_loop3A_558 = arith.muli %parallel_loop3A_410, %parallel_loop3A_557 : i32
          %parallel_loop3A_559 = arith.constant 0 : i32
          %parallel_loop3A_560 = arith.constant 4 : i32
          %parallel_loop3A_561 = arith.constant 0 : i32
          %parallel_loop3A_562 = arith.constant 0 : i32
          %parallel_loop3A_563 = arith.constant 0 : i32
          %parallel_loop3A_564 = tpu.memref_slice %run_scoped3A_15[%rem3A_322, %parallel_loop3A_561, %parallel_loop3A_562, %parallel_loop3A_563] : memref<2x1x64x512xf32, #tpu.memory_space<vmem>> -> memref<1x1x64x512xf32, #tpu.memory_space<vmem>>
          %parallel_loop3A_565 = tpu.memref_squeeze %parallel_loop3A_564 : memref<1x1x64x512xf32, #tpu.memory_space<vmem>> -> memref<1x64x512xf32, #tpu.memory_space<vmem>>
          %parallel_loop3A_566 = arith.index_cast %parallel_loop3A_559 : i32 to index
          %parallel_loop3A_567 = arith.index_cast %parallel_loop3A_560 : i32 to index
          %parallel_loop3A_568 = arith.index_cast %parallel_loop3A_558 : i32 to index
          %parallel_loop3A_569 = tpu.vector_load %parallel_loop3A_565[%parallel_loop3A_566, %parallel_loop3A_567, %parallel_loop3A_568] {strides = array<i32>} : memref<1x64x512xf32, #tpu.memory_space<vmem>>, vector<16xf32>,
          tpu.vector_store %parallel_loop3A_565[%parallel_loop3A_566, %parallel_loop3A_567, %parallel_loop3A_568], %parallel_loop3A_460 {strides = array<i32>} : memref<1x64x512xf32, #tpu.memory_space<vmem>>, vector<16xf32>,
          %parallel_loop3A_570 = arith.constant 16 : i32
          %parallel_loop3A_571 = arith.muli %parallel_loop3A_410, %parallel_loop3A_570 : i32
          %parallel_loop3A_572 = arith.constant 0 : i32
          %parallel_loop3A_573 = arith.constant 5 : i32
          %parallel_loop3A_574 = arith.constant 0 : i32
          %parallel_loop3A_575 = arith.constant 0 : i32
          %parallel_loop3A_576 = arith.constant 0 : i32
          %parallel_loop3A_577 = tpu.memref_slice %run_scoped3A_15[%rem3A_322, %parallel_loop3A_574, %parallel_loop3A_575, %parallel_loop3A_576] : memref<2x1x64x512xf32, #tpu.memory_space<vmem>> -> memref<1x1x64x512xf32, #tpu.memory_space<vmem>>
          %parallel_loop3A_578 = tpu.memref_squeeze %parallel_loop3A_577 : memref<1x1x64x512xf32, #tpu.memory_space<vmem>> -> memref<1x64x512xf32, #tpu.memory_space<vmem>>
          %parallel_loop3A_579 = arith.index_cast %parallel_loop3A_572 : i32 to index
          %parallel_loop3A_580 = arith.index_cast %parallel_loop3A_573 : i32 to index
          %parallel_loop3A_581 = arith.index_cast %parallel_loop3A_571 : i32 to index
          %parallel_loop3A_582 = tpu.vector_load %parallel_loop3A_578[%parallel_loop3A_579, %parallel_loop3A_580, %parallel_loop3A_581] {strides = array<i32>} : memref<1x64x512xf32, #tpu.memory_space<vmem>>, vector<16xf32>,
          tpu.vector_store %parallel_loop3A_578[%parallel_loop3A_579, %parallel_loop3A_580, %parallel_loop3A_581], %parallel_loop3A_464 {strides = array<i32>} : memref<1x64x512xf32, #tpu.memory_space<vmem>>, vector<16xf32>,
          %parallel_loop3A_583 = arith.constant 16 : i32
          %parallel_loop3A_584 = arith.muli %parallel_loop3A_410, %parallel_loop3A_583 : i32
          %parallel_loop3A_585 = arith.constant 0 : i32
          %parallel_loop3A_586 = arith.constant 6 : i32
          %parallel_loop3A_587 = arith.constant 0 : i32
          %parallel_loop3A_588 = arith.constant 0 : i32
          %parallel_loop3A_589 = arith.constant 0 : i32
          %parallel_loop3A_590 = tpu.memref_slice %run_scoped3A_15[%rem3A_322, %parallel_loop3A_587, %parallel_loop3A_588, %parallel_loop3A_589] : memref<2x1x64x512xf32, #tpu.memory_space<vmem>> -> memref<1x1x64x512xf32, #tpu.memory_space<vmem>>
          %parallel_loop3A_591 = tpu.memref_squeeze %parallel_loop3A_590 : memref<1x1x64x512xf32, #tpu.memory_space<vmem>> -> memref<1x64x512xf32, #tpu.memory_space<vmem>>
          %parallel_loop3A_592 = arith.index_cast %parallel_loop3A_585 : i32 to index
          %parallel_loop3A_593 = arith.index_cast %parallel_loop3A_586 : i32 to index
          %parallel_loop3A_594 = arith.index_cast %parallel_loop3A_584 : i32 to index
          %parallel_loop3A_595 = tpu.vector_load %parallel_loop3A_591[%parallel_loop3A_592, %parallel_loop3A_593, %parallel_loop3A_594] {strides = array<i32>} : memref<1x64x512xf32, #tpu.memory_space<vmem>>, vector<16xf32>,
          tpu.vector_store %parallel_loop3A_591[%parallel_loop3A_592, %parallel_loop3A_593, %parallel_loop3A_594], %parallel_loop3A_468 {strides = array<i32>} : memref<1x64x512xf32, #tpu.memory_space<vmem>>, vector<16xf32>,
          %parallel_loop3A_596 = arith.constant 16 : i32
          %parallel_loop3A_597 = arith.muli %parallel_loop3A_410, %parallel_loop3A_596 : i32
          %parallel_loop3A_598 = arith.constant 0 : i32
          %parallel_loop3A_599 = arith.constant 7 : i32
          %parallel_loop3A_600 = arith.constant 0 : i32
          %parallel_loop3A_601 = arith.constant 0 : i32
          %parallel_loop3A_602 = arith.constant 0 : i32
          %parallel_loop3A_603 = tpu.memref_slice %run_scoped3A_15[%rem3A_322, %parallel_loop3A_600, %parallel_loop3A_601, %parallel_loop3A_602] : memref<2x1x64x512xf32, #tpu.memory_space<vmem>> -> memref<1x1x64x512xf32, #tpu.memory_space<vmem>>
          %parallel_loop3A_604 = tpu.memref_squeeze %parallel_loop3A_603 : memref<1x1x64x512xf32, #tpu.memory_space<vmem>> -> memref<1x64x512xf32, #tpu.memory_space<vmem>>
          %parallel_loop3A_605 = arith.index_cast %parallel_loop3A_598 : i32 to index
          %parallel_loop3A_606 = arith.index_cast %parallel_loop3A_599 : i32 to index
          %parallel_loop3A_607 = arith.index_cast %parallel_loop3A_597 : i32 to index
          %parallel_loop3A_608 = tpu.vector_load %parallel_loop3A_604[%parallel_loop3A_605, %parallel_loop3A_606, %parallel_loop3A_607] {strides = array<i32>} : memref<1x64x512xf32, #tpu.memory_space<vmem>>, vector<16xf32>,
          tpu.vector_store %parallel_loop3A_604[%parallel_loop3A_605, %parallel_loop3A_606, %parallel_loop3A_607], %parallel_loop3A_472 {strides = array<i32>} : memref<1x64x512xf32, #tpu.memory_space<vmem>>, vector<16xf32>,
          %parallel_loop3A_609 = arith.constant 1 : i32
          %parallel_loop3A_610 = arith.addi %parallel_loop3A_410, %parallel_loop3A_609 : i32
          %parallel_loop3A_611 = arith.constant 16 : i32
          %parallel_loop3A_612 = arith.muli %parallel_loop3A_610, %parallel_loop3A_611 : i32
          %parallel_loop3A_613 = arith.constant 0 : i32
          %parallel_loop3A_614 = arith.constant 0 : i32
          %parallel_loop3A_615 = arith.constant 0 : i32
          %parallel_loop3A_616 = arith.constant 0 : i32
          %parallel_loop3A_617 = arith.constant 0 : i32
          %parallel_loop3A_618 = tpu.memref_slice %run_scoped3A_15[%rem3A_322, %parallel_loop3A_615, %parallel_loop3A_616, %parallel_loop3A_617] : memref<2x1x64x512xf32, #tpu.memory_space<vmem>> -> memref<1x1x64x512xf32, #tpu.memory_space<vmem>>
          %parallel_loop3A_619 = tpu.memref_squeeze %parallel_loop3A_618 : memref<1x1x64x512xf32, #tpu.memory_space<vmem>> -> memref<1x64x512xf32, #tpu.memory_space<vmem>>
          %parallel_loop3A_620 = arith.index_cast %parallel_loop3A_613 : i32 to index
          %parallel_loop3A_621 = arith.index_cast %parallel_loop3A_614 : i32 to index
          %parallel_loop3A_622 = arith.index_cast %parallel_loop3A_612 : i32 to index
          %parallel_loop3A_623 = tpu.vector_load %parallel_loop3A_619[%parallel_loop3A_620, %parallel_loop3A_621, %parallel_loop3A_622] {strides = array<i32>} : memref<1x64x512xf32, #tpu.memory_space<vmem>>, vector<16xf32>,
          tpu.vector_store %parallel_loop3A_619[%parallel_loop3A_620, %parallel_loop3A_621, %parallel_loop3A_622], %parallel_loop3A_476 {strides = array<i32>} : memref<1x64x512xf32, #tpu.memory_space<vmem>>, vector<16xf32>,
          %parallel_loop3A_624 = arith.constant 1 : i32
          %parallel_loop3A_625 = arith.addi %parallel_loop3A_410, %parallel_loop3A_624 : i32
          %parallel_loop3A_626 = arith.constant 16 : i32
          %parallel_loop3A_627 = arith.muli %parallel_loop3A_625, %parallel_loop3A_626 : i32
          %parallel_loop3A_628 = arith.constant 0 : i32
          %parallel_loop3A_629 = arith.constant 1 : i32
          %parallel_loop3A_630 = arith.constant 0 : i32
          %parallel_loop3A_631 = arith.constant 0 : i32
          %parallel_loop3A_632 = arith.constant 0 : i32
          %parallel_loop3A_633 = tpu.memref_slice %run_scoped3A_15[%rem3A_322, %parallel_loop3A_630, %parallel_loop3A_631, %parallel_loop3A_632] : memref<2x1x64x512xf32, #tpu.memory_space<vmem>> -> memref<1x1x64x512xf32, #tpu.memory_space<vmem>>
          %parallel_loop3A_634 = tpu.memref_squeeze %parallel_loop3A_633 : memref<1x1x64x512xf32, #tpu.memory_space<vmem>> -> memref<1x64x512xf32, #tpu.memory_space<vmem>>
          %parallel_loop3A_635 = arith.index_cast %parallel_loop3A_628 : i32 to index
          %parallel_loop3A_636 = arith.index_cast %parallel_loop3A_629 : i32 to index
          %parallel_loop3A_637 = arith.index_cast %parallel_loop3A_627 : i32 to index
          %parallel_loop3A_638 = tpu.vector_load %parallel_loop3A_634[%parallel_loop3A_635, %parallel_loop3A_636, %parallel_loop3A_637] {strides = array<i32>} : memref<1x64x512xf32, #tpu.memory_space<vmem>>, vector<16xf32>,
          tpu.vector_store %parallel_loop3A_634[%parallel_loop3A_635, %parallel_loop3A_636, %parallel_loop3A_637], %parallel_loop3A_480 {strides = array<i32>} : memref<1x64x512xf32, #tpu.memory_space<vmem>>, vector<16xf32>,
          %parallel_loop3A_639 = arith.constant 1 : i32
          %parallel_loop3A_640 = arith.addi %parallel_loop3A_410, %parallel_loop3A_639 : i32
          %parallel_loop3A_641 = arith.constant 16 : i32
          %parallel_loop3A_642 = arith.muli %parallel_loop3A_640, %parallel_loop3A_641 : i32
          %parallel_loop3A_643 = arith.constant 0 : i32
          %parallel_loop3A_644 = arith.constant 2 : i32
          %parallel_loop3A_645 = arith.constant 0 : i32
          %parallel_loop3A_646 = arith.constant 0 : i32
          %parallel_loop3A_647 = arith.constant 0 : i32
          %parallel_loop3A_648 = tpu.memref_slice %run_scoped3A_15[%rem3A_322, %parallel_loop3A_645, %parallel_loop3A_646, %parallel_loop3A_647] : memref<2x1x64x512xf32, #tpu.memory_space<vmem>> -> memref<1x1x64x512xf32, #tpu.memory_space<vmem>>
          %parallel_loop3A_649 = tpu.memref_squeeze %parallel_loop3A_648 : memref<1x1x64x512xf32, #tpu.memory_space<vmem>> -> memref<1x64x512xf32, #tpu.memory_space<vmem>>
          %parallel_loop3A_650 = arith.index_cast %parallel_loop3A_643 : i32 to index
          %parallel_loop3A_651 = arith.index_cast %parallel_loop3A_644 : i32 to index
          %parallel_loop3A_652 = arith.index_cast %parallel_loop3A_642 : i32 to index
          %parallel_loop3A_653 = tpu.vector_load %parallel_loop3A_649[%parallel_loop3A_650, %parallel_loop3A_651, %parallel_loop3A_652] {strides = array<i32>} : memref<1x64x512xf32, #tpu.memory_space<vmem>>, vector<16xf32>,
          tpu.vector_store %parallel_loop3A_649[%parallel_loop3A_650, %parallel_loop3A_651, %parallel_loop3A_652], %parallel_loop3A_484 {strides = array<i32>} : memref<1x64x512xf32, #tpu.memory_space<vmem>>, vector<16xf32>,
          %parallel_loop3A_654 = arith.constant 1 : i32
          %parallel_loop3A_655 = arith.addi %parallel_loop3A_410, %parallel_loop3A_654 : i32
          %parallel_loop3A_656 = arith.constant 16 : i32
          %parallel_loop3A_657 = arith.muli %parallel_loop3A_655, %parallel_loop3A_656 : i32
          %parallel_loop3A_658 = arith.constant 0 : i32
          %parallel_loop3A_659 = arith.constant 3 : i32
          %parallel_loop3A_660 = arith.constant 0 : i32
          %parallel_loop3A_661 = arith.constant 0 : i32
          %parallel_loop3A_662 = arith.constant 0 : i32
          %parallel_loop3A_663 = tpu.memref_slice %run_scoped3A_15[%rem3A_322, %parallel_loop3A_660, %parallel_loop3A_661, %parallel_loop3A_662] : memref<2x1x64x512xf32, #tpu.memory_space<vmem>> -> memref<1x1x64x512xf32, #tpu.memory_space<vmem>>
          %parallel_loop3A_664 = tpu.memref_squeeze %parallel_loop3A_663 : memref<1x1x64x512xf32, #tpu.memory_space<vmem>> -> memref<1x64x512xf32, #tpu.memory_space<vmem>>
          %parallel_loop3A_665 = arith.index_cast %parallel_loop3A_658 : i32 to index
          %parallel_loop3A_666 = arith.index_cast %parallel_loop3A_659 : i32 to index
          %parallel_loop3A_667 = arith.index_cast %parallel_loop3A_657 : i32 to index
          %parallel_loop3A_668 = tpu.vector_load %parallel_loop3A_664[%parallel_loop3A_665, %parallel_loop3A_666, %parallel_loop3A_667] {strides = array<i32>} : memref<1x64x512xf32, #tpu.memory_space<vmem>>, vector<16xf32>,
          tpu.vector_store %parallel_loop3A_664[%parallel_loop3A_665, %parallel_loop3A_666, %parallel_loop3A_667], %parallel_loop3A_488 {strides = array<i32>} : memref<1x64x512xf32, #tpu.memory_space<vmem>>, vector<16xf32>,
          %parallel_loop3A_669 = arith.constant 1 : i32
          %parallel_loop3A_670 = arith.addi %parallel_loop3A_410, %parallel_loop3A_669 : i32
          %parallel_loop3A_671 = arith.constant 16 : i32
          %parallel_loop3A_672 = arith.muli %parallel_loop3A_670, %parallel_loop3A_671 : i32
          %parallel_loop3A_673 = arith.constant 0 : i32
          %parallel_loop3A_674 = arith.constant 4 : i32
          %parallel_loop3A_675 = arith.constant 0 : i32
          %parallel_loop3A_676 = arith.constant 0 : i32
          %parallel_loop3A_677 = arith.constant 0 : i32
          %parallel_loop3A_678 = tpu.memref_slice %run_scoped3A_15[%rem3A_322, %parallel_loop3A_675, %parallel_loop3A_676, %parallel_loop3A_677] : memref<2x1x64x512xf32, #tpu.memory_space<vmem>> -> memref<1x1x64x512xf32, #tpu.memory_space<vmem>>
          %parallel_loop3A_679 = tpu.memref_squeeze %parallel_loop3A_678 : memref<1x1x64x512xf32, #tpu.memory_space<vmem>> -> memref<1x64x512xf32, #tpu.memory_space<vmem>>
          %parallel_loop3A_680 = arith.index_cast %parallel_loop3A_673 : i32 to index
          %parallel_loop3A_681 = arith.index_cast %parallel_loop3A_674 : i32 to index
          %parallel_loop3A_682 = arith.index_cast %parallel_loop3A_672 : i32 to index
          %parallel_loop3A_683 = tpu.vector_load %parallel_loop3A_679[%parallel_loop3A_680, %parallel_loop3A_681, %parallel_loop3A_682] {strides = array<i32>} : memref<1x64x512xf32, #tpu.memory_space<vmem>>, vector<16xf32>,
          tpu.vector_store %parallel_loop3A_679[%parallel_loop3A_680, %parallel_loop3A_681, %parallel_loop3A_682], %parallel_loop3A_492 {strides = array<i32>} : memref<1x64x512xf32, #tpu.memory_space<vmem>>, vector<16xf32>,
          %parallel_loop3A_684 = arith.constant 1 : i32
          %parallel_loop3A_685 = arith.addi %parallel_loop3A_410, %parallel_loop3A_684 : i32
          %parallel_loop3A_686 = arith.constant 16 : i32
          %parallel_loop3A_687 = arith.muli %parallel_loop3A_685, %parallel_loop3A_686 : i32
          %parallel_loop3A_688 = arith.constant 0 : i32
          %parallel_loop3A_689 = arith.constant 5 : i32
          %parallel_loop3A_690 = arith.constant 0 : i32
          %parallel_loop3A_691 = arith.constant 0 : i32
          %parallel_loop3A_692 = arith.constant 0 : i32
          %parallel_loop3A_693 = tpu.memref_slice %run_scoped3A_15[%rem3A_322, %parallel_loop3A_690, %parallel_loop3A_691, %parallel_loop3A_692] : memref<2x1x64x512xf32, #tpu.memory_space<vmem>> -> memref<1x1x64x512xf32, #tpu.memory_space<vmem>>
          %parallel_loop3A_694 = tpu.memref_squeeze %parallel_loop3A_693 : memref<1x1x64x512xf32, #tpu.memory_space<vmem>> -> memref<1x64x512xf32, #tpu.memory_space<vmem>>
          %parallel_loop3A_695 = arith.index_cast %parallel_loop3A_688 : i32 to index
          %parallel_loop3A_696 = arith.index_cast %parallel_loop3A_689 : i32 to index
          %parallel_loop3A_697 = arith.index_cast %parallel_loop3A_687 : i32 to index
          %parallel_loop3A_698 = tpu.vector_load %parallel_loop3A_694[%parallel_loop3A_695, %parallel_loop3A_696, %parallel_loop3A_697] {strides = array<i32>} : memref<1x64x512xf32, #tpu.memory_space<vmem>>, vector<16xf32>,
          tpu.vector_store %parallel_loop3A_694[%parallel_loop3A_695, %parallel_loop3A_696, %parallel_loop3A_697], %parallel_loop3A_496 {strides = array<i32>} : memref<1x64x512xf32, #tpu.memory_space<vmem>>, vector<16xf32>,
          %parallel_loop3A_699 = arith.constant 1 : i32
          %parallel_loop3A_700 = arith.addi %parallel_loop3A_410, %parallel_loop3A_699 : i32
          %parallel_loop3A_701 = arith.constant 16 : i32
          %parallel_loop3A_702 = arith.muli %parallel_loop3A_700, %parallel_loop3A_701 : i32
          %parallel_loop3A_703 = arith.constant 0 : i32
          %parallel_loop3A_704 = arith.constant 6 : i32
          %parallel_loop3A_705 = arith.constant 0 : i32
          %parallel_loop3A_706 = arith.constant 0 : i32
          %parallel_loop3A_707 = arith.constant 0 : i32
          %parallel_loop3A_708 = tpu.memref_slice %run_scoped3A_15[%rem3A_322, %parallel_loop3A_705, %parallel_loop3A_706, %parallel_loop3A_707] : memref<2x1x64x512xf32, #tpu.memory_space<vmem>> -> memref<1x1x64x512xf32, #tpu.memory_space<vmem>>
          %parallel_loop3A_709 = tpu.memref_squeeze %parallel_loop3A_708 : memref<1x1x64x512xf32, #tpu.memory_space<vmem>> -> memref<1x64x512xf32, #tpu.memory_space<vmem>>
          %parallel_loop3A_710 = arith.index_cast %parallel_loop3A_703 : i32 to index
          %parallel_loop3A_711 = arith.index_cast %parallel_loop3A_704 : i32 to index
          %parallel_loop3A_712 = arith.index_cast %parallel_loop3A_702 : i32 to index
          %parallel_loop3A_713 = tpu.vector_load %parallel_loop3A_709[%parallel_loop3A_710, %parallel_loop3A_711, %parallel_loop3A_712] {strides = array<i32>} : memref<1x64x512xf32, #tpu.memory_space<vmem>>, vector<16xf32>,
          tpu.vector_store %parallel_loop3A_709[%parallel_loop3A_710, %parallel_loop3A_711, %parallel_loop3A_712], %parallel_loop3A_500 {strides = array<i32>} : memref<1x64x512xf32, #tpu.memory_space<vmem>>, vector<16xf32>,
          %parallel_loop3A_714 = arith.constant 1 : i32
          %parallel_loop3A_715 = arith.addi %parallel_loop3A_410, %parallel_loop3A_714 : i32
          %parallel_loop3A_716 = arith.constant 16 : i32
          %parallel_loop3A_717 = arith.muli %parallel_loop3A_715, %parallel_loop3A_716 : i32
          %parallel_loop3A_718 = arith.constant 0 : i32
          %parallel_loop3A_719 = arith.constant 7 : i32
          %parallel_loop3A_720 = arith.constant 0 : i32
          %parallel_loop3A_721 = arith.constant 0 : i32
          %parallel_loop3A_722 = arith.constant 0 : i32
          %parallel_loop3A_723 = tpu.memref_slice %run_scoped3A_15[%rem3A_322, %parallel_loop3A_720, %parallel_loop3A_721, %parallel_loop3A_722] : memref<2x1x64x512xf32, #tpu.memory_space<vmem>> -> memref<1x1x64x512xf32, #tpu.memory_space<vmem>>
          %parallel_loop3A_724 = tpu.memref_squeeze %parallel_loop3A_723 : memref<1x1x64x512xf32, #tpu.memory_space<vmem>> -> memref<1x64x512xf32, #tpu.memory_space<vmem>>
          %parallel_loop3A_725 = arith.index_cast %parallel_loop3A_718 : i32 to index
          %parallel_loop3A_726 = arith.index_cast %parallel_loop3A_719 : i32 to index
          %parallel_loop3A_727 = arith.index_cast %parallel_loop3A_717 : i32 to index
          %parallel_loop3A_728 = tpu.vector_load %parallel_loop3A_724[%parallel_loop3A_725, %parallel_loop3A_726, %parallel_loop3A_727] {strides = array<i32>} : memref<1x64x512xf32, #tpu.memory_space<vmem>>, vector<16xf32>,
          tpu.vector_store %parallel_loop3A_724[%parallel_loop3A_725, %parallel_loop3A_726, %parallel_loop3A_727], %parallel_loop3A_504 {strides = array<i32>} : memref<1x64x512xf32, #tpu.memory_space<vmem>>, vector<16xf32>,
          %parallel_loop3A_729 = arith.constant 8 : i32
          %parallel_loop3A_730 = vector.broadcast %parallel_loop3A_729 : i32 to vector<16xi32>
          %parallel_loop3A_731 = arith.addi %parallel_loop3A_436, %parallel_loop3A_730 : vector<16xi32>
          %parallel_loop3A_732 = tpu.vector_load_idx %arg6[%parallel_loop3A_731] : memref<49168xf32, #tpu.memory_space<vmem>>[vector<16xi32>], vector<16xf32>,
          %parallel_loop3A_733 = arith.constant 9 : i32
          %parallel_loop3A_734 = vector.broadcast %parallel_loop3A_733 : i32 to vector<16xi32>
          %parallel_loop3A_735 = arith.addi %parallel_loop3A_436, %parallel_loop3A_734 : vector<16xi32>
          %parallel_loop3A_736 = tpu.vector_load_idx %arg6[%parallel_loop3A_735] : memref<49168xf32, #tpu.memory_space<vmem>>[vector<16xi32>], vector<16xf32>,
          %parallel_loop3A_737 = arith.constant 10 : i32
          %parallel_loop3A_738 = vector.broadcast %parallel_loop3A_737 : i32 to vector<16xi32>
          %parallel_loop3A_739 = arith.addi %parallel_loop3A_436, %parallel_loop3A_738 : vector<16xi32>
          %parallel_loop3A_740 = tpu.vector_load_idx %arg6[%parallel_loop3A_739] : memref<49168xf32, #tpu.memory_space<vmem>>[vector<16xi32>], vector<16xf32>,
          %parallel_loop3A_741 = arith.constant 11 : i32
          %parallel_loop3A_742 = vector.broadcast %parallel_loop3A_741 : i32 to vector<16xi32>
          %parallel_loop3A_743 = arith.addi %parallel_loop3A_436, %parallel_loop3A_742 : vector<16xi32>
          %parallel_loop3A_744 = tpu.vector_load_idx %arg6[%parallel_loop3A_743] : memref<49168xf32, #tpu.memory_space<vmem>>[vector<16xi32>], vector<16xf32>,
          %parallel_loop3A_745 = arith.constant 12 : i32
          %parallel_loop3A_746 = vector.broadcast %parallel_loop3A_745 : i32 to vector<16xi32>
          %parallel_loop3A_747 = arith.addi %parallel_loop3A_436, %parallel_loop3A_746 : vector<16xi32>
          %parallel_loop3A_748 = tpu.vector_load_idx %arg6[%parallel_loop3A_747] : memref<49168xf32, #tpu.memory_space<vmem>>[vector<16xi32>], vector<16xf32>,
          %parallel_loop3A_749 = arith.constant 13 : i32
          %parallel_loop3A_750 = vector.broadcast %parallel_loop3A_749 : i32 to vector<16xi32>
          %parallel_loop3A_751 = arith.addi %parallel_loop3A_436, %parallel_loop3A_750 : vector<16xi32>
          %parallel_loop3A_752 = tpu.vector_load_idx %arg6[%parallel_loop3A_751] : memref<49168xf32, #tpu.memory_space<vmem>>[vector<16xi32>], vector<16xf32>,
          %parallel_loop3A_753 = arith.constant 14 : i32
          %parallel_loop3A_754 = vector.broadcast %parallel_loop3A_753 : i32 to vector<16xi32>
          %parallel_loop3A_755 = arith.addi %parallel_loop3A_436, %parallel_loop3A_754 : vector<16xi32>
          %parallel_loop3A_756 = tpu.vector_load_idx %arg6[%parallel_loop3A_755] : memref<49168xf32, #tpu.memory_space<vmem>>[vector<16xi32>], vector<16xf32>,
          %parallel_loop3A_757 = arith.constant 15 : i32
          %parallel_loop3A_758 = vector.broadcast %parallel_loop3A_757 : i32 to vector<16xi32>
          %parallel_loop3A_759 = arith.addi %parallel_loop3A_436, %parallel_loop3A_758 : vector<16xi32>
          %parallel_loop3A_760 = tpu.vector_load_idx %arg6[%parallel_loop3A_759] : memref<49168xf32, #tpu.memory_space<vmem>>[vector<16xi32>], vector<16xf32>,
          %parallel_loop3A_761 = arith.constant 8 : i32
          %parallel_loop3A_762 = vector.broadcast %parallel_loop3A_761 : i32 to vector<16xi32>
          %parallel_loop3A_763 = arith.addi %parallel_loop3A_440, %parallel_loop3A_762 : vector<16xi32>
          %parallel_loop3A_764 = tpu.vector_load_idx %arg6[%parallel_loop3A_763] : memref<49168xf32, #tpu.memory_space<vmem>>[vector<16xi32>], vector<16xf32>,
          %parallel_loop3A_765 = arith.constant 9 : i32
          %parallel_loop3A_766 = vector.broadcast %parallel_loop3A_765 : i32 to vector<16xi32>
          %parallel_loop3A_767 = arith.addi %parallel_loop3A_440, %parallel_loop3A_766 : vector<16xi32>
          %parallel_loop3A_768 = tpu.vector_load_idx %arg6[%parallel_loop3A_767] : memref<49168xf32, #tpu.memory_space<vmem>>[vector<16xi32>], vector<16xf32>,
          %parallel_loop3A_769 = arith.constant 10 : i32
          %parallel_loop3A_770 = vector.broadcast %parallel_loop3A_769 : i32 to vector<16xi32>
          %parallel_loop3A_771 = arith.addi %parallel_loop3A_440, %parallel_loop3A_770 : vector<16xi32>
          %parallel_loop3A_772 = tpu.vector_load_idx %arg6[%parallel_loop3A_771] : memref<49168xf32, #tpu.memory_space<vmem>>[vector<16xi32>], vector<16xf32>,
          %parallel_loop3A_773 = arith.constant 11 : i32
          %parallel_loop3A_774 = vector.broadcast %parallel_loop3A_773 : i32 to vector<16xi32>
          %parallel_loop3A_775 = arith.addi %parallel_loop3A_440, %parallel_loop3A_774 : vector<16xi32>
          %parallel_loop3A_776 = tpu.vector_load_idx %arg6[%parallel_loop3A_775] : memref<49168xf32, #tpu.memory_space<vmem>>[vector<16xi32>], vector<16xf32>,
          %parallel_loop3A_777 = arith.constant 12 : i32
          %parallel_loop3A_778 = vector.broadcast %parallel_loop3A_777 : i32 to vector<16xi32>
          %parallel_loop3A_779 = arith.addi %parallel_loop3A_440, %parallel_loop3A_778 : vector<16xi32>
          %parallel_loop3A_780 = tpu.vector_load_idx %arg6[%parallel_loop3A_779] : memref<49168xf32, #tpu.memory_space<vmem>>[vector<16xi32>], vector<16xf32>,
          %parallel_loop3A_781 = arith.constant 13 : i32
          %parallel_loop3A_782 = vector.broadcast %parallel_loop3A_781 : i32 to vector<16xi32>
          %parallel_loop3A_783 = arith.addi %parallel_loop3A_440, %parallel_loop3A_782 : vector<16xi32>
          %parallel_loop3A_784 = tpu.vector_load_idx %arg6[%parallel_loop3A_783] : memref<49168xf32, #tpu.memory_space<vmem>>[vector<16xi32>], vector<16xf32>,
          %parallel_loop3A_785 = arith.constant 14 : i32
          %parallel_loop3A_786 = vector.broadcast %parallel_loop3A_785 : i32 to vector<16xi32>
          %parallel_loop3A_787 = arith.addi %parallel_loop3A_440, %parallel_loop3A_786 : vector<16xi32>
          %parallel_loop3A_788 = tpu.vector_load_idx %arg6[%parallel_loop3A_787] : memref<49168xf32, #tpu.memory_space<vmem>>[vector<16xi32>], vector<16xf32>,
          %parallel_loop3A_789 = arith.constant 15 : i32
          %parallel_loop3A_790 = vector.broadcast %parallel_loop3A_789 : i32 to vector<16xi32>
          %parallel_loop3A_791 = arith.addi %parallel_loop3A_440, %parallel_loop3A_790 : vector<16xi32>
          %parallel_loop3A_792 = tpu.vector_load_idx %arg6[%parallel_loop3A_791] : memref<49168xf32, #tpu.memory_space<vmem>>[vector<16xi32>], vector<16xf32>,
          %parallel_loop3A_793 = arith.constant 16 : i32
          %parallel_loop3A_794 = arith.muli %parallel_loop3A_410, %parallel_loop3A_793 : i32
          %parallel_loop3A_795 = arith.constant 0 : i32
          %parallel_loop3A_796 = arith.constant 8 : i32
          %parallel_loop3A_797 = arith.constant 0 : i32
          %parallel_loop3A_798 = arith.constant 0 : i32
          %parallel_loop3A_799 = arith.constant 0 : i32
          %parallel_loop3A_800 = tpu.memref_slice %run_scoped3A_15[%rem3A_322, %parallel_loop3A_797, %parallel_loop3A_798, %parallel_loop3A_799] : memref<2x1x64x512xf32, #tpu.memory_space<vmem>> -> memref<1x1x64x512xf32, #tpu.memory_space<vmem>>
          %parallel_loop3A_801 = tpu.memref_squeeze %parallel_loop3A_800 : memref<1x1x64x512xf32, #tpu.memory_space<vmem>> -> memref<1x64x512xf32, #tpu.memory_space<vmem>>
          %parallel_loop3A_802 = arith.index_cast %parallel_loop3A_795 : i32 to index
          %parallel_loop3A_803 = arith.index_cast %parallel_loop3A_796 : i32 to index
          %parallel_loop3A_804 = arith.index_cast %parallel_loop3A_794 : i32 to index
          %parallel_loop3A_805 = tpu.vector_load %parallel_loop3A_801[%parallel_loop3A_802, %parallel_loop3A_803, %parallel_loop3A_804] {strides = array<i32>} : memref<1x64x512xf32, #tpu.memory_space<vmem>>, vector<16xf32>,
          tpu.vector_store %parallel_loop3A_801[%parallel_loop3A_802, %parallel_loop3A_803, %parallel_loop3A_804], %parallel_loop3A_732 {strides = array<i32>} : memref<1x64x512xf32, #tpu.memory_space<vmem>>, vector<16xf32>,
          %parallel_loop3A_806 = arith.constant 16 : i32
          %parallel_loop3A_807 = arith.muli %parallel_loop3A_410, %parallel_loop3A_806 : i32
          %parallel_loop3A_808 = arith.constant 0 : i32
          %parallel_loop3A_809 = arith.constant 9 : i32
          %parallel_loop3A_810 = arith.constant 0 : i32
          %parallel_loop3A_811 = arith.constant 0 : i32
          %parallel_loop3A_812 = arith.constant 0 : i32
          %parallel_loop3A_813 = tpu.memref_slice %run_scoped3A_15[%rem3A_322, %parallel_loop3A_810, %parallel_loop3A_811, %parallel_loop3A_812] : memref<2x1x64x512xf32, #tpu.memory_space<vmem>> -> memref<1x1x64x512xf32, #tpu.memory_space<vmem>>
          %parallel_loop3A_814 = tpu.memref_squeeze %parallel_loop3A_813 : memref<1x1x64x512xf32, #tpu.memory_space<vmem>> -> memref<1x64x512xf32, #tpu.memory_space<vmem>>
          %parallel_loop3A_815 = arith.index_cast %parallel_loop3A_808 : i32 to index
          %parallel_loop3A_816 = arith.index_cast %parallel_loop3A_809 : i32 to index
          %parallel_loop3A_817 = arith.index_cast %parallel_loop3A_807 : i32 to index
          %parallel_loop3A_818 = tpu.vector_load %parallel_loop3A_814[%parallel_loop3A_815, %parallel_loop3A_816, %parallel_loop3A_817] {strides = array<i32>} : memref<1x64x512xf32, #tpu.memory_space<vmem>>, vector<16xf32>,
          tpu.vector_store %parallel_loop3A_814[%parallel_loop3A_815, %parallel_loop3A_816, %parallel_loop3A_817], %parallel_loop3A_736 {strides = array<i32>} : memref<1x64x512xf32, #tpu.memory_space<vmem>>, vector<16xf32>,
          %parallel_loop3A_819 = arith.constant 16 : i32
          %parallel_loop3A_820 = arith.muli %parallel_loop3A_410, %parallel_loop3A_819 : i32
          %parallel_loop3A_821 = arith.constant 0 : i32
          %parallel_loop3A_822 = arith.constant 10 : i32
          %parallel_loop3A_823 = arith.constant 0 : i32
          %parallel_loop3A_824 = arith.constant 0 : i32
          %parallel_loop3A_825 = arith.constant 0 : i32
          %parallel_loop3A_826 = tpu.memref_slice %run_scoped3A_15[%rem3A_322, %parallel_loop3A_823, %parallel_loop3A_824, %parallel_loop3A_825] : memref<2x1x64x512xf32, #tpu.memory_space<vmem>> -> memref<1x1x64x512xf32, #tpu.memory_space<vmem>>
          %parallel_loop3A_827 = tpu.memref_squeeze %parallel_loop3A_826 : memref<1x1x64x512xf32, #tpu.memory_space<vmem>> -> memref<1x64x512xf32, #tpu.memory_space<vmem>>
          %parallel_loop3A_828 = arith.index_cast %parallel_loop3A_821 : i32 to index
          %parallel_loop3A_829 = arith.index_cast %parallel_loop3A_822 : i32 to index
          %parallel_loop3A_830 = arith.index_cast %parallel_loop3A_820 : i32 to index
          %parallel_loop3A_831 = tpu.vector_load %parallel_loop3A_827[%parallel_loop3A_828, %parallel_loop3A_829, %parallel_loop3A_830] {strides = array<i32>} : memref<1x64x512xf32, #tpu.memory_space<vmem>>, vector<16xf32>,
          tpu.vector_store %parallel_loop3A_827[%parallel_loop3A_828, %parallel_loop3A_829, %parallel_loop3A_830], %parallel_loop3A_740 {strides = array<i32>} : memref<1x64x512xf32, #tpu.memory_space<vmem>>, vector<16xf32>,
          %parallel_loop3A_832 = arith.constant 16 : i32
          %parallel_loop3A_833 = arith.muli %parallel_loop3A_410, %parallel_loop3A_832 : i32
          %parallel_loop3A_834 = arith.constant 0 : i32
          %parallel_loop3A_835 = arith.constant 11 : i32
          %parallel_loop3A_836 = arith.constant 0 : i32
          %parallel_loop3A_837 = arith.constant 0 : i32
          %parallel_loop3A_838 = arith.constant 0 : i32
          %parallel_loop3A_839 = tpu.memref_slice %run_scoped3A_15[%rem3A_322, %parallel_loop3A_836, %parallel_loop3A_837, %parallel_loop3A_838] : memref<2x1x64x512xf32, #tpu.memory_space<vmem>> -> memref<1x1x64x512xf32, #tpu.memory_space<vmem>>
          %parallel_loop3A_840 = tpu.memref_squeeze %parallel_loop3A_839 : memref<1x1x64x512xf32, #tpu.memory_space<vmem>> -> memref<1x64x512xf32, #tpu.memory_space<vmem>>
          %parallel_loop3A_841 = arith.index_cast %parallel_loop3A_834 : i32 to index
          %parallel_loop3A_842 = arith.index_cast %parallel_loop3A_835 : i32 to index
          %parallel_loop3A_843 = arith.index_cast %parallel_loop3A_833 : i32 to index
          %parallel_loop3A_844 = tpu.vector_load %parallel_loop3A_840[%parallel_loop3A_841, %parallel_loop3A_842, %parallel_loop3A_843] {strides = array<i32>} : memref<1x64x512xf32, #tpu.memory_space<vmem>>, vector<16xf32>,
          tpu.vector_store %parallel_loop3A_840[%parallel_loop3A_841, %parallel_loop3A_842, %parallel_loop3A_843], %parallel_loop3A_744 {strides = array<i32>} : memref<1x64x512xf32, #tpu.memory_space<vmem>>, vector<16xf32>,
          %parallel_loop3A_845 = arith.constant 16 : i32
          %parallel_loop3A_846 = arith.muli %parallel_loop3A_410, %parallel_loop3A_845 : i32
          %parallel_loop3A_847 = arith.constant 0 : i32
          %parallel_loop3A_848 = arith.constant 12 : i32
          %parallel_loop3A_849 = arith.constant 0 : i32
          %parallel_loop3A_850 = arith.constant 0 : i32
          %parallel_loop3A_851 = arith.constant 0 : i32
          %parallel_loop3A_852 = tpu.memref_slice %run_scoped3A_15[%rem3A_322, %parallel_loop3A_849, %parallel_loop3A_850, %parallel_loop3A_851] : memref<2x1x64x512xf32, #tpu.memory_space<vmem>> -> memref<1x1x64x512xf32, #tpu.memory_space<vmem>>
          %parallel_loop3A_853 = tpu.memref_squeeze %parallel_loop3A_852 : memref<1x1x64x512xf32, #tpu.memory_space<vmem>> -> memref<1x64x512xf32, #tpu.memory_space<vmem>>
          %parallel_loop3A_854 = arith.index_cast %parallel_loop3A_847 : i32 to index
          %parallel_loop3A_855 = arith.index_cast %parallel_loop3A_848 : i32 to index
          %parallel_loop3A_856 = arith.index_cast %parallel_loop3A_846 : i32 to index
          %parallel_loop3A_857 = tpu.vector_load %parallel_loop3A_853[%parallel_loop3A_854, %parallel_loop3A_855, %parallel_loop3A_856] {strides = array<i32>} : memref<1x64x512xf32, #tpu.memory_space<vmem>>, vector<16xf32>,
          tpu.vector_store %parallel_loop3A_853[%parallel_loop3A_854, %parallel_loop3A_855, %parallel_loop3A_856], %parallel_loop3A_748 {strides = array<i32>} : memref<1x64x512xf32, #tpu.memory_space<vmem>>, vector<16xf32>,
          %parallel_loop3A_858 = arith.constant 16 : i32
          %parallel_loop3A_859 = arith.muli %parallel_loop3A_410, %parallel_loop3A_858 : i32
          %parallel_loop3A_860 = arith.constant 0 : i32
          %parallel_loop3A_861 = arith.constant 13 : i32
          %parallel_loop3A_862 = arith.constant 0 : i32
          %parallel_loop3A_863 = arith.constant 0 : i32
          %parallel_loop3A_864 = arith.constant 0 : i32
          %parallel_loop3A_865 = tpu.memref_slice %run_scoped3A_15[%rem3A_322, %parallel_loop3A_862, %parallel_loop3A_863, %parallel_loop3A_864] : memref<2x1x64x512xf32, #tpu.memory_space<vmem>> -> memref<1x1x64x512xf32, #tpu.memory_space<vmem>>
          %parallel_loop3A_866 = tpu.memref_squeeze %parallel_loop3A_865 : memref<1x1x64x512xf32, #tpu.memory_space<vmem>> -> memref<1x64x512xf32, #tpu.memory_space<vmem>>
          %parallel_loop3A_867 = arith.index_cast %parallel_loop3A_860 : i32 to index
          %parallel_loop3A_868 = arith.index_cast %parallel_loop3A_861 : i32 to index
          %parallel_loop3A_869 = arith.index_cast %parallel_loop3A_859 : i32 to index
          %parallel_loop3A_870 = tpu.vector_load %parallel_loop3A_866[%parallel_loop3A_867, %parallel_loop3A_868, %parallel_loop3A_869] {strides = array<i32>} : memref<1x64x512xf32, #tpu.memory_space<vmem>>, vector<16xf32>,
          tpu.vector_store %parallel_loop3A_866[%parallel_loop3A_867, %parallel_loop3A_868, %parallel_loop3A_869], %parallel_loop3A_752 {strides = array<i32>} : memref<1x64x512xf32, #tpu.memory_space<vmem>>, vector<16xf32>,
          %parallel_loop3A_871 = arith.constant 16 : i32
          %parallel_loop3A_872 = arith.muli %parallel_loop3A_410, %parallel_loop3A_871 : i32
          %parallel_loop3A_873 = arith.constant 0 : i32
          %parallel_loop3A_874 = arith.constant 14 : i32
          %parallel_loop3A_875 = arith.constant 0 : i32
          %parallel_loop3A_876 = arith.constant 0 : i32
          %parallel_loop3A_877 = arith.constant 0 : i32
          %parallel_loop3A_878 = tpu.memref_slice %run_scoped3A_15[%rem3A_322, %parallel_loop3A_875, %parallel_loop3A_876, %parallel_loop3A_877] : memref<2x1x64x512xf32, #tpu.memory_space<vmem>> -> memref<1x1x64x512xf32, #tpu.memory_space<vmem>>
          %parallel_loop3A_879 = tpu.memref_squeeze %parallel_loop3A_878 : memref<1x1x64x512xf32, #tpu.memory_space<vmem>> -> memref<1x64x512xf32, #tpu.memory_space<vmem>>
          %parallel_loop3A_880 = arith.index_cast %parallel_loop3A_873 : i32 to index
          %parallel_loop3A_881 = arith.index_cast %parallel_loop3A_874 : i32 to index
          %parallel_loop3A_882 = arith.index_cast %parallel_loop3A_872 : i32 to index
          %parallel_loop3A_883 = tpu.vector_load %parallel_loop3A_879[%parallel_loop3A_880, %parallel_loop3A_881, %parallel_loop3A_882] {strides = array<i32>} : memref<1x64x512xf32, #tpu.memory_space<vmem>>, vector<16xf32>,
          tpu.vector_store %parallel_loop3A_879[%parallel_loop3A_880, %parallel_loop3A_881, %parallel_loop3A_882], %parallel_loop3A_756 {strides = array<i32>} : memref<1x64x512xf32, #tpu.memory_space<vmem>>, vector<16xf32>,
          %parallel_loop3A_884 = arith.constant 16 : i32
          %parallel_loop3A_885 = arith.muli %parallel_loop3A_410, %parallel_loop3A_884 : i32
          %parallel_loop3A_886 = arith.constant 0 : i32
          %parallel_loop3A_887 = arith.constant 15 : i32
          %parallel_loop3A_888 = arith.constant 0 : i32
          %parallel_loop3A_889 = arith.constant 0 : i32
          %parallel_loop3A_890 = arith.constant 0 : i32
          %parallel_loop3A_891 = tpu.memref_slice %run_scoped3A_15[%rem3A_322, %parallel_loop3A_888, %parallel_loop3A_889, %parallel_loop3A_890] : memref<2x1x64x512xf32, #tpu.memory_space<vmem>> -> memref<1x1x64x512xf32, #tpu.memory_space<vmem>>
          %parallel_loop3A_892 = tpu.memref_squeeze %parallel_loop3A_891 : memref<1x1x64x512xf32, #tpu.memory_space<vmem>> -> memref<1x64x512xf32, #tpu.memory_space<vmem>>
          %parallel_loop3A_893 = arith.index_cast %parallel_loop3A_886 : i32 to index
          %parallel_loop3A_894 = arith.index_cast %parallel_loop3A_887 : i32 to index
          %parallel_loop3A_895 = arith.index_cast %parallel_loop3A_885 : i32 to index
          %parallel_loop3A_896 = tpu.vector_load %parallel_loop3A_892[%parallel_loop3A_893, %parallel_loop3A_894, %parallel_loop3A_895] {strides = array<i32>} : memref<1x64x512xf32, #tpu.memory_space<vmem>>, vector<16xf32>,
          tpu.vector_store %parallel_loop3A_892[%parallel_loop3A_893, %parallel_loop3A_894, %parallel_loop3A_895], %parallel_loop3A_760 {strides = array<i32>} : memref<1x64x512xf32, #tpu.memory_space<vmem>>, vector<16xf32>,
          %parallel_loop3A_897 = arith.constant 1 : i32
          %parallel_loop3A_898 = arith.addi %parallel_loop3A_410, %parallel_loop3A_897 : i32
          %parallel_loop3A_899 = arith.constant 16 : i32
          %parallel_loop3A_900 = arith.muli %parallel_loop3A_898, %parallel_loop3A_899 : i32
          %parallel_loop3A_901 = arith.constant 0 : i32
          %parallel_loop3A_902 = arith.constant 8 : i32
          %parallel_loop3A_903 = arith.constant 0 : i32
          %parallel_loop3A_904 = arith.constant 0 : i32
          %parallel_loop3A_905 = arith.constant 0 : i32
          %parallel_loop3A_906 = tpu.memref_slice %run_scoped3A_15[%rem3A_322, %parallel_loop3A_903, %parallel_loop3A_904, %parallel_loop3A_905] : memref<2x1x64x512xf32, #tpu.memory_space<vmem>> -> memref<1x1x64x512xf32, #tpu.memory_space<vmem>>
          %parallel_loop3A_907 = tpu.memref_squeeze %parallel_loop3A_906 : memref<1x1x64x512xf32, #tpu.memory_space<vmem>> -> memref<1x64x512xf32, #tpu.memory_space<vmem>>
          %parallel_loop3A_908 = arith.index_cast %parallel_loop3A_901 : i32 to index
          %parallel_loop3A_909 = arith.index_cast %parallel_loop3A_902 : i32 to index
          %parallel_loop3A_910 = arith.index_cast %parallel_loop3A_900 : i32 to index
          %parallel_loop3A_911 = tpu.vector_load %parallel_loop3A_907[%parallel_loop3A_908, %parallel_loop3A_909, %parallel_loop3A_910] {strides = array<i32>} : memref<1x64x512xf32, #tpu.memory_space<vmem>>, vector<16xf32>,
          tpu.vector_store %parallel_loop3A_907[%parallel_loop3A_908, %parallel_loop3A_909, %parallel_loop3A_910], %parallel_loop3A_764 {strides = array<i32>} : memref<1x64x512xf32, #tpu.memory_space<vmem>>, vector<16xf32>,
          %parallel_loop3A_912 = arith.constant 1 : i32
          %parallel_loop3A_913 = arith.addi %parallel_loop3A_410, %parallel_loop3A_912 : i32
          %parallel_loop3A_914 = arith.constant 16 : i32
          %parallel_loop3A_915 = arith.muli %parallel_loop3A_913, %parallel_loop3A_914 : i32
          %parallel_loop3A_916 = arith.constant 0 : i32
          %parallel_loop3A_917 = arith.constant 9 : i32
          %parallel_loop3A_918 = arith.constant 0 : i32
          %parallel_loop3A_919 = arith.constant 0 : i32
          %parallel_loop3A_920 = arith.constant 0 : i32
          %parallel_loop3A_921 = tpu.memref_slice %run_scoped3A_15[%rem3A_322, %parallel_loop3A_918, %parallel_loop3A_919, %parallel_loop3A_920] : memref<2x1x64x512xf32, #tpu.memory_space<vmem>> -> memref<1x1x64x512xf32, #tpu.memory_space<vmem>>
          %parallel_loop3A_922 = tpu.memref_squeeze %parallel_loop3A_921 : memref<1x1x64x512xf32, #tpu.memory_space<vmem>> -> memref<1x64x512xf32, #tpu.memory_space<vmem>>
          %parallel_loop3A_923 = arith.index_cast %parallel_loop3A_916 : i32 to index
          %parallel_loop3A_924 = arith.index_cast %parallel_loop3A_917 : i32 to index
          %parallel_loop3A_925 = arith.index_cast %parallel_loop3A_915 : i32 to index
          %parallel_loop3A_926 = tpu.vector_load %parallel_loop3A_922[%parallel_loop3A_923, %parallel_loop3A_924, %parallel_loop3A_925] {strides = array<i32>} : memref<1x64x512xf32, #tpu.memory_space<vmem>>, vector<16xf32>,
          tpu.vector_store %parallel_loop3A_922[%parallel_loop3A_923, %parallel_loop3A_924, %parallel_loop3A_925], %parallel_loop3A_768 {strides = array<i32>} : memref<1x64x512xf32, #tpu.memory_space<vmem>>, vector<16xf32>,
          %parallel_loop3A_927 = arith.constant 1 : i32
          %parallel_loop3A_928 = arith.addi %parallel_loop3A_410, %parallel_loop3A_927 : i32
          %parallel_loop3A_929 = arith.constant 16 : i32
          %parallel_loop3A_930 = arith.muli %parallel_loop3A_928, %parallel_loop3A_929 : i32
          %parallel_loop3A_931 = arith.constant 0 : i32
          %parallel_loop3A_932 = arith.constant 10 : i32
          %parallel_loop3A_933 = arith.constant 0 : i32
          %parallel_loop3A_934 = arith.constant 0 : i32
          %parallel_loop3A_935 = arith.constant 0 : i32
          %parallel_loop3A_936 = tpu.memref_slice %run_scoped3A_15[%rem3A_322, %parallel_loop3A_933, %parallel_loop3A_934, %parallel_loop3A_935] : memref<2x1x64x512xf32, #tpu.memory_space<vmem>> -> memref<1x1x64x512xf32, #tpu.memory_space<vmem>>
          %parallel_loop3A_937 = tpu.memref_squeeze %parallel_loop3A_936 : memref<1x1x64x512xf32, #tpu.memory_space<vmem>> -> memref<1x64x512xf32, #tpu.memory_space<vmem>>
          %parallel_loop3A_938 = arith.index_cast %parallel_loop3A_931 : i32 to index
          %parallel_loop3A_939 = arith.index_cast %parallel_loop3A_932 : i32 to index
          %parallel_loop3A_940 = arith.index_cast %parallel_loop3A_930 : i32 to index
          %parallel_loop3A_941 = tpu.vector_load %parallel_loop3A_937[%parallel_loop3A_938, %parallel_loop3A_939, %parallel_loop3A_940] {strides = array<i32>} : memref<1x64x512xf32, #tpu.memory_space<vmem>>, vector<16xf32>,
          tpu.vector_store %parallel_loop3A_937[%parallel_loop3A_938, %parallel_loop3A_939, %parallel_loop3A_940], %parallel_loop3A_772 {strides = array<i32>} : memref<1x64x512xf32, #tpu.memory_space<vmem>>, vector<16xf32>,
          %parallel_loop3A_942 = arith.constant 1 : i32
          %parallel_loop3A_943 = arith.addi %parallel_loop3A_410, %parallel_loop3A_942 : i32
          %parallel_loop3A_944 = arith.constant 16 : i32
          %parallel_loop3A_945 = arith.muli %parallel_loop3A_943, %parallel_loop3A_944 : i32
          %parallel_loop3A_946 = arith.constant 0 : i32
          %parallel_loop3A_947 = arith.constant 11 : i32
          %parallel_loop3A_948 = arith.constant 0 : i32
          %parallel_loop3A_949 = arith.constant 0 : i32
          %parallel_loop3A_950 = arith.constant 0 : i32
          %parallel_loop3A_951 = tpu.memref_slice %run_scoped3A_15[%rem3A_322, %parallel_loop3A_948, %parallel_loop3A_949, %parallel_loop3A_950] : memref<2x1x64x512xf32, #tpu.memory_space<vmem>> -> memref<1x1x64x512xf32, #tpu.memory_space<vmem>>
          %parallel_loop3A_952 = tpu.memref_squeeze %parallel_loop3A_951 : memref<1x1x64x512xf32, #tpu.memory_space<vmem>> -> memref<1x64x512xf32, #tpu.memory_space<vmem>>
          %parallel_loop3A_953 = arith.index_cast %parallel_loop3A_946 : i32 to index
          %parallel_loop3A_954 = arith.index_cast %parallel_loop3A_947 : i32 to index
          %parallel_loop3A_955 = arith.index_cast %parallel_loop3A_945 : i32 to index
          %parallel_loop3A_956 = tpu.vector_load %parallel_loop3A_952[%parallel_loop3A_953, %parallel_loop3A_954, %parallel_loop3A_955] {strides = array<i32>} : memref<1x64x512xf32, #tpu.memory_space<vmem>>, vector<16xf32>,
          tpu.vector_store %parallel_loop3A_952[%parallel_loop3A_953, %parallel_loop3A_954, %parallel_loop3A_955], %parallel_loop3A_776 {strides = array<i32>} : memref<1x64x512xf32, #tpu.memory_space<vmem>>, vector<16xf32>,
          %parallel_loop3A_957 = arith.constant 1 : i32
          %parallel_loop3A_958 = arith.addi %parallel_loop3A_410, %parallel_loop3A_957 : i32
          %parallel_loop3A_959 = arith.constant 16 : i32
          %parallel_loop3A_960 = arith.muli %parallel_loop3A_958, %parallel_loop3A_959 : i32
          %parallel_loop3A_961 = arith.constant 0 : i32
          %parallel_loop3A_962 = arith.constant 12 : i32
          %parallel_loop3A_963 = arith.constant 0 : i32
          %parallel_loop3A_964 = arith.constant 0 : i32
          %parallel_loop3A_965 = arith.constant 0 : i32
          %parallel_loop3A_966 = tpu.memref_slice %run_scoped3A_15[%rem3A_322, %parallel_loop3A_963, %parallel_loop3A_964, %parallel_loop3A_965] : memref<2x1x64x512xf32, #tpu.memory_space<vmem>> -> memref<1x1x64x512xf32, #tpu.memory_space<vmem>>
          %parallel_loop3A_967 = tpu.memref_squeeze %parallel_loop3A_966 : memref<1x1x64x512xf32, #tpu.memory_space<vmem>> -> memref<1x64x512xf32, #tpu.memory_space<vmem>>
          %parallel_loop3A_968 = arith.index_cast %parallel_loop3A_961 : i32 to index
          %parallel_loop3A_969 = arith.index_cast %parallel_loop3A_962 : i32 to index
          %parallel_loop3A_970 = arith.index_cast %parallel_loop3A_960 : i32 to index
          %parallel_loop3A_971 = tpu.vector_load %parallel_loop3A_967[%parallel_loop3A_968, %parallel_loop3A_969, %parallel_loop3A_970] {strides = array<i32>} : memref<1x64x512xf32, #tpu.memory_space<vmem>>, vector<16xf32>,
          tpu.vector_store %parallel_loop3A_967[%parallel_loop3A_968, %parallel_loop3A_969, %parallel_loop3A_970], %parallel_loop3A_780 {strides = array<i32>} : memref<1x64x512xf32, #tpu.memory_space<vmem>>, vector<16xf32>,
          %parallel_loop3A_972 = arith.constant 1 : i32
          %parallel_loop3A_973 = arith.addi %parallel_loop3A_410, %parallel_loop3A_972 : i32
          %parallel_loop3A_974 = arith.constant 16 : i32
          %parallel_loop3A_975 = arith.muli %parallel_loop3A_973, %parallel_loop3A_974 : i32
          %parallel_loop3A_976 = arith.constant 0 : i32
          %parallel_loop3A_977 = arith.constant 13 : i32
          %parallel_loop3A_978 = arith.constant 0 : i32
          %parallel_loop3A_979 = arith.constant 0 : i32
          %parallel_loop3A_980 = arith.constant 0 : i32
          %parallel_loop3A_981 = tpu.memref_slice %run_scoped3A_15[%rem3A_322, %parallel_loop3A_978, %parallel_loop3A_979, %parallel_loop3A_980] : memref<2x1x64x512xf32, #tpu.memory_space<vmem>> -> memref<1x1x64x512xf32, #tpu.memory_space<vmem>>
          %parallel_loop3A_982 = tpu.memref_squeeze %parallel_loop3A_981 : memref<1x1x64x512xf32, #tpu.memory_space<vmem>> -> memref<1x64x512xf32, #tpu.memory_space<vmem>>
          %parallel_loop3A_983 = arith.index_cast %parallel_loop3A_976 : i32 to index
          %parallel_loop3A_984 = arith.index_cast %parallel_loop3A_977 : i32 to index
          %parallel_loop3A_985 = arith.index_cast %parallel_loop3A_975 : i32 to index
          %parallel_loop3A_986 = tpu.vector_load %parallel_loop3A_982[%parallel_loop3A_983, %parallel_loop3A_984, %parallel_loop3A_985] {strides = array<i32>} : memref<1x64x512xf32, #tpu.memory_space<vmem>>, vector<16xf32>,
          tpu.vector_store %parallel_loop3A_982[%parallel_loop3A_983, %parallel_loop3A_984, %parallel_loop3A_985], %parallel_loop3A_784 {strides = array<i32>} : memref<1x64x512xf32, #tpu.memory_space<vmem>>, vector<16xf32>,
          %parallel_loop3A_987 = arith.constant 1 : i32
          %parallel_loop3A_988 = arith.addi %parallel_loop3A_410, %parallel_loop3A_987 : i32
          %parallel_loop3A_989 = arith.constant 16 : i32
          %parallel_loop3A_990 = arith.muli %parallel_loop3A_988, %parallel_loop3A_989 : i32
          %parallel_loop3A_991 = arith.constant 0 : i32
          %parallel_loop3A_992 = arith.constant 14 : i32
          %parallel_loop3A_993 = arith.constant 0 : i32
          %parallel_loop3A_994 = arith.constant 0 : i32
          %parallel_loop3A_995 = arith.constant 0 : i32
          %parallel_loop3A_996 = tpu.memref_slice %run_scoped3A_15[%rem3A_322, %parallel_loop3A_993, %parallel_loop3A_994, %parallel_loop3A_995] : memref<2x1x64x512xf32, #tpu.memory_space<vmem>> -> memref<1x1x64x512xf32, #tpu.memory_space<vmem>>
          %parallel_loop3A_997 = tpu.memref_squeeze %parallel_loop3A_996 : memref<1x1x64x512xf32, #tpu.memory_space<vmem>> -> memref<1x64x512xf32, #tpu.memory_space<vmem>>
          %parallel_loop3A_998 = arith.index_cast %parallel_loop3A_991 : i32 to index
          %parallel_loop3A_999 = arith.index_cast %parallel_loop3A_992 : i32 to index
          %parallel_loop3A_1000 = arith.index_cast %parallel_loop3A_990 : i32 to index
          %parallel_loop3A_1001 = tpu.vector_load %parallel_loop3A_997[%parallel_loop3A_998, %parallel_loop3A_999, %parallel_loop3A_1000] {strides = array<i32>} : memref<1x64x512xf32, #tpu.memory_space<vmem>>, vector<16xf32>,
          tpu.vector_store %parallel_loop3A_997[%parallel_loop3A_998, %parallel_loop3A_999, %parallel_loop3A_1000], %parallel_loop3A_788 {strides = array<i32>} : memref<1x64x512xf32, #tpu.memory_space<vmem>>, vector<16xf32>,
          %parallel_loop3A_1002 = arith.constant 1 : i32
          %parallel_loop3A_1003 = arith.addi %parallel_loop3A_410, %parallel_loop3A_1002 : i32
          %parallel_loop3A_1004 = arith.constant 16 : i32
          %parallel_loop3A_1005 = arith.muli %parallel_loop3A_1003, %parallel_loop3A_1004 : i32
          %parallel_loop3A_1006 = arith.constant 0 : i32
          %parallel_loop3A_1007 = arith.constant 15 : i32
          %parallel_loop3A_1008 = arith.constant 0 : i32
          %parallel_loop3A_1009 = arith.constant 0 : i32
          %parallel_loop3A_1010 = arith.constant 0 : i32
          %parallel_loop3A_1011 = tpu.memref_slice %run_scoped3A_15[%rem3A_322, %parallel_loop3A_1008, %parallel_loop3A_1009, %parallel_loop3A_1010] : memref<2x1x64x512xf32, #tpu.memory_space<vmem>> -> memref<1x1x64x512xf32, #tpu.memory_space<vmem>>
          %parallel_loop3A_1012 = tpu.memref_squeeze %parallel_loop3A_1011 : memref<1x1x64x512xf32, #tpu.memory_space<vmem>> -> memref<1x64x512xf32, #tpu.memory_space<vmem>>
          %parallel_loop3A_1013 = arith.index_cast %parallel_loop3A_1006 : i32 to index
          %parallel_loop3A_1014 = arith.index_cast %parallel_loop3A_1007 : i32 to index
          %parallel_loop3A_1015 = arith.index_cast %parallel_loop3A_1005 : i32 to index
          %parallel_loop3A_1016 = tpu.vector_load %parallel_loop3A_1012[%parallel_loop3A_1013, %parallel_loop3A_1014, %parallel_loop3A_1015] {strides = array<i32>} : memref<1x64x512xf32, #tpu.memory_space<vmem>>, vector<16xf32>,
          tpu.vector_store %parallel_loop3A_1012[%parallel_loop3A_1013, %parallel_loop3A_1014, %parallel_loop3A_1015], %parallel_loop3A_792 {strides = array<i32>} : memref<1x64x512xf32, #tpu.memory_space<vmem>>, vector<16xf32>,
          %parallel_loop3A_1017 = arith.constant 16 : i32
          %parallel_loop3A_1018 = vector.broadcast %parallel_loop3A_1017 : i32 to vector<16xi32>
          %parallel_loop3A_1019 = arith.addi %parallel_loop3A_436, %parallel_loop3A_1018 : vector<16xi32>
          %parallel_loop3A_1020 = tpu.vector_load_idx %arg6[%parallel_loop3A_1019] : memref<49168xf32, #tpu.memory_space<vmem>>[vector<16xi32>], vector<16xf32>,
          %parallel_loop3A_1021 = arith.constant 17 : i32
          %parallel_loop3A_1022 = vector.broadcast %parallel_loop3A_1021 : i32 to vector<16xi32>
          %parallel_loop3A_1023 = arith.addi %parallel_loop3A_436, %parallel_loop3A_1022 : vector<16xi32>
          %parallel_loop3A_1024 = tpu.vector_load_idx %arg6[%parallel_loop3A_1023] : memref<49168xf32, #tpu.memory_space<vmem>>[vector<16xi32>], vector<16xf32>,
          %parallel_loop3A_1025 = arith.constant 18 : i32
          %parallel_loop3A_1026 = vector.broadcast %parallel_loop3A_1025 : i32 to vector<16xi32>
          %parallel_loop3A_1027 = arith.addi %parallel_loop3A_436, %parallel_loop3A_1026 : vector<16xi32>
          %parallel_loop3A_1028 = tpu.vector_load_idx %arg6[%parallel_loop3A_1027] : memref<49168xf32, #tpu.memory_space<vmem>>[vector<16xi32>], vector<16xf32>,
          %parallel_loop3A_1029 = arith.constant 19 : i32
          %parallel_loop3A_1030 = vector.broadcast %parallel_loop3A_1029 : i32 to vector<16xi32>
          %parallel_loop3A_1031 = arith.addi %parallel_loop3A_436, %parallel_loop3A_1030 : vector<16xi32>
          %parallel_loop3A_1032 = tpu.vector_load_idx %arg6[%parallel_loop3A_1031] : memref<49168xf32, #tpu.memory_space<vmem>>[vector<16xi32>], vector<16xf32>,
          %parallel_loop3A_1033 = arith.constant 20 : i32
          %parallel_loop3A_1034 = vector.broadcast %parallel_loop3A_1033 : i32 to vector<16xi32>
          %parallel_loop3A_1035 = arith.addi %parallel_loop3A_436, %parallel_loop3A_1034 : vector<16xi32>
          %parallel_loop3A_1036 = tpu.vector_load_idx %arg6[%parallel_loop3A_1035] : memref<49168xf32, #tpu.memory_space<vmem>>[vector<16xi32>], vector<16xf32>,
          %parallel_loop3A_1037 = arith.constant 21 : i32
          %parallel_loop3A_1038 = vector.broadcast %parallel_loop3A_1037 : i32 to vector<16xi32>
          %parallel_loop3A_1039 = arith.addi %parallel_loop3A_436, %parallel_loop3A_1038 : vector<16xi32>
          %parallel_loop3A_1040 = tpu.vector_load_idx %arg6[%parallel_loop3A_1039] : memref<49168xf32, #tpu.memory_space<vmem>>[vector<16xi32>], vector<16xf32>,
          %parallel_loop3A_1041 = arith.constant 22 : i32
          %parallel_loop3A_1042 = vector.broadcast %parallel_loop3A_1041 : i32 to vector<16xi32>
          %parallel_loop3A_1043 = arith.addi %parallel_loop3A_436, %parallel_loop3A_1042 : vector<16xi32>
          %parallel_loop3A_1044 = tpu.vector_load_idx %arg6[%parallel_loop3A_1043] : memref<49168xf32, #tpu.memory_space<vmem>>[vector<16xi32>], vector<16xf32>,
          %parallel_loop3A_1045 = arith.constant 23 : i32
          %parallel_loop3A_1046 = vector.broadcast %parallel_loop3A_1045 : i32 to vector<16xi32>
          %parallel_loop3A_1047 = arith.addi %parallel_loop3A_436, %parallel_loop3A_1046 : vector<16xi32>
          %parallel_loop3A_1048 = tpu.vector_load_idx %arg6[%parallel_loop3A_1047] : memref<49168xf32, #tpu.memory_space<vmem>>[vector<16xi32>], vector<16xf32>,
          %parallel_loop3A_1049 = arith.constant 16 : i32
          %parallel_loop3A_1050 = vector.broadcast %parallel_loop3A_1049 : i32 to vector<16xi32>
          %parallel_loop3A_1051 = arith.addi %parallel_loop3A_440, %parallel_loop3A_1050 : vector<16xi32>
          %parallel_loop3A_1052 = tpu.vector_load_idx %arg6[%parallel_loop3A_1051] : memref<49168xf32, #tpu.memory_space<vmem>>[vector<16xi32>], vector<16xf32>,
          %parallel_loop3A_1053 = arith.constant 17 : i32
          %parallel_loop3A_1054 = vector.broadcast %parallel_loop3A_1053 : i32 to vector<16xi32>
          %parallel_loop3A_1055 = arith.addi %parallel_loop3A_440, %parallel_loop3A_1054 : vector<16xi32>
          %parallel_loop3A_1056 = tpu.vector_load_idx %arg6[%parallel_loop3A_1055] : memref<49168xf32, #tpu.memory_space<vmem>>[vector<16xi32>], vector<16xf32>,
          %parallel_loop3A_1057 = arith.constant 18 : i32
          %parallel_loop3A_1058 = vector.broadcast %parallel_loop3A_1057 : i32 to vector<16xi32>
          %parallel_loop3A_1059 = arith.addi %parallel_loop3A_440, %parallel_loop3A_1058 : vector<16xi32>
          %parallel_loop3A_1060 = tpu.vector_load_idx %arg6[%parallel_loop3A_1059] : memref<49168xf32, #tpu.memory_space<vmem>>[vector<16xi32>], vector<16xf32>,
          %parallel_loop3A_1061 = arith.constant 19 : i32
          %parallel_loop3A_1062 = vector.broadcast %parallel_loop3A_1061 : i32 to vector<16xi32>
          %parallel_loop3A_1063 = arith.addi %parallel_loop3A_440, %parallel_loop3A_1062 : vector<16xi32>
          %parallel_loop3A_1064 = tpu.vector_load_idx %arg6[%parallel_loop3A_1063] : memref<49168xf32, #tpu.memory_space<vmem>>[vector<16xi32>], vector<16xf32>,
          %parallel_loop3A_1065 = arith.constant 20 : i32
          %parallel_loop3A_1066 = vector.broadcast %parallel_loop3A_1065 : i32 to vector<16xi32>
          %parallel_loop3A_1067 = arith.addi %parallel_loop3A_440, %parallel_loop3A_1066 : vector<16xi32>
          %parallel_loop3A_1068 = tpu.vector_load_idx %arg6[%parallel_loop3A_1067] : memref<49168xf32, #tpu.memory_space<vmem>>[vector<16xi32>], vector<16xf32>,
          %parallel_loop3A_1069 = arith.constant 21 : i32
          %parallel_loop3A_1070 = vector.broadcast %parallel_loop3A_1069 : i32 to vector<16xi32>
          %parallel_loop3A_1071 = arith.addi %parallel_loop3A_440, %parallel_loop3A_1070 : vector<16xi32>
          %parallel_loop3A_1072 = tpu.vector_load_idx %arg6[%parallel_loop3A_1071] : memref<49168xf32, #tpu.memory_space<vmem>>[vector<16xi32>], vector<16xf32>,
          %parallel_loop3A_1073 = arith.constant 22 : i32
          %parallel_loop3A_1074 = vector.broadcast %parallel_loop3A_1073 : i32 to vector<16xi32>
          %parallel_loop3A_1075 = arith.addi %parallel_loop3A_440, %parallel_loop3A_1074 : vector<16xi32>
          %parallel_loop3A_1076 = tpu.vector_load_idx %arg6[%parallel_loop3A_1075] : memref<49168xf32, #tpu.memory_space<vmem>>[vector<16xi32>], vector<16xf32>,
          %parallel_loop3A_1077 = arith.constant 23 : i32
          %parallel_loop3A_1078 = vector.broadcast %parallel_loop3A_1077 : i32 to vector<16xi32>
          %parallel_loop3A_1079 = arith.addi %parallel_loop3A_440, %parallel_loop3A_1078 : vector<16xi32>
          %parallel_loop3A_1080 = tpu.vector_load_idx %arg6[%parallel_loop3A_1079] : memref<49168xf32, #tpu.memory_space<vmem>>[vector<16xi32>], vector<16xf32>,
          %parallel_loop3A_1081 = arith.constant 16 : i32
          %parallel_loop3A_1082 = arith.muli %parallel_loop3A_410, %parallel_loop3A_1081 : i32
          %parallel_loop3A_1083 = arith.constant 0 : i32
          %parallel_loop3A_1084 = arith.constant 16 : i32
          %parallel_loop3A_1085 = arith.constant 0 : i32
          %parallel_loop3A_1086 = arith.constant 0 : i32
          %parallel_loop3A_1087 = arith.constant 0 : i32
          %parallel_loop3A_1088 = tpu.memref_slice %run_scoped3A_15[%rem3A_322, %parallel_loop3A_1085, %parallel_loop3A_1086, %parallel_loop3A_1087] : memref<2x1x64x512xf32, #tpu.memory_space<vmem>> -> memref<1x1x64x512xf32, #tpu.memory_space<vmem>>
          %parallel_loop3A_1089 = tpu.memref_squeeze %parallel_loop3A_1088 : memref<1x1x64x512xf32, #tpu.memory_space<vmem>> -> memref<1x64x512xf32, #tpu.memory_space<vmem>>
          %parallel_loop3A_1090 = arith.index_cast %parallel_loop3A_1083 : i32 to index
          %parallel_loop3A_1091 = arith.index_cast %parallel_loop3A_1084 : i32 to index
          %parallel_loop3A_1092 = arith.index_cast %parallel_loop3A_1082 : i32 to index
          %parallel_loop3A_1093 = tpu.vector_load %parallel_loop3A_1089[%parallel_loop3A_1090, %parallel_loop3A_1091, %parallel_loop3A_1092] {strides = array<i32>} : memref<1x64x512xf32, #tpu.memory_space<vmem>>, vector<16xf32>,
          tpu.vector_store %parallel_loop3A_1089[%parallel_loop3A_1090, %parallel_loop3A_1091, %parallel_loop3A_1092], %parallel_loop3A_1020 {strides = array<i32>} : memref<1x64x512xf32, #tpu.memory_space<vmem>>, vector<16xf32>,
          %parallel_loop3A_1094 = arith.constant 16 : i32
          %parallel_loop3A_1095 = arith.muli %parallel_loop3A_410, %parallel_loop3A_1094 : i32
          %parallel_loop3A_1096 = arith.constant 0 : i32
          %parallel_loop3A_1097 = arith.constant 17 : i32
          %parallel_loop3A_1098 = arith.constant 0 : i32
          %parallel_loop3A_1099 = arith.constant 0 : i32
          %parallel_loop3A_1100 = arith.constant 0 : i32
          %parallel_loop3A_1101 = tpu.memref_slice %run_scoped3A_15[%rem3A_322, %parallel_loop3A_1098, %parallel_loop3A_1099, %parallel_loop3A_1100] : memref<2x1x64x512xf32, #tpu.memory_space<vmem>> -> memref<1x1x64x512xf32, #tpu.memory_space<vmem>>
          %parallel_loop3A_1102 = tpu.memref_squeeze %parallel_loop3A_1101 : memref<1x1x64x512xf32, #tpu.memory_space<vmem>> -> memref<1x64x512xf32, #tpu.memory_space<vmem>>
          %parallel_loop3A_1103 = arith.index_cast %parallel_loop3A_1096 : i32 to index
          %parallel_loop3A_1104 = arith.index_cast %parallel_loop3A_1097 : i32 to index
          %parallel_loop3A_1105 = arith.index_cast %parallel_loop3A_1095 : i32 to index
          %parallel_loop3A_1106 = tpu.vector_load %parallel_loop3A_1102[%parallel_loop3A_1103, %parallel_loop3A_1104, %parallel_loop3A_1105] {strides = array<i32>} : memref<1x64x512xf32, #tpu.memory_space<vmem>>, vector<16xf32>,
          tpu.vector_store %parallel_loop3A_1102[%parallel_loop3A_1103, %parallel_loop3A_1104, %parallel_loop3A_1105], %parallel_loop3A_1024 {strides = array<i32>} : memref<1x64x512xf32, #tpu.memory_space<vmem>>, vector<16xf32>,
          %parallel_loop3A_1107 = arith.constant 16 : i32
          %parallel_loop3A_1108 = arith.muli %parallel_loop3A_410, %parallel_loop3A_1107 : i32
          %parallel_loop3A_1109 = arith.constant 0 : i32
          %parallel_loop3A_1110 = arith.constant 18 : i32
          %parallel_loop3A_1111 = arith.constant 0 : i32
          %parallel_loop3A_1112 = arith.constant 0 : i32
          %parallel_loop3A_1113 = arith.constant 0 : i32
          %parallel_loop3A_1114 = tpu.memref_slice %run_scoped3A_15[%rem3A_322, %parallel_loop3A_1111, %parallel_loop3A_1112, %parallel_loop3A_1113] : memref<2x1x64x512xf32, #tpu.memory_space<vmem>> -> memref<1x1x64x512xf32, #tpu.memory_space<vmem>>
          %parallel_loop3A_1115 = tpu.memref_squeeze %parallel_loop3A_1114 : memref<1x1x64x512xf32, #tpu.memory_space<vmem>> -> memref<1x64x512xf32, #tpu.memory_space<vmem>>
          %parallel_loop3A_1116 = arith.index_cast %parallel_loop3A_1109 : i32 to index
          %parallel_loop3A_1117 = arith.index_cast %parallel_loop3A_1110 : i32 to index
          %parallel_loop3A_1118 = arith.index_cast %parallel_loop3A_1108 : i32 to index
          %parallel_loop3A_1119 = tpu.vector_load %parallel_loop3A_1115[%parallel_loop3A_1116, %parallel_loop3A_1117, %parallel_loop3A_1118] {strides = array<i32>} : memref<1x64x512xf32, #tpu.memory_space<vmem>>, vector<16xf32>,
          tpu.vector_store %parallel_loop3A_1115[%parallel_loop3A_1116, %parallel_loop3A_1117, %parallel_loop3A_1118], %parallel_loop3A_1028 {strides = array<i32>} : memref<1x64x512xf32, #tpu.memory_space<vmem>>, vector<16xf32>,
          %parallel_loop3A_1120 = arith.constant 16 : i32
          %parallel_loop3A_1121 = arith.muli %parallel_loop3A_410, %parallel_loop3A_1120 : i32
          %parallel_loop3A_1122 = arith.constant 0 : i32
          %parallel_loop3A_1123 = arith.constant 19 : i32
          %parallel_loop3A_1124 = arith.constant 0 : i32
          %parallel_loop3A_1125 = arith.constant 0 : i32
          %parallel_loop3A_1126 = arith.constant 0 : i32
          %parallel_loop3A_1127 = tpu.memref_slice %run_scoped3A_15[%rem3A_322, %parallel_loop3A_1124, %parallel_loop3A_1125, %parallel_loop3A_1126] : memref<2x1x64x512xf32, #tpu.memory_space<vmem>> -> memref<1x1x64x512xf32, #tpu.memory_space<vmem>>
          %parallel_loop3A_1128 = tpu.memref_squeeze %parallel_loop3A_1127 : memref<1x1x64x512xf32, #tpu.memory_space<vmem>> -> memref<1x64x512xf32, #tpu.memory_space<vmem>>
          %parallel_loop3A_1129 = arith.index_cast %parallel_loop3A_1122 : i32 to index
          %parallel_loop3A_1130 = arith.index_cast %parallel_loop3A_1123 : i32 to index
          %parallel_loop3A_1131 = arith.index_cast %parallel_loop3A_1121 : i32 to index
          %parallel_loop3A_1132 = tpu.vector_load %parallel_loop3A_1128[%parallel_loop3A_1129, %parallel_loop3A_1130, %parallel_loop3A_1131] {strides = array<i32>} : memref<1x64x512xf32, #tpu.memory_space<vmem>>, vector<16xf32>,
          tpu.vector_store %parallel_loop3A_1128[%parallel_loop3A_1129, %parallel_loop3A_1130, %parallel_loop3A_1131], %parallel_loop3A_1032 {strides = array<i32>} : memref<1x64x512xf32, #tpu.memory_space<vmem>>, vector<16xf32>,
          %parallel_loop3A_1133 = arith.constant 16 : i32
          %parallel_loop3A_1134 = arith.muli %parallel_loop3A_410, %parallel_loop3A_1133 : i32
          %parallel_loop3A_1135 = arith.constant 0 : i32
          %parallel_loop3A_1136 = arith.constant 20 : i32
          %parallel_loop3A_1137 = arith.constant 0 : i32
          %parallel_loop3A_1138 = arith.constant 0 : i32
          %parallel_loop3A_1139 = arith.constant 0 : i32
          %parallel_loop3A_1140 = tpu.memref_slice %run_scoped3A_15[%rem3A_322, %parallel_loop3A_1137, %parallel_loop3A_1138, %parallel_loop3A_1139] : memref<2x1x64x512xf32, #tpu.memory_space<vmem>> -> memref<1x1x64x512xf32, #tpu.memory_space<vmem>>
          %parallel_loop3A_1141 = tpu.memref_squeeze %parallel_loop3A_1140 : memref<1x1x64x512xf32, #tpu.memory_space<vmem>> -> memref<1x64x512xf32, #tpu.memory_space<vmem>>
          %parallel_loop3A_1142 = arith.index_cast %parallel_loop3A_1135 : i32 to index
          %parallel_loop3A_1143 = arith.index_cast %parallel_loop3A_1136 : i32 to index
          %parallel_loop3A_1144 = arith.index_cast %parallel_loop3A_1134 : i32 to index
          %parallel_loop3A_1145 = tpu.vector_load %parallel_loop3A_1141[%parallel_loop3A_1142, %parallel_loop3A_1143, %parallel_loop3A_1144] {strides = array<i32>} : memref<1x64x512xf32, #tpu.memory_space<vmem>>, vector<16xf32>,
          tpu.vector_store %parallel_loop3A_1141[%parallel_loop3A_1142, %parallel_loop3A_1143, %parallel_loop3A_1144], %parallel_loop3A_1036 {strides = array<i32>} : memref<1x64x512xf32, #tpu.memory_space<vmem>>, vector<16xf32>,
          %parallel_loop3A_1146 = arith.constant 16 : i32
          %parallel_loop3A_1147 = arith.muli %parallel_loop3A_410, %parallel_loop3A_1146 : i32
          %parallel_loop3A_1148 = arith.constant 0 : i32
          %parallel_loop3A_1149 = arith.constant 21 : i32
          %parallel_loop3A_1150 = arith.constant 0 : i32
          %parallel_loop3A_1151 = arith.constant 0 : i32
          %parallel_loop3A_1152 = arith.constant 0 : i32
          %parallel_loop3A_1153 = tpu.memref_slice %run_scoped3A_15[%rem3A_322, %parallel_loop3A_1150, %parallel_loop3A_1151, %parallel_loop3A_1152] : memref<2x1x64x512xf32, #tpu.memory_space<vmem>> -> memref<1x1x64x512xf32, #tpu.memory_space<vmem>>
          %parallel_loop3A_1154 = tpu.memref_squeeze %parallel_loop3A_1153 : memref<1x1x64x512xf32, #tpu.memory_space<vmem>> -> memref<1x64x512xf32, #tpu.memory_space<vmem>>
          %parallel_loop3A_1155 = arith.index_cast %parallel_loop3A_1148 : i32 to index
          %parallel_loop3A_1156 = arith.index_cast %parallel_loop3A_1149 : i32 to index
          %parallel_loop3A_1157 = arith.index_cast %parallel_loop3A_1147 : i32 to index
          %parallel_loop3A_1158 = tpu.vector_load %parallel_loop3A_1154[%parallel_loop3A_1155, %parallel_loop3A_1156, %parallel_loop3A_1157] {strides = array<i32>} : memref<1x64x512xf32, #tpu.memory_space<vmem>>, vector<16xf32>,
          tpu.vector_store %parallel_loop3A_1154[%parallel_loop3A_1155, %parallel_loop3A_1156, %parallel_loop3A_1157], %parallel_loop3A_1040 {strides = array<i32>} : memref<1x64x512xf32, #tpu.memory_space<vmem>>, vector<16xf32>,
          %parallel_loop3A_1159 = arith.constant 16 : i32
          %parallel_loop3A_1160 = arith.muli %parallel_loop3A_410, %parallel_loop3A_1159 : i32
          %parallel_loop3A_1161 = arith.constant 0 : i32
          %parallel_loop3A_1162 = arith.constant 22 : i32
          %parallel_loop3A_1163 = arith.constant 0 : i32
          %parallel_loop3A_1164 = arith.constant 0 : i32
          %parallel_loop3A_1165 = arith.constant 0 : i32
          %parallel_loop3A_1166 = tpu.memref_slice %run_scoped3A_15[%rem3A_322, %parallel_loop3A_1163, %parallel_loop3A_1164, %parallel_loop3A_1165] : memref<2x1x64x512xf32, #tpu.memory_space<vmem>> -> memref<1x1x64x512xf32, #tpu.memory_space<vmem>>
          %parallel_loop3A_1167 = tpu.memref_squeeze %parallel_loop3A_1166 : memref<1x1x64x512xf32, #tpu.memory_space<vmem>> -> memref<1x64x512xf32, #tpu.memory_space<vmem>>
          %parallel_loop3A_1168 = arith.index_cast %parallel_loop3A_1161 : i32 to index
          %parallel_loop3A_1169 = arith.index_cast %parallel_loop3A_1162 : i32 to index
          %parallel_loop3A_1170 = arith.index_cast %parallel_loop3A_1160 : i32 to index
          %parallel_loop3A_1171 = tpu.vector_load %parallel_loop3A_1167[%parallel_loop3A_1168, %parallel_loop3A_1169, %parallel_loop3A_1170] {strides = array<i32>} : memref<1x64x512xf32, #tpu.memory_space<vmem>>, vector<16xf32>,
          tpu.vector_store %parallel_loop3A_1167[%parallel_loop3A_1168, %parallel_loop3A_1169, %parallel_loop3A_1170], %parallel_loop3A_1044 {strides = array<i32>} : memref<1x64x512xf32, #tpu.memory_space<vmem>>, vector<16xf32>,
          %parallel_loop3A_1172 = arith.constant 16 : i32
          %parallel_loop3A_1173 = arith.muli %parallel_loop3A_410, %parallel_loop3A_1172 : i32
          %parallel_loop3A_1174 = arith.constant 0 : i32
          %parallel_loop3A_1175 = arith.constant 23 : i32
          %parallel_loop3A_1176 = arith.constant 0 : i32
          %parallel_loop3A_1177 = arith.constant 0 : i32
          %parallel_loop3A_1178 = arith.constant 0 : i32
          %parallel_loop3A_1179 = tpu.memref_slice %run_scoped3A_15[%rem3A_322, %parallel_loop3A_1176, %parallel_loop3A_1177, %parallel_loop3A_1178] : memref<2x1x64x512xf32, #tpu.memory_space<vmem>> -> memref<1x1x64x512xf32, #tpu.memory_space<vmem>>
          %parallel_loop3A_1180 = tpu.memref_squeeze %parallel_loop3A_1179 : memref<1x1x64x512xf32, #tpu.memory_space<vmem>> -> memref<1x64x512xf32, #tpu.memory_space<vmem>>
          %parallel_loop3A_1181 = arith.index_cast %parallel_loop3A_1174 : i32 to index
          %parallel_loop3A_1182 = arith.index_cast %parallel_loop3A_1175 : i32 to index
          %parallel_loop3A_1183 = arith.index_cast %parallel_loop3A_1173 : i32 to index
          %parallel_loop3A_1184 = tpu.vector_load %parallel_loop3A_1180[%parallel_loop3A_1181, %parallel_loop3A_1182, %parallel_loop3A_1183] {strides = array<i32>} : memref<1x64x512xf32, #tpu.memory_space<vmem>>, vector<16xf32>,
          tpu.vector_store %parallel_loop3A_1180[%parallel_loop3A_1181, %parallel_loop3A_1182, %parallel_loop3A_1183], %parallel_loop3A_1048 {strides = array<i32>} : memref<1x64x512xf32, #tpu.memory_space<vmem>>, vector<16xf32>,
          %parallel_loop3A_1185 = arith.constant 1 : i32
          %parallel_loop3A_1186 = arith.addi %parallel_loop3A_410, %parallel_loop3A_1185 : i32
          %parallel_loop3A_1187 = arith.constant 16 : i32
          %parallel_loop3A_1188 = arith.muli %parallel_loop3A_1186, %parallel_loop3A_1187 : i32
          %parallel_loop3A_1189 = arith.constant 0 : i32
          %parallel_loop3A_1190 = arith.constant 16 : i32
          %parallel_loop3A_1191 = arith.constant 0 : i32
          %parallel_loop3A_1192 = arith.constant 0 : i32
          %parallel_loop3A_1193 = arith.constant 0 : i32
          %parallel_loop3A_1194 = tpu.memref_slice %run_scoped3A_15[%rem3A_322, %parallel_loop3A_1191, %parallel_loop3A_1192, %parallel_loop3A_1193] : memref<2x1x64x512xf32, #tpu.memory_space<vmem>> -> memref<1x1x64x512xf32, #tpu.memory_space<vmem>>
          %parallel_loop3A_1195 = tpu.memref_squeeze %parallel_loop3A_1194 : memref<1x1x64x512xf32, #tpu.memory_space<vmem>> -> memref<1x64x512xf32, #tpu.memory_space<vmem>>
          %parallel_loop3A_1196 = arith.index_cast %parallel_loop3A_1189 : i32 to index
          %parallel_loop3A_1197 = arith.index_cast %parallel_loop3A_1190 : i32 to index
          %parallel_loop3A_1198 = arith.index_cast %parallel_loop3A_1188 : i32 to index
          %parallel_loop3A_1199 = tpu.vector_load %parallel_loop3A_1195[%parallel_loop3A_1196, %parallel_loop3A_1197, %parallel_loop3A_1198] {strides = array<i32>} : memref<1x64x512xf32, #tpu.memory_space<vmem>>, vector<16xf32>,
          tpu.vector_store %parallel_loop3A_1195[%parallel_loop3A_1196, %parallel_loop3A_1197, %parallel_loop3A_1198], %parallel_loop3A_1052 {strides = array<i32>} : memref<1x64x512xf32, #tpu.memory_space<vmem>>, vector<16xf32>,
          %parallel_loop3A_1200 = arith.constant 1 : i32
          %parallel_loop3A_1201 = arith.addi %parallel_loop3A_410, %parallel_loop3A_1200 : i32
          %parallel_loop3A_1202 = arith.constant 16 : i32
          %parallel_loop3A_1203 = arith.muli %parallel_loop3A_1201, %parallel_loop3A_1202 : i32
          %parallel_loop3A_1204 = arith.constant 0 : i32
          %parallel_loop3A_1205 = arith.constant 17 : i32
          %parallel_loop3A_1206 = arith.constant 0 : i32
          %parallel_loop3A_1207 = arith.constant 0 : i32
          %parallel_loop3A_1208 = arith.constant 0 : i32
          %parallel_loop3A_1209 = tpu.memref_slice %run_scoped3A_15[%rem3A_322, %parallel_loop3A_1206, %parallel_loop3A_1207, %parallel_loop3A_1208] : memref<2x1x64x512xf32, #tpu.memory_space<vmem>> -> memref<1x1x64x512xf32, #tpu.memory_space<vmem>>
          %parallel_loop3A_1210 = tpu.memref_squeeze %parallel_loop3A_1209 : memref<1x1x64x512xf32, #tpu.memory_space<vmem>> -> memref<1x64x512xf32, #tpu.memory_space<vmem>>
          %parallel_loop3A_1211 = arith.index_cast %parallel_loop3A_1204 : i32 to index
          %parallel_loop3A_1212 = arith.index_cast %parallel_loop3A_1205 : i32 to index
          %parallel_loop3A_1213 = arith.index_cast %parallel_loop3A_1203 : i32 to index
          %parallel_loop3A_1214 = tpu.vector_load %parallel_loop3A_1210[%parallel_loop3A_1211, %parallel_loop3A_1212, %parallel_loop3A_1213] {strides = array<i32>} : memref<1x64x512xf32, #tpu.memory_space<vmem>>, vector<16xf32>,
          tpu.vector_store %parallel_loop3A_1210[%parallel_loop3A_1211, %parallel_loop3A_1212, %parallel_loop3A_1213], %parallel_loop3A_1056 {strides = array<i32>} : memref<1x64x512xf32, #tpu.memory_space<vmem>>, vector<16xf32>,
          %parallel_loop3A_1215 = arith.constant 1 : i32
          %parallel_loop3A_1216 = arith.addi %parallel_loop3A_410, %parallel_loop3A_1215 : i32
          %parallel_loop3A_1217 = arith.constant 16 : i32
          %parallel_loop3A_1218 = arith.muli %parallel_loop3A_1216, %parallel_loop3A_1217 : i32
          %parallel_loop3A_1219 = arith.constant 0 : i32
          %parallel_loop3A_1220 = arith.constant 18 : i32
          %parallel_loop3A_1221 = arith.constant 0 : i32
          %parallel_loop3A_1222 = arith.constant 0 : i32
          %parallel_loop3A_1223 = arith.constant 0 : i32
          %parallel_loop3A_1224 = tpu.memref_slice %run_scoped3A_15[%rem3A_322, %parallel_loop3A_1221, %parallel_loop3A_1222, %parallel_loop3A_1223] : memref<2x1x64x512xf32, #tpu.memory_space<vmem>> -> memref<1x1x64x512xf32, #tpu.memory_space<vmem>>
          %parallel_loop3A_1225 = tpu.memref_squeeze %parallel_loop3A_1224 : memref<1x1x64x512xf32, #tpu.memory_space<vmem>> -> memref<1x64x512xf32, #tpu.memory_space<vmem>>
          %parallel_loop3A_1226 = arith.index_cast %parallel_loop3A_1219 : i32 to index
          %parallel_loop3A_1227 = arith.index_cast %parallel_loop3A_1220 : i32 to index
          %parallel_loop3A_1228 = arith.index_cast %parallel_loop3A_1218 : i32 to index
          %parallel_loop3A_1229 = tpu.vector_load %parallel_loop3A_1225[%parallel_loop3A_1226, %parallel_loop3A_1227, %parallel_loop3A_1228] {strides = array<i32>} : memref<1x64x512xf32, #tpu.memory_space<vmem>>, vector<16xf32>,
          tpu.vector_store %parallel_loop3A_1225[%parallel_loop3A_1226, %parallel_loop3A_1227, %parallel_loop3A_1228], %parallel_loop3A_1060 {strides = array<i32>} : memref<1x64x512xf32, #tpu.memory_space<vmem>>, vector<16xf32>,
          %parallel_loop3A_1230 = arith.constant 1 : i32
          %parallel_loop3A_1231 = arith.addi %parallel_loop3A_410, %parallel_loop3A_1230 : i32
          %parallel_loop3A_1232 = arith.constant 16 : i32
          %parallel_loop3A_1233 = arith.muli %parallel_loop3A_1231, %parallel_loop3A_1232 : i32
          %parallel_loop3A_1234 = arith.constant 0 : i32
          %parallel_loop3A_1235 = arith.constant 19 : i32
          %parallel_loop3A_1236 = arith.constant 0 : i32
          %parallel_loop3A_1237 = arith.constant 0 : i32
          %parallel_loop3A_1238 = arith.constant 0 : i32
          %parallel_loop3A_1239 = tpu.memref_slice %run_scoped3A_15[%rem3A_322, %parallel_loop3A_1236, %parallel_loop3A_1237, %parallel_loop3A_1238] : memref<2x1x64x512xf32, #tpu.memory_space<vmem>> -> memref<1x1x64x512xf32, #tpu.memory_space<vmem>>
          %parallel_loop3A_1240 = tpu.memref_squeeze %parallel_loop3A_1239 : memref<1x1x64x512xf32, #tpu.memory_space<vmem>> -> memref<1x64x512xf32, #tpu.memory_space<vmem>>
          %parallel_loop3A_1241 = arith.index_cast %parallel_loop3A_1234 : i32 to index
          %parallel_loop3A_1242 = arith.index_cast %parallel_loop3A_1235 : i32 to index
          %parallel_loop3A_1243 = arith.index_cast %parallel_loop3A_1233 : i32 to index
          %parallel_loop3A_1244 = tpu.vector_load %parallel_loop3A_1240[%parallel_loop3A_1241, %parallel_loop3A_1242, %parallel_loop3A_1243] {strides = array<i32>} : memref<1x64x512xf32, #tpu.memory_space<vmem>>, vector<16xf32>,
          tpu.vector_store %parallel_loop3A_1240[%parallel_loop3A_1241, %parallel_loop3A_1242, %parallel_loop3A_1243], %parallel_loop3A_1064 {strides = array<i32>} : memref<1x64x512xf32, #tpu.memory_space<vmem>>, vector<16xf32>,
          %parallel_loop3A_1245 = arith.constant 1 : i32
          %parallel_loop3A_1246 = arith.addi %parallel_loop3A_410, %parallel_loop3A_1245 : i32
          %parallel_loop3A_1247 = arith.constant 16 : i32
          %parallel_loop3A_1248 = arith.muli %parallel_loop3A_1246, %parallel_loop3A_1247 : i32
          %parallel_loop3A_1249 = arith.constant 0 : i32
          %parallel_loop3A_1250 = arith.constant 20 : i32
          %parallel_loop3A_1251 = arith.constant 0 : i32
          %parallel_loop3A_1252 = arith.constant 0 : i32
          %parallel_loop3A_1253 = arith.constant 0 : i32
          %parallel_loop3A_1254 = tpu.memref_slice %run_scoped3A_15[%rem3A_322, %parallel_loop3A_1251, %parallel_loop3A_1252, %parallel_loop3A_1253] : memref<2x1x64x512xf32, #tpu.memory_space<vmem>> -> memref<1x1x64x512xf32, #tpu.memory_space<vmem>>
          %parallel_loop3A_1255 = tpu.memref_squeeze %parallel_loop3A_1254 : memref<1x1x64x512xf32, #tpu.memory_space<vmem>> -> memref<1x64x512xf32, #tpu.memory_space<vmem>>
          %parallel_loop3A_1256 = arith.index_cast %parallel_loop3A_1249 : i32 to index
          %parallel_loop3A_1257 = arith.index_cast %parallel_loop3A_1250 : i32 to index
          %parallel_loop3A_1258 = arith.index_cast %parallel_loop3A_1248 : i32 to index
          %parallel_loop3A_1259 = tpu.vector_load %parallel_loop3A_1255[%parallel_loop3A_1256, %parallel_loop3A_1257, %parallel_loop3A_1258] {strides = array<i32>} : memref<1x64x512xf32, #tpu.memory_space<vmem>>, vector<16xf32>,
          tpu.vector_store %parallel_loop3A_1255[%parallel_loop3A_1256, %parallel_loop3A_1257, %parallel_loop3A_1258], %parallel_loop3A_1068 {strides = array<i32>} : memref<1x64x512xf32, #tpu.memory_space<vmem>>, vector<16xf32>,
          %parallel_loop3A_1260 = arith.constant 1 : i32
          %parallel_loop3A_1261 = arith.addi %parallel_loop3A_410, %parallel_loop3A_1260 : i32
          %parallel_loop3A_1262 = arith.constant 16 : i32
          %parallel_loop3A_1263 = arith.muli %parallel_loop3A_1261, %parallel_loop3A_1262 : i32
          %parallel_loop3A_1264 = arith.constant 0 : i32
          %parallel_loop3A_1265 = arith.constant 21 : i32
          %parallel_loop3A_1266 = arith.constant 0 : i32
          %parallel_loop3A_1267 = arith.constant 0 : i32
          %parallel_loop3A_1268 = arith.constant 0 : i32
          %parallel_loop3A_1269 = tpu.memref_slice %run_scoped3A_15[%rem3A_322, %parallel_loop3A_1266, %parallel_loop3A_1267, %parallel_loop3A_1268] : memref<2x1x64x512xf32, #tpu.memory_space<vmem>> -> memref<1x1x64x512xf32, #tpu.memory_space<vmem>>
          %parallel_loop3A_1270 = tpu.memref_squeeze %parallel_loop3A_1269 : memref<1x1x64x512xf32, #tpu.memory_space<vmem>> -> memref<1x64x512xf32, #tpu.memory_space<vmem>>
          %parallel_loop3A_1271 = arith.index_cast %parallel_loop3A_1264 : i32 to index
          %parallel_loop3A_1272 = arith.index_cast %parallel_loop3A_1265 : i32 to index
          %parallel_loop3A_1273 = arith.index_cast %parallel_loop3A_1263 : i32 to index
          %parallel_loop3A_1274 = tpu.vector_load %parallel_loop3A_1270[%parallel_loop3A_1271, %parallel_loop3A_1272, %parallel_loop3A_1273] {strides = array<i32>} : memref<1x64x512xf32, #tpu.memory_space<vmem>>, vector<16xf32>,
          tpu.vector_store %parallel_loop3A_1270[%parallel_loop3A_1271, %parallel_loop3A_1272, %parallel_loop3A_1273], %parallel_loop3A_1072 {strides = array<i32>} : memref<1x64x512xf32, #tpu.memory_space<vmem>>, vector<16xf32>,
          %parallel_loop3A_1275 = arith.constant 1 : i32
          %parallel_loop3A_1276 = arith.addi %parallel_loop3A_410, %parallel_loop3A_1275 : i32
          %parallel_loop3A_1277 = arith.constant 16 : i32
          %parallel_loop3A_1278 = arith.muli %parallel_loop3A_1276, %parallel_loop3A_1277 : i32
          %parallel_loop3A_1279 = arith.constant 0 : i32
          %parallel_loop3A_1280 = arith.constant 22 : i32
          %parallel_loop3A_1281 = arith.constant 0 : i32
          %parallel_loop3A_1282 = arith.constant 0 : i32
          %parallel_loop3A_1283 = arith.constant 0 : i32
          %parallel_loop3A_1284 = tpu.memref_slice %run_scoped3A_15[%rem3A_322, %parallel_loop3A_1281, %parallel_loop3A_1282, %parallel_loop3A_1283] : memref<2x1x64x512xf32, #tpu.memory_space<vmem>> -> memref<1x1x64x512xf32, #tpu.memory_space<vmem>>
          %parallel_loop3A_1285 = tpu.memref_squeeze %parallel_loop3A_1284 : memref<1x1x64x512xf32, #tpu.memory_space<vmem>> -> memref<1x64x512xf32, #tpu.memory_space<vmem>>
          %parallel_loop3A_1286 = arith.index_cast %parallel_loop3A_1279 : i32 to index
          %parallel_loop3A_1287 = arith.index_cast %parallel_loop3A_1280 : i32 to index
          %parallel_loop3A_1288 = arith.index_cast %parallel_loop3A_1278 : i32 to index
          %parallel_loop3A_1289 = tpu.vector_load %parallel_loop3A_1285[%parallel_loop3A_1286, %parallel_loop3A_1287, %parallel_loop3A_1288] {strides = array<i32>} : memref<1x64x512xf32, #tpu.memory_space<vmem>>, vector<16xf32>,
          tpu.vector_store %parallel_loop3A_1285[%parallel_loop3A_1286, %parallel_loop3A_1287, %parallel_loop3A_1288], %parallel_loop3A_1076 {strides = array<i32>} : memref<1x64x512xf32, #tpu.memory_space<vmem>>, vector<16xf32>,
          %parallel_loop3A_1290 = arith.constant 1 : i32
          %parallel_loop3A_1291 = arith.addi %parallel_loop3A_410, %parallel_loop3A_1290 : i32
          %parallel_loop3A_1292 = arith.constant 16 : i32
          %parallel_loop3A_1293 = arith.muli %parallel_loop3A_1291, %parallel_loop3A_1292 : i32
          %parallel_loop3A_1294 = arith.constant 0 : i32
          %parallel_loop3A_1295 = arith.constant 23 : i32
          %parallel_loop3A_1296 = arith.constant 0 : i32
          %parallel_loop3A_1297 = arith.constant 0 : i32
          %parallel_loop3A_1298 = arith.constant 0 : i32
          %parallel_loop3A_1299 = tpu.memref_slice %run_scoped3A_15[%rem3A_322, %parallel_loop3A_1296, %parallel_loop3A_1297, %parallel_loop3A_1298] : memref<2x1x64x512xf32, #tpu.memory_space<vmem>> -> memref<1x1x64x512xf32, #tpu.memory_space<vmem>>
          %parallel_loop3A_1300 = tpu.memref_squeeze %parallel_loop3A_1299 : memref<1x1x64x512xf32, #tpu.memory_space<vmem>> -> memref<1x64x512xf32, #tpu.memory_space<vmem>>
          %parallel_loop3A_1301 = arith.index_cast %parallel_loop3A_1294 : i32 to index
          %parallel_loop3A_1302 = arith.index_cast %parallel_loop3A_1295 : i32 to index
          %parallel_loop3A_1303 = arith.index_cast %parallel_loop3A_1293 : i32 to index
          %parallel_loop3A_1304 = tpu.vector_load %parallel_loop3A_1300[%parallel_loop3A_1301, %parallel_loop3A_1302, %parallel_loop3A_1303] {strides = array<i32>} : memref<1x64x512xf32, #tpu.memory_space<vmem>>, vector<16xf32>,
          tpu.vector_store %parallel_loop3A_1300[%parallel_loop3A_1301, %parallel_loop3A_1302, %parallel_loop3A_1303], %parallel_loop3A_1080 {strides = array<i32>} : memref<1x64x512xf32, #tpu.memory_space<vmem>>, vector<16xf32>,
          %parallel_loop3A_1305 = arith.constant 24 : i32
          %parallel_loop3A_1306 = vector.broadcast %parallel_loop3A_1305 : i32 to vector<16xi32>
          %parallel_loop3A_1307 = arith.addi %parallel_loop3A_436, %parallel_loop3A_1306 : vector<16xi32>
          %parallel_loop3A_1308 = tpu.vector_load_idx %arg6[%parallel_loop3A_1307] : memref<49168xf32, #tpu.memory_space<vmem>>[vector<16xi32>], vector<16xf32>,
          %parallel_loop3A_1309 = arith.constant 25 : i32
          %parallel_loop3A_1310 = vector.broadcast %parallel_loop3A_1309 : i32 to vector<16xi32>
          %parallel_loop3A_1311 = arith.addi %parallel_loop3A_436, %parallel_loop3A_1310 : vector<16xi32>
          %parallel_loop3A_1312 = tpu.vector_load_idx %arg6[%parallel_loop3A_1311] : memref<49168xf32, #tpu.memory_space<vmem>>[vector<16xi32>], vector<16xf32>,
          %parallel_loop3A_1313 = arith.constant 26 : i32
          %parallel_loop3A_1314 = vector.broadcast %parallel_loop3A_1313 : i32 to vector<16xi32>
          %parallel_loop3A_1315 = arith.addi %parallel_loop3A_436, %parallel_loop3A_1314 : vector<16xi32>
          %parallel_loop3A_1316 = tpu.vector_load_idx %arg6[%parallel_loop3A_1315] : memref<49168xf32, #tpu.memory_space<vmem>>[vector<16xi32>], vector<16xf32>,
          %parallel_loop3A_1317 = arith.constant 27 : i32
          %parallel_loop3A_1318 = vector.broadcast %parallel_loop3A_1317 : i32 to vector<16xi32>
          %parallel_loop3A_1319 = arith.addi %parallel_loop3A_436, %parallel_loop3A_1318 : vector<16xi32>
          %parallel_loop3A_1320 = tpu.vector_load_idx %arg6[%parallel_loop3A_1319] : memref<49168xf32, #tpu.memory_space<vmem>>[vector<16xi32>], vector<16xf32>,
          %parallel_loop3A_1321 = arith.constant 28 : i32
          %parallel_loop3A_1322 = vector.broadcast %parallel_loop3A_1321 : i32 to vector<16xi32>
          %parallel_loop3A_1323 = arith.addi %parallel_loop3A_436, %parallel_loop3A_1322 : vector<16xi32>
          %parallel_loop3A_1324 = tpu.vector_load_idx %arg6[%parallel_loop3A_1323] : memref<49168xf32, #tpu.memory_space<vmem>>[vector<16xi32>], vector<16xf32>,
          %parallel_loop3A_1325 = arith.constant 29 : i32
          %parallel_loop3A_1326 = vector.broadcast %parallel_loop3A_1325 : i32 to vector<16xi32>
          %parallel_loop3A_1327 = arith.addi %parallel_loop3A_436, %parallel_loop3A_1326 : vector<16xi32>
          %parallel_loop3A_1328 = tpu.vector_load_idx %arg6[%parallel_loop3A_1327] : memref<49168xf32, #tpu.memory_space<vmem>>[vector<16xi32>], vector<16xf32>,
          %parallel_loop3A_1329 = arith.constant 30 : i32
          %parallel_loop3A_1330 = vector.broadcast %parallel_loop3A_1329 : i32 to vector<16xi32>
          %parallel_loop3A_1331 = arith.addi %parallel_loop3A_436, %parallel_loop3A_1330 : vector<16xi32>
          %parallel_loop3A_1332 = tpu.vector_load_idx %arg6[%parallel_loop3A_1331] : memref<49168xf32, #tpu.memory_space<vmem>>[vector<16xi32>], vector<16xf32>,
          %parallel_loop3A_1333 = arith.constant 31 : i32
          %parallel_loop3A_1334 = vector.broadcast %parallel_loop3A_1333 : i32 to vector<16xi32>
          %parallel_loop3A_1335 = arith.addi %parallel_loop3A_436, %parallel_loop3A_1334 : vector<16xi32>
          %parallel_loop3A_1336 = tpu.vector_load_idx %arg6[%parallel_loop3A_1335] : memref<49168xf32, #tpu.memory_space<vmem>>[vector<16xi32>], vector<16xf32>,
          %parallel_loop3A_1337 = arith.constant 24 : i32
          %parallel_loop3A_1338 = vector.broadcast %parallel_loop3A_1337 : i32 to vector<16xi32>
          %parallel_loop3A_1339 = arith.addi %parallel_loop3A_440, %parallel_loop3A_1338 : vector<16xi32>
          %parallel_loop3A_1340 = tpu.vector_load_idx %arg6[%parallel_loop3A_1339] : memref<49168xf32, #tpu.memory_space<vmem>>[vector<16xi32>], vector<16xf32>,
          %parallel_loop3A_1341 = arith.constant 25 : i32
          %parallel_loop3A_1342 = vector.broadcast %parallel_loop3A_1341 : i32 to vector<16xi32>
          %parallel_loop3A_1343 = arith.addi %parallel_loop3A_440, %parallel_loop3A_1342 : vector<16xi32>
          %parallel_loop3A_1344 = tpu.vector_load_idx %arg6[%parallel_loop3A_1343] : memref<49168xf32, #tpu.memory_space<vmem>>[vector<16xi32>], vector<16xf32>,
          %parallel_loop3A_1345 = arith.constant 26 : i32
          %parallel_loop3A_1346 = vector.broadcast %parallel_loop3A_1345 : i32 to vector<16xi32>
          %parallel_loop3A_1347 = arith.addi %parallel_loop3A_440, %parallel_loop3A_1346 : vector<16xi32>
          %parallel_loop3A_1348 = tpu.vector_load_idx %arg6[%parallel_loop3A_1347] : memref<49168xf32, #tpu.memory_space<vmem>>[vector<16xi32>], vector<16xf32>,
          %parallel_loop3A_1349 = arith.constant 27 : i32
          %parallel_loop3A_1350 = vector.broadcast %parallel_loop3A_1349 : i32 to vector<16xi32>
          %parallel_loop3A_1351 = arith.addi %parallel_loop3A_440, %parallel_loop3A_1350 : vector<16xi32>
          %parallel_loop3A_1352 = tpu.vector_load_idx %arg6[%parallel_loop3A_1351] : memref<49168xf32, #tpu.memory_space<vmem>>[vector<16xi32>], vector<16xf32>,
          %parallel_loop3A_1353 = arith.constant 28 : i32
          %parallel_loop3A_1354 = vector.broadcast %parallel_loop3A_1353 : i32 to vector<16xi32>
          %parallel_loop3A_1355 = arith.addi %parallel_loop3A_440, %parallel_loop3A_1354 : vector<16xi32>
          %parallel_loop3A_1356 = tpu.vector_load_idx %arg6[%parallel_loop3A_1355] : memref<49168xf32, #tpu.memory_space<vmem>>[vector<16xi32>], vector<16xf32>,
          %parallel_loop3A_1357 = arith.constant 29 : i32
          %parallel_loop3A_1358 = vector.broadcast %parallel_loop3A_1357 : i32 to vector<16xi32>
          %parallel_loop3A_1359 = arith.addi %parallel_loop3A_440, %parallel_loop3A_1358 : vector<16xi32>
          %parallel_loop3A_1360 = tpu.vector_load_idx %arg6[%parallel_loop3A_1359] : memref<49168xf32, #tpu.memory_space<vmem>>[vector<16xi32>], vector<16xf32>,
          %parallel_loop3A_1361 = arith.constant 30 : i32
          %parallel_loop3A_1362 = vector.broadcast %parallel_loop3A_1361 : i32 to vector<16xi32>
          %parallel_loop3A_1363 = arith.addi %parallel_loop3A_440, %parallel_loop3A_1362 : vector<16xi32>
          %parallel_loop3A_1364 = tpu.vector_load_idx %arg6[%parallel_loop3A_1363] : memref<49168xf32, #tpu.memory_space<vmem>>[vector<16xi32>], vector<16xf32>,
          %parallel_loop3A_1365 = arith.constant 31 : i32
          %parallel_loop3A_1366 = vector.broadcast %parallel_loop3A_1365 : i32 to vector<16xi32>
          %parallel_loop3A_1367 = arith.addi %parallel_loop3A_440, %parallel_loop3A_1366 : vector<16xi32>
          %parallel_loop3A_1368 = tpu.vector_load_idx %arg6[%parallel_loop3A_1367] : memref<49168xf32, #tpu.memory_space<vmem>>[vector<16xi32>], vector<16xf32>,
          %parallel_loop3A_1369 = arith.constant 16 : i32
          %parallel_loop3A_1370 = arith.muli %parallel_loop3A_410, %parallel_loop3A_1369 : i32
          %parallel_loop3A_1371 = arith.constant 0 : i32
          %parallel_loop3A_1372 = arith.constant 24 : i32
          %parallel_loop3A_1373 = arith.constant 0 : i32
          %parallel_loop3A_1374 = arith.constant 0 : i32
          %parallel_loop3A_1375 = arith.constant 0 : i32
          %parallel_loop3A_1376 = tpu.memref_slice %run_scoped3A_15[%rem3A_322, %parallel_loop3A_1373, %parallel_loop3A_1374, %parallel_loop3A_1375] : memref<2x1x64x512xf32, #tpu.memory_space<vmem>> -> memref<1x1x64x512xf32, #tpu.memory_space<vmem>>
          %parallel_loop3A_1377 = tpu.memref_squeeze %parallel_loop3A_1376 : memref<1x1x64x512xf32, #tpu.memory_space<vmem>> -> memref<1x64x512xf32, #tpu.memory_space<vmem>>
          %parallel_loop3A_1378 = arith.index_cast %parallel_loop3A_1371 : i32 to index
          %parallel_loop3A_1379 = arith.index_cast %parallel_loop3A_1372 : i32 to index
          %parallel_loop3A_1380 = arith.index_cast %parallel_loop3A_1370 : i32 to index
          %parallel_loop3A_1381 = tpu.vector_load %parallel_loop3A_1377[%parallel_loop3A_1378, %parallel_loop3A_1379, %parallel_loop3A_1380] {strides = array<i32>} : memref<1x64x512xf32, #tpu.memory_space<vmem>>, vector<16xf32>,
          tpu.vector_store %parallel_loop3A_1377[%parallel_loop3A_1378, %parallel_loop3A_1379, %parallel_loop3A_1380], %parallel_loop3A_1308 {strides = array<i32>} : memref<1x64x512xf32, #tpu.memory_space<vmem>>, vector<16xf32>,
          %parallel_loop3A_1382 = arith.constant 16 : i32
          %parallel_loop3A_1383 = arith.muli %parallel_loop3A_410, %parallel_loop3A_1382 : i32
          %parallel_loop3A_1384 = arith.constant 0 : i32
          %parallel_loop3A_1385 = arith.constant 25 : i32
          %parallel_loop3A_1386 = arith.constant 0 : i32
          %parallel_loop3A_1387 = arith.constant 0 : i32
          %parallel_loop3A_1388 = arith.constant 0 : i32
          %parallel_loop3A_1389 = tpu.memref_slice %run_scoped3A_15[%rem3A_322, %parallel_loop3A_1386, %parallel_loop3A_1387, %parallel_loop3A_1388] : memref<2x1x64x512xf32, #tpu.memory_space<vmem>> -> memref<1x1x64x512xf32, #tpu.memory_space<vmem>>
          %parallel_loop3A_1390 = tpu.memref_squeeze %parallel_loop3A_1389 : memref<1x1x64x512xf32, #tpu.memory_space<vmem>> -> memref<1x64x512xf32, #tpu.memory_space<vmem>>
          %parallel_loop3A_1391 = arith.index_cast %parallel_loop3A_1384 : i32 to index
          %parallel_loop3A_1392 = arith.index_cast %parallel_loop3A_1385 : i32 to index
          %parallel_loop3A_1393 = arith.index_cast %parallel_loop3A_1383 : i32 to index
          %parallel_loop3A_1394 = tpu.vector_load %parallel_loop3A_1390[%parallel_loop3A_1391, %parallel_loop3A_1392, %parallel_loop3A_1393] {strides = array<i32>} : memref<1x64x512xf32, #tpu.memory_space<vmem>>, vector<16xf32>,
          tpu.vector_store %parallel_loop3A_1390[%parallel_loop3A_1391, %parallel_loop3A_1392, %parallel_loop3A_1393], %parallel_loop3A_1312 {strides = array<i32>} : memref<1x64x512xf32, #tpu.memory_space<vmem>>, vector<16xf32>,
          %parallel_loop3A_1395 = arith.constant 16 : i32
          %parallel_loop3A_1396 = arith.muli %parallel_loop3A_410, %parallel_loop3A_1395 : i32
          %parallel_loop3A_1397 = arith.constant 0 : i32
          %parallel_loop3A_1398 = arith.constant 26 : i32
          %parallel_loop3A_1399 = arith.constant 0 : i32
          %parallel_loop3A_1400 = arith.constant 0 : i32
          %parallel_loop3A_1401 = arith.constant 0 : i32
          %parallel_loop3A_1402 = tpu.memref_slice %run_scoped3A_15[%rem3A_322, %parallel_loop3A_1399, %parallel_loop3A_1400, %parallel_loop3A_1401] : memref<2x1x64x512xf32, #tpu.memory_space<vmem>> -> memref<1x1x64x512xf32, #tpu.memory_space<vmem>>
          %parallel_loop3A_1403 = tpu.memref_squeeze %parallel_loop3A_1402 : memref<1x1x64x512xf32, #tpu.memory_space<vmem>> -> memref<1x64x512xf32, #tpu.memory_space<vmem>>
          %parallel_loop3A_1404 = arith.index_cast %parallel_loop3A_1397 : i32 to index
          %parallel_loop3A_1405 = arith.index_cast %parallel_loop3A_1398 : i32 to index
          %parallel_loop3A_1406 = arith.index_cast %parallel_loop3A_1396 : i32 to index
          %parallel_loop3A_1407 = tpu.vector_load %parallel_loop3A_1403[%parallel_loop3A_1404, %parallel_loop3A_1405, %parallel_loop3A_1406] {strides = array<i32>} : memref<1x64x512xf32, #tpu.memory_space<vmem>>, vector<16xf32>,
          tpu.vector_store %parallel_loop3A_1403[%parallel_loop3A_1404, %parallel_loop3A_1405, %parallel_loop3A_1406], %parallel_loop3A_1316 {strides = array<i32>} : memref<1x64x512xf32, #tpu.memory_space<vmem>>, vector<16xf32>,
          %parallel_loop3A_1408 = arith.constant 16 : i32
          %parallel_loop3A_1409 = arith.muli %parallel_loop3A_410, %parallel_loop3A_1408 : i32
          %parallel_loop3A_1410 = arith.constant 0 : i32
          %parallel_loop3A_1411 = arith.constant 27 : i32
          %parallel_loop3A_1412 = arith.constant 0 : i32
          %parallel_loop3A_1413 = arith.constant 0 : i32
          %parallel_loop3A_1414 = arith.constant 0 : i32
          %parallel_loop3A_1415 = tpu.memref_slice %run_scoped3A_15[%rem3A_322, %parallel_loop3A_1412, %parallel_loop3A_1413, %parallel_loop3A_1414] : memref<2x1x64x512xf32, #tpu.memory_space<vmem>> -> memref<1x1x64x512xf32, #tpu.memory_space<vmem>>
          %parallel_loop3A_1416 = tpu.memref_squeeze %parallel_loop3A_1415 : memref<1x1x64x512xf32, #tpu.memory_space<vmem>> -> memref<1x64x512xf32, #tpu.memory_space<vmem>>
          %parallel_loop3A_1417 = arith.index_cast %parallel_loop3A_1410 : i32 to index
          %parallel_loop3A_1418 = arith.index_cast %parallel_loop3A_1411 : i32 to index
          %parallel_loop3A_1419 = arith.index_cast %parallel_loop3A_1409 : i32 to index
          %parallel_loop3A_1420 = tpu.vector_load %parallel_loop3A_1416[%parallel_loop3A_1417, %parallel_loop3A_1418, %parallel_loop3A_1419] {strides = array<i32>} : memref<1x64x512xf32, #tpu.memory_space<vmem>>, vector<16xf32>,
          tpu.vector_store %parallel_loop3A_1416[%parallel_loop3A_1417, %parallel_loop3A_1418, %parallel_loop3A_1419], %parallel_loop3A_1320 {strides = array<i32>} : memref<1x64x512xf32, #tpu.memory_space<vmem>>, vector<16xf32>,
          %parallel_loop3A_1421 = arith.constant 16 : i32
          %parallel_loop3A_1422 = arith.muli %parallel_loop3A_410, %parallel_loop3A_1421 : i32
          %parallel_loop3A_1423 = arith.constant 0 : i32
          %parallel_loop3A_1424 = arith.constant 28 : i32
          %parallel_loop3A_1425 = arith.constant 0 : i32
          %parallel_loop3A_1426 = arith.constant 0 : i32
          %parallel_loop3A_1427 = arith.constant 0 : i32
          %parallel_loop3A_1428 = tpu.memref_slice %run_scoped3A_15[%rem3A_322, %parallel_loop3A_1425, %parallel_loop3A_1426, %parallel_loop3A_1427] : memref<2x1x64x512xf32, #tpu.memory_space<vmem>> -> memref<1x1x64x512xf32, #tpu.memory_space<vmem>>
          %parallel_loop3A_1429 = tpu.memref_squeeze %parallel_loop3A_1428 : memref<1x1x64x512xf32, #tpu.memory_space<vmem>> -> memref<1x64x512xf32, #tpu.memory_space<vmem>>
          %parallel_loop3A_1430 = arith.index_cast %parallel_loop3A_1423 : i32 to index
          %parallel_loop3A_1431 = arith.index_cast %parallel_loop3A_1424 : i32 to index
          %parallel_loop3A_1432 = arith.index_cast %parallel_loop3A_1422 : i32 to index
          %parallel_loop3A_1433 = tpu.vector_load %parallel_loop3A_1429[%parallel_loop3A_1430, %parallel_loop3A_1431, %parallel_loop3A_1432] {strides = array<i32>} : memref<1x64x512xf32, #tpu.memory_space<vmem>>, vector<16xf32>,
          tpu.vector_store %parallel_loop3A_1429[%parallel_loop3A_1430, %parallel_loop3A_1431, %parallel_loop3A_1432], %parallel_loop3A_1324 {strides = array<i32>} : memref<1x64x512xf32, #tpu.memory_space<vmem>>, vector<16xf32>,
          %parallel_loop3A_1434 = arith.constant 16 : i32
          %parallel_loop3A_1435 = arith.muli %parallel_loop3A_410, %parallel_loop3A_1434 : i32
          %parallel_loop3A_1436 = arith.constant 0 : i32
          %parallel_loop3A_1437 = arith.constant 29 : i32
          %parallel_loop3A_1438 = arith.constant 0 : i32
          %parallel_loop3A_1439 = arith.constant 0 : i32
          %parallel_loop3A_1440 = arith.constant 0 : i32
          %parallel_loop3A_1441 = tpu.memref_slice %run_scoped3A_15[%rem3A_322, %parallel_loop3A_1438, %parallel_loop3A_1439, %parallel_loop3A_1440] : memref<2x1x64x512xf32, #tpu.memory_space<vmem>> -> memref<1x1x64x512xf32, #tpu.memory_space<vmem>>
          %parallel_loop3A_1442 = tpu.memref_squeeze %parallel_loop3A_1441 : memref<1x1x64x512xf32, #tpu.memory_space<vmem>> -> memref<1x64x512xf32, #tpu.memory_space<vmem>>
          %parallel_loop3A_1443 = arith.index_cast %parallel_loop3A_1436 : i32 to index
          %parallel_loop3A_1444 = arith.index_cast %parallel_loop3A_1437 : i32 to index
          %parallel_loop3A_1445 = arith.index_cast %parallel_loop3A_1435 : i32 to index
          %parallel_loop3A_1446 = tpu.vector_load %parallel_loop3A_1442[%parallel_loop3A_1443, %parallel_loop3A_1444, %parallel_loop3A_1445] {strides = array<i32>} : memref<1x64x512xf32, #tpu.memory_space<vmem>>, vector<16xf32>,
          tpu.vector_store %parallel_loop3A_1442[%parallel_loop3A_1443, %parallel_loop3A_1444, %parallel_loop3A_1445], %parallel_loop3A_1328 {strides = array<i32>} : memref<1x64x512xf32, #tpu.memory_space<vmem>>, vector<16xf32>,
          %parallel_loop3A_1447 = arith.constant 16 : i32
          %parallel_loop3A_1448 = arith.muli %parallel_loop3A_410, %parallel_loop3A_1447 : i32
          %parallel_loop3A_1449 = arith.constant 0 : i32
          %parallel_loop3A_1450 = arith.constant 30 : i32
          %parallel_loop3A_1451 = arith.constant 0 : i32
          %parallel_loop3A_1452 = arith.constant 0 : i32
          %parallel_loop3A_1453 = arith.constant 0 : i32
          %parallel_loop3A_1454 = tpu.memref_slice %run_scoped3A_15[%rem3A_322, %parallel_loop3A_1451, %parallel_loop3A_1452, %parallel_loop3A_1453] : memref<2x1x64x512xf32, #tpu.memory_space<vmem>> -> memref<1x1x64x512xf32, #tpu.memory_space<vmem>>
          %parallel_loop3A_1455 = tpu.memref_squeeze %parallel_loop3A_1454 : memref<1x1x64x512xf32, #tpu.memory_space<vmem>> -> memref<1x64x512xf32, #tpu.memory_space<vmem>>
          %parallel_loop3A_1456 = arith.index_cast %parallel_loop3A_1449 : i32 to index
          %parallel_loop3A_1457 = arith.index_cast %parallel_loop3A_1450 : i32 to index
          %parallel_loop3A_1458 = arith.index_cast %parallel_loop3A_1448 : i32 to index
          %parallel_loop3A_1459 = tpu.vector_load %parallel_loop3A_1455[%parallel_loop3A_1456, %parallel_loop3A_1457, %parallel_loop3A_1458] {strides = array<i32>} : memref<1x64x512xf32, #tpu.memory_space<vmem>>, vector<16xf32>,
          tpu.vector_store %parallel_loop3A_1455[%parallel_loop3A_1456, %parallel_loop3A_1457, %parallel_loop3A_1458], %parallel_loop3A_1332 {strides = array<i32>} : memref<1x64x512xf32, #tpu.memory_space<vmem>>, vector<16xf32>,
          %parallel_loop3A_1460 = arith.constant 16 : i32
          %parallel_loop3A_1461 = arith.muli %parallel_loop3A_410, %parallel_loop3A_1460 : i32
          %parallel_loop3A_1462 = arith.constant 0 : i32
          %parallel_loop3A_1463 = arith.constant 31 : i32
          %parallel_loop3A_1464 = arith.constant 0 : i32
          %parallel_loop3A_1465 = arith.constant 0 : i32
          %parallel_loop3A_1466 = arith.constant 0 : i32
          %parallel_loop3A_1467 = tpu.memref_slice %run_scoped3A_15[%rem3A_322, %parallel_loop3A_1464, %parallel_loop3A_1465, %parallel_loop3A_1466] : memref<2x1x64x512xf32, #tpu.memory_space<vmem>> -> memref<1x1x64x512xf32, #tpu.memory_space<vmem>>
          %parallel_loop3A_1468 = tpu.memref_squeeze %parallel_loop3A_1467 : memref<1x1x64x512xf32, #tpu.memory_space<vmem>> -> memref<1x64x512xf32, #tpu.memory_space<vmem>>
          %parallel_loop3A_1469 = arith.index_cast %parallel_loop3A_1462 : i32 to index
          %parallel_loop3A_1470 = arith.index_cast %parallel_loop3A_1463 : i32 to index
          %parallel_loop3A_1471 = arith.index_cast %parallel_loop3A_1461 : i32 to index
          %parallel_loop3A_1472 = tpu.vector_load %parallel_loop3A_1468[%parallel_loop3A_1469, %parallel_loop3A_1470, %parallel_loop3A_1471] {strides = array<i32>} : memref<1x64x512xf32, #tpu.memory_space<vmem>>, vector<16xf32>,
          tpu.vector_store %parallel_loop3A_1468[%parallel_loop3A_1469, %parallel_loop3A_1470, %parallel_loop3A_1471], %parallel_loop3A_1336 {strides = array<i32>} : memref<1x64x512xf32, #tpu.memory_space<vmem>>, vector<16xf32>,
          %parallel_loop3A_1473 = arith.constant 1 : i32
          %parallel_loop3A_1474 = arith.addi %parallel_loop3A_410, %parallel_loop3A_1473 : i32
          %parallel_loop3A_1475 = arith.constant 16 : i32
          %parallel_loop3A_1476 = arith.muli %parallel_loop3A_1474, %parallel_loop3A_1475 : i32
          %parallel_loop3A_1477 = arith.constant 0 : i32
          %parallel_loop3A_1478 = arith.constant 24 : i32
          %parallel_loop3A_1479 = arith.constant 0 : i32
          %parallel_loop3A_1480 = arith.constant 0 : i32
          %parallel_loop3A_1481 = arith.constant 0 : i32
          %parallel_loop3A_1482 = tpu.memref_slice %run_scoped3A_15[%rem3A_322, %parallel_loop3A_1479, %parallel_loop3A_1480, %parallel_loop3A_1481] : memref<2x1x64x512xf32, #tpu.memory_space<vmem>> -> memref<1x1x64x512xf32, #tpu.memory_space<vmem>>
          %parallel_loop3A_1483 = tpu.memref_squeeze %parallel_loop3A_1482 : memref<1x1x64x512xf32, #tpu.memory_space<vmem>> -> memref<1x64x512xf32, #tpu.memory_space<vmem>>
          %parallel_loop3A_1484 = arith.index_cast %parallel_loop3A_1477 : i32 to index
          %parallel_loop3A_1485 = arith.index_cast %parallel_loop3A_1478 : i32 to index
          %parallel_loop3A_1486 = arith.index_cast %parallel_loop3A_1476 : i32 to index
          %parallel_loop3A_1487 = tpu.vector_load %parallel_loop3A_1483[%parallel_loop3A_1484, %parallel_loop3A_1485, %parallel_loop3A_1486] {strides = array<i32>} : memref<1x64x512xf32, #tpu.memory_space<vmem>>, vector<16xf32>,
          tpu.vector_store %parallel_loop3A_1483[%parallel_loop3A_1484, %parallel_loop3A_1485, %parallel_loop3A_1486], %parallel_loop3A_1340 {strides = array<i32>} : memref<1x64x512xf32, #tpu.memory_space<vmem>>, vector<16xf32>,
          %parallel_loop3A_1488 = arith.constant 1 : i32
          %parallel_loop3A_1489 = arith.addi %parallel_loop3A_410, %parallel_loop3A_1488 : i32
          %parallel_loop3A_1490 = arith.constant 16 : i32
          %parallel_loop3A_1491 = arith.muli %parallel_loop3A_1489, %parallel_loop3A_1490 : i32
          %parallel_loop3A_1492 = arith.constant 0 : i32
          %parallel_loop3A_1493 = arith.constant 25 : i32
          %parallel_loop3A_1494 = arith.constant 0 : i32
          %parallel_loop3A_1495 = arith.constant 0 : i32
          %parallel_loop3A_1496 = arith.constant 0 : i32
          %parallel_loop3A_1497 = tpu.memref_slice %run_scoped3A_15[%rem3A_322, %parallel_loop3A_1494, %parallel_loop3A_1495, %parallel_loop3A_1496] : memref<2x1x64x512xf32, #tpu.memory_space<vmem>> -> memref<1x1x64x512xf32, #tpu.memory_space<vmem>>
          %parallel_loop3A_1498 = tpu.memref_squeeze %parallel_loop3A_1497 : memref<1x1x64x512xf32, #tpu.memory_space<vmem>> -> memref<1x64x512xf32, #tpu.memory_space<vmem>>
          %parallel_loop3A_1499 = arith.index_cast %parallel_loop3A_1492 : i32 to index
          %parallel_loop3A_1500 = arith.index_cast %parallel_loop3A_1493 : i32 to index
          %parallel_loop3A_1501 = arith.index_cast %parallel_loop3A_1491 : i32 to index
          %parallel_loop3A_1502 = tpu.vector_load %parallel_loop3A_1498[%parallel_loop3A_1499, %parallel_loop3A_1500, %parallel_loop3A_1501] {strides = array<i32>} : memref<1x64x512xf32, #tpu.memory_space<vmem>>, vector<16xf32>,
          tpu.vector_store %parallel_loop3A_1498[%parallel_loop3A_1499, %parallel_loop3A_1500, %parallel_loop3A_1501], %parallel_loop3A_1344 {strides = array<i32>} : memref<1x64x512xf32, #tpu.memory_space<vmem>>, vector<16xf32>,
          %parallel_loop3A_1503 = arith.constant 1 : i32
          %parallel_loop3A_1504 = arith.addi %parallel_loop3A_410, %parallel_loop3A_1503 : i32
          %parallel_loop3A_1505 = arith.constant 16 : i32
          %parallel_loop3A_1506 = arith.muli %parallel_loop3A_1504, %parallel_loop3A_1505 : i32
          %parallel_loop3A_1507 = arith.constant 0 : i32
          %parallel_loop3A_1508 = arith.constant 26 : i32
          %parallel_loop3A_1509 = arith.constant 0 : i32
          %parallel_loop3A_1510 = arith.constant 0 : i32
          %parallel_loop3A_1511 = arith.constant 0 : i32
          %parallel_loop3A_1512 = tpu.memref_slice %run_scoped3A_15[%rem3A_322, %parallel_loop3A_1509, %parallel_loop3A_1510, %parallel_loop3A_1511] : memref<2x1x64x512xf32, #tpu.memory_space<vmem>> -> memref<1x1x64x512xf32, #tpu.memory_space<vmem>>
          %parallel_loop3A_1513 = tpu.memref_squeeze %parallel_loop3A_1512 : memref<1x1x64x512xf32, #tpu.memory_space<vmem>> -> memref<1x64x512xf32, #tpu.memory_space<vmem>>
          %parallel_loop3A_1514 = arith.index_cast %parallel_loop3A_1507 : i32 to index
          %parallel_loop3A_1515 = arith.index_cast %parallel_loop3A_1508 : i32 to index
          %parallel_loop3A_1516 = arith.index_cast %parallel_loop3A_1506 : i32 to index
          %parallel_loop3A_1517 = tpu.vector_load %parallel_loop3A_1513[%parallel_loop3A_1514, %parallel_loop3A_1515, %parallel_loop3A_1516] {strides = array<i32>} : memref<1x64x512xf32, #tpu.memory_space<vmem>>, vector<16xf32>,
          tpu.vector_store %parallel_loop3A_1513[%parallel_loop3A_1514, %parallel_loop3A_1515, %parallel_loop3A_1516], %parallel_loop3A_1348 {strides = array<i32>} : memref<1x64x512xf32, #tpu.memory_space<vmem>>, vector<16xf32>,
          %parallel_loop3A_1518 = arith.constant 1 : i32
          %parallel_loop3A_1519 = arith.addi %parallel_loop3A_410, %parallel_loop3A_1518 : i32
          %parallel_loop3A_1520 = arith.constant 16 : i32
          %parallel_loop3A_1521 = arith.muli %parallel_loop3A_1519, %parallel_loop3A_1520 : i32
          %parallel_loop3A_1522 = arith.constant 0 : i32
          %parallel_loop3A_1523 = arith.constant 27 : i32
          %parallel_loop3A_1524 = arith.constant 0 : i32
          %parallel_loop3A_1525 = arith.constant 0 : i32
          %parallel_loop3A_1526 = arith.constant 0 : i32
          %parallel_loop3A_1527 = tpu.memref_slice %run_scoped3A_15[%rem3A_322, %parallel_loop3A_1524, %parallel_loop3A_1525, %parallel_loop3A_1526] : memref<2x1x64x512xf32, #tpu.memory_space<vmem>> -> memref<1x1x64x512xf32, #tpu.memory_space<vmem>>
          %parallel_loop3A_1528 = tpu.memref_squeeze %parallel_loop3A_1527 : memref<1x1x64x512xf32, #tpu.memory_space<vmem>> -> memref<1x64x512xf32, #tpu.memory_space<vmem>>
          %parallel_loop3A_1529 = arith.index_cast %parallel_loop3A_1522 : i32 to index
          %parallel_loop3A_1530 = arith.index_cast %parallel_loop3A_1523 : i32 to index
          %parallel_loop3A_1531 = arith.index_cast %parallel_loop3A_1521 : i32 to index
          %parallel_loop3A_1532 = tpu.vector_load %parallel_loop3A_1528[%parallel_loop3A_1529, %parallel_loop3A_1530, %parallel_loop3A_1531] {strides = array<i32>} : memref<1x64x512xf32, #tpu.memory_space<vmem>>, vector<16xf32>,
          tpu.vector_store %parallel_loop3A_1528[%parallel_loop3A_1529, %parallel_loop3A_1530, %parallel_loop3A_1531], %parallel_loop3A_1352 {strides = array<i32>} : memref<1x64x512xf32, #tpu.memory_space<vmem>>, vector<16xf32>,
          %parallel_loop3A_1533 = arith.constant 1 : i32
          %parallel_loop3A_1534 = arith.addi %parallel_loop3A_410, %parallel_loop3A_1533 : i32
          %parallel_loop3A_1535 = arith.constant 16 : i32
          %parallel_loop3A_1536 = arith.muli %parallel_loop3A_1534, %parallel_loop3A_1535 : i32
          %parallel_loop3A_1537 = arith.constant 0 : i32
          %parallel_loop3A_1538 = arith.constant 28 : i32
          %parallel_loop3A_1539 = arith.constant 0 : i32
          %parallel_loop3A_1540 = arith.constant 0 : i32
          %parallel_loop3A_1541 = arith.constant 0 : i32
          %parallel_loop3A_1542 = tpu.memref_slice %run_scoped3A_15[%rem3A_322, %parallel_loop3A_1539, %parallel_loop3A_1540, %parallel_loop3A_1541] : memref<2x1x64x512xf32, #tpu.memory_space<vmem>> -> memref<1x1x64x512xf32, #tpu.memory_space<vmem>>
          %parallel_loop3A_1543 = tpu.memref_squeeze %parallel_loop3A_1542 : memref<1x1x64x512xf32, #tpu.memory_space<vmem>> -> memref<1x64x512xf32, #tpu.memory_space<vmem>>
          %parallel_loop3A_1544 = arith.index_cast %parallel_loop3A_1537 : i32 to index
          %parallel_loop3A_1545 = arith.index_cast %parallel_loop3A_1538 : i32 to index
          %parallel_loop3A_1546 = arith.index_cast %parallel_loop3A_1536 : i32 to index
          %parallel_loop3A_1547 = tpu.vector_load %parallel_loop3A_1543[%parallel_loop3A_1544, %parallel_loop3A_1545, %parallel_loop3A_1546] {strides = array<i32>} : memref<1x64x512xf32, #tpu.memory_space<vmem>>, vector<16xf32>,
          tpu.vector_store %parallel_loop3A_1543[%parallel_loop3A_1544, %parallel_loop3A_1545, %parallel_loop3A_1546], %parallel_loop3A_1356 {strides = array<i32>} : memref<1x64x512xf32, #tpu.memory_space<vmem>>, vector<16xf32>,
          %parallel_loop3A_1548 = arith.constant 1 : i32
          %parallel_loop3A_1549 = arith.addi %parallel_loop3A_410, %parallel_loop3A_1548 : i32
          %parallel_loop3A_1550 = arith.constant 16 : i32
          %parallel_loop3A_1551 = arith.muli %parallel_loop3A_1549, %parallel_loop3A_1550 : i32
          %parallel_loop3A_1552 = arith.constant 0 : i32
          %parallel_loop3A_1553 = arith.constant 29 : i32
          %parallel_loop3A_1554 = arith.constant 0 : i32
          %parallel_loop3A_1555 = arith.constant 0 : i32
          %parallel_loop3A_1556 = arith.constant 0 : i32
          %parallel_loop3A_1557 = tpu.memref_slice %run_scoped3A_15[%rem3A_322, %parallel_loop3A_1554, %parallel_loop3A_1555, %parallel_loop3A_1556] : memref<2x1x64x512xf32, #tpu.memory_space<vmem>> -> memref<1x1x64x512xf32, #tpu.memory_space<vmem>>
          %parallel_loop3A_1558 = tpu.memref_squeeze %parallel_loop3A_1557 : memref<1x1x64x512xf32, #tpu.memory_space<vmem>> -> memref<1x64x512xf32, #tpu.memory_space<vmem>>
          %parallel_loop3A_1559 = arith.index_cast %parallel_loop3A_1552 : i32 to index
          %parallel_loop3A_1560 = arith.index_cast %parallel_loop3A_1553 : i32 to index
          %parallel_loop3A_1561 = arith.index_cast %parallel_loop3A_1551 : i32 to index
          %parallel_loop3A_1562 = tpu.vector_load %parallel_loop3A_1558[%parallel_loop3A_1559, %parallel_loop3A_1560, %parallel_loop3A_1561] {strides = array<i32>} : memref<1x64x512xf32, #tpu.memory_space<vmem>>, vector<16xf32>,
          tpu.vector_store %parallel_loop3A_1558[%parallel_loop3A_1559, %parallel_loop3A_1560, %parallel_loop3A_1561], %parallel_loop3A_1360 {strides = array<i32>} : memref<1x64x512xf32, #tpu.memory_space<vmem>>, vector<16xf32>,
          %parallel_loop3A_1563 = arith.constant 1 : i32
          %parallel_loop3A_1564 = arith.addi %parallel_loop3A_410, %parallel_loop3A_1563 : i32
          %parallel_loop3A_1565 = arith.constant 16 : i32
          %parallel_loop3A_1566 = arith.muli %parallel_loop3A_1564, %parallel_loop3A_1565 : i32
          %parallel_loop3A_1567 = arith.constant 0 : i32
          %parallel_loop3A_1568 = arith.constant 30 : i32
          %parallel_loop3A_1569 = arith.constant 0 : i32
          %parallel_loop3A_1570 = arith.constant 0 : i32
          %parallel_loop3A_1571 = arith.constant 0 : i32
          %parallel_loop3A_1572 = tpu.memref_slice %run_scoped3A_15[%rem3A_322, %parallel_loop3A_1569, %parallel_loop3A_1570, %parallel_loop3A_1571] : memref<2x1x64x512xf32, #tpu.memory_space<vmem>> -> memref<1x1x64x512xf32, #tpu.memory_space<vmem>>
          %parallel_loop3A_1573 = tpu.memref_squeeze %parallel_loop3A_1572 : memref<1x1x64x512xf32, #tpu.memory_space<vmem>> -> memref<1x64x512xf32, #tpu.memory_space<vmem>>
          %parallel_loop3A_1574 = arith.index_cast %parallel_loop3A_1567 : i32 to index
          %parallel_loop3A_1575 = arith.index_cast %parallel_loop3A_1568 : i32 to index
          %parallel_loop3A_1576 = arith.index_cast %parallel_loop3A_1566 : i32 to index
          %parallel_loop3A_1577 = tpu.vector_load %parallel_loop3A_1573[%parallel_loop3A_1574, %parallel_loop3A_1575, %parallel_loop3A_1576] {strides = array<i32>} : memref<1x64x512xf32, #tpu.memory_space<vmem>>, vector<16xf32>,
          tpu.vector_store %parallel_loop3A_1573[%parallel_loop3A_1574, %parallel_loop3A_1575, %parallel_loop3A_1576], %parallel_loop3A_1364 {strides = array<i32>} : memref<1x64x512xf32, #tpu.memory_space<vmem>>, vector<16xf32>,
          %parallel_loop3A_1578 = arith.constant 1 : i32
          %parallel_loop3A_1579 = arith.addi %parallel_loop3A_410, %parallel_loop3A_1578 : i32
          %parallel_loop3A_1580 = arith.constant 16 : i32
          %parallel_loop3A_1581 = arith.muli %parallel_loop3A_1579, %parallel_loop3A_1580 : i32
          %parallel_loop3A_1582 = arith.constant 0 : i32
          %parallel_loop3A_1583 = arith.constant 31 : i32
          %parallel_loop3A_1584 = arith.constant 0 : i32
          %parallel_loop3A_1585 = arith.constant 0 : i32
          %parallel_loop3A_1586 = arith.constant 0 : i32
          %parallel_loop3A_1587 = tpu.memref_slice %run_scoped3A_15[%rem3A_322, %parallel_loop3A_1584, %parallel_loop3A_1585, %parallel_loop3A_1586] : memref<2x1x64x512xf32, #tpu.memory_space<vmem>> -> memref<1x1x64x512xf32, #tpu.memory_space<vmem>>
          %parallel_loop3A_1588 = tpu.memref_squeeze %parallel_loop3A_1587 : memref<1x1x64x512xf32, #tpu.memory_space<vmem>> -> memref<1x64x512xf32, #tpu.memory_space<vmem>>
          %parallel_loop3A_1589 = arith.index_cast %parallel_loop3A_1582 : i32 to index
          %parallel_loop3A_1590 = arith.index_cast %parallel_loop3A_1583 : i32 to index
          %parallel_loop3A_1591 = arith.index_cast %parallel_loop3A_1581 : i32 to index
          %parallel_loop3A_1592 = tpu.vector_load %parallel_loop3A_1588[%parallel_loop3A_1589, %parallel_loop3A_1590, %parallel_loop3A_1591] {strides = array<i32>} : memref<1x64x512xf32, #tpu.memory_space<vmem>>, vector<16xf32>,
          tpu.vector_store %parallel_loop3A_1588[%parallel_loop3A_1589, %parallel_loop3A_1590, %parallel_loop3A_1591], %parallel_loop3A_1368 {strides = array<i32>} : memref<1x64x512xf32, #tpu.memory_space<vmem>>, vector<16xf32>,
          %parallel_loop3A_1593 = arith.constant 32 : i32
          %parallel_loop3A_1594 = vector.broadcast %parallel_loop3A_1593 : i32 to vector<16xi32>
          %parallel_loop3A_1595 = arith.addi %parallel_loop3A_436, %parallel_loop3A_1594 : vector<16xi32>
          %parallel_loop3A_1596 = tpu.vector_load_idx %arg6[%parallel_loop3A_1595] : memref<49168xf32, #tpu.memory_space<vmem>>[vector<16xi32>], vector<16xf32>,
          %parallel_loop3A_1597 = arith.constant 33 : i32
          %parallel_loop3A_1598 = vector.broadcast %parallel_loop3A_1597 : i32 to vector<16xi32>
          %parallel_loop3A_1599 = arith.addi %parallel_loop3A_436, %parallel_loop3A_1598 : vector<16xi32>
          %parallel_loop3A_1600 = tpu.vector_load_idx %arg6[%parallel_loop3A_1599] : memref<49168xf32, #tpu.memory_space<vmem>>[vector<16xi32>], vector<16xf32>,
          %parallel_loop3A_1601 = arith.constant 34 : i32
          %parallel_loop3A_1602 = vector.broadcast %parallel_loop3A_1601 : i32 to vector<16xi32>
          %parallel_loop3A_1603 = arith.addi %parallel_loop3A_436, %parallel_loop3A_1602 : vector<16xi32>
          %parallel_loop3A_1604 = tpu.vector_load_idx %arg6[%parallel_loop3A_1603] : memref<49168xf32, #tpu.memory_space<vmem>>[vector<16xi32>], vector<16xf32>,
          %parallel_loop3A_1605 = arith.constant 35 : i32
          %parallel_loop3A_1606 = vector.broadcast %parallel_loop3A_1605 : i32 to vector<16xi32>
          %parallel_loop3A_1607 = arith.addi %parallel_loop3A_436, %parallel_loop3A_1606 : vector<16xi32>
          %parallel_loop3A_1608 = tpu.vector_load_idx %arg6[%parallel_loop3A_1607] : memref<49168xf32, #tpu.memory_space<vmem>>[vector<16xi32>], vector<16xf32>,
          %parallel_loop3A_1609 = arith.constant 36 : i32
          %parallel_loop3A_1610 = vector.broadcast %parallel_loop3A_1609 : i32 to vector<16xi32>
          %parallel_loop3A_1611 = arith.addi %parallel_loop3A_436, %parallel_loop3A_1610 : vector<16xi32>
          %parallel_loop3A_1612 = tpu.vector_load_idx %arg6[%parallel_loop3A_1611] : memref<49168xf32, #tpu.memory_space<vmem>>[vector<16xi32>], vector<16xf32>,
          %parallel_loop3A_1613 = arith.constant 37 : i32
          %parallel_loop3A_1614 = vector.broadcast %parallel_loop3A_1613 : i32 to vector<16xi32>
          %parallel_loop3A_1615 = arith.addi %parallel_loop3A_436, %parallel_loop3A_1614 : vector<16xi32>
          %parallel_loop3A_1616 = tpu.vector_load_idx %arg6[%parallel_loop3A_1615] : memref<49168xf32, #tpu.memory_space<vmem>>[vector<16xi32>], vector<16xf32>,
          %parallel_loop3A_1617 = arith.constant 38 : i32
          %parallel_loop3A_1618 = vector.broadcast %parallel_loop3A_1617 : i32 to vector<16xi32>
          %parallel_loop3A_1619 = arith.addi %parallel_loop3A_436, %parallel_loop3A_1618 : vector<16xi32>
          %parallel_loop3A_1620 = tpu.vector_load_idx %arg6[%parallel_loop3A_1619] : memref<49168xf32, #tpu.memory_space<vmem>>[vector<16xi32>], vector<16xf32>,
          %parallel_loop3A_1621 = arith.constant 39 : i32
          %parallel_loop3A_1622 = vector.broadcast %parallel_loop3A_1621 : i32 to vector<16xi32>
          %parallel_loop3A_1623 = arith.addi %parallel_loop3A_436, %parallel_loop3A_1622 : vector<16xi32>
          %parallel_loop3A_1624 = tpu.vector_load_idx %arg6[%parallel_loop3A_1623] : memref<49168xf32, #tpu.memory_space<vmem>>[vector<16xi32>], vector<16xf32>,
          %parallel_loop3A_1625 = arith.constant 32 : i32
          %parallel_loop3A_1626 = vector.broadcast %parallel_loop3A_1625 : i32 to vector<16xi32>
          %parallel_loop3A_1627 = arith.addi %parallel_loop3A_440, %parallel_loop3A_1626 : vector<16xi32>
          %parallel_loop3A_1628 = tpu.vector_load_idx %arg6[%parallel_loop3A_1627] : memref<49168xf32, #tpu.memory_space<vmem>>[vector<16xi32>], vector<16xf32>,
          %parallel_loop3A_1629 = arith.constant 33 : i32
          %parallel_loop3A_1630 = vector.broadcast %parallel_loop3A_1629 : i32 to vector<16xi32>
          %parallel_loop3A_1631 = arith.addi %parallel_loop3A_440, %parallel_loop3A_1630 : vector<16xi32>
          %parallel_loop3A_1632 = tpu.vector_load_idx %arg6[%parallel_loop3A_1631] : memref<49168xf32, #tpu.memory_space<vmem>>[vector<16xi32>], vector<16xf32>,
          %parallel_loop3A_1633 = arith.constant 34 : i32
          %parallel_loop3A_1634 = vector.broadcast %parallel_loop3A_1633 : i32 to vector<16xi32>
          %parallel_loop3A_1635 = arith.addi %parallel_loop3A_440, %parallel_loop3A_1634 : vector<16xi32>
          %parallel_loop3A_1636 = tpu.vector_load_idx %arg6[%parallel_loop3A_1635] : memref<49168xf32, #tpu.memory_space<vmem>>[vector<16xi32>], vector<16xf32>,
          %parallel_loop3A_1637 = arith.constant 35 : i32
          %parallel_loop3A_1638 = vector.broadcast %parallel_loop3A_1637 : i32 to vector<16xi32>
          %parallel_loop3A_1639 = arith.addi %parallel_loop3A_440, %parallel_loop3A_1638 : vector<16xi32>
          %parallel_loop3A_1640 = tpu.vector_load_idx %arg6[%parallel_loop3A_1639] : memref<49168xf32, #tpu.memory_space<vmem>>[vector<16xi32>], vector<16xf32>,
          %parallel_loop3A_1641 = arith.constant 36 : i32
          %parallel_loop3A_1642 = vector.broadcast %parallel_loop3A_1641 : i32 to vector<16xi32>
          %parallel_loop3A_1643 = arith.addi %parallel_loop3A_440, %parallel_loop3A_1642 : vector<16xi32>
          %parallel_loop3A_1644 = tpu.vector_load_idx %arg6[%parallel_loop3A_1643] : memref<49168xf32, #tpu.memory_space<vmem>>[vector<16xi32>], vector<16xf32>,
          %parallel_loop3A_1645 = arith.constant 37 : i32
          %parallel_loop3A_1646 = vector.broadcast %parallel_loop3A_1645 : i32 to vector<16xi32>
          %parallel_loop3A_1647 = arith.addi %parallel_loop3A_440, %parallel_loop3A_1646 : vector<16xi32>
          %parallel_loop3A_1648 = tpu.vector_load_idx %arg6[%parallel_loop3A_1647] : memref<49168xf32, #tpu.memory_space<vmem>>[vector<16xi32>], vector<16xf32>,
          %parallel_loop3A_1649 = arith.constant 38 : i32
          %parallel_loop3A_1650 = vector.broadcast %parallel_loop3A_1649 : i32 to vector<16xi32>
          %parallel_loop3A_1651 = arith.addi %parallel_loop3A_440, %parallel_loop3A_1650 : vector<16xi32>
          %parallel_loop3A_1652 = tpu.vector_load_idx %arg6[%parallel_loop3A_1651] : memref<49168xf32, #tpu.memory_space<vmem>>[vector<16xi32>], vector<16xf32>,
          %parallel_loop3A_1653 = arith.constant 39 : i32
          %parallel_loop3A_1654 = vector.broadcast %parallel_loop3A_1653 : i32 to vector<16xi32>
          %parallel_loop3A_1655 = arith.addi %parallel_loop3A_440, %parallel_loop3A_1654 : vector<16xi32>
          %parallel_loop3A_1656 = tpu.vector_load_idx %arg6[%parallel_loop3A_1655] : memref<49168xf32, #tpu.memory_space<vmem>>[vector<16xi32>], vector<16xf32>,
          %parallel_loop3A_1657 = arith.constant 16 : i32
          %parallel_loop3A_1658 = arith.muli %parallel_loop3A_410, %parallel_loop3A_1657 : i32
          %parallel_loop3A_1659 = arith.constant 0 : i32
          %parallel_loop3A_1660 = arith.constant 32 : i32
          %parallel_loop3A_1661 = arith.constant 0 : i32
          %parallel_loop3A_1662 = arith.constant 0 : i32
          %parallel_loop3A_1663 = arith.constant 0 : i32
          %parallel_loop3A_1664 = tpu.memref_slice %run_scoped3A_15[%rem3A_322, %parallel_loop3A_1661, %parallel_loop3A_1662, %parallel_loop3A_1663] : memref<2x1x64x512xf32, #tpu.memory_space<vmem>> -> memref<1x1x64x512xf32, #tpu.memory_space<vmem>>
          %parallel_loop3A_1665 = tpu.memref_squeeze %parallel_loop3A_1664 : memref<1x1x64x512xf32, #tpu.memory_space<vmem>> -> memref<1x64x512xf32, #tpu.memory_space<vmem>>
          %parallel_loop3A_1666 = arith.index_cast %parallel_loop3A_1659 : i32 to index
          %parallel_loop3A_1667 = arith.index_cast %parallel_loop3A_1660 : i32 to index
          %parallel_loop3A_1668 = arith.index_cast %parallel_loop3A_1658 : i32 to index
          %parallel_loop3A_1669 = tpu.vector_load %parallel_loop3A_1665[%parallel_loop3A_1666, %parallel_loop3A_1667, %parallel_loop3A_1668] {strides = array<i32>} : memref<1x64x512xf32, #tpu.memory_space<vmem>>, vector<16xf32>,
          tpu.vector_store %parallel_loop3A_1665[%parallel_loop3A_1666, %parallel_loop3A_1667, %parallel_loop3A_1668], %parallel_loop3A_1596 {strides = array<i32>} : memref<1x64x512xf32, #tpu.memory_space<vmem>>, vector<16xf32>,
          %parallel_loop3A_1670 = arith.constant 16 : i32
          %parallel_loop3A_1671 = arith.muli %parallel_loop3A_410, %parallel_loop3A_1670 : i32
          %parallel_loop3A_1672 = arith.constant 0 : i32
          %parallel_loop3A_1673 = arith.constant 33 : i32
          %parallel_loop3A_1674 = arith.constant 0 : i32
          %parallel_loop3A_1675 = arith.constant 0 : i32
          %parallel_loop3A_1676 = arith.constant 0 : i32
          %parallel_loop3A_1677 = tpu.memref_slice %run_scoped3A_15[%rem3A_322, %parallel_loop3A_1674, %parallel_loop3A_1675, %parallel_loop3A_1676] : memref<2x1x64x512xf32, #tpu.memory_space<vmem>> -> memref<1x1x64x512xf32, #tpu.memory_space<vmem>>
          %parallel_loop3A_1678 = tpu.memref_squeeze %parallel_loop3A_1677 : memref<1x1x64x512xf32, #tpu.memory_space<vmem>> -> memref<1x64x512xf32, #tpu.memory_space<vmem>>
          %parallel_loop3A_1679 = arith.index_cast %parallel_loop3A_1672 : i32 to index
          %parallel_loop3A_1680 = arith.index_cast %parallel_loop3A_1673 : i32 to index
          %parallel_loop3A_1681 = arith.index_cast %parallel_loop3A_1671 : i32 to index
          %parallel_loop3A_1682 = tpu.vector_load %parallel_loop3A_1678[%parallel_loop3A_1679, %parallel_loop3A_1680, %parallel_loop3A_1681] {strides = array<i32>} : memref<1x64x512xf32, #tpu.memory_space<vmem>>, vector<16xf32>,
          tpu.vector_store %parallel_loop3A_1678[%parallel_loop3A_1679, %parallel_loop3A_1680, %parallel_loop3A_1681], %parallel_loop3A_1600 {strides = array<i32>} : memref<1x64x512xf32, #tpu.memory_space<vmem>>, vector<16xf32>,
          %parallel_loop3A_1683 = arith.constant 16 : i32
          %parallel_loop3A_1684 = arith.muli %parallel_loop3A_410, %parallel_loop3A_1683 : i32
          %parallel_loop3A_1685 = arith.constant 0 : i32
          %parallel_loop3A_1686 = arith.constant 34 : i32
          %parallel_loop3A_1687 = arith.constant 0 : i32
          %parallel_loop3A_1688 = arith.constant 0 : i32
          %parallel_loop3A_1689 = arith.constant 0 : i32
          %parallel_loop3A_1690 = tpu.memref_slice %run_scoped3A_15[%rem3A_322, %parallel_loop3A_1687, %parallel_loop3A_1688, %parallel_loop3A_1689] : memref<2x1x64x512xf32, #tpu.memory_space<vmem>> -> memref<1x1x64x512xf32, #tpu.memory_space<vmem>>
          %parallel_loop3A_1691 = tpu.memref_squeeze %parallel_loop3A_1690 : memref<1x1x64x512xf32, #tpu.memory_space<vmem>> -> memref<1x64x512xf32, #tpu.memory_space<vmem>>
          %parallel_loop3A_1692 = arith.index_cast %parallel_loop3A_1685 : i32 to index
          %parallel_loop3A_1693 = arith.index_cast %parallel_loop3A_1686 : i32 to index
          %parallel_loop3A_1694 = arith.index_cast %parallel_loop3A_1684 : i32 to index
          %parallel_loop3A_1695 = tpu.vector_load %parallel_loop3A_1691[%parallel_loop3A_1692, %parallel_loop3A_1693, %parallel_loop3A_1694] {strides = array<i32>} : memref<1x64x512xf32, #tpu.memory_space<vmem>>, vector<16xf32>,
          tpu.vector_store %parallel_loop3A_1691[%parallel_loop3A_1692, %parallel_loop3A_1693, %parallel_loop3A_1694], %parallel_loop3A_1604 {strides = array<i32>} : memref<1x64x512xf32, #tpu.memory_space<vmem>>, vector<16xf32>,
          %parallel_loop3A_1696 = arith.constant 16 : i32
          %parallel_loop3A_1697 = arith.muli %parallel_loop3A_410, %parallel_loop3A_1696 : i32
          %parallel_loop3A_1698 = arith.constant 0 : i32
          %parallel_loop3A_1699 = arith.constant 35 : i32
          %parallel_loop3A_1700 = arith.constant 0 : i32
          %parallel_loop3A_1701 = arith.constant 0 : i32
          %parallel_loop3A_1702 = arith.constant 0 : i32
          %parallel_loop3A_1703 = tpu.memref_slice %run_scoped3A_15[%rem3A_322, %parallel_loop3A_1700, %parallel_loop3A_1701, %parallel_loop3A_1702] : memref<2x1x64x512xf32, #tpu.memory_space<vmem>> -> memref<1x1x64x512xf32, #tpu.memory_space<vmem>>
          %parallel_loop3A_1704 = tpu.memref_squeeze %parallel_loop3A_1703 : memref<1x1x64x512xf32, #tpu.memory_space<vmem>> -> memref<1x64x512xf32, #tpu.memory_space<vmem>>
          %parallel_loop3A_1705 = arith.index_cast %parallel_loop3A_1698 : i32 to index
          %parallel_loop3A_1706 = arith.index_cast %parallel_loop3A_1699 : i32 to index
          %parallel_loop3A_1707 = arith.index_cast %parallel_loop3A_1697 : i32 to index
          %parallel_loop3A_1708 = tpu.vector_load %parallel_loop3A_1704[%parallel_loop3A_1705, %parallel_loop3A_1706, %parallel_loop3A_1707] {strides = array<i32>} : memref<1x64x512xf32, #tpu.memory_space<vmem>>, vector<16xf32>,
          tpu.vector_store %parallel_loop3A_1704[%parallel_loop3A_1705, %parallel_loop3A_1706, %parallel_loop3A_1707], %parallel_loop3A_1608 {strides = array<i32>} : memref<1x64x512xf32, #tpu.memory_space<vmem>>, vector<16xf32>,
          %parallel_loop3A_1709 = arith.constant 16 : i32
          %parallel_loop3A_1710 = arith.muli %parallel_loop3A_410, %parallel_loop3A_1709 : i32
          %parallel_loop3A_1711 = arith.constant 0 : i32
          %parallel_loop3A_1712 = arith.constant 36 : i32
          %parallel_loop3A_1713 = arith.constant 0 : i32
          %parallel_loop3A_1714 = arith.constant 0 : i32
          %parallel_loop3A_1715 = arith.constant 0 : i32
          %parallel_loop3A_1716 = tpu.memref_slice %run_scoped3A_15[%rem3A_322, %parallel_loop3A_1713, %parallel_loop3A_1714, %parallel_loop3A_1715] : memref<2x1x64x512xf32, #tpu.memory_space<vmem>> -> memref<1x1x64x512xf32, #tpu.memory_space<vmem>>
          %parallel_loop3A_1717 = tpu.memref_squeeze %parallel_loop3A_1716 : memref<1x1x64x512xf32, #tpu.memory_space<vmem>> -> memref<1x64x512xf32, #tpu.memory_space<vmem>>
          %parallel_loop3A_1718 = arith.index_cast %parallel_loop3A_1711 : i32 to index
          %parallel_loop3A_1719 = arith.index_cast %parallel_loop3A_1712 : i32 to index
          %parallel_loop3A_1720 = arith.index_cast %parallel_loop3A_1710 : i32 to index
          %parallel_loop3A_1721 = tpu.vector_load %parallel_loop3A_1717[%parallel_loop3A_1718, %parallel_loop3A_1719, %parallel_loop3A_1720] {strides = array<i32>} : memref<1x64x512xf32, #tpu.memory_space<vmem>>, vector<16xf32>,
          tpu.vector_store %parallel_loop3A_1717[%parallel_loop3A_1718, %parallel_loop3A_1719, %parallel_loop3A_1720], %parallel_loop3A_1612 {strides = array<i32>} : memref<1x64x512xf32, #tpu.memory_space<vmem>>, vector<16xf32>,
          %parallel_loop3A_1722 = arith.constant 16 : i32
          %parallel_loop3A_1723 = arith.muli %parallel_loop3A_410, %parallel_loop3A_1722 : i32
          %parallel_loop3A_1724 = arith.constant 0 : i32
          %parallel_loop3A_1725 = arith.constant 37 : i32
          %parallel_loop3A_1726 = arith.constant 0 : i32
          %parallel_loop3A_1727 = arith.constant 0 : i32
          %parallel_loop3A_1728 = arith.constant 0 : i32
          %parallel_loop3A_1729 = tpu.memref_slice %run_scoped3A_15[%rem3A_322, %parallel_loop3A_1726, %parallel_loop3A_1727, %parallel_loop3A_1728] : memref<2x1x64x512xf32, #tpu.memory_space<vmem>> -> memref<1x1x64x512xf32, #tpu.memory_space<vmem>>
          %parallel_loop3A_1730 = tpu.memref_squeeze %parallel_loop3A_1729 : memref<1x1x64x512xf32, #tpu.memory_space<vmem>> -> memref<1x64x512xf32, #tpu.memory_space<vmem>>
          %parallel_loop3A_1731 = arith.index_cast %parallel_loop3A_1724 : i32 to index
          %parallel_loop3A_1732 = arith.index_cast %parallel_loop3A_1725 : i32 to index
          %parallel_loop3A_1733 = arith.index_cast %parallel_loop3A_1723 : i32 to index
          %parallel_loop3A_1734 = tpu.vector_load %parallel_loop3A_1730[%parallel_loop3A_1731, %parallel_loop3A_1732, %parallel_loop3A_1733] {strides = array<i32>} : memref<1x64x512xf32, #tpu.memory_space<vmem>>, vector<16xf32>,
          tpu.vector_store %parallel_loop3A_1730[%parallel_loop3A_1731, %parallel_loop3A_1732, %parallel_loop3A_1733], %parallel_loop3A_1616 {strides = array<i32>} : memref<1x64x512xf32, #tpu.memory_space<vmem>>, vector<16xf32>,
          %parallel_loop3A_1735 = arith.constant 16 : i32
          %parallel_loop3A_1736 = arith.muli %parallel_loop3A_410, %parallel_loop3A_1735 : i32
          %parallel_loop3A_1737 = arith.constant 0 : i32
          %parallel_loop3A_1738 = arith.constant 38 : i32
          %parallel_loop3A_1739 = arith.constant 0 : i32
          %parallel_loop3A_1740 = arith.constant 0 : i32
          %parallel_loop3A_1741 = arith.constant 0 : i32
          %parallel_loop3A_1742 = tpu.memref_slice %run_scoped3A_15[%rem3A_322, %parallel_loop3A_1739, %parallel_loop3A_1740, %parallel_loop3A_1741] : memref<2x1x64x512xf32, #tpu.memory_space<vmem>> -> memref<1x1x64x512xf32, #tpu.memory_space<vmem>>
          %parallel_loop3A_1743 = tpu.memref_squeeze %parallel_loop3A_1742 : memref<1x1x64x512xf32, #tpu.memory_space<vmem>> -> memref<1x64x512xf32, #tpu.memory_space<vmem>>
          %parallel_loop3A_1744 = arith.index_cast %parallel_loop3A_1737 : i32 to index
          %parallel_loop3A_1745 = arith.index_cast %parallel_loop3A_1738 : i32 to index
          %parallel_loop3A_1746 = arith.index_cast %parallel_loop3A_1736 : i32 to index
          %parallel_loop3A_1747 = tpu.vector_load %parallel_loop3A_1743[%parallel_loop3A_1744, %parallel_loop3A_1745, %parallel_loop3A_1746] {strides = array<i32>} : memref<1x64x512xf32, #tpu.memory_space<vmem>>, vector<16xf32>,
          tpu.vector_store %parallel_loop3A_1743[%parallel_loop3A_1744, %parallel_loop3A_1745, %parallel_loop3A_1746], %parallel_loop3A_1620 {strides = array<i32>} : memref<1x64x512xf32, #tpu.memory_space<vmem>>, vector<16xf32>,
          %parallel_loop3A_1748 = arith.constant 16 : i32
          %parallel_loop3A_1749 = arith.muli %parallel_loop3A_410, %parallel_loop3A_1748 : i32
          %parallel_loop3A_1750 = arith.constant 0 : i32
          %parallel_loop3A_1751 = arith.constant 39 : i32
          %parallel_loop3A_1752 = arith.constant 0 : i32
          %parallel_loop3A_1753 = arith.constant 0 : i32
          %parallel_loop3A_1754 = arith.constant 0 : i32
          %parallel_loop3A_1755 = tpu.memref_slice %run_scoped3A_15[%rem3A_322, %parallel_loop3A_1752, %parallel_loop3A_1753, %parallel_loop3A_1754] : memref<2x1x64x512xf32, #tpu.memory_space<vmem>> -> memref<1x1x64x512xf32, #tpu.memory_space<vmem>>
          %parallel_loop3A_1756 = tpu.memref_squeeze %parallel_loop3A_1755 : memref<1x1x64x512xf32, #tpu.memory_space<vmem>> -> memref<1x64x512xf32, #tpu.memory_space<vmem>>
          %parallel_loop3A_1757 = arith.index_cast %parallel_loop3A_1750 : i32 to index
          %parallel_loop3A_1758 = arith.index_cast %parallel_loop3A_1751 : i32 to index
          %parallel_loop3A_1759 = arith.index_cast %parallel_loop3A_1749 : i32 to index
          %parallel_loop3A_1760 = tpu.vector_load %parallel_loop3A_1756[%parallel_loop3A_1757, %parallel_loop3A_1758, %parallel_loop3A_1759] {strides = array<i32>} : memref<1x64x512xf32, #tpu.memory_space<vmem>>, vector<16xf32>,
          tpu.vector_store %parallel_loop3A_1756[%parallel_loop3A_1757, %parallel_loop3A_1758, %parallel_loop3A_1759], %parallel_loop3A_1624 {strides = array<i32>} : memref<1x64x512xf32, #tpu.memory_space<vmem>>, vector<16xf32>,
          %parallel_loop3A_1761 = arith.constant 1 : i32
          %parallel_loop3A_1762 = arith.addi %parallel_loop3A_410, %parallel_loop3A_1761 : i32
          %parallel_loop3A_1763 = arith.constant 16 : i32
          %parallel_loop3A_1764 = arith.muli %parallel_loop3A_1762, %parallel_loop3A_1763 : i32
          %parallel_loop3A_1765 = arith.constant 0 : i32
          %parallel_loop3A_1766 = arith.constant 32 : i32
          %parallel_loop3A_1767 = arith.constant 0 : i32
          %parallel_loop3A_1768 = arith.constant 0 : i32
          %parallel_loop3A_1769 = arith.constant 0 : i32
          %parallel_loop3A_1770 = tpu.memref_slice %run_scoped3A_15[%rem3A_322, %parallel_loop3A_1767, %parallel_loop3A_1768, %parallel_loop3A_1769] : memref<2x1x64x512xf32, #tpu.memory_space<vmem>> -> memref<1x1x64x512xf32, #tpu.memory_space<vmem>>
          %parallel_loop3A_1771 = tpu.memref_squeeze %parallel_loop3A_1770 : memref<1x1x64x512xf32, #tpu.memory_space<vmem>> -> memref<1x64x512xf32, #tpu.memory_space<vmem>>
          %parallel_loop3A_1772 = arith.index_cast %parallel_loop3A_1765 : i32 to index
          %parallel_loop3A_1773 = arith.index_cast %parallel_loop3A_1766 : i32 to index
          %parallel_loop3A_1774 = arith.index_cast %parallel_loop3A_1764 : i32 to index
          %parallel_loop3A_1775 = tpu.vector_load %parallel_loop3A_1771[%parallel_loop3A_1772, %parallel_loop3A_1773, %parallel_loop3A_1774] {strides = array<i32>} : memref<1x64x512xf32, #tpu.memory_space<vmem>>, vector<16xf32>,
          tpu.vector_store %parallel_loop3A_1771[%parallel_loop3A_1772, %parallel_loop3A_1773, %parallel_loop3A_1774], %parallel_loop3A_1628 {strides = array<i32>} : memref<1x64x512xf32, #tpu.memory_space<vmem>>, vector<16xf32>,
          %parallel_loop3A_1776 = arith.constant 1 : i32
          %parallel_loop3A_1777 = arith.addi %parallel_loop3A_410, %parallel_loop3A_1776 : i32
          %parallel_loop3A_1778 = arith.constant 16 : i32
          %parallel_loop3A_1779 = arith.muli %parallel_loop3A_1777, %parallel_loop3A_1778 : i32
          %parallel_loop3A_1780 = arith.constant 0 : i32
          %parallel_loop3A_1781 = arith.constant 33 : i32
          %parallel_loop3A_1782 = arith.constant 0 : i32
          %parallel_loop3A_1783 = arith.constant 0 : i32
          %parallel_loop3A_1784 = arith.constant 0 : i32
          %parallel_loop3A_1785 = tpu.memref_slice %run_scoped3A_15[%rem3A_322, %parallel_loop3A_1782, %parallel_loop3A_1783, %parallel_loop3A_1784] : memref<2x1x64x512xf32, #tpu.memory_space<vmem>> -> memref<1x1x64x512xf32, #tpu.memory_space<vmem>>
          %parallel_loop3A_1786 = tpu.memref_squeeze %parallel_loop3A_1785 : memref<1x1x64x512xf32, #tpu.memory_space<vmem>> -> memref<1x64x512xf32, #tpu.memory_space<vmem>>
          %parallel_loop3A_1787 = arith.index_cast %parallel_loop3A_1780 : i32 to index
          %parallel_loop3A_1788 = arith.index_cast %parallel_loop3A_1781 : i32 to index
          %parallel_loop3A_1789 = arith.index_cast %parallel_loop3A_1779 : i32 to index
          %parallel_loop3A_1790 = tpu.vector_load %parallel_loop3A_1786[%parallel_loop3A_1787, %parallel_loop3A_1788, %parallel_loop3A_1789] {strides = array<i32>} : memref<1x64x512xf32, #tpu.memory_space<vmem>>, vector<16xf32>,
          tpu.vector_store %parallel_loop3A_1786[%parallel_loop3A_1787, %parallel_loop3A_1788, %parallel_loop3A_1789], %parallel_loop3A_1632 {strides = array<i32>} : memref<1x64x512xf32, #tpu.memory_space<vmem>>, vector<16xf32>,
          %parallel_loop3A_1791 = arith.constant 1 : i32
          %parallel_loop3A_1792 = arith.addi %parallel_loop3A_410, %parallel_loop3A_1791 : i32
          %parallel_loop3A_1793 = arith.constant 16 : i32
          %parallel_loop3A_1794 = arith.muli %parallel_loop3A_1792, %parallel_loop3A_1793 : i32
          %parallel_loop3A_1795 = arith.constant 0 : i32
          %parallel_loop3A_1796 = arith.constant 34 : i32
          %parallel_loop3A_1797 = arith.constant 0 : i32
          %parallel_loop3A_1798 = arith.constant 0 : i32
          %parallel_loop3A_1799 = arith.constant 0 : i32
          %parallel_loop3A_1800 = tpu.memref_slice %run_scoped3A_15[%rem3A_322, %parallel_loop3A_1797, %parallel_loop3A_1798, %parallel_loop3A_1799] : memref<2x1x64x512xf32, #tpu.memory_space<vmem>> -> memref<1x1x64x512xf32, #tpu.memory_space<vmem>>
          %parallel_loop3A_1801 = tpu.memref_squeeze %parallel_loop3A_1800 : memref<1x1x64x512xf32, #tpu.memory_space<vmem>> -> memref<1x64x512xf32, #tpu.memory_space<vmem>>
          %parallel_loop3A_1802 = arith.index_cast %parallel_loop3A_1795 : i32 to index
          %parallel_loop3A_1803 = arith.index_cast %parallel_loop3A_1796 : i32 to index
          %parallel_loop3A_1804 = arith.index_cast %parallel_loop3A_1794 : i32 to index
          %parallel_loop3A_1805 = tpu.vector_load %parallel_loop3A_1801[%parallel_loop3A_1802, %parallel_loop3A_1803, %parallel_loop3A_1804] {strides = array<i32>} : memref<1x64x512xf32, #tpu.memory_space<vmem>>, vector<16xf32>,
          tpu.vector_store %parallel_loop3A_1801[%parallel_loop3A_1802, %parallel_loop3A_1803, %parallel_loop3A_1804], %parallel_loop3A_1636 {strides = array<i32>} : memref<1x64x512xf32, #tpu.memory_space<vmem>>, vector<16xf32>,
          %parallel_loop3A_1806 = arith.constant 1 : i32
          %parallel_loop3A_1807 = arith.addi %parallel_loop3A_410, %parallel_loop3A_1806 : i32
          %parallel_loop3A_1808 = arith.constant 16 : i32
          %parallel_loop3A_1809 = arith.muli %parallel_loop3A_1807, %parallel_loop3A_1808 : i32
          %parallel_loop3A_1810 = arith.constant 0 : i32
          %parallel_loop3A_1811 = arith.constant 35 : i32
          %parallel_loop3A_1812 = arith.constant 0 : i32
          %parallel_loop3A_1813 = arith.constant 0 : i32
          %parallel_loop3A_1814 = arith.constant 0 : i32
          %parallel_loop3A_1815 = tpu.memref_slice %run_scoped3A_15[%rem3A_322, %parallel_loop3A_1812, %parallel_loop3A_1813, %parallel_loop3A_1814] : memref<2x1x64x512xf32, #tpu.memory_space<vmem>> -> memref<1x1x64x512xf32, #tpu.memory_space<vmem>>
          %parallel_loop3A_1816 = tpu.memref_squeeze %parallel_loop3A_1815 : memref<1x1x64x512xf32, #tpu.memory_space<vmem>> -> memref<1x64x512xf32, #tpu.memory_space<vmem>>
          %parallel_loop3A_1817 = arith.index_cast %parallel_loop3A_1810 : i32 to index
          %parallel_loop3A_1818 = arith.index_cast %parallel_loop3A_1811 : i32 to index
          %parallel_loop3A_1819 = arith.index_cast %parallel_loop3A_1809 : i32 to index
          %parallel_loop3A_1820 = tpu.vector_load %parallel_loop3A_1816[%parallel_loop3A_1817, %parallel_loop3A_1818, %parallel_loop3A_1819] {strides = array<i32>} : memref<1x64x512xf32, #tpu.memory_space<vmem>>, vector<16xf32>,
          tpu.vector_store %parallel_loop3A_1816[%parallel_loop3A_1817, %parallel_loop3A_1818, %parallel_loop3A_1819], %parallel_loop3A_1640 {strides = array<i32>} : memref<1x64x512xf32, #tpu.memory_space<vmem>>, vector<16xf32>,
          %parallel_loop3A_1821 = arith.constant 1 : i32
          %parallel_loop3A_1822 = arith.addi %parallel_loop3A_410, %parallel_loop3A_1821 : i32
          %parallel_loop3A_1823 = arith.constant 16 : i32
          %parallel_loop3A_1824 = arith.muli %parallel_loop3A_1822, %parallel_loop3A_1823 : i32
          %parallel_loop3A_1825 = arith.constant 0 : i32
          %parallel_loop3A_1826 = arith.constant 36 : i32
          %parallel_loop3A_1827 = arith.constant 0 : i32
          %parallel_loop3A_1828 = arith.constant 0 : i32
          %parallel_loop3A_1829 = arith.constant 0 : i32
          %parallel_loop3A_1830 = tpu.memref_slice %run_scoped3A_15[%rem3A_322, %parallel_loop3A_1827, %parallel_loop3A_1828, %parallel_loop3A_1829] : memref<2x1x64x512xf32, #tpu.memory_space<vmem>> -> memref<1x1x64x512xf32, #tpu.memory_space<vmem>>
          %parallel_loop3A_1831 = tpu.memref_squeeze %parallel_loop3A_1830 : memref<1x1x64x512xf32, #tpu.memory_space<vmem>> -> memref<1x64x512xf32, #tpu.memory_space<vmem>>
          %parallel_loop3A_1832 = arith.index_cast %parallel_loop3A_1825 : i32 to index
          %parallel_loop3A_1833 = arith.index_cast %parallel_loop3A_1826 : i32 to index
          %parallel_loop3A_1834 = arith.index_cast %parallel_loop3A_1824 : i32 to index
          %parallel_loop3A_1835 = tpu.vector_load %parallel_loop3A_1831[%parallel_loop3A_1832, %parallel_loop3A_1833, %parallel_loop3A_1834] {strides = array<i32>} : memref<1x64x512xf32, #tpu.memory_space<vmem>>, vector<16xf32>,
          tpu.vector_store %parallel_loop3A_1831[%parallel_loop3A_1832, %parallel_loop3A_1833, %parallel_loop3A_1834], %parallel_loop3A_1644 {strides = array<i32>} : memref<1x64x512xf32, #tpu.memory_space<vmem>>, vector<16xf32>,
          %parallel_loop3A_1836 = arith.constant 1 : i32
          %parallel_loop3A_1837 = arith.addi %parallel_loop3A_410, %parallel_loop3A_1836 : i32
          %parallel_loop3A_1838 = arith.constant 16 : i32
          %parallel_loop3A_1839 = arith.muli %parallel_loop3A_1837, %parallel_loop3A_1838 : i32
          %parallel_loop3A_1840 = arith.constant 0 : i32
          %parallel_loop3A_1841 = arith.constant 37 : i32
          %parallel_loop3A_1842 = arith.constant 0 : i32
          %parallel_loop3A_1843 = arith.constant 0 : i32
          %parallel_loop3A_1844 = arith.constant 0 : i32
          %parallel_loop3A_1845 = tpu.memref_slice %run_scoped3A_15[%rem3A_322, %parallel_loop3A_1842, %parallel_loop3A_1843, %parallel_loop3A_1844] : memref<2x1x64x512xf32, #tpu.memory_space<vmem>> -> memref<1x1x64x512xf32, #tpu.memory_space<vmem>>
          %parallel_loop3A_1846 = tpu.memref_squeeze %parallel_loop3A_1845 : memref<1x1x64x512xf32, #tpu.memory_space<vmem>> -> memref<1x64x512xf32, #tpu.memory_space<vmem>>
          %parallel_loop3A_1847 = arith.index_cast %parallel_loop3A_1840 : i32 to index
          %parallel_loop3A_1848 = arith.index_cast %parallel_loop3A_1841 : i32 to index
          %parallel_loop3A_1849 = arith.index_cast %parallel_loop3A_1839 : i32 to index
          %parallel_loop3A_1850 = tpu.vector_load %parallel_loop3A_1846[%parallel_loop3A_1847, %parallel_loop3A_1848, %parallel_loop3A_1849] {strides = array<i32>} : memref<1x64x512xf32, #tpu.memory_space<vmem>>, vector<16xf32>,
          tpu.vector_store %parallel_loop3A_1846[%parallel_loop3A_1847, %parallel_loop3A_1848, %parallel_loop3A_1849], %parallel_loop3A_1648 {strides = array<i32>} : memref<1x64x512xf32, #tpu.memory_space<vmem>>, vector<16xf32>,
          %parallel_loop3A_1851 = arith.constant 1 : i32
          %parallel_loop3A_1852 = arith.addi %parallel_loop3A_410, %parallel_loop3A_1851 : i32
          %parallel_loop3A_1853 = arith.constant 16 : i32
          %parallel_loop3A_1854 = arith.muli %parallel_loop3A_1852, %parallel_loop3A_1853 : i32
          %parallel_loop3A_1855 = arith.constant 0 : i32
          %parallel_loop3A_1856 = arith.constant 38 : i32
          %parallel_loop3A_1857 = arith.constant 0 : i32
          %parallel_loop3A_1858 = arith.constant 0 : i32
          %parallel_loop3A_1859 = arith.constant 0 : i32
          %parallel_loop3A_1860 = tpu.memref_slice %run_scoped3A_15[%rem3A_322, %parallel_loop3A_1857, %parallel_loop3A_1858, %parallel_loop3A_1859] : memref<2x1x64x512xf32, #tpu.memory_space<vmem>> -> memref<1x1x64x512xf32, #tpu.memory_space<vmem>>
          %parallel_loop3A_1861 = tpu.memref_squeeze %parallel_loop3A_1860 : memref<1x1x64x512xf32, #tpu.memory_space<vmem>> -> memref<1x64x512xf32, #tpu.memory_space<vmem>>
          %parallel_loop3A_1862 = arith.index_cast %parallel_loop3A_1855 : i32 to index
          %parallel_loop3A_1863 = arith.index_cast %parallel_loop3A_1856 : i32 to index
          %parallel_loop3A_1864 = arith.index_cast %parallel_loop3A_1854 : i32 to index
          %parallel_loop3A_1865 = tpu.vector_load %parallel_loop3A_1861[%parallel_loop3A_1862, %parallel_loop3A_1863, %parallel_loop3A_1864] {strides = array<i32>} : memref<1x64x512xf32, #tpu.memory_space<vmem>>, vector<16xf32>,
          tpu.vector_store %parallel_loop3A_1861[%parallel_loop3A_1862, %parallel_loop3A_1863, %parallel_loop3A_1864], %parallel_loop3A_1652 {strides = array<i32>} : memref<1x64x512xf32, #tpu.memory_space<vmem>>, vector<16xf32>,
          %parallel_loop3A_1866 = arith.constant 1 : i32
          %parallel_loop3A_1867 = arith.addi %parallel_loop3A_410, %parallel_loop3A_1866 : i32
          %parallel_loop3A_1868 = arith.constant 16 : i32
          %parallel_loop3A_1869 = arith.muli %parallel_loop3A_1867, %parallel_loop3A_1868 : i32
          %parallel_loop3A_1870 = arith.constant 0 : i32
          %parallel_loop3A_1871 = arith.constant 39 : i32
          %parallel_loop3A_1872 = arith.constant 0 : i32
          %parallel_loop3A_1873 = arith.constant 0 : i32
          %parallel_loop3A_1874 = arith.constant 0 : i32
          %parallel_loop3A_1875 = tpu.memref_slice %run_scoped3A_15[%rem3A_322, %parallel_loop3A_1872, %parallel_loop3A_1873, %parallel_loop3A_1874] : memref<2x1x64x512xf32, #tpu.memory_space<vmem>> -> memref<1x1x64x512xf32, #tpu.memory_space<vmem>>
          %parallel_loop3A_1876 = tpu.memref_squeeze %parallel_loop3A_1875 : memref<1x1x64x512xf32, #tpu.memory_space<vmem>> -> memref<1x64x512xf32, #tpu.memory_space<vmem>>
          %parallel_loop3A_1877 = arith.index_cast %parallel_loop3A_1870 : i32 to index
          %parallel_loop3A_1878 = arith.index_cast %parallel_loop3A_1871 : i32 to index
          %parallel_loop3A_1879 = arith.index_cast %parallel_loop3A_1869 : i32 to index
          %parallel_loop3A_1880 = tpu.vector_load %parallel_loop3A_1876[%parallel_loop3A_1877, %parallel_loop3A_1878, %parallel_loop3A_1879] {strides = array<i32>} : memref<1x64x512xf32, #tpu.memory_space<vmem>>, vector<16xf32>,
          tpu.vector_store %parallel_loop3A_1876[%parallel_loop3A_1877, %parallel_loop3A_1878, %parallel_loop3A_1879], %parallel_loop3A_1656 {strides = array<i32>} : memref<1x64x512xf32, #tpu.memory_space<vmem>>, vector<16xf32>,
          %parallel_loop3A_1881 = arith.constant 40 : i32
          %parallel_loop3A_1882 = vector.broadcast %parallel_loop3A_1881 : i32 to vector<16xi32>
          %parallel_loop3A_1883 = arith.addi %parallel_loop3A_436, %parallel_loop3A_1882 : vector<16xi32>
          %parallel_loop3A_1884 = tpu.vector_load_idx %arg6[%parallel_loop3A_1883] : memref<49168xf32, #tpu.memory_space<vmem>>[vector<16xi32>], vector<16xf32>,
          %parallel_loop3A_1885 = arith.constant 41 : i32
          %parallel_loop3A_1886 = vector.broadcast %parallel_loop3A_1885 : i32 to vector<16xi32>
          %parallel_loop3A_1887 = arith.addi %parallel_loop3A_436, %parallel_loop3A_1886 : vector<16xi32>
          %parallel_loop3A_1888 = tpu.vector_load_idx %arg6[%parallel_loop3A_1887] : memref<49168xf32, #tpu.memory_space<vmem>>[vector<16xi32>], vector<16xf32>,
          %parallel_loop3A_1889 = arith.constant 42 : i32
          %parallel_loop3A_1890 = vector.broadcast %parallel_loop3A_1889 : i32 to vector<16xi32>
          %parallel_loop3A_1891 = arith.addi %parallel_loop3A_436, %parallel_loop3A_1890 : vector<16xi32>
          %parallel_loop3A_1892 = tpu.vector_load_idx %arg6[%parallel_loop3A_1891] : memref<49168xf32, #tpu.memory_space<vmem>>[vector<16xi32>], vector<16xf32>,
          %parallel_loop3A_1893 = arith.constant 43 : i32
          %parallel_loop3A_1894 = vector.broadcast %parallel_loop3A_1893 : i32 to vector<16xi32>
          %parallel_loop3A_1895 = arith.addi %parallel_loop3A_436, %parallel_loop3A_1894 : vector<16xi32>
          %parallel_loop3A_1896 = tpu.vector_load_idx %arg6[%parallel_loop3A_1895] : memref<49168xf32, #tpu.memory_space<vmem>>[vector<16xi32>], vector<16xf32>,
          %parallel_loop3A_1897 = arith.constant 44 : i32
          %parallel_loop3A_1898 = vector.broadcast %parallel_loop3A_1897 : i32 to vector<16xi32>
          %parallel_loop3A_1899 = arith.addi %parallel_loop3A_436, %parallel_loop3A_1898 : vector<16xi32>
          %parallel_loop3A_1900 = tpu.vector_load_idx %arg6[%parallel_loop3A_1899] : memref<49168xf32, #tpu.memory_space<vmem>>[vector<16xi32>], vector<16xf32>,
          %parallel_loop3A_1901 = arith.constant 45 : i32
          %parallel_loop3A_1902 = vector.broadcast %parallel_loop3A_1901 : i32 to vector<16xi32>
          %parallel_loop3A_1903 = arith.addi %parallel_loop3A_436, %parallel_loop3A_1902 : vector<16xi32>
          %parallel_loop3A_1904 = tpu.vector_load_idx %arg6[%parallel_loop3A_1903] : memref<49168xf32, #tpu.memory_space<vmem>>[vector<16xi32>], vector<16xf32>,
          %parallel_loop3A_1905 = arith.constant 46 : i32
          %parallel_loop3A_1906 = vector.broadcast %parallel_loop3A_1905 : i32 to vector<16xi32>
          %parallel_loop3A_1907 = arith.addi %parallel_loop3A_436, %parallel_loop3A_1906 : vector<16xi32>
          %parallel_loop3A_1908 = tpu.vector_load_idx %arg6[%parallel_loop3A_1907] : memref<49168xf32, #tpu.memory_space<vmem>>[vector<16xi32>], vector<16xf32>,
          %parallel_loop3A_1909 = arith.constant 47 : i32
          %parallel_loop3A_1910 = vector.broadcast %parallel_loop3A_1909 : i32 to vector<16xi32>
          %parallel_loop3A_1911 = arith.addi %parallel_loop3A_436, %parallel_loop3A_1910 : vector<16xi32>
          %parallel_loop3A_1912 = tpu.vector_load_idx %arg6[%parallel_loop3A_1911] : memref<49168xf32, #tpu.memory_space<vmem>>[vector<16xi32>], vector<16xf32>,
          %parallel_loop3A_1913 = arith.constant 40 : i32
          %parallel_loop3A_1914 = vector.broadcast %parallel_loop3A_1913 : i32 to vector<16xi32>
          %parallel_loop3A_1915 = arith.addi %parallel_loop3A_440, %parallel_loop3A_1914 : vector<16xi32>
          %parallel_loop3A_1916 = tpu.vector_load_idx %arg6[%parallel_loop3A_1915] : memref<49168xf32, #tpu.memory_space<vmem>>[vector<16xi32>], vector<16xf32>,
          %parallel_loop3A_1917 = arith.constant 41 : i32
          %parallel_loop3A_1918 = vector.broadcast %parallel_loop3A_1917 : i32 to vector<16xi32>
          %parallel_loop3A_1919 = arith.addi %parallel_loop3A_440, %parallel_loop3A_1918 : vector<16xi32>
          %parallel_loop3A_1920 = tpu.vector_load_idx %arg6[%parallel_loop3A_1919] : memref<49168xf32, #tpu.memory_space<vmem>>[vector<16xi32>], vector<16xf32>,
          %parallel_loop3A_1921 = arith.constant 42 : i32
          %parallel_loop3A_1922 = vector.broadcast %parallel_loop3A_1921 : i32 to vector<16xi32>
          %parallel_loop3A_1923 = arith.addi %parallel_loop3A_440, %parallel_loop3A_1922 : vector<16xi32>
          %parallel_loop3A_1924 = tpu.vector_load_idx %arg6[%parallel_loop3A_1923] : memref<49168xf32, #tpu.memory_space<vmem>>[vector<16xi32>], vector<16xf32>,
          %parallel_loop3A_1925 = arith.constant 43 : i32
          %parallel_loop3A_1926 = vector.broadcast %parallel_loop3A_1925 : i32 to vector<16xi32>
          %parallel_loop3A_1927 = arith.addi %parallel_loop3A_440, %parallel_loop3A_1926 : vector<16xi32>
          %parallel_loop3A_1928 = tpu.vector_load_idx %arg6[%parallel_loop3A_1927] : memref<49168xf32, #tpu.memory_space<vmem>>[vector<16xi32>], vector<16xf32>,
          %parallel_loop3A_1929 = arith.constant 44 : i32
          %parallel_loop3A_1930 = vector.broadcast %parallel_loop3A_1929 : i32 to vector<16xi32>
          %parallel_loop3A_1931 = arith.addi %parallel_loop3A_440, %parallel_loop3A_1930 : vector<16xi32>
          %parallel_loop3A_1932 = tpu.vector_load_idx %arg6[%parallel_loop3A_1931] : memref<49168xf32, #tpu.memory_space<vmem>>[vector<16xi32>], vector<16xf32>,
          %parallel_loop3A_1933 = arith.constant 45 : i32
          %parallel_loop3A_1934 = vector.broadcast %parallel_loop3A_1933 : i32 to vector<16xi32>
          %parallel_loop3A_1935 = arith.addi %parallel_loop3A_440, %parallel_loop3A_1934 : vector<16xi32>
          %parallel_loop3A_1936 = tpu.vector_load_idx %arg6[%parallel_loop3A_1935] : memref<49168xf32, #tpu.memory_space<vmem>>[vector<16xi32>], vector<16xf32>,
          %parallel_loop3A_1937 = arith.constant 46 : i32
          %parallel_loop3A_1938 = vector.broadcast %parallel_loop3A_1937 : i32 to vector<16xi32>
          %parallel_loop3A_1939 = arith.addi %parallel_loop3A_440, %parallel_loop3A_1938 : vector<16xi32>
          %parallel_loop3A_1940 = tpu.vector_load_idx %arg6[%parallel_loop3A_1939] : memref<49168xf32, #tpu.memory_space<vmem>>[vector<16xi32>], vector<16xf32>,
          %parallel_loop3A_1941 = arith.constant 47 : i32
          %parallel_loop3A_1942 = vector.broadcast %parallel_loop3A_1941 : i32 to vector<16xi32>
          %parallel_loop3A_1943 = arith.addi %parallel_loop3A_440, %parallel_loop3A_1942 : vector<16xi32>
          %parallel_loop3A_1944 = tpu.vector_load_idx %arg6[%parallel_loop3A_1943] : memref<49168xf32, #tpu.memory_space<vmem>>[vector<16xi32>], vector<16xf32>,
          %parallel_loop3A_1945 = arith.constant 16 : i32
          %parallel_loop3A_1946 = arith.muli %parallel_loop3A_410, %parallel_loop3A_1945 : i32
          %parallel_loop3A_1947 = arith.constant 0 : i32
          %parallel_loop3A_1948 = arith.constant 40 : i32
          %parallel_loop3A_1949 = arith.constant 0 : i32
          %parallel_loop3A_1950 = arith.constant 0 : i32
          %parallel_loop3A_1951 = arith.constant 0 : i32
          %parallel_loop3A_1952 = tpu.memref_slice %run_scoped3A_15[%rem3A_322, %parallel_loop3A_1949, %parallel_loop3A_1950, %parallel_loop3A_1951] : memref<2x1x64x512xf32, #tpu.memory_space<vmem>> -> memref<1x1x64x512xf32, #tpu.memory_space<vmem>>
          %parallel_loop3A_1953 = tpu.memref_squeeze %parallel_loop3A_1952 : memref<1x1x64x512xf32, #tpu.memory_space<vmem>> -> memref<1x64x512xf32, #tpu.memory_space<vmem>>
          %parallel_loop3A_1954 = arith.index_cast %parallel_loop3A_1947 : i32 to index
          %parallel_loop3A_1955 = arith.index_cast %parallel_loop3A_1948 : i32 to index
          %parallel_loop3A_1956 = arith.index_cast %parallel_loop3A_1946 : i32 to index
          %parallel_loop3A_1957 = tpu.vector_load %parallel_loop3A_1953[%parallel_loop3A_1954, %parallel_loop3A_1955, %parallel_loop3A_1956] {strides = array<i32>} : memref<1x64x512xf32, #tpu.memory_space<vmem>>, vector<16xf32>,
          tpu.vector_store %parallel_loop3A_1953[%parallel_loop3A_1954, %parallel_loop3A_1955, %parallel_loop3A_1956], %parallel_loop3A_1884 {strides = array<i32>} : memref<1x64x512xf32, #tpu.memory_space<vmem>>, vector<16xf32>,
          %parallel_loop3A_1958 = arith.constant 16 : i32
          %parallel_loop3A_1959 = arith.muli %parallel_loop3A_410, %parallel_loop3A_1958 : i32
          %parallel_loop3A_1960 = arith.constant 0 : i32
          %parallel_loop3A_1961 = arith.constant 41 : i32
          %parallel_loop3A_1962 = arith.constant 0 : i32
          %parallel_loop3A_1963 = arith.constant 0 : i32
          %parallel_loop3A_1964 = arith.constant 0 : i32
          %parallel_loop3A_1965 = tpu.memref_slice %run_scoped3A_15[%rem3A_322, %parallel_loop3A_1962, %parallel_loop3A_1963, %parallel_loop3A_1964] : memref<2x1x64x512xf32, #tpu.memory_space<vmem>> -> memref<1x1x64x512xf32, #tpu.memory_space<vmem>>
          %parallel_loop3A_1966 = tpu.memref_squeeze %parallel_loop3A_1965 : memref<1x1x64x512xf32, #tpu.memory_space<vmem>> -> memref<1x64x512xf32, #tpu.memory_space<vmem>>
          %parallel_loop3A_1967 = arith.index_cast %parallel_loop3A_1960 : i32 to index
          %parallel_loop3A_1968 = arith.index_cast %parallel_loop3A_1961 : i32 to index
          %parallel_loop3A_1969 = arith.index_cast %parallel_loop3A_1959 : i32 to index
          %parallel_loop3A_1970 = tpu.vector_load %parallel_loop3A_1966[%parallel_loop3A_1967, %parallel_loop3A_1968, %parallel_loop3A_1969] {strides = array<i32>} : memref<1x64x512xf32, #tpu.memory_space<vmem>>, vector<16xf32>,
          tpu.vector_store %parallel_loop3A_1966[%parallel_loop3A_1967, %parallel_loop3A_1968, %parallel_loop3A_1969], %parallel_loop3A_1888 {strides = array<i32>} : memref<1x64x512xf32, #tpu.memory_space<vmem>>, vector<16xf32>,
          %parallel_loop3A_1971 = arith.constant 16 : i32
          %parallel_loop3A_1972 = arith.muli %parallel_loop3A_410, %parallel_loop3A_1971 : i32
          %parallel_loop3A_1973 = arith.constant 0 : i32
          %parallel_loop3A_1974 = arith.constant 42 : i32
          %parallel_loop3A_1975 = arith.constant 0 : i32
          %parallel_loop3A_1976 = arith.constant 0 : i32
          %parallel_loop3A_1977 = arith.constant 0 : i32
          %parallel_loop3A_1978 = tpu.memref_slice %run_scoped3A_15[%rem3A_322, %parallel_loop3A_1975, %parallel_loop3A_1976, %parallel_loop3A_1977] : memref<2x1x64x512xf32, #tpu.memory_space<vmem>> -> memref<1x1x64x512xf32, #tpu.memory_space<vmem>>
          %parallel_loop3A_1979 = tpu.memref_squeeze %parallel_loop3A_1978 : memref<1x1x64x512xf32, #tpu.memory_space<vmem>> -> memref<1x64x512xf32, #tpu.memory_space<vmem>>
          %parallel_loop3A_1980 = arith.index_cast %parallel_loop3A_1973 : i32 to index
          %parallel_loop3A_1981 = arith.index_cast %parallel_loop3A_1974 : i32 to index
          %parallel_loop3A_1982 = arith.index_cast %parallel_loop3A_1972 : i32 to index
          %parallel_loop3A_1983 = tpu.vector_load %parallel_loop3A_1979[%parallel_loop3A_1980, %parallel_loop3A_1981, %parallel_loop3A_1982] {strides = array<i32>} : memref<1x64x512xf32, #tpu.memory_space<vmem>>, vector<16xf32>,
          tpu.vector_store %parallel_loop3A_1979[%parallel_loop3A_1980, %parallel_loop3A_1981, %parallel_loop3A_1982], %parallel_loop3A_1892 {strides = array<i32>} : memref<1x64x512xf32, #tpu.memory_space<vmem>>, vector<16xf32>,
          %parallel_loop3A_1984 = arith.constant 16 : i32
          %parallel_loop3A_1985 = arith.muli %parallel_loop3A_410, %parallel_loop3A_1984 : i32
          %parallel_loop3A_1986 = arith.constant 0 : i32
          %parallel_loop3A_1987 = arith.constant 43 : i32
          %parallel_loop3A_1988 = arith.constant 0 : i32
          %parallel_loop3A_1989 = arith.constant 0 : i32
          %parallel_loop3A_1990 = arith.constant 0 : i32
          %parallel_loop3A_1991 = tpu.memref_slice %run_scoped3A_15[%rem3A_322, %parallel_loop3A_1988, %parallel_loop3A_1989, %parallel_loop3A_1990] : memref<2x1x64x512xf32, #tpu.memory_space<vmem>> -> memref<1x1x64x512xf32, #tpu.memory_space<vmem>>
          %parallel_loop3A_1992 = tpu.memref_squeeze %parallel_loop3A_1991 : memref<1x1x64x512xf32, #tpu.memory_space<vmem>> -> memref<1x64x512xf32, #tpu.memory_space<vmem>>
          %parallel_loop3A_1993 = arith.index_cast %parallel_loop3A_1986 : i32 to index
          %parallel_loop3A_1994 = arith.index_cast %parallel_loop3A_1987 : i32 to index
          %parallel_loop3A_1995 = arith.index_cast %parallel_loop3A_1985 : i32 to index
          %parallel_loop3A_1996 = tpu.vector_load %parallel_loop3A_1992[%parallel_loop3A_1993, %parallel_loop3A_1994, %parallel_loop3A_1995] {strides = array<i32>} : memref<1x64x512xf32, #tpu.memory_space<vmem>>, vector<16xf32>,
          tpu.vector_store %parallel_loop3A_1992[%parallel_loop3A_1993, %parallel_loop3A_1994, %parallel_loop3A_1995], %parallel_loop3A_1896 {strides = array<i32>} : memref<1x64x512xf32, #tpu.memory_space<vmem>>, vector<16xf32>,
          %parallel_loop3A_1997 = arith.constant 16 : i32
          %parallel_loop3A_1998 = arith.muli %parallel_loop3A_410, %parallel_loop3A_1997 : i32
          %parallel_loop3A_1999 = arith.constant 0 : i32
          %parallel_loop3A_2000 = arith.constant 44 : i32
          %parallel_loop3A_2001 = arith.constant 0 : i32
          %parallel_loop3A_2002 = arith.constant 0 : i32
          %parallel_loop3A_2003 = arith.constant 0 : i32
          %parallel_loop3A_2004 = tpu.memref_slice %run_scoped3A_15[%rem3A_322, %parallel_loop3A_2001, %parallel_loop3A_2002, %parallel_loop3A_2003] : memref<2x1x64x512xf32, #tpu.memory_space<vmem>> -> memref<1x1x64x512xf32, #tpu.memory_space<vmem>>
          %parallel_loop3A_2005 = tpu.memref_squeeze %parallel_loop3A_2004 : memref<1x1x64x512xf32, #tpu.memory_space<vmem>> -> memref<1x64x512xf32, #tpu.memory_space<vmem>>
          %parallel_loop3A_2006 = arith.index_cast %parallel_loop3A_1999 : i32 to index
          %parallel_loop3A_2007 = arith.index_cast %parallel_loop3A_2000 : i32 to index
          %parallel_loop3A_2008 = arith.index_cast %parallel_loop3A_1998 : i32 to index
          %parallel_loop3A_2009 = tpu.vector_load %parallel_loop3A_2005[%parallel_loop3A_2006, %parallel_loop3A_2007, %parallel_loop3A_2008] {strides = array<i32>} : memref<1x64x512xf32, #tpu.memory_space<vmem>>, vector<16xf32>,
          tpu.vector_store %parallel_loop3A_2005[%parallel_loop3A_2006, %parallel_loop3A_2007, %parallel_loop3A_2008], %parallel_loop3A_1900 {strides = array<i32>} : memref<1x64x512xf32, #tpu.memory_space<vmem>>, vector<16xf32>,
          %parallel_loop3A_2010 = arith.constant 16 : i32
          %parallel_loop3A_2011 = arith.muli %parallel_loop3A_410, %parallel_loop3A_2010 : i32
          %parallel_loop3A_2012 = arith.constant 0 : i32
          %parallel_loop3A_2013 = arith.constant 45 : i32
          %parallel_loop3A_2014 = arith.constant 0 : i32
          %parallel_loop3A_2015 = arith.constant 0 : i32
          %parallel_loop3A_2016 = arith.constant 0 : i32
          %parallel_loop3A_2017 = tpu.memref_slice %run_scoped3A_15[%rem3A_322, %parallel_loop3A_2014, %parallel_loop3A_2015, %parallel_loop3A_2016] : memref<2x1x64x512xf32, #tpu.memory_space<vmem>> -> memref<1x1x64x512xf32, #tpu.memory_space<vmem>>
          %parallel_loop3A_2018 = tpu.memref_squeeze %parallel_loop3A_2017 : memref<1x1x64x512xf32, #tpu.memory_space<vmem>> -> memref<1x64x512xf32, #tpu.memory_space<vmem>>
          %parallel_loop3A_2019 = arith.index_cast %parallel_loop3A_2012 : i32 to index
          %parallel_loop3A_2020 = arith.index_cast %parallel_loop3A_2013 : i32 to index
          %parallel_loop3A_2021 = arith.index_cast %parallel_loop3A_2011 : i32 to index
          %parallel_loop3A_2022 = tpu.vector_load %parallel_loop3A_2018[%parallel_loop3A_2019, %parallel_loop3A_2020, %parallel_loop3A_2021] {strides = array<i32>} : memref<1x64x512xf32, #tpu.memory_space<vmem>>, vector<16xf32>,
          tpu.vector_store %parallel_loop3A_2018[%parallel_loop3A_2019, %parallel_loop3A_2020, %parallel_loop3A_2021], %parallel_loop3A_1904 {strides = array<i32>} : memref<1x64x512xf32, #tpu.memory_space<vmem>>, vector<16xf32>,
          %parallel_loop3A_2023 = arith.constant 16 : i32
          %parallel_loop3A_2024 = arith.muli %parallel_loop3A_410, %parallel_loop3A_2023 : i32
          %parallel_loop3A_2025 = arith.constant 0 : i32
          %parallel_loop3A_2026 = arith.constant 46 : i32
          %parallel_loop3A_2027 = arith.constant 0 : i32
          %parallel_loop3A_2028 = arith.constant 0 : i32
          %parallel_loop3A_2029 = arith.constant 0 : i32
          %parallel_loop3A_2030 = tpu.memref_slice %run_scoped3A_15[%rem3A_322, %parallel_loop3A_2027, %parallel_loop3A_2028, %parallel_loop3A_2029] : memref<2x1x64x512xf32, #tpu.memory_space<vmem>> -> memref<1x1x64x512xf32, #tpu.memory_space<vmem>>
          %parallel_loop3A_2031 = tpu.memref_squeeze %parallel_loop3A_2030 : memref<1x1x64x512xf32, #tpu.memory_space<vmem>> -> memref<1x64x512xf32, #tpu.memory_space<vmem>>
          %parallel_loop3A_2032 = arith.index_cast %parallel_loop3A_2025 : i32 to index
          %parallel_loop3A_2033 = arith.index_cast %parallel_loop3A_2026 : i32 to index
          %parallel_loop3A_2034 = arith.index_cast %parallel_loop3A_2024 : i32 to index
          %parallel_loop3A_2035 = tpu.vector_load %parallel_loop3A_2031[%parallel_loop3A_2032, %parallel_loop3A_2033, %parallel_loop3A_2034] {strides = array<i32>} : memref<1x64x512xf32, #tpu.memory_space<vmem>>, vector<16xf32>,
          tpu.vector_store %parallel_loop3A_2031[%parallel_loop3A_2032, %parallel_loop3A_2033, %parallel_loop3A_2034], %parallel_loop3A_1908 {strides = array<i32>} : memref<1x64x512xf32, #tpu.memory_space<vmem>>, vector<16xf32>,
          %parallel_loop3A_2036 = arith.constant 16 : i32
          %parallel_loop3A_2037 = arith.muli %parallel_loop3A_410, %parallel_loop3A_2036 : i32
          %parallel_loop3A_2038 = arith.constant 0 : i32
          %parallel_loop3A_2039 = arith.constant 47 : i32
          %parallel_loop3A_2040 = arith.constant 0 : i32
          %parallel_loop3A_2041 = arith.constant 0 : i32
          %parallel_loop3A_2042 = arith.constant 0 : i32
          %parallel_loop3A_2043 = tpu.memref_slice %run_scoped3A_15[%rem3A_322, %parallel_loop3A_2040, %parallel_loop3A_2041, %parallel_loop3A_2042] : memref<2x1x64x512xf32, #tpu.memory_space<vmem>> -> memref<1x1x64x512xf32, #tpu.memory_space<vmem>>
          %parallel_loop3A_2044 = tpu.memref_squeeze %parallel_loop3A_2043 : memref<1x1x64x512xf32, #tpu.memory_space<vmem>> -> memref<1x64x512xf32, #tpu.memory_space<vmem>>
          %parallel_loop3A_2045 = arith.index_cast %parallel_loop3A_2038 : i32 to index
          %parallel_loop3A_2046 = arith.index_cast %parallel_loop3A_2039 : i32 to index
          %parallel_loop3A_2047 = arith.index_cast %parallel_loop3A_2037 : i32 to index
          %parallel_loop3A_2048 = tpu.vector_load %parallel_loop3A_2044[%parallel_loop3A_2045, %parallel_loop3A_2046, %parallel_loop3A_2047] {strides = array<i32>} : memref<1x64x512xf32, #tpu.memory_space<vmem>>, vector<16xf32>,
          tpu.vector_store %parallel_loop3A_2044[%parallel_loop3A_2045, %parallel_loop3A_2046, %parallel_loop3A_2047], %parallel_loop3A_1912 {strides = array<i32>} : memref<1x64x512xf32, #tpu.memory_space<vmem>>, vector<16xf32>,
          %parallel_loop3A_2049 = arith.constant 1 : i32
          %parallel_loop3A_2050 = arith.addi %parallel_loop3A_410, %parallel_loop3A_2049 : i32
          %parallel_loop3A_2051 = arith.constant 16 : i32
          %parallel_loop3A_2052 = arith.muli %parallel_loop3A_2050, %parallel_loop3A_2051 : i32
          %parallel_loop3A_2053 = arith.constant 0 : i32
          %parallel_loop3A_2054 = arith.constant 40 : i32
          %parallel_loop3A_2055 = arith.constant 0 : i32
          %parallel_loop3A_2056 = arith.constant 0 : i32
          %parallel_loop3A_2057 = arith.constant 0 : i32
          %parallel_loop3A_2058 = tpu.memref_slice %run_scoped3A_15[%rem3A_322, %parallel_loop3A_2055, %parallel_loop3A_2056, %parallel_loop3A_2057] : memref<2x1x64x512xf32, #tpu.memory_space<vmem>> -> memref<1x1x64x512xf32, #tpu.memory_space<vmem>>
          %parallel_loop3A_2059 = tpu.memref_squeeze %parallel_loop3A_2058 : memref<1x1x64x512xf32, #tpu.memory_space<vmem>> -> memref<1x64x512xf32, #tpu.memory_space<vmem>>
          %parallel_loop3A_2060 = arith.index_cast %parallel_loop3A_2053 : i32 to index
          %parallel_loop3A_2061 = arith.index_cast %parallel_loop3A_2054 : i32 to index
          %parallel_loop3A_2062 = arith.index_cast %parallel_loop3A_2052 : i32 to index
          %parallel_loop3A_2063 = tpu.vector_load %parallel_loop3A_2059[%parallel_loop3A_2060, %parallel_loop3A_2061, %parallel_loop3A_2062] {strides = array<i32>} : memref<1x64x512xf32, #tpu.memory_space<vmem>>, vector<16xf32>,
          tpu.vector_store %parallel_loop3A_2059[%parallel_loop3A_2060, %parallel_loop3A_2061, %parallel_loop3A_2062], %parallel_loop3A_1916 {strides = array<i32>} : memref<1x64x512xf32, #tpu.memory_space<vmem>>, vector<16xf32>,
          %parallel_loop3A_2064 = arith.constant 1 : i32
          %parallel_loop3A_2065 = arith.addi %parallel_loop3A_410, %parallel_loop3A_2064 : i32
          %parallel_loop3A_2066 = arith.constant 16 : i32
          %parallel_loop3A_2067 = arith.muli %parallel_loop3A_2065, %parallel_loop3A_2066 : i32
          %parallel_loop3A_2068 = arith.constant 0 : i32
          %parallel_loop3A_2069 = arith.constant 41 : i32
          %parallel_loop3A_2070 = arith.constant 0 : i32
          %parallel_loop3A_2071 = arith.constant 0 : i32
          %parallel_loop3A_2072 = arith.constant 0 : i32
          %parallel_loop3A_2073 = tpu.memref_slice %run_scoped3A_15[%rem3A_322, %parallel_loop3A_2070, %parallel_loop3A_2071, %parallel_loop3A_2072] : memref<2x1x64x512xf32, #tpu.memory_space<vmem>> -> memref<1x1x64x512xf32, #tpu.memory_space<vmem>>
          %parallel_loop3A_2074 = tpu.memref_squeeze %parallel_loop3A_2073 : memref<1x1x64x512xf32, #tpu.memory_space<vmem>> -> memref<1x64x512xf32, #tpu.memory_space<vmem>>
          %parallel_loop3A_2075 = arith.index_cast %parallel_loop3A_2068 : i32 to index
          %parallel_loop3A_2076 = arith.index_cast %parallel_loop3A_2069 : i32 to index
          %parallel_loop3A_2077 = arith.index_cast %parallel_loop3A_2067 : i32 to index
          %parallel_loop3A_2078 = tpu.vector_load %parallel_loop3A_2074[%parallel_loop3A_2075, %parallel_loop3A_2076, %parallel_loop3A_2077] {strides = array<i32>} : memref<1x64x512xf32, #tpu.memory_space<vmem>>, vector<16xf32>,
          tpu.vector_store %parallel_loop3A_2074[%parallel_loop3A_2075, %parallel_loop3A_2076, %parallel_loop3A_2077], %parallel_loop3A_1920 {strides = array<i32>} : memref<1x64x512xf32, #tpu.memory_space<vmem>>, vector<16xf32>,
          %parallel_loop3A_2079 = arith.constant 1 : i32
          %parallel_loop3A_2080 = arith.addi %parallel_loop3A_410, %parallel_loop3A_2079 : i32
          %parallel_loop3A_2081 = arith.constant 16 : i32
          %parallel_loop3A_2082 = arith.muli %parallel_loop3A_2080, %parallel_loop3A_2081 : i32
          %parallel_loop3A_2083 = arith.constant 0 : i32
          %parallel_loop3A_2084 = arith.constant 42 : i32
          %parallel_loop3A_2085 = arith.constant 0 : i32
          %parallel_loop3A_2086 = arith.constant 0 : i32
          %parallel_loop3A_2087 = arith.constant 0 : i32
          %parallel_loop3A_2088 = tpu.memref_slice %run_scoped3A_15[%rem3A_322, %parallel_loop3A_2085, %parallel_loop3A_2086, %parallel_loop3A_2087] : memref<2x1x64x512xf32, #tpu.memory_space<vmem>> -> memref<1x1x64x512xf32, #tpu.memory_space<vmem>>
          %parallel_loop3A_2089 = tpu.memref_squeeze %parallel_loop3A_2088 : memref<1x1x64x512xf32, #tpu.memory_space<vmem>> -> memref<1x64x512xf32, #tpu.memory_space<vmem>>
          %parallel_loop3A_2090 = arith.index_cast %parallel_loop3A_2083 : i32 to index
          %parallel_loop3A_2091 = arith.index_cast %parallel_loop3A_2084 : i32 to index
          %parallel_loop3A_2092 = arith.index_cast %parallel_loop3A_2082 : i32 to index
          %parallel_loop3A_2093 = tpu.vector_load %parallel_loop3A_2089[%parallel_loop3A_2090, %parallel_loop3A_2091, %parallel_loop3A_2092] {strides = array<i32>} : memref<1x64x512xf32, #tpu.memory_space<vmem>>, vector<16xf32>,
          tpu.vector_store %parallel_loop3A_2089[%parallel_loop3A_2090, %parallel_loop3A_2091, %parallel_loop3A_2092], %parallel_loop3A_1924 {strides = array<i32>} : memref<1x64x512xf32, #tpu.memory_space<vmem>>, vector<16xf32>,
          %parallel_loop3A_2094 = arith.constant 1 : i32
          %parallel_loop3A_2095 = arith.addi %parallel_loop3A_410, %parallel_loop3A_2094 : i32
          %parallel_loop3A_2096 = arith.constant 16 : i32
          %parallel_loop3A_2097 = arith.muli %parallel_loop3A_2095, %parallel_loop3A_2096 : i32
          %parallel_loop3A_2098 = arith.constant 0 : i32
          %parallel_loop3A_2099 = arith.constant 43 : i32
          %parallel_loop3A_2100 = arith.constant 0 : i32
          %parallel_loop3A_2101 = arith.constant 0 : i32
          %parallel_loop3A_2102 = arith.constant 0 : i32
          %parallel_loop3A_2103 = tpu.memref_slice %run_scoped3A_15[%rem3A_322, %parallel_loop3A_2100, %parallel_loop3A_2101, %parallel_loop3A_2102] : memref<2x1x64x512xf32, #tpu.memory_space<vmem>> -> memref<1x1x64x512xf32, #tpu.memory_space<vmem>>
          %parallel_loop3A_2104 = tpu.memref_squeeze %parallel_loop3A_2103 : memref<1x1x64x512xf32, #tpu.memory_space<vmem>> -> memref<1x64x512xf32, #tpu.memory_space<vmem>>
          %parallel_loop3A_2105 = arith.index_cast %parallel_loop3A_2098 : i32 to index
          %parallel_loop3A_2106 = arith.index_cast %parallel_loop3A_2099 : i32 to index
          %parallel_loop3A_2107 = arith.index_cast %parallel_loop3A_2097 : i32 to index
          %parallel_loop3A_2108 = tpu.vector_load %parallel_loop3A_2104[%parallel_loop3A_2105, %parallel_loop3A_2106, %parallel_loop3A_2107] {strides = array<i32>} : memref<1x64x512xf32, #tpu.memory_space<vmem>>, vector<16xf32>,
          tpu.vector_store %parallel_loop3A_2104[%parallel_loop3A_2105, %parallel_loop3A_2106, %parallel_loop3A_2107], %parallel_loop3A_1928 {strides = array<i32>} : memref<1x64x512xf32, #tpu.memory_space<vmem>>, vector<16xf32>,
          %parallel_loop3A_2109 = arith.constant 1 : i32
          %parallel_loop3A_2110 = arith.addi %parallel_loop3A_410, %parallel_loop3A_2109 : i32
          %parallel_loop3A_2111 = arith.constant 16 : i32
          %parallel_loop3A_2112 = arith.muli %parallel_loop3A_2110, %parallel_loop3A_2111 : i32
          %parallel_loop3A_2113 = arith.constant 0 : i32
          %parallel_loop3A_2114 = arith.constant 44 : i32
          %parallel_loop3A_2115 = arith.constant 0 : i32
          %parallel_loop3A_2116 = arith.constant 0 : i32
          %parallel_loop3A_2117 = arith.constant 0 : i32
          %parallel_loop3A_2118 = tpu.memref_slice %run_scoped3A_15[%rem3A_322, %parallel_loop3A_2115, %parallel_loop3A_2116, %parallel_loop3A_2117] : memref<2x1x64x512xf32, #tpu.memory_space<vmem>> -> memref<1x1x64x512xf32, #tpu.memory_space<vmem>>
          %parallel_loop3A_2119 = tpu.memref_squeeze %parallel_loop3A_2118 : memref<1x1x64x512xf32, #tpu.memory_space<vmem>> -> memref<1x64x512xf32, #tpu.memory_space<vmem>>
          %parallel_loop3A_2120 = arith.index_cast %parallel_loop3A_2113 : i32 to index
          %parallel_loop3A_2121 = arith.index_cast %parallel_loop3A_2114 : i32 to index
          %parallel_loop3A_2122 = arith.index_cast %parallel_loop3A_2112 : i32 to index
          %parallel_loop3A_2123 = tpu.vector_load %parallel_loop3A_2119[%parallel_loop3A_2120, %parallel_loop3A_2121, %parallel_loop3A_2122] {strides = array<i32>} : memref<1x64x512xf32, #tpu.memory_space<vmem>>, vector<16xf32>,
          tpu.vector_store %parallel_loop3A_2119[%parallel_loop3A_2120, %parallel_loop3A_2121, %parallel_loop3A_2122], %parallel_loop3A_1932 {strides = array<i32>} : memref<1x64x512xf32, #tpu.memory_space<vmem>>, vector<16xf32>,
          %parallel_loop3A_2124 = arith.constant 1 : i32
          %parallel_loop3A_2125 = arith.addi %parallel_loop3A_410, %parallel_loop3A_2124 : i32
          %parallel_loop3A_2126 = arith.constant 16 : i32
          %parallel_loop3A_2127 = arith.muli %parallel_loop3A_2125, %parallel_loop3A_2126 : i32
          %parallel_loop3A_2128 = arith.constant 0 : i32
          %parallel_loop3A_2129 = arith.constant 45 : i32
          %parallel_loop3A_2130 = arith.constant 0 : i32
          %parallel_loop3A_2131 = arith.constant 0 : i32
          %parallel_loop3A_2132 = arith.constant 0 : i32
          %parallel_loop3A_2133 = tpu.memref_slice %run_scoped3A_15[%rem3A_322, %parallel_loop3A_2130, %parallel_loop3A_2131, %parallel_loop3A_2132] : memref<2x1x64x512xf32, #tpu.memory_space<vmem>> -> memref<1x1x64x512xf32, #tpu.memory_space<vmem>>
          %parallel_loop3A_2134 = tpu.memref_squeeze %parallel_loop3A_2133 : memref<1x1x64x512xf32, #tpu.memory_space<vmem>> -> memref<1x64x512xf32, #tpu.memory_space<vmem>>
          %parallel_loop3A_2135 = arith.index_cast %parallel_loop3A_2128 : i32 to index
          %parallel_loop3A_2136 = arith.index_cast %parallel_loop3A_2129 : i32 to index
          %parallel_loop3A_2137 = arith.index_cast %parallel_loop3A_2127 : i32 to index
          %parallel_loop3A_2138 = tpu.vector_load %parallel_loop3A_2134[%parallel_loop3A_2135, %parallel_loop3A_2136, %parallel_loop3A_2137] {strides = array<i32>} : memref<1x64x512xf32, #tpu.memory_space<vmem>>, vector<16xf32>,
          tpu.vector_store %parallel_loop3A_2134[%parallel_loop3A_2135, %parallel_loop3A_2136, %parallel_loop3A_2137], %parallel_loop3A_1936 {strides = array<i32>} : memref<1x64x512xf32, #tpu.memory_space<vmem>>, vector<16xf32>,
          %parallel_loop3A_2139 = arith.constant 1 : i32
          %parallel_loop3A_2140 = arith.addi %parallel_loop3A_410, %parallel_loop3A_2139 : i32
          %parallel_loop3A_2141 = arith.constant 16 : i32
          %parallel_loop3A_2142 = arith.muli %parallel_loop3A_2140, %parallel_loop3A_2141 : i32
          %parallel_loop3A_2143 = arith.constant 0 : i32
          %parallel_loop3A_2144 = arith.constant 46 : i32
          %parallel_loop3A_2145 = arith.constant 0 : i32
          %parallel_loop3A_2146 = arith.constant 0 : i32
          %parallel_loop3A_2147 = arith.constant 0 : i32
          %parallel_loop3A_2148 = tpu.memref_slice %run_scoped3A_15[%rem3A_322, %parallel_loop3A_2145, %parallel_loop3A_2146, %parallel_loop3A_2147] : memref<2x1x64x512xf32, #tpu.memory_space<vmem>> -> memref<1x1x64x512xf32, #tpu.memory_space<vmem>>
          %parallel_loop3A_2149 = tpu.memref_squeeze %parallel_loop3A_2148 : memref<1x1x64x512xf32, #tpu.memory_space<vmem>> -> memref<1x64x512xf32, #tpu.memory_space<vmem>>
          %parallel_loop3A_2150 = arith.index_cast %parallel_loop3A_2143 : i32 to index
          %parallel_loop3A_2151 = arith.index_cast %parallel_loop3A_2144 : i32 to index
          %parallel_loop3A_2152 = arith.index_cast %parallel_loop3A_2142 : i32 to index
          %parallel_loop3A_2153 = tpu.vector_load %parallel_loop3A_2149[%parallel_loop3A_2150, %parallel_loop3A_2151, %parallel_loop3A_2152] {strides = array<i32>} : memref<1x64x512xf32, #tpu.memory_space<vmem>>, vector<16xf32>,
          tpu.vector_store %parallel_loop3A_2149[%parallel_loop3A_2150, %parallel_loop3A_2151, %parallel_loop3A_2152], %parallel_loop3A_1940 {strides = array<i32>} : memref<1x64x512xf32, #tpu.memory_space<vmem>>, vector<16xf32>,
          %parallel_loop3A_2154 = arith.constant 1 : i32
          %parallel_loop3A_2155 = arith.addi %parallel_loop3A_410, %parallel_loop3A_2154 : i32
          %parallel_loop3A_2156 = arith.constant 16 : i32
          %parallel_loop3A_2157 = arith.muli %parallel_loop3A_2155, %parallel_loop3A_2156 : i32
          %parallel_loop3A_2158 = arith.constant 0 : i32
          %parallel_loop3A_2159 = arith.constant 47 : i32
          %parallel_loop3A_2160 = arith.constant 0 : i32
          %parallel_loop3A_2161 = arith.constant 0 : i32
          %parallel_loop3A_2162 = arith.constant 0 : i32
          %parallel_loop3A_2163 = tpu.memref_slice %run_scoped3A_15[%rem3A_322, %parallel_loop3A_2160, %parallel_loop3A_2161, %parallel_loop3A_2162] : memref<2x1x64x512xf32, #tpu.memory_space<vmem>> -> memref<1x1x64x512xf32, #tpu.memory_space<vmem>>
          %parallel_loop3A_2164 = tpu.memref_squeeze %parallel_loop3A_2163 : memref<1x1x64x512xf32, #tpu.memory_space<vmem>> -> memref<1x64x512xf32, #tpu.memory_space<vmem>>
          %parallel_loop3A_2165 = arith.index_cast %parallel_loop3A_2158 : i32 to index
          %parallel_loop3A_2166 = arith.index_cast %parallel_loop3A_2159 : i32 to index
          %parallel_loop3A_2167 = arith.index_cast %parallel_loop3A_2157 : i32 to index
          %parallel_loop3A_2168 = tpu.vector_load %parallel_loop3A_2164[%parallel_loop3A_2165, %parallel_loop3A_2166, %parallel_loop3A_2167] {strides = array<i32>} : memref<1x64x512xf32, #tpu.memory_space<vmem>>, vector<16xf32>,
          tpu.vector_store %parallel_loop3A_2164[%parallel_loop3A_2165, %parallel_loop3A_2166, %parallel_loop3A_2167], %parallel_loop3A_1944 {strides = array<i32>} : memref<1x64x512xf32, #tpu.memory_space<vmem>>, vector<16xf32>,
          %parallel_loop3A_2169 = arith.constant 48 : i32
          %parallel_loop3A_2170 = vector.broadcast %parallel_loop3A_2169 : i32 to vector<16xi32>
          %parallel_loop3A_2171 = arith.addi %parallel_loop3A_436, %parallel_loop3A_2170 : vector<16xi32>
          %parallel_loop3A_2172 = tpu.vector_load_idx %arg6[%parallel_loop3A_2171] : memref<49168xf32, #tpu.memory_space<vmem>>[vector<16xi32>], vector<16xf32>,
          %parallel_loop3A_2173 = arith.constant 49 : i32
          %parallel_loop3A_2174 = vector.broadcast %parallel_loop3A_2173 : i32 to vector<16xi32>
          %parallel_loop3A_2175 = arith.addi %parallel_loop3A_436, %parallel_loop3A_2174 : vector<16xi32>
          %parallel_loop3A_2176 = tpu.vector_load_idx %arg6[%parallel_loop3A_2175] : memref<49168xf32, #tpu.memory_space<vmem>>[vector<16xi32>], vector<16xf32>,
          %parallel_loop3A_2177 = arith.constant 50 : i32
          %parallel_loop3A_2178 = vector.broadcast %parallel_loop3A_2177 : i32 to vector<16xi32>
          %parallel_loop3A_2179 = arith.addi %parallel_loop3A_436, %parallel_loop3A_2178 : vector<16xi32>
          %parallel_loop3A_2180 = tpu.vector_load_idx %arg6[%parallel_loop3A_2179] : memref<49168xf32, #tpu.memory_space<vmem>>[vector<16xi32>], vector<16xf32>,
          %parallel_loop3A_2181 = arith.constant 51 : i32
          %parallel_loop3A_2182 = vector.broadcast %parallel_loop3A_2181 : i32 to vector<16xi32>
          %parallel_loop3A_2183 = arith.addi %parallel_loop3A_436, %parallel_loop3A_2182 : vector<16xi32>
          %parallel_loop3A_2184 = tpu.vector_load_idx %arg6[%parallel_loop3A_2183] : memref<49168xf32, #tpu.memory_space<vmem>>[vector<16xi32>], vector<16xf32>,
          %parallel_loop3A_2185 = arith.constant 52 : i32
          %parallel_loop3A_2186 = vector.broadcast %parallel_loop3A_2185 : i32 to vector<16xi32>
          %parallel_loop3A_2187 = arith.addi %parallel_loop3A_436, %parallel_loop3A_2186 : vector<16xi32>
          %parallel_loop3A_2188 = tpu.vector_load_idx %arg6[%parallel_loop3A_2187] : memref<49168xf32, #tpu.memory_space<vmem>>[vector<16xi32>], vector<16xf32>,
          %parallel_loop3A_2189 = arith.constant 53 : i32
          %parallel_loop3A_2190 = vector.broadcast %parallel_loop3A_2189 : i32 to vector<16xi32>
          %parallel_loop3A_2191 = arith.addi %parallel_loop3A_436, %parallel_loop3A_2190 : vector<16xi32>
          %parallel_loop3A_2192 = tpu.vector_load_idx %arg6[%parallel_loop3A_2191] : memref<49168xf32, #tpu.memory_space<vmem>>[vector<16xi32>], vector<16xf32>,
          %parallel_loop3A_2193 = arith.constant 54 : i32
          %parallel_loop3A_2194 = vector.broadcast %parallel_loop3A_2193 : i32 to vector<16xi32>
          %parallel_loop3A_2195 = arith.addi %parallel_loop3A_436, %parallel_loop3A_2194 : vector<16xi32>
          %parallel_loop3A_2196 = tpu.vector_load_idx %arg6[%parallel_loop3A_2195] : memref<49168xf32, #tpu.memory_space<vmem>>[vector<16xi32>], vector<16xf32>,
          %parallel_loop3A_2197 = arith.constant 55 : i32
          %parallel_loop3A_2198 = vector.broadcast %parallel_loop3A_2197 : i32 to vector<16xi32>
          %parallel_loop3A_2199 = arith.addi %parallel_loop3A_436, %parallel_loop3A_2198 : vector<16xi32>
          %parallel_loop3A_2200 = tpu.vector_load_idx %arg6[%parallel_loop3A_2199] : memref<49168xf32, #tpu.memory_space<vmem>>[vector<16xi32>], vector<16xf32>,
          %parallel_loop3A_2201 = arith.constant 48 : i32
          %parallel_loop3A_2202 = vector.broadcast %parallel_loop3A_2201 : i32 to vector<16xi32>
          %parallel_loop3A_2203 = arith.addi %parallel_loop3A_440, %parallel_loop3A_2202 : vector<16xi32>
          %parallel_loop3A_2204 = tpu.vector_load_idx %arg6[%parallel_loop3A_2203] : memref<49168xf32, #tpu.memory_space<vmem>>[vector<16xi32>], vector<16xf32>,
          %parallel_loop3A_2205 = arith.constant 49 : i32
          %parallel_loop3A_2206 = vector.broadcast %parallel_loop3A_2205 : i32 to vector<16xi32>
          %parallel_loop3A_2207 = arith.addi %parallel_loop3A_440, %parallel_loop3A_2206 : vector<16xi32>
          %parallel_loop3A_2208 = tpu.vector_load_idx %arg6[%parallel_loop3A_2207] : memref<49168xf32, #tpu.memory_space<vmem>>[vector<16xi32>], vector<16xf32>,
          %parallel_loop3A_2209 = arith.constant 50 : i32
          %parallel_loop3A_2210 = vector.broadcast %parallel_loop3A_2209 : i32 to vector<16xi32>
          %parallel_loop3A_2211 = arith.addi %parallel_loop3A_440, %parallel_loop3A_2210 : vector<16xi32>
          %parallel_loop3A_2212 = tpu.vector_load_idx %arg6[%parallel_loop3A_2211] : memref<49168xf32, #tpu.memory_space<vmem>>[vector<16xi32>], vector<16xf32>,
          %parallel_loop3A_2213 = arith.constant 51 : i32
          %parallel_loop3A_2214 = vector.broadcast %parallel_loop3A_2213 : i32 to vector<16xi32>
          %parallel_loop3A_2215 = arith.addi %parallel_loop3A_440, %parallel_loop3A_2214 : vector<16xi32>
          %parallel_loop3A_2216 = tpu.vector_load_idx %arg6[%parallel_loop3A_2215] : memref<49168xf32, #tpu.memory_space<vmem>>[vector<16xi32>], vector<16xf32>,
          %parallel_loop3A_2217 = arith.constant 52 : i32
          %parallel_loop3A_2218 = vector.broadcast %parallel_loop3A_2217 : i32 to vector<16xi32>
          %parallel_loop3A_2219 = arith.addi %parallel_loop3A_440, %parallel_loop3A_2218 : vector<16xi32>
          %parallel_loop3A_2220 = tpu.vector_load_idx %arg6[%parallel_loop3A_2219] : memref<49168xf32, #tpu.memory_space<vmem>>[vector<16xi32>], vector<16xf32>,
          %parallel_loop3A_2221 = arith.constant 53 : i32
          %parallel_loop3A_2222 = vector.broadcast %parallel_loop3A_2221 : i32 to vector<16xi32>
          %parallel_loop3A_2223 = arith.addi %parallel_loop3A_440, %parallel_loop3A_2222 : vector<16xi32>
          %parallel_loop3A_2224 = tpu.vector_load_idx %arg6[%parallel_loop3A_2223] : memref<49168xf32, #tpu.memory_space<vmem>>[vector<16xi32>], vector<16xf32>,
          %parallel_loop3A_2225 = arith.constant 54 : i32
          %parallel_loop3A_2226 = vector.broadcast %parallel_loop3A_2225 : i32 to vector<16xi32>
          %parallel_loop3A_2227 = arith.addi %parallel_loop3A_440, %parallel_loop3A_2226 : vector<16xi32>
          %parallel_loop3A_2228 = tpu.vector_load_idx %arg6[%parallel_loop3A_2227] : memref<49168xf32, #tpu.memory_space<vmem>>[vector<16xi32>], vector<16xf32>,
          %parallel_loop3A_2229 = arith.constant 55 : i32
          %parallel_loop3A_2230 = vector.broadcast %parallel_loop3A_2229 : i32 to vector<16xi32>
          %parallel_loop3A_2231 = arith.addi %parallel_loop3A_440, %parallel_loop3A_2230 : vector<16xi32>
          %parallel_loop3A_2232 = tpu.vector_load_idx %arg6[%parallel_loop3A_2231] : memref<49168xf32, #tpu.memory_space<vmem>>[vector<16xi32>], vector<16xf32>,
          %parallel_loop3A_2233 = arith.constant 16 : i32
          %parallel_loop3A_2234 = arith.muli %parallel_loop3A_410, %parallel_loop3A_2233 : i32
          %parallel_loop3A_2235 = arith.constant 0 : i32
          %parallel_loop3A_2236 = arith.constant 48 : i32
          %parallel_loop3A_2237 = arith.constant 0 : i32
          %parallel_loop3A_2238 = arith.constant 0 : i32
          %parallel_loop3A_2239 = arith.constant 0 : i32
          %parallel_loop3A_2240 = tpu.memref_slice %run_scoped3A_15[%rem3A_322, %parallel_loop3A_2237, %parallel_loop3A_2238, %parallel_loop3A_2239] : memref<2x1x64x512xf32, #tpu.memory_space<vmem>> -> memref<1x1x64x512xf32, #tpu.memory_space<vmem>>
          %parallel_loop3A_2241 = tpu.memref_squeeze %parallel_loop3A_2240 : memref<1x1x64x512xf32, #tpu.memory_space<vmem>> -> memref<1x64x512xf32, #tpu.memory_space<vmem>>
          %parallel_loop3A_2242 = arith.index_cast %parallel_loop3A_2235 : i32 to index
          %parallel_loop3A_2243 = arith.index_cast %parallel_loop3A_2236 : i32 to index
          %parallel_loop3A_2244 = arith.index_cast %parallel_loop3A_2234 : i32 to index
          %parallel_loop3A_2245 = tpu.vector_load %parallel_loop3A_2241[%parallel_loop3A_2242, %parallel_loop3A_2243, %parallel_loop3A_2244] {strides = array<i32>} : memref<1x64x512xf32, #tpu.memory_space<vmem>>, vector<16xf32>,
          tpu.vector_store %parallel_loop3A_2241[%parallel_loop3A_2242, %parallel_loop3A_2243, %parallel_loop3A_2244], %parallel_loop3A_2172 {strides = array<i32>} : memref<1x64x512xf32, #tpu.memory_space<vmem>>, vector<16xf32>,
          %parallel_loop3A_2246 = arith.constant 16 : i32
          %parallel_loop3A_2247 = arith.muli %parallel_loop3A_410, %parallel_loop3A_2246 : i32
          %parallel_loop3A_2248 = arith.constant 0 : i32
          %parallel_loop3A_2249 = arith.constant 49 : i32
          %parallel_loop3A_2250 = arith.constant 0 : i32
          %parallel_loop3A_2251 = arith.constant 0 : i32
          %parallel_loop3A_2252 = arith.constant 0 : i32
          %parallel_loop3A_2253 = tpu.memref_slice %run_scoped3A_15[%rem3A_322, %parallel_loop3A_2250, %parallel_loop3A_2251, %parallel_loop3A_2252] : memref<2x1x64x512xf32, #tpu.memory_space<vmem>> -> memref<1x1x64x512xf32, #tpu.memory_space<vmem>>
          %parallel_loop3A_2254 = tpu.memref_squeeze %parallel_loop3A_2253 : memref<1x1x64x512xf32, #tpu.memory_space<vmem>> -> memref<1x64x512xf32, #tpu.memory_space<vmem>>
          %parallel_loop3A_2255 = arith.index_cast %parallel_loop3A_2248 : i32 to index
          %parallel_loop3A_2256 = arith.index_cast %parallel_loop3A_2249 : i32 to index
          %parallel_loop3A_2257 = arith.index_cast %parallel_loop3A_2247 : i32 to index
          %parallel_loop3A_2258 = tpu.vector_load %parallel_loop3A_2254[%parallel_loop3A_2255, %parallel_loop3A_2256, %parallel_loop3A_2257] {strides = array<i32>} : memref<1x64x512xf32, #tpu.memory_space<vmem>>, vector<16xf32>,
          tpu.vector_store %parallel_loop3A_2254[%parallel_loop3A_2255, %parallel_loop3A_2256, %parallel_loop3A_2257], %parallel_loop3A_2176 {strides = array<i32>} : memref<1x64x512xf32, #tpu.memory_space<vmem>>, vector<16xf32>,
          %parallel_loop3A_2259 = arith.constant 16 : i32
          %parallel_loop3A_2260 = arith.muli %parallel_loop3A_410, %parallel_loop3A_2259 : i32
          %parallel_loop3A_2261 = arith.constant 0 : i32
          %parallel_loop3A_2262 = arith.constant 50 : i32
          %parallel_loop3A_2263 = arith.constant 0 : i32
          %parallel_loop3A_2264 = arith.constant 0 : i32
          %parallel_loop3A_2265 = arith.constant 0 : i32
          %parallel_loop3A_2266 = tpu.memref_slice %run_scoped3A_15[%rem3A_322, %parallel_loop3A_2263, %parallel_loop3A_2264, %parallel_loop3A_2265] : memref<2x1x64x512xf32, #tpu.memory_space<vmem>> -> memref<1x1x64x512xf32, #tpu.memory_space<vmem>>
          %parallel_loop3A_2267 = tpu.memref_squeeze %parallel_loop3A_2266 : memref<1x1x64x512xf32, #tpu.memory_space<vmem>> -> memref<1x64x512xf32, #tpu.memory_space<vmem>>
          %parallel_loop3A_2268 = arith.index_cast %parallel_loop3A_2261 : i32 to index
          %parallel_loop3A_2269 = arith.index_cast %parallel_loop3A_2262 : i32 to index
          %parallel_loop3A_2270 = arith.index_cast %parallel_loop3A_2260 : i32 to index
          %parallel_loop3A_2271 = tpu.vector_load %parallel_loop3A_2267[%parallel_loop3A_2268, %parallel_loop3A_2269, %parallel_loop3A_2270] {strides = array<i32>} : memref<1x64x512xf32, #tpu.memory_space<vmem>>, vector<16xf32>,
          tpu.vector_store %parallel_loop3A_2267[%parallel_loop3A_2268, %parallel_loop3A_2269, %parallel_loop3A_2270], %parallel_loop3A_2180 {strides = array<i32>} : memref<1x64x512xf32, #tpu.memory_space<vmem>>, vector<16xf32>,
          %parallel_loop3A_2272 = arith.constant 16 : i32
          %parallel_loop3A_2273 = arith.muli %parallel_loop3A_410, %parallel_loop3A_2272 : i32
          %parallel_loop3A_2274 = arith.constant 0 : i32
          %parallel_loop3A_2275 = arith.constant 51 : i32
          %parallel_loop3A_2276 = arith.constant 0 : i32
          %parallel_loop3A_2277 = arith.constant 0 : i32
          %parallel_loop3A_2278 = arith.constant 0 : i32
          %parallel_loop3A_2279 = tpu.memref_slice %run_scoped3A_15[%rem3A_322, %parallel_loop3A_2276, %parallel_loop3A_2277, %parallel_loop3A_2278] : memref<2x1x64x512xf32, #tpu.memory_space<vmem>> -> memref<1x1x64x512xf32, #tpu.memory_space<vmem>>
          %parallel_loop3A_2280 = tpu.memref_squeeze %parallel_loop3A_2279 : memref<1x1x64x512xf32, #tpu.memory_space<vmem>> -> memref<1x64x512xf32, #tpu.memory_space<vmem>>
          %parallel_loop3A_2281 = arith.index_cast %parallel_loop3A_2274 : i32 to index
          %parallel_loop3A_2282 = arith.index_cast %parallel_loop3A_2275 : i32 to index
          %parallel_loop3A_2283 = arith.index_cast %parallel_loop3A_2273 : i32 to index
          %parallel_loop3A_2284 = tpu.vector_load %parallel_loop3A_2280[%parallel_loop3A_2281, %parallel_loop3A_2282, %parallel_loop3A_2283] {strides = array<i32>} : memref<1x64x512xf32, #tpu.memory_space<vmem>>, vector<16xf32>,
          tpu.vector_store %parallel_loop3A_2280[%parallel_loop3A_2281, %parallel_loop3A_2282, %parallel_loop3A_2283], %parallel_loop3A_2184 {strides = array<i32>} : memref<1x64x512xf32, #tpu.memory_space<vmem>>, vector<16xf32>,
          %parallel_loop3A_2285 = arith.constant 16 : i32
          %parallel_loop3A_2286 = arith.muli %parallel_loop3A_410, %parallel_loop3A_2285 : i32
          %parallel_loop3A_2287 = arith.constant 0 : i32
          %parallel_loop3A_2288 = arith.constant 52 : i32
          %parallel_loop3A_2289 = arith.constant 0 : i32
          %parallel_loop3A_2290 = arith.constant 0 : i32
          %parallel_loop3A_2291 = arith.constant 0 : i32
          %parallel_loop3A_2292 = tpu.memref_slice %run_scoped3A_15[%rem3A_322, %parallel_loop3A_2289, %parallel_loop3A_2290, %parallel_loop3A_2291] : memref<2x1x64x512xf32, #tpu.memory_space<vmem>> -> memref<1x1x64x512xf32, #tpu.memory_space<vmem>>
          %parallel_loop3A_2293 = tpu.memref_squeeze %parallel_loop3A_2292 : memref<1x1x64x512xf32, #tpu.memory_space<vmem>> -> memref<1x64x512xf32, #tpu.memory_space<vmem>>
          %parallel_loop3A_2294 = arith.index_cast %parallel_loop3A_2287 : i32 to index
          %parallel_loop3A_2295 = arith.index_cast %parallel_loop3A_2288 : i32 to index
          %parallel_loop3A_2296 = arith.index_cast %parallel_loop3A_2286 : i32 to index
          %parallel_loop3A_2297 = tpu.vector_load %parallel_loop3A_2293[%parallel_loop3A_2294, %parallel_loop3A_2295, %parallel_loop3A_2296] {strides = array<i32>} : memref<1x64x512xf32, #tpu.memory_space<vmem>>, vector<16xf32>,
          tpu.vector_store %parallel_loop3A_2293[%parallel_loop3A_2294, %parallel_loop3A_2295, %parallel_loop3A_2296], %parallel_loop3A_2188 {strides = array<i32>} : memref<1x64x512xf32, #tpu.memory_space<vmem>>, vector<16xf32>,
          %parallel_loop3A_2298 = arith.constant 16 : i32
          %parallel_loop3A_2299 = arith.muli %parallel_loop3A_410, %parallel_loop3A_2298 : i32
          %parallel_loop3A_2300 = arith.constant 0 : i32
          %parallel_loop3A_2301 = arith.constant 53 : i32
          %parallel_loop3A_2302 = arith.constant 0 : i32
          %parallel_loop3A_2303 = arith.constant 0 : i32
          %parallel_loop3A_2304 = arith.constant 0 : i32
          %parallel_loop3A_2305 = tpu.memref_slice %run_scoped3A_15[%rem3A_322, %parallel_loop3A_2302, %parallel_loop3A_2303, %parallel_loop3A_2304] : memref<2x1x64x512xf32, #tpu.memory_space<vmem>> -> memref<1x1x64x512xf32, #tpu.memory_space<vmem>>
          %parallel_loop3A_2306 = tpu.memref_squeeze %parallel_loop3A_2305 : memref<1x1x64x512xf32, #tpu.memory_space<vmem>> -> memref<1x64x512xf32, #tpu.memory_space<vmem>>
          %parallel_loop3A_2307 = arith.index_cast %parallel_loop3A_2300 : i32 to index
          %parallel_loop3A_2308 = arith.index_cast %parallel_loop3A_2301 : i32 to index
          %parallel_loop3A_2309 = arith.index_cast %parallel_loop3A_2299 : i32 to index
          %parallel_loop3A_2310 = tpu.vector_load %parallel_loop3A_2306[%parallel_loop3A_2307, %parallel_loop3A_2308, %parallel_loop3A_2309] {strides = array<i32>} : memref<1x64x512xf32, #tpu.memory_space<vmem>>, vector<16xf32>,
          tpu.vector_store %parallel_loop3A_2306[%parallel_loop3A_2307, %parallel_loop3A_2308, %parallel_loop3A_2309], %parallel_loop3A_2192 {strides = array<i32>} : memref<1x64x512xf32, #tpu.memory_space<vmem>>, vector<16xf32>,
          %parallel_loop3A_2311 = arith.constant 16 : i32
          %parallel_loop3A_2312 = arith.muli %parallel_loop3A_410, %parallel_loop3A_2311 : i32
          %parallel_loop3A_2313 = arith.constant 0 : i32
          %parallel_loop3A_2314 = arith.constant 54 : i32
          %parallel_loop3A_2315 = arith.constant 0 : i32
          %parallel_loop3A_2316 = arith.constant 0 : i32
          %parallel_loop3A_2317 = arith.constant 0 : i32
          %parallel_loop3A_2318 = tpu.memref_slice %run_scoped3A_15[%rem3A_322, %parallel_loop3A_2315, %parallel_loop3A_2316, %parallel_loop3A_2317] : memref<2x1x64x512xf32, #tpu.memory_space<vmem>> -> memref<1x1x64x512xf32, #tpu.memory_space<vmem>>
          %parallel_loop3A_2319 = tpu.memref_squeeze %parallel_loop3A_2318 : memref<1x1x64x512xf32, #tpu.memory_space<vmem>> -> memref<1x64x512xf32, #tpu.memory_space<vmem>>
          %parallel_loop3A_2320 = arith.index_cast %parallel_loop3A_2313 : i32 to index
          %parallel_loop3A_2321 = arith.index_cast %parallel_loop3A_2314 : i32 to index
          %parallel_loop3A_2322 = arith.index_cast %parallel_loop3A_2312 : i32 to index
          %parallel_loop3A_2323 = tpu.vector_load %parallel_loop3A_2319[%parallel_loop3A_2320, %parallel_loop3A_2321, %parallel_loop3A_2322] {strides = array<i32>} : memref<1x64x512xf32, #tpu.memory_space<vmem>>, vector<16xf32>,
          tpu.vector_store %parallel_loop3A_2319[%parallel_loop3A_2320, %parallel_loop3A_2321, %parallel_loop3A_2322], %parallel_loop3A_2196 {strides = array<i32>} : memref<1x64x512xf32, #tpu.memory_space<vmem>>, vector<16xf32>,
          %parallel_loop3A_2324 = arith.constant 16 : i32
          %parallel_loop3A_2325 = arith.muli %parallel_loop3A_410, %parallel_loop3A_2324 : i32
          %parallel_loop3A_2326 = arith.constant 0 : i32
          %parallel_loop3A_2327 = arith.constant 55 : i32
          %parallel_loop3A_2328 = arith.constant 0 : i32
          %parallel_loop3A_2329 = arith.constant 0 : i32
          %parallel_loop3A_2330 = arith.constant 0 : i32
          %parallel_loop3A_2331 = tpu.memref_slice %run_scoped3A_15[%rem3A_322, %parallel_loop3A_2328, %parallel_loop3A_2329, %parallel_loop3A_2330] : memref<2x1x64x512xf32, #tpu.memory_space<vmem>> -> memref<1x1x64x512xf32, #tpu.memory_space<vmem>>
          %parallel_loop3A_2332 = tpu.memref_squeeze %parallel_loop3A_2331 : memref<1x1x64x512xf32, #tpu.memory_space<vmem>> -> memref<1x64x512xf32, #tpu.memory_space<vmem>>
          %parallel_loop3A_2333 = arith.index_cast %parallel_loop3A_2326 : i32 to index
          %parallel_loop3A_2334 = arith.index_cast %parallel_loop3A_2327 : i32 to index
          %parallel_loop3A_2335 = arith.index_cast %parallel_loop3A_2325 : i32 to index
          %parallel_loop3A_2336 = tpu.vector_load %parallel_loop3A_2332[%parallel_loop3A_2333, %parallel_loop3A_2334, %parallel_loop3A_2335] {strides = array<i32>} : memref<1x64x512xf32, #tpu.memory_space<vmem>>, vector<16xf32>,
          tpu.vector_store %parallel_loop3A_2332[%parallel_loop3A_2333, %parallel_loop3A_2334, %parallel_loop3A_2335], %parallel_loop3A_2200 {strides = array<i32>} : memref<1x64x512xf32, #tpu.memory_space<vmem>>, vector<16xf32>,
          %parallel_loop3A_2337 = arith.constant 1 : i32
          %parallel_loop3A_2338 = arith.addi %parallel_loop3A_410, %parallel_loop3A_2337 : i32
          %parallel_loop3A_2339 = arith.constant 16 : i32
          %parallel_loop3A_2340 = arith.muli %parallel_loop3A_2338, %parallel_loop3A_2339 : i32
          %parallel_loop3A_2341 = arith.constant 0 : i32
          %parallel_loop3A_2342 = arith.constant 48 : i32
          %parallel_loop3A_2343 = arith.constant 0 : i32
          %parallel_loop3A_2344 = arith.constant 0 : i32
          %parallel_loop3A_2345 = arith.constant 0 : i32
          %parallel_loop3A_2346 = tpu.memref_slice %run_scoped3A_15[%rem3A_322, %parallel_loop3A_2343, %parallel_loop3A_2344, %parallel_loop3A_2345] : memref<2x1x64x512xf32, #tpu.memory_space<vmem>> -> memref<1x1x64x512xf32, #tpu.memory_space<vmem>>
          %parallel_loop3A_2347 = tpu.memref_squeeze %parallel_loop3A_2346 : memref<1x1x64x512xf32, #tpu.memory_space<vmem>> -> memref<1x64x512xf32, #tpu.memory_space<vmem>>
          %parallel_loop3A_2348 = arith.index_cast %parallel_loop3A_2341 : i32 to index
          %parallel_loop3A_2349 = arith.index_cast %parallel_loop3A_2342 : i32 to index
          %parallel_loop3A_2350 = arith.index_cast %parallel_loop3A_2340 : i32 to index
          %parallel_loop3A_2351 = tpu.vector_load %parallel_loop3A_2347[%parallel_loop3A_2348, %parallel_loop3A_2349, %parallel_loop3A_2350] {strides = array<i32>} : memref<1x64x512xf32, #tpu.memory_space<vmem>>, vector<16xf32>,
          tpu.vector_store %parallel_loop3A_2347[%parallel_loop3A_2348, %parallel_loop3A_2349, %parallel_loop3A_2350], %parallel_loop3A_2204 {strides = array<i32>} : memref<1x64x512xf32, #tpu.memory_space<vmem>>, vector<16xf32>,
          %parallel_loop3A_2352 = arith.constant 1 : i32
          %parallel_loop3A_2353 = arith.addi %parallel_loop3A_410, %parallel_loop3A_2352 : i32
          %parallel_loop3A_2354 = arith.constant 16 : i32
          %parallel_loop3A_2355 = arith.muli %parallel_loop3A_2353, %parallel_loop3A_2354 : i32
          %parallel_loop3A_2356 = arith.constant 0 : i32
          %parallel_loop3A_2357 = arith.constant 49 : i32
          %parallel_loop3A_2358 = arith.constant 0 : i32
          %parallel_loop3A_2359 = arith.constant 0 : i32
          %parallel_loop3A_2360 = arith.constant 0 : i32
          %parallel_loop3A_2361 = tpu.memref_slice %run_scoped3A_15[%rem3A_322, %parallel_loop3A_2358, %parallel_loop3A_2359, %parallel_loop3A_2360] : memref<2x1x64x512xf32, #tpu.memory_space<vmem>> -> memref<1x1x64x512xf32, #tpu.memory_space<vmem>>
          %parallel_loop3A_2362 = tpu.memref_squeeze %parallel_loop3A_2361 : memref<1x1x64x512xf32, #tpu.memory_space<vmem>> -> memref<1x64x512xf32, #tpu.memory_space<vmem>>
          %parallel_loop3A_2363 = arith.index_cast %parallel_loop3A_2356 : i32 to index
          %parallel_loop3A_2364 = arith.index_cast %parallel_loop3A_2357 : i32 to index
          %parallel_loop3A_2365 = arith.index_cast %parallel_loop3A_2355 : i32 to index
          %parallel_loop3A_2366 = tpu.vector_load %parallel_loop3A_2362[%parallel_loop3A_2363, %parallel_loop3A_2364, %parallel_loop3A_2365] {strides = array<i32>} : memref<1x64x512xf32, #tpu.memory_space<vmem>>, vector<16xf32>,
          tpu.vector_store %parallel_loop3A_2362[%parallel_loop3A_2363, %parallel_loop3A_2364, %parallel_loop3A_2365], %parallel_loop3A_2208 {strides = array<i32>} : memref<1x64x512xf32, #tpu.memory_space<vmem>>, vector<16xf32>,
          %parallel_loop3A_2367 = arith.constant 1 : i32
          %parallel_loop3A_2368 = arith.addi %parallel_loop3A_410, %parallel_loop3A_2367 : i32
          %parallel_loop3A_2369 = arith.constant 16 : i32
          %parallel_loop3A_2370 = arith.muli %parallel_loop3A_2368, %parallel_loop3A_2369 : i32
          %parallel_loop3A_2371 = arith.constant 0 : i32
          %parallel_loop3A_2372 = arith.constant 50 : i32
          %parallel_loop3A_2373 = arith.constant 0 : i32
          %parallel_loop3A_2374 = arith.constant 0 : i32
          %parallel_loop3A_2375 = arith.constant 0 : i32
          %parallel_loop3A_2376 = tpu.memref_slice %run_scoped3A_15[%rem3A_322, %parallel_loop3A_2373, %parallel_loop3A_2374, %parallel_loop3A_2375] : memref<2x1x64x512xf32, #tpu.memory_space<vmem>> -> memref<1x1x64x512xf32, #tpu.memory_space<vmem>>
          %parallel_loop3A_2377 = tpu.memref_squeeze %parallel_loop3A_2376 : memref<1x1x64x512xf32, #tpu.memory_space<vmem>> -> memref<1x64x512xf32, #tpu.memory_space<vmem>>
          %parallel_loop3A_2378 = arith.index_cast %parallel_loop3A_2371 : i32 to index
          %parallel_loop3A_2379 = arith.index_cast %parallel_loop3A_2372 : i32 to index
          %parallel_loop3A_2380 = arith.index_cast %parallel_loop3A_2370 : i32 to index
          %parallel_loop3A_2381 = tpu.vector_load %parallel_loop3A_2377[%parallel_loop3A_2378, %parallel_loop3A_2379, %parallel_loop3A_2380] {strides = array<i32>} : memref<1x64x512xf32, #tpu.memory_space<vmem>>, vector<16xf32>,
          tpu.vector_store %parallel_loop3A_2377[%parallel_loop3A_2378, %parallel_loop3A_2379, %parallel_loop3A_2380], %parallel_loop3A_2212 {strides = array<i32>} : memref<1x64x512xf32, #tpu.memory_space<vmem>>, vector<16xf32>,
          %parallel_loop3A_2382 = arith.constant 1 : i32
          %parallel_loop3A_2383 = arith.addi %parallel_loop3A_410, %parallel_loop3A_2382 : i32
          %parallel_loop3A_2384 = arith.constant 16 : i32
          %parallel_loop3A_2385 = arith.muli %parallel_loop3A_2383, %parallel_loop3A_2384 : i32
          %parallel_loop3A_2386 = arith.constant 0 : i32
          %parallel_loop3A_2387 = arith.constant 51 : i32
          %parallel_loop3A_2388 = arith.constant 0 : i32
          %parallel_loop3A_2389 = arith.constant 0 : i32
          %parallel_loop3A_2390 = arith.constant 0 : i32
          %parallel_loop3A_2391 = tpu.memref_slice %run_scoped3A_15[%rem3A_322, %parallel_loop3A_2388, %parallel_loop3A_2389, %parallel_loop3A_2390] : memref<2x1x64x512xf32, #tpu.memory_space<vmem>> -> memref<1x1x64x512xf32, #tpu.memory_space<vmem>>
          %parallel_loop3A_2392 = tpu.memref_squeeze %parallel_loop3A_2391 : memref<1x1x64x512xf32, #tpu.memory_space<vmem>> -> memref<1x64x512xf32, #tpu.memory_space<vmem>>
          %parallel_loop3A_2393 = arith.index_cast %parallel_loop3A_2386 : i32 to index
          %parallel_loop3A_2394 = arith.index_cast %parallel_loop3A_2387 : i32 to index
          %parallel_loop3A_2395 = arith.index_cast %parallel_loop3A_2385 : i32 to index
          %parallel_loop3A_2396 = tpu.vector_load %parallel_loop3A_2392[%parallel_loop3A_2393, %parallel_loop3A_2394, %parallel_loop3A_2395] {strides = array<i32>} : memref<1x64x512xf32, #tpu.memory_space<vmem>>, vector<16xf32>,
          tpu.vector_store %parallel_loop3A_2392[%parallel_loop3A_2393, %parallel_loop3A_2394, %parallel_loop3A_2395], %parallel_loop3A_2216 {strides = array<i32>} : memref<1x64x512xf32, #tpu.memory_space<vmem>>, vector<16xf32>,
          %parallel_loop3A_2397 = arith.constant 1 : i32
          %parallel_loop3A_2398 = arith.addi %parallel_loop3A_410, %parallel_loop3A_2397 : i32
          %parallel_loop3A_2399 = arith.constant 16 : i32
          %parallel_loop3A_2400 = arith.muli %parallel_loop3A_2398, %parallel_loop3A_2399 : i32
          %parallel_loop3A_2401 = arith.constant 0 : i32
          %parallel_loop3A_2402 = arith.constant 52 : i32
          %parallel_loop3A_2403 = arith.constant 0 : i32
          %parallel_loop3A_2404 = arith.constant 0 : i32
          %parallel_loop3A_2405 = arith.constant 0 : i32
          %parallel_loop3A_2406 = tpu.memref_slice %run_scoped3A_15[%rem3A_322, %parallel_loop3A_2403, %parallel_loop3A_2404, %parallel_loop3A_2405] : memref<2x1x64x512xf32, #tpu.memory_space<vmem>> -> memref<1x1x64x512xf32, #tpu.memory_space<vmem>>
          %parallel_loop3A_2407 = tpu.memref_squeeze %parallel_loop3A_2406 : memref<1x1x64x512xf32, #tpu.memory_space<vmem>> -> memref<1x64x512xf32, #tpu.memory_space<vmem>>
          %parallel_loop3A_2408 = arith.index_cast %parallel_loop3A_2401 : i32 to index
          %parallel_loop3A_2409 = arith.index_cast %parallel_loop3A_2402 : i32 to index
          %parallel_loop3A_2410 = arith.index_cast %parallel_loop3A_2400 : i32 to index
          %parallel_loop3A_2411 = tpu.vector_load %parallel_loop3A_2407[%parallel_loop3A_2408, %parallel_loop3A_2409, %parallel_loop3A_2410] {strides = array<i32>} : memref<1x64x512xf32, #tpu.memory_space<vmem>>, vector<16xf32>,
          tpu.vector_store %parallel_loop3A_2407[%parallel_loop3A_2408, %parallel_loop3A_2409, %parallel_loop3A_2410], %parallel_loop3A_2220 {strides = array<i32>} : memref<1x64x512xf32, #tpu.memory_space<vmem>>, vector<16xf32>,
          %parallel_loop3A_2412 = arith.constant 1 : i32
          %parallel_loop3A_2413 = arith.addi %parallel_loop3A_410, %parallel_loop3A_2412 : i32
          %parallel_loop3A_2414 = arith.constant 16 : i32
          %parallel_loop3A_2415 = arith.muli %parallel_loop3A_2413, %parallel_loop3A_2414 : i32
          %parallel_loop3A_2416 = arith.constant 0 : i32
          %parallel_loop3A_2417 = arith.constant 53 : i32
          %parallel_loop3A_2418 = arith.constant 0 : i32
          %parallel_loop3A_2419 = arith.constant 0 : i32
          %parallel_loop3A_2420 = arith.constant 0 : i32
          %parallel_loop3A_2421 = tpu.memref_slice %run_scoped3A_15[%rem3A_322, %parallel_loop3A_2418, %parallel_loop3A_2419, %parallel_loop3A_2420] : memref<2x1x64x512xf32, #tpu.memory_space<vmem>> -> memref<1x1x64x512xf32, #tpu.memory_space<vmem>>
          %parallel_loop3A_2422 = tpu.memref_squeeze %parallel_loop3A_2421 : memref<1x1x64x512xf32, #tpu.memory_space<vmem>> -> memref<1x64x512xf32, #tpu.memory_space<vmem>>
          %parallel_loop3A_2423 = arith.index_cast %parallel_loop3A_2416 : i32 to index
          %parallel_loop3A_2424 = arith.index_cast %parallel_loop3A_2417 : i32 to index
          %parallel_loop3A_2425 = arith.index_cast %parallel_loop3A_2415 : i32 to index
          %parallel_loop3A_2426 = tpu.vector_load %parallel_loop3A_2422[%parallel_loop3A_2423, %parallel_loop3A_2424, %parallel_loop3A_2425] {strides = array<i32>} : memref<1x64x512xf32, #tpu.memory_space<vmem>>, vector<16xf32>,
          tpu.vector_store %parallel_loop3A_2422[%parallel_loop3A_2423, %parallel_loop3A_2424, %parallel_loop3A_2425], %parallel_loop3A_2224 {strides = array<i32>} : memref<1x64x512xf32, #tpu.memory_space<vmem>>, vector<16xf32>,
          %parallel_loop3A_2427 = arith.constant 1 : i32
          %parallel_loop3A_2428 = arith.addi %parallel_loop3A_410, %parallel_loop3A_2427 : i32
          %parallel_loop3A_2429 = arith.constant 16 : i32
          %parallel_loop3A_2430 = arith.muli %parallel_loop3A_2428, %parallel_loop3A_2429 : i32
          %parallel_loop3A_2431 = arith.constant 0 : i32
          %parallel_loop3A_2432 = arith.constant 54 : i32
          %parallel_loop3A_2433 = arith.constant 0 : i32
          %parallel_loop3A_2434 = arith.constant 0 : i32
          %parallel_loop3A_2435 = arith.constant 0 : i32
          %parallel_loop3A_2436 = tpu.memref_slice %run_scoped3A_15[%rem3A_322, %parallel_loop3A_2433, %parallel_loop3A_2434, %parallel_loop3A_2435] : memref<2x1x64x512xf32, #tpu.memory_space<vmem>> -> memref<1x1x64x512xf32, #tpu.memory_space<vmem>>
          %parallel_loop3A_2437 = tpu.memref_squeeze %parallel_loop3A_2436 : memref<1x1x64x512xf32, #tpu.memory_space<vmem>> -> memref<1x64x512xf32, #tpu.memory_space<vmem>>
          %parallel_loop3A_2438 = arith.index_cast %parallel_loop3A_2431 : i32 to index
          %parallel_loop3A_2439 = arith.index_cast %parallel_loop3A_2432 : i32 to index
          %parallel_loop3A_2440 = arith.index_cast %parallel_loop3A_2430 : i32 to index
          %parallel_loop3A_2441 = tpu.vector_load %parallel_loop3A_2437[%parallel_loop3A_2438, %parallel_loop3A_2439, %parallel_loop3A_2440] {strides = array<i32>} : memref<1x64x512xf32, #tpu.memory_space<vmem>>, vector<16xf32>,
          tpu.vector_store %parallel_loop3A_2437[%parallel_loop3A_2438, %parallel_loop3A_2439, %parallel_loop3A_2440], %parallel_loop3A_2228 {strides = array<i32>} : memref<1x64x512xf32, #tpu.memory_space<vmem>>, vector<16xf32>,
          %parallel_loop3A_2442 = arith.constant 1 : i32
          %parallel_loop3A_2443 = arith.addi %parallel_loop3A_410, %parallel_loop3A_2442 : i32
          %parallel_loop3A_2444 = arith.constant 16 : i32
          %parallel_loop3A_2445 = arith.muli %parallel_loop3A_2443, %parallel_loop3A_2444 : i32
          %parallel_loop3A_2446 = arith.constant 0 : i32
          %parallel_loop3A_2447 = arith.constant 55 : i32
          %parallel_loop3A_2448 = arith.constant 0 : i32
          %parallel_loop3A_2449 = arith.constant 0 : i32
          %parallel_loop3A_2450 = arith.constant 0 : i32
          %parallel_loop3A_2451 = tpu.memref_slice %run_scoped3A_15[%rem3A_322, %parallel_loop3A_2448, %parallel_loop3A_2449, %parallel_loop3A_2450] : memref<2x1x64x512xf32, #tpu.memory_space<vmem>> -> memref<1x1x64x512xf32, #tpu.memory_space<vmem>>
          %parallel_loop3A_2452 = tpu.memref_squeeze %parallel_loop3A_2451 : memref<1x1x64x512xf32, #tpu.memory_space<vmem>> -> memref<1x64x512xf32, #tpu.memory_space<vmem>>
          %parallel_loop3A_2453 = arith.index_cast %parallel_loop3A_2446 : i32 to index
          %parallel_loop3A_2454 = arith.index_cast %parallel_loop3A_2447 : i32 to index
          %parallel_loop3A_2455 = arith.index_cast %parallel_loop3A_2445 : i32 to index
          %parallel_loop3A_2456 = tpu.vector_load %parallel_loop3A_2452[%parallel_loop3A_2453, %parallel_loop3A_2454, %parallel_loop3A_2455] {strides = array<i32>} : memref<1x64x512xf32, #tpu.memory_space<vmem>>, vector<16xf32>,
          tpu.vector_store %parallel_loop3A_2452[%parallel_loop3A_2453, %parallel_loop3A_2454, %parallel_loop3A_2455], %parallel_loop3A_2232 {strides = array<i32>} : memref<1x64x512xf32, #tpu.memory_space<vmem>>, vector<16xf32>,
          %parallel_loop3A_2457 = arith.constant 56 : i32
          %parallel_loop3A_2458 = vector.broadcast %parallel_loop3A_2457 : i32 to vector<16xi32>
          %parallel_loop3A_2459 = arith.addi %parallel_loop3A_436, %parallel_loop3A_2458 : vector<16xi32>
          %parallel_loop3A_2460 = tpu.vector_load_idx %arg6[%parallel_loop3A_2459] : memref<49168xf32, #tpu.memory_space<vmem>>[vector<16xi32>], vector<16xf32>,
          %parallel_loop3A_2461 = arith.constant 57 : i32
          %parallel_loop3A_2462 = vector.broadcast %parallel_loop3A_2461 : i32 to vector<16xi32>
          %parallel_loop3A_2463 = arith.addi %parallel_loop3A_436, %parallel_loop3A_2462 : vector<16xi32>
          %parallel_loop3A_2464 = tpu.vector_load_idx %arg6[%parallel_loop3A_2463] : memref<49168xf32, #tpu.memory_space<vmem>>[vector<16xi32>], vector<16xf32>,
          %parallel_loop3A_2465 = arith.constant 58 : i32
          %parallel_loop3A_2466 = vector.broadcast %parallel_loop3A_2465 : i32 to vector<16xi32>
          %parallel_loop3A_2467 = arith.addi %parallel_loop3A_436, %parallel_loop3A_2466 : vector<16xi32>
          %parallel_loop3A_2468 = tpu.vector_load_idx %arg6[%parallel_loop3A_2467] : memref<49168xf32, #tpu.memory_space<vmem>>[vector<16xi32>], vector<16xf32>,
          %parallel_loop3A_2469 = arith.constant 59 : i32
          %parallel_loop3A_2470 = vector.broadcast %parallel_loop3A_2469 : i32 to vector<16xi32>
          %parallel_loop3A_2471 = arith.addi %parallel_loop3A_436, %parallel_loop3A_2470 : vector<16xi32>
          %parallel_loop3A_2472 = tpu.vector_load_idx %arg6[%parallel_loop3A_2471] : memref<49168xf32, #tpu.memory_space<vmem>>[vector<16xi32>], vector<16xf32>,
          %parallel_loop3A_2473 = arith.constant 60 : i32
          %parallel_loop3A_2474 = vector.broadcast %parallel_loop3A_2473 : i32 to vector<16xi32>
          %parallel_loop3A_2475 = arith.addi %parallel_loop3A_436, %parallel_loop3A_2474 : vector<16xi32>
          %parallel_loop3A_2476 = tpu.vector_load_idx %arg6[%parallel_loop3A_2475] : memref<49168xf32, #tpu.memory_space<vmem>>[vector<16xi32>], vector<16xf32>,
          %parallel_loop3A_2477 = arith.constant 61 : i32
          %parallel_loop3A_2478 = vector.broadcast %parallel_loop3A_2477 : i32 to vector<16xi32>
          %parallel_loop3A_2479 = arith.addi %parallel_loop3A_436, %parallel_loop3A_2478 : vector<16xi32>
          %parallel_loop3A_2480 = tpu.vector_load_idx %arg6[%parallel_loop3A_2479] : memref<49168xf32, #tpu.memory_space<vmem>>[vector<16xi32>], vector<16xf32>,
          %parallel_loop3A_2481 = arith.constant 62 : i32
          %parallel_loop3A_2482 = vector.broadcast %parallel_loop3A_2481 : i32 to vector<16xi32>
          %parallel_loop3A_2483 = arith.addi %parallel_loop3A_436, %parallel_loop3A_2482 : vector<16xi32>
          %parallel_loop3A_2484 = tpu.vector_load_idx %arg6[%parallel_loop3A_2483] : memref<49168xf32, #tpu.memory_space<vmem>>[vector<16xi32>], vector<16xf32>,
          %parallel_loop3A_2485 = arith.constant 63 : i32
          %parallel_loop3A_2486 = vector.broadcast %parallel_loop3A_2485 : i32 to vector<16xi32>
          %parallel_loop3A_2487 = arith.addi %parallel_loop3A_436, %parallel_loop3A_2486 : vector<16xi32>
          %parallel_loop3A_2488 = tpu.vector_load_idx %arg6[%parallel_loop3A_2487] : memref<49168xf32, #tpu.memory_space<vmem>>[vector<16xi32>], vector<16xf32>,
          %parallel_loop3A_2489 = arith.constant 56 : i32
          %parallel_loop3A_2490 = vector.broadcast %parallel_loop3A_2489 : i32 to vector<16xi32>
          %parallel_loop3A_2491 = arith.addi %parallel_loop3A_440, %parallel_loop3A_2490 : vector<16xi32>
          %parallel_loop3A_2492 = tpu.vector_load_idx %arg6[%parallel_loop3A_2491] : memref<49168xf32, #tpu.memory_space<vmem>>[vector<16xi32>], vector<16xf32>,
          %parallel_loop3A_2493 = arith.constant 57 : i32
          %parallel_loop3A_2494 = vector.broadcast %parallel_loop3A_2493 : i32 to vector<16xi32>
          %parallel_loop3A_2495 = arith.addi %parallel_loop3A_440, %parallel_loop3A_2494 : vector<16xi32>
          %parallel_loop3A_2496 = tpu.vector_load_idx %arg6[%parallel_loop3A_2495] : memref<49168xf32, #tpu.memory_space<vmem>>[vector<16xi32>], vector<16xf32>,
          %parallel_loop3A_2497 = arith.constant 58 : i32
          %parallel_loop3A_2498 = vector.broadcast %parallel_loop3A_2497 : i32 to vector<16xi32>
          %parallel_loop3A_2499 = arith.addi %parallel_loop3A_440, %parallel_loop3A_2498 : vector<16xi32>
          %parallel_loop3A_2500 = tpu.vector_load_idx %arg6[%parallel_loop3A_2499] : memref<49168xf32, #tpu.memory_space<vmem>>[vector<16xi32>], vector<16xf32>,
          %parallel_loop3A_2501 = arith.constant 59 : i32
          %parallel_loop3A_2502 = vector.broadcast %parallel_loop3A_2501 : i32 to vector<16xi32>
          %parallel_loop3A_2503 = arith.addi %parallel_loop3A_440, %parallel_loop3A_2502 : vector<16xi32>
          %parallel_loop3A_2504 = tpu.vector_load_idx %arg6[%parallel_loop3A_2503] : memref<49168xf32, #tpu.memory_space<vmem>>[vector<16xi32>], vector<16xf32>,
          %parallel_loop3A_2505 = arith.constant 60 : i32
          %parallel_loop3A_2506 = vector.broadcast %parallel_loop3A_2505 : i32 to vector<16xi32>
          %parallel_loop3A_2507 = arith.addi %parallel_loop3A_440, %parallel_loop3A_2506 : vector<16xi32>
          %parallel_loop3A_2508 = tpu.vector_load_idx %arg6[%parallel_loop3A_2507] : memref<49168xf32, #tpu.memory_space<vmem>>[vector<16xi32>], vector<16xf32>,
          %parallel_loop3A_2509 = arith.constant 61 : i32
          %parallel_loop3A_2510 = vector.broadcast %parallel_loop3A_2509 : i32 to vector<16xi32>
          %parallel_loop3A_2511 = arith.addi %parallel_loop3A_440, %parallel_loop3A_2510 : vector<16xi32>
          %parallel_loop3A_2512 = tpu.vector_load_idx %arg6[%parallel_loop3A_2511] : memref<49168xf32, #tpu.memory_space<vmem>>[vector<16xi32>], vector<16xf32>,
          %parallel_loop3A_2513 = arith.constant 62 : i32
          %parallel_loop3A_2514 = vector.broadcast %parallel_loop3A_2513 : i32 to vector<16xi32>
          %parallel_loop3A_2515 = arith.addi %parallel_loop3A_440, %parallel_loop3A_2514 : vector<16xi32>
          %parallel_loop3A_2516 = tpu.vector_load_idx %arg6[%parallel_loop3A_2515] : memref<49168xf32, #tpu.memory_space<vmem>>[vector<16xi32>], vector<16xf32>,
          %parallel_loop3A_2517 = arith.constant 63 : i32
          %parallel_loop3A_2518 = vector.broadcast %parallel_loop3A_2517 : i32 to vector<16xi32>
          %parallel_loop3A_2519 = arith.addi %parallel_loop3A_440, %parallel_loop3A_2518 : vector<16xi32>
          %parallel_loop3A_2520 = tpu.vector_load_idx %arg6[%parallel_loop3A_2519] : memref<49168xf32, #tpu.memory_space<vmem>>[vector<16xi32>], vector<16xf32>,
          %parallel_loop3A_2521 = arith.constant 16 : i32
          %parallel_loop3A_2522 = arith.muli %parallel_loop3A_410, %parallel_loop3A_2521 : i32
          %parallel_loop3A_2523 = arith.constant 0 : i32
          %parallel_loop3A_2524 = arith.constant 56 : i32
          %parallel_loop3A_2525 = arith.constant 0 : i32
          %parallel_loop3A_2526 = arith.constant 0 : i32
          %parallel_loop3A_2527 = arith.constant 0 : i32
          %parallel_loop3A_2528 = tpu.memref_slice %run_scoped3A_15[%rem3A_322, %parallel_loop3A_2525, %parallel_loop3A_2526, %parallel_loop3A_2527] : memref<2x1x64x512xf32, #tpu.memory_space<vmem>> -> memref<1x1x64x512xf32, #tpu.memory_space<vmem>>
          %parallel_loop3A_2529 = tpu.memref_squeeze %parallel_loop3A_2528 : memref<1x1x64x512xf32, #tpu.memory_space<vmem>> -> memref<1x64x512xf32, #tpu.memory_space<vmem>>
          %parallel_loop3A_2530 = arith.index_cast %parallel_loop3A_2523 : i32 to index
          %parallel_loop3A_2531 = arith.index_cast %parallel_loop3A_2524 : i32 to index
          %parallel_loop3A_2532 = arith.index_cast %parallel_loop3A_2522 : i32 to index
          %parallel_loop3A_2533 = tpu.vector_load %parallel_loop3A_2529[%parallel_loop3A_2530, %parallel_loop3A_2531, %parallel_loop3A_2532] {strides = array<i32>} : memref<1x64x512xf32, #tpu.memory_space<vmem>>, vector<16xf32>,
          tpu.vector_store %parallel_loop3A_2529[%parallel_loop3A_2530, %parallel_loop3A_2531, %parallel_loop3A_2532], %parallel_loop3A_2460 {strides = array<i32>} : memref<1x64x512xf32, #tpu.memory_space<vmem>>, vector<16xf32>,
          %parallel_loop3A_2534 = arith.constant 16 : i32
          %parallel_loop3A_2535 = arith.muli %parallel_loop3A_410, %parallel_loop3A_2534 : i32
          %parallel_loop3A_2536 = arith.constant 0 : i32
          %parallel_loop3A_2537 = arith.constant 57 : i32
          %parallel_loop3A_2538 = arith.constant 0 : i32
          %parallel_loop3A_2539 = arith.constant 0 : i32
          %parallel_loop3A_2540 = arith.constant 0 : i32
          %parallel_loop3A_2541 = tpu.memref_slice %run_scoped3A_15[%rem3A_322, %parallel_loop3A_2538, %parallel_loop3A_2539, %parallel_loop3A_2540] : memref<2x1x64x512xf32, #tpu.memory_space<vmem>> -> memref<1x1x64x512xf32, #tpu.memory_space<vmem>>
          %parallel_loop3A_2542 = tpu.memref_squeeze %parallel_loop3A_2541 : memref<1x1x64x512xf32, #tpu.memory_space<vmem>> -> memref<1x64x512xf32, #tpu.memory_space<vmem>>
          %parallel_loop3A_2543 = arith.index_cast %parallel_loop3A_2536 : i32 to index
          %parallel_loop3A_2544 = arith.index_cast %parallel_loop3A_2537 : i32 to index
          %parallel_loop3A_2545 = arith.index_cast %parallel_loop3A_2535 : i32 to index
          %parallel_loop3A_2546 = tpu.vector_load %parallel_loop3A_2542[%parallel_loop3A_2543, %parallel_loop3A_2544, %parallel_loop3A_2545] {strides = array<i32>} : memref<1x64x512xf32, #tpu.memory_space<vmem>>, vector<16xf32>,
          tpu.vector_store %parallel_loop3A_2542[%parallel_loop3A_2543, %parallel_loop3A_2544, %parallel_loop3A_2545], %parallel_loop3A_2464 {strides = array<i32>} : memref<1x64x512xf32, #tpu.memory_space<vmem>>, vector<16xf32>,
          %parallel_loop3A_2547 = arith.constant 16 : i32
          %parallel_loop3A_2548 = arith.muli %parallel_loop3A_410, %parallel_loop3A_2547 : i32
          %parallel_loop3A_2549 = arith.constant 0 : i32
          %parallel_loop3A_2550 = arith.constant 58 : i32
          %parallel_loop3A_2551 = arith.constant 0 : i32
          %parallel_loop3A_2552 = arith.constant 0 : i32
          %parallel_loop3A_2553 = arith.constant 0 : i32
          %parallel_loop3A_2554 = tpu.memref_slice %run_scoped3A_15[%rem3A_322, %parallel_loop3A_2551, %parallel_loop3A_2552, %parallel_loop3A_2553] : memref<2x1x64x512xf32, #tpu.memory_space<vmem>> -> memref<1x1x64x512xf32, #tpu.memory_space<vmem>>
          %parallel_loop3A_2555 = tpu.memref_squeeze %parallel_loop3A_2554 : memref<1x1x64x512xf32, #tpu.memory_space<vmem>> -> memref<1x64x512xf32, #tpu.memory_space<vmem>>
          %parallel_loop3A_2556 = arith.index_cast %parallel_loop3A_2549 : i32 to index
          %parallel_loop3A_2557 = arith.index_cast %parallel_loop3A_2550 : i32 to index
          %parallel_loop3A_2558 = arith.index_cast %parallel_loop3A_2548 : i32 to index
          %parallel_loop3A_2559 = tpu.vector_load %parallel_loop3A_2555[%parallel_loop3A_2556, %parallel_loop3A_2557, %parallel_loop3A_2558] {strides = array<i32>} : memref<1x64x512xf32, #tpu.memory_space<vmem>>, vector<16xf32>,
          tpu.vector_store %parallel_loop3A_2555[%parallel_loop3A_2556, %parallel_loop3A_2557, %parallel_loop3A_2558], %parallel_loop3A_2468 {strides = array<i32>} : memref<1x64x512xf32, #tpu.memory_space<vmem>>, vector<16xf32>,
          %parallel_loop3A_2560 = arith.constant 16 : i32
          %parallel_loop3A_2561 = arith.muli %parallel_loop3A_410, %parallel_loop3A_2560 : i32
          %parallel_loop3A_2562 = arith.constant 0 : i32
          %parallel_loop3A_2563 = arith.constant 59 : i32
          %parallel_loop3A_2564 = arith.constant 0 : i32
          %parallel_loop3A_2565 = arith.constant 0 : i32
          %parallel_loop3A_2566 = arith.constant 0 : i32
          %parallel_loop3A_2567 = tpu.memref_slice %run_scoped3A_15[%rem3A_322, %parallel_loop3A_2564, %parallel_loop3A_2565, %parallel_loop3A_2566] : memref<2x1x64x512xf32, #tpu.memory_space<vmem>> -> memref<1x1x64x512xf32, #tpu.memory_space<vmem>>
          %parallel_loop3A_2568 = tpu.memref_squeeze %parallel_loop3A_2567 : memref<1x1x64x512xf32, #tpu.memory_space<vmem>> -> memref<1x64x512xf32, #tpu.memory_space<vmem>>
          %parallel_loop3A_2569 = arith.index_cast %parallel_loop3A_2562 : i32 to index
          %parallel_loop3A_2570 = arith.index_cast %parallel_loop3A_2563 : i32 to index
          %parallel_loop3A_2571 = arith.index_cast %parallel_loop3A_2561 : i32 to index
          %parallel_loop3A_2572 = tpu.vector_load %parallel_loop3A_2568[%parallel_loop3A_2569, %parallel_loop3A_2570, %parallel_loop3A_2571] {strides = array<i32>} : memref<1x64x512xf32, #tpu.memory_space<vmem>>, vector<16xf32>,
          tpu.vector_store %parallel_loop3A_2568[%parallel_loop3A_2569, %parallel_loop3A_2570, %parallel_loop3A_2571], %parallel_loop3A_2472 {strides = array<i32>} : memref<1x64x512xf32, #tpu.memory_space<vmem>>, vector<16xf32>,
          %parallel_loop3A_2573 = arith.constant 16 : i32
          %parallel_loop3A_2574 = arith.muli %parallel_loop3A_410, %parallel_loop3A_2573 : i32
          %parallel_loop3A_2575 = arith.constant 0 : i32
          %parallel_loop3A_2576 = arith.constant 60 : i32
          %parallel_loop3A_2577 = arith.constant 0 : i32
          %parallel_loop3A_2578 = arith.constant 0 : i32
          %parallel_loop3A_2579 = arith.constant 0 : i32
          %parallel_loop3A_2580 = tpu.memref_slice %run_scoped3A_15[%rem3A_322, %parallel_loop3A_2577, %parallel_loop3A_2578, %parallel_loop3A_2579] : memref<2x1x64x512xf32, #tpu.memory_space<vmem>> -> memref<1x1x64x512xf32, #tpu.memory_space<vmem>>
          %parallel_loop3A_2581 = tpu.memref_squeeze %parallel_loop3A_2580 : memref<1x1x64x512xf32, #tpu.memory_space<vmem>> -> memref<1x64x512xf32, #tpu.memory_space<vmem>>
          %parallel_loop3A_2582 = arith.index_cast %parallel_loop3A_2575 : i32 to index
          %parallel_loop3A_2583 = arith.index_cast %parallel_loop3A_2576 : i32 to index
          %parallel_loop3A_2584 = arith.index_cast %parallel_loop3A_2574 : i32 to index
          %parallel_loop3A_2585 = tpu.vector_load %parallel_loop3A_2581[%parallel_loop3A_2582, %parallel_loop3A_2583, %parallel_loop3A_2584] {strides = array<i32>} : memref<1x64x512xf32, #tpu.memory_space<vmem>>, vector<16xf32>,
          tpu.vector_store %parallel_loop3A_2581[%parallel_loop3A_2582, %parallel_loop3A_2583, %parallel_loop3A_2584], %parallel_loop3A_2476 {strides = array<i32>} : memref<1x64x512xf32, #tpu.memory_space<vmem>>, vector<16xf32>,
          %parallel_loop3A_2586 = arith.constant 16 : i32
          %parallel_loop3A_2587 = arith.muli %parallel_loop3A_410, %parallel_loop3A_2586 : i32
          %parallel_loop3A_2588 = arith.constant 0 : i32
          %parallel_loop3A_2589 = arith.constant 61 : i32
          %parallel_loop3A_2590 = arith.constant 0 : i32
          %parallel_loop3A_2591 = arith.constant 0 : i32
          %parallel_loop3A_2592 = arith.constant 0 : i32
          %parallel_loop3A_2593 = tpu.memref_slice %run_scoped3A_15[%rem3A_322, %parallel_loop3A_2590, %parallel_loop3A_2591, %parallel_loop3A_2592] : memref<2x1x64x512xf32, #tpu.memory_space<vmem>> -> memref<1x1x64x512xf32, #tpu.memory_space<vmem>>
          %parallel_loop3A_2594 = tpu.memref_squeeze %parallel_loop3A_2593 : memref<1x1x64x512xf32, #tpu.memory_space<vmem>> -> memref<1x64x512xf32, #tpu.memory_space<vmem>>
          %parallel_loop3A_2595 = arith.index_cast %parallel_loop3A_2588 : i32 to index
          %parallel_loop3A_2596 = arith.index_cast %parallel_loop3A_2589 : i32 to index
          %parallel_loop3A_2597 = arith.index_cast %parallel_loop3A_2587 : i32 to index
          %parallel_loop3A_2598 = tpu.vector_load %parallel_loop3A_2594[%parallel_loop3A_2595, %parallel_loop3A_2596, %parallel_loop3A_2597] {strides = array<i32>} : memref<1x64x512xf32, #tpu.memory_space<vmem>>, vector<16xf32>,
          tpu.vector_store %parallel_loop3A_2594[%parallel_loop3A_2595, %parallel_loop3A_2596, %parallel_loop3A_2597], %parallel_loop3A_2480 {strides = array<i32>} : memref<1x64x512xf32, #tpu.memory_space<vmem>>, vector<16xf32>,
          %parallel_loop3A_2599 = arith.constant 16 : i32
          %parallel_loop3A_2600 = arith.muli %parallel_loop3A_410, %parallel_loop3A_2599 : i32
          %parallel_loop3A_2601 = arith.constant 0 : i32
          %parallel_loop3A_2602 = arith.constant 62 : i32
          %parallel_loop3A_2603 = arith.constant 0 : i32
          %parallel_loop3A_2604 = arith.constant 0 : i32
          %parallel_loop3A_2605 = arith.constant 0 : i32
          %parallel_loop3A_2606 = tpu.memref_slice %run_scoped3A_15[%rem3A_322, %parallel_loop3A_2603, %parallel_loop3A_2604, %parallel_loop3A_2605] : memref<2x1x64x512xf32, #tpu.memory_space<vmem>> -> memref<1x1x64x512xf32, #tpu.memory_space<vmem>>
          %parallel_loop3A_2607 = tpu.memref_squeeze %parallel_loop3A_2606 : memref<1x1x64x512xf32, #tpu.memory_space<vmem>> -> memref<1x64x512xf32, #tpu.memory_space<vmem>>
          %parallel_loop3A_2608 = arith.index_cast %parallel_loop3A_2601 : i32 to index
          %parallel_loop3A_2609 = arith.index_cast %parallel_loop3A_2602 : i32 to index
          %parallel_loop3A_2610 = arith.index_cast %parallel_loop3A_2600 : i32 to index
          %parallel_loop3A_2611 = tpu.vector_load %parallel_loop3A_2607[%parallel_loop3A_2608, %parallel_loop3A_2609, %parallel_loop3A_2610] {strides = array<i32>} : memref<1x64x512xf32, #tpu.memory_space<vmem>>, vector<16xf32>,
          tpu.vector_store %parallel_loop3A_2607[%parallel_loop3A_2608, %parallel_loop3A_2609, %parallel_loop3A_2610], %parallel_loop3A_2484 {strides = array<i32>} : memref<1x64x512xf32, #tpu.memory_space<vmem>>, vector<16xf32>,
          %parallel_loop3A_2612 = arith.constant 16 : i32
          %parallel_loop3A_2613 = arith.muli %parallel_loop3A_410, %parallel_loop3A_2612 : i32
          %parallel_loop3A_2614 = arith.constant 0 : i32
          %parallel_loop3A_2615 = arith.constant 63 : i32
          %parallel_loop3A_2616 = arith.constant 0 : i32
          %parallel_loop3A_2617 = arith.constant 0 : i32
          %parallel_loop3A_2618 = arith.constant 0 : i32
          %parallel_loop3A_2619 = tpu.memref_slice %run_scoped3A_15[%rem3A_322, %parallel_loop3A_2616, %parallel_loop3A_2617, %parallel_loop3A_2618] : memref<2x1x64x512xf32, #tpu.memory_space<vmem>> -> memref<1x1x64x512xf32, #tpu.memory_space<vmem>>
          %parallel_loop3A_2620 = tpu.memref_squeeze %parallel_loop3A_2619 : memref<1x1x64x512xf32, #tpu.memory_space<vmem>> -> memref<1x64x512xf32, #tpu.memory_space<vmem>>
          %parallel_loop3A_2621 = arith.index_cast %parallel_loop3A_2614 : i32 to index
          %parallel_loop3A_2622 = arith.index_cast %parallel_loop3A_2615 : i32 to index
          %parallel_loop3A_2623 = arith.index_cast %parallel_loop3A_2613 : i32 to index
          %parallel_loop3A_2624 = tpu.vector_load %parallel_loop3A_2620[%parallel_loop3A_2621, %parallel_loop3A_2622, %parallel_loop3A_2623] {strides = array<i32>} : memref<1x64x512xf32, #tpu.memory_space<vmem>>, vector<16xf32>,
          tpu.vector_store %parallel_loop3A_2620[%parallel_loop3A_2621, %parallel_loop3A_2622, %parallel_loop3A_2623], %parallel_loop3A_2488 {strides = array<i32>} : memref<1x64x512xf32, #tpu.memory_space<vmem>>, vector<16xf32>,
          %parallel_loop3A_2625 = arith.constant 1 : i32
          %parallel_loop3A_2626 = arith.addi %parallel_loop3A_410, %parallel_loop3A_2625 : i32
          %parallel_loop3A_2627 = arith.constant 16 : i32
          %parallel_loop3A_2628 = arith.muli %parallel_loop3A_2626, %parallel_loop3A_2627 : i32
          %parallel_loop3A_2629 = arith.constant 0 : i32
          %parallel_loop3A_2630 = arith.constant 56 : i32
          %parallel_loop3A_2631 = arith.constant 0 : i32
          %parallel_loop3A_2632 = arith.constant 0 : i32
          %parallel_loop3A_2633 = arith.constant 0 : i32
          %parallel_loop3A_2634 = tpu.memref_slice %run_scoped3A_15[%rem3A_322, %parallel_loop3A_2631, %parallel_loop3A_2632, %parallel_loop3A_2633] : memref<2x1x64x512xf32, #tpu.memory_space<vmem>> -> memref<1x1x64x512xf32, #tpu.memory_space<vmem>>
          %parallel_loop3A_2635 = tpu.memref_squeeze %parallel_loop3A_2634 : memref<1x1x64x512xf32, #tpu.memory_space<vmem>> -> memref<1x64x512xf32, #tpu.memory_space<vmem>>
          %parallel_loop3A_2636 = arith.index_cast %parallel_loop3A_2629 : i32 to index
          %parallel_loop3A_2637 = arith.index_cast %parallel_loop3A_2630 : i32 to index
          %parallel_loop3A_2638 = arith.index_cast %parallel_loop3A_2628 : i32 to index
          %parallel_loop3A_2639 = tpu.vector_load %parallel_loop3A_2635[%parallel_loop3A_2636, %parallel_loop3A_2637, %parallel_loop3A_2638] {strides = array<i32>} : memref<1x64x512xf32, #tpu.memory_space<vmem>>, vector<16xf32>,
          tpu.vector_store %parallel_loop3A_2635[%parallel_loop3A_2636, %parallel_loop3A_2637, %parallel_loop3A_2638], %parallel_loop3A_2492 {strides = array<i32>} : memref<1x64x512xf32, #tpu.memory_space<vmem>>, vector<16xf32>,
          %parallel_loop3A_2640 = arith.constant 1 : i32
          %parallel_loop3A_2641 = arith.addi %parallel_loop3A_410, %parallel_loop3A_2640 : i32
          %parallel_loop3A_2642 = arith.constant 16 : i32
          %parallel_loop3A_2643 = arith.muli %parallel_loop3A_2641, %parallel_loop3A_2642 : i32
          %parallel_loop3A_2644 = arith.constant 0 : i32
          %parallel_loop3A_2645 = arith.constant 57 : i32
          %parallel_loop3A_2646 = arith.constant 0 : i32
          %parallel_loop3A_2647 = arith.constant 0 : i32
          %parallel_loop3A_2648 = arith.constant 0 : i32
          %parallel_loop3A_2649 = tpu.memref_slice %run_scoped3A_15[%rem3A_322, %parallel_loop3A_2646, %parallel_loop3A_2647, %parallel_loop3A_2648] : memref<2x1x64x512xf32, #tpu.memory_space<vmem>> -> memref<1x1x64x512xf32, #tpu.memory_space<vmem>>
          %parallel_loop3A_2650 = tpu.memref_squeeze %parallel_loop3A_2649 : memref<1x1x64x512xf32, #tpu.memory_space<vmem>> -> memref<1x64x512xf32, #tpu.memory_space<vmem>>
          %parallel_loop3A_2651 = arith.index_cast %parallel_loop3A_2644 : i32 to index
          %parallel_loop3A_2652 = arith.index_cast %parallel_loop3A_2645 : i32 to index
          %parallel_loop3A_2653 = arith.index_cast %parallel_loop3A_2643 : i32 to index
          %parallel_loop3A_2654 = tpu.vector_load %parallel_loop3A_2650[%parallel_loop3A_2651, %parallel_loop3A_2652, %parallel_loop3A_2653] {strides = array<i32>} : memref<1x64x512xf32, #tpu.memory_space<vmem>>, vector<16xf32>,
          tpu.vector_store %parallel_loop3A_2650[%parallel_loop3A_2651, %parallel_loop3A_2652, %parallel_loop3A_2653], %parallel_loop3A_2496 {strides = array<i32>} : memref<1x64x512xf32, #tpu.memory_space<vmem>>, vector<16xf32>,
          %parallel_loop3A_2655 = arith.constant 1 : i32
          %parallel_loop3A_2656 = arith.addi %parallel_loop3A_410, %parallel_loop3A_2655 : i32
          %parallel_loop3A_2657 = arith.constant 16 : i32
          %parallel_loop3A_2658 = arith.muli %parallel_loop3A_2656, %parallel_loop3A_2657 : i32
          %parallel_loop3A_2659 = arith.constant 0 : i32
          %parallel_loop3A_2660 = arith.constant 58 : i32
          %parallel_loop3A_2661 = arith.constant 0 : i32
          %parallel_loop3A_2662 = arith.constant 0 : i32
          %parallel_loop3A_2663 = arith.constant 0 : i32
          %parallel_loop3A_2664 = tpu.memref_slice %run_scoped3A_15[%rem3A_322, %parallel_loop3A_2661, %parallel_loop3A_2662, %parallel_loop3A_2663] : memref<2x1x64x512xf32, #tpu.memory_space<vmem>> -> memref<1x1x64x512xf32, #tpu.memory_space<vmem>>
          %parallel_loop3A_2665 = tpu.memref_squeeze %parallel_loop3A_2664 : memref<1x1x64x512xf32, #tpu.memory_space<vmem>> -> memref<1x64x512xf32, #tpu.memory_space<vmem>>
          %parallel_loop3A_2666 = arith.index_cast %parallel_loop3A_2659 : i32 to index
          %parallel_loop3A_2667 = arith.index_cast %parallel_loop3A_2660 : i32 to index
          %parallel_loop3A_2668 = arith.index_cast %parallel_loop3A_2658 : i32 to index
          %parallel_loop3A_2669 = tpu.vector_load %parallel_loop3A_2665[%parallel_loop3A_2666, %parallel_loop3A_2667, %parallel_loop3A_2668] {strides = array<i32>} : memref<1x64x512xf32, #tpu.memory_space<vmem>>, vector<16xf32>,
          tpu.vector_store %parallel_loop3A_2665[%parallel_loop3A_2666, %parallel_loop3A_2667, %parallel_loop3A_2668], %parallel_loop3A_2500 {strides = array<i32>} : memref<1x64x512xf32, #tpu.memory_space<vmem>>, vector<16xf32>,
          %parallel_loop3A_2670 = arith.constant 1 : i32
          %parallel_loop3A_2671 = arith.addi %parallel_loop3A_410, %parallel_loop3A_2670 : i32
          %parallel_loop3A_2672 = arith.constant 16 : i32
          %parallel_loop3A_2673 = arith.muli %parallel_loop3A_2671, %parallel_loop3A_2672 : i32
          %parallel_loop3A_2674 = arith.constant 0 : i32
          %parallel_loop3A_2675 = arith.constant 59 : i32
          %parallel_loop3A_2676 = arith.constant 0 : i32
          %parallel_loop3A_2677 = arith.constant 0 : i32
          %parallel_loop3A_2678 = arith.constant 0 : i32
          %parallel_loop3A_2679 = tpu.memref_slice %run_scoped3A_15[%rem3A_322, %parallel_loop3A_2676, %parallel_loop3A_2677, %parallel_loop3A_2678] : memref<2x1x64x512xf32, #tpu.memory_space<vmem>> -> memref<1x1x64x512xf32, #tpu.memory_space<vmem>>
          %parallel_loop3A_2680 = tpu.memref_squeeze %parallel_loop3A_2679 : memref<1x1x64x512xf32, #tpu.memory_space<vmem>> -> memref<1x64x512xf32, #tpu.memory_space<vmem>>
          %parallel_loop3A_2681 = arith.index_cast %parallel_loop3A_2674 : i32 to index
          %parallel_loop3A_2682 = arith.index_cast %parallel_loop3A_2675 : i32 to index
          %parallel_loop3A_2683 = arith.index_cast %parallel_loop3A_2673 : i32 to index
          %parallel_loop3A_2684 = tpu.vector_load %parallel_loop3A_2680[%parallel_loop3A_2681, %parallel_loop3A_2682, %parallel_loop3A_2683] {strides = array<i32>} : memref<1x64x512xf32, #tpu.memory_space<vmem>>, vector<16xf32>,
          tpu.vector_store %parallel_loop3A_2680[%parallel_loop3A_2681, %parallel_loop3A_2682, %parallel_loop3A_2683], %parallel_loop3A_2504 {strides = array<i32>} : memref<1x64x512xf32, #tpu.memory_space<vmem>>, vector<16xf32>,
          %parallel_loop3A_2685 = arith.constant 1 : i32
          %parallel_loop3A_2686 = arith.addi %parallel_loop3A_410, %parallel_loop3A_2685 : i32
          %parallel_loop3A_2687 = arith.constant 16 : i32
          %parallel_loop3A_2688 = arith.muli %parallel_loop3A_2686, %parallel_loop3A_2687 : i32
          %parallel_loop3A_2689 = arith.constant 0 : i32
          %parallel_loop3A_2690 = arith.constant 60 : i32
          %parallel_loop3A_2691 = arith.constant 0 : i32
          %parallel_loop3A_2692 = arith.constant 0 : i32
          %parallel_loop3A_2693 = arith.constant 0 : i32
          %parallel_loop3A_2694 = tpu.memref_slice %run_scoped3A_15[%rem3A_322, %parallel_loop3A_2691, %parallel_loop3A_2692, %parallel_loop3A_2693] : memref<2x1x64x512xf32, #tpu.memory_space<vmem>> -> memref<1x1x64x512xf32, #tpu.memory_space<vmem>>
          %parallel_loop3A_2695 = tpu.memref_squeeze %parallel_loop3A_2694 : memref<1x1x64x512xf32, #tpu.memory_space<vmem>> -> memref<1x64x512xf32, #tpu.memory_space<vmem>>
          %parallel_loop3A_2696 = arith.index_cast %parallel_loop3A_2689 : i32 to index
          %parallel_loop3A_2697 = arith.index_cast %parallel_loop3A_2690 : i32 to index
          %parallel_loop3A_2698 = arith.index_cast %parallel_loop3A_2688 : i32 to index
          %parallel_loop3A_2699 = tpu.vector_load %parallel_loop3A_2695[%parallel_loop3A_2696, %parallel_loop3A_2697, %parallel_loop3A_2698] {strides = array<i32>} : memref<1x64x512xf32, #tpu.memory_space<vmem>>, vector<16xf32>,
          tpu.vector_store %parallel_loop3A_2695[%parallel_loop3A_2696, %parallel_loop3A_2697, %parallel_loop3A_2698], %parallel_loop3A_2508 {strides = array<i32>} : memref<1x64x512xf32, #tpu.memory_space<vmem>>, vector<16xf32>,
          %parallel_loop3A_2700 = arith.constant 1 : i32
          %parallel_loop3A_2701 = arith.addi %parallel_loop3A_410, %parallel_loop3A_2700 : i32
          %parallel_loop3A_2702 = arith.constant 16 : i32
          %parallel_loop3A_2703 = arith.muli %parallel_loop3A_2701, %parallel_loop3A_2702 : i32
          %parallel_loop3A_2704 = arith.constant 0 : i32
          %parallel_loop3A_2705 = arith.constant 61 : i32
          %parallel_loop3A_2706 = arith.constant 0 : i32
          %parallel_loop3A_2707 = arith.constant 0 : i32
          %parallel_loop3A_2708 = arith.constant 0 : i32
          %parallel_loop3A_2709 = tpu.memref_slice %run_scoped3A_15[%rem3A_322, %parallel_loop3A_2706, %parallel_loop3A_2707, %parallel_loop3A_2708] : memref<2x1x64x512xf32, #tpu.memory_space<vmem>> -> memref<1x1x64x512xf32, #tpu.memory_space<vmem>>
          %parallel_loop3A_2710 = tpu.memref_squeeze %parallel_loop3A_2709 : memref<1x1x64x512xf32, #tpu.memory_space<vmem>> -> memref<1x64x512xf32, #tpu.memory_space<vmem>>
          %parallel_loop3A_2711 = arith.index_cast %parallel_loop3A_2704 : i32 to index
          %parallel_loop3A_2712 = arith.index_cast %parallel_loop3A_2705 : i32 to index
          %parallel_loop3A_2713 = arith.index_cast %parallel_loop3A_2703 : i32 to index
          %parallel_loop3A_2714 = tpu.vector_load %parallel_loop3A_2710[%parallel_loop3A_2711, %parallel_loop3A_2712, %parallel_loop3A_2713] {strides = array<i32>} : memref<1x64x512xf32, #tpu.memory_space<vmem>>, vector<16xf32>,
          tpu.vector_store %parallel_loop3A_2710[%parallel_loop3A_2711, %parallel_loop3A_2712, %parallel_loop3A_2713], %parallel_loop3A_2512 {strides = array<i32>} : memref<1x64x512xf32, #tpu.memory_space<vmem>>, vector<16xf32>,
          %parallel_loop3A_2715 = arith.constant 1 : i32
          %parallel_loop3A_2716 = arith.addi %parallel_loop3A_410, %parallel_loop3A_2715 : i32
          %parallel_loop3A_2717 = arith.constant 16 : i32
          %parallel_loop3A_2718 = arith.muli %parallel_loop3A_2716, %parallel_loop3A_2717 : i32
          %parallel_loop3A_2719 = arith.constant 0 : i32
          %parallel_loop3A_2720 = arith.constant 62 : i32
          %parallel_loop3A_2721 = arith.constant 0 : i32
          %parallel_loop3A_2722 = arith.constant 0 : i32
          %parallel_loop3A_2723 = arith.constant 0 : i32
          %parallel_loop3A_2724 = tpu.memref_slice %run_scoped3A_15[%rem3A_322, %parallel_loop3A_2721, %parallel_loop3A_2722, %parallel_loop3A_2723] : memref<2x1x64x512xf32, #tpu.memory_space<vmem>> -> memref<1x1x64x512xf32, #tpu.memory_space<vmem>>
          %parallel_loop3A_2725 = tpu.memref_squeeze %parallel_loop3A_2724 : memref<1x1x64x512xf32, #tpu.memory_space<vmem>> -> memref<1x64x512xf32, #tpu.memory_space<vmem>>
          %parallel_loop3A_2726 = arith.index_cast %parallel_loop3A_2719 : i32 to index
          %parallel_loop3A_2727 = arith.index_cast %parallel_loop3A_2720 : i32 to index
          %parallel_loop3A_2728 = arith.index_cast %parallel_loop3A_2718 : i32 to index
          %parallel_loop3A_2729 = tpu.vector_load %parallel_loop3A_2725[%parallel_loop3A_2726, %parallel_loop3A_2727, %parallel_loop3A_2728] {strides = array<i32>} : memref<1x64x512xf32, #tpu.memory_space<vmem>>, vector<16xf32>,
          tpu.vector_store %parallel_loop3A_2725[%parallel_loop3A_2726, %parallel_loop3A_2727, %parallel_loop3A_2728], %parallel_loop3A_2516 {strides = array<i32>} : memref<1x64x512xf32, #tpu.memory_space<vmem>>, vector<16xf32>,
          %parallel_loop3A_2730 = arith.constant 1 : i32
          %parallel_loop3A_2731 = arith.addi %parallel_loop3A_410, %parallel_loop3A_2730 : i32
          %parallel_loop3A_2732 = arith.constant 16 : i32
          %parallel_loop3A_2733 = arith.muli %parallel_loop3A_2731, %parallel_loop3A_2732 : i32
          %parallel_loop3A_2734 = arith.constant 0 : i32
          %parallel_loop3A_2735 = arith.constant 63 : i32
          %parallel_loop3A_2736 = arith.constant 0 : i32
          %parallel_loop3A_2737 = arith.constant 0 : i32
          %parallel_loop3A_2738 = arith.constant 0 : i32
          %parallel_loop3A_2739 = tpu.memref_slice %run_scoped3A_15[%rem3A_322, %parallel_loop3A_2736, %parallel_loop3A_2737, %parallel_loop3A_2738] : memref<2x1x64x512xf32, #tpu.memory_space<vmem>> -> memref<1x1x64x512xf32, #tpu.memory_space<vmem>>
          %parallel_loop3A_2740 = tpu.memref_squeeze %parallel_loop3A_2739 : memref<1x1x64x512xf32, #tpu.memory_space<vmem>> -> memref<1x64x512xf32, #tpu.memory_space<vmem>>
          %parallel_loop3A_2741 = arith.index_cast %parallel_loop3A_2734 : i32 to index
          %parallel_loop3A_2742 = arith.index_cast %parallel_loop3A_2735 : i32 to index
          %parallel_loop3A_2743 = arith.index_cast %parallel_loop3A_2733 : i32 to index
          %parallel_loop3A_2744 = tpu.vector_load %parallel_loop3A_2740[%parallel_loop3A_2741, %parallel_loop3A_2742, %parallel_loop3A_2743] {strides = array<i32>} : memref<1x64x512xf32, #tpu.memory_space<vmem>>, vector<16xf32>,
          tpu.vector_store %parallel_loop3A_2740[%parallel_loop3A_2741, %parallel_loop3A_2742, %parallel_loop3A_2743], %parallel_loop3A_2520 {strides = array<i32>} : memref<1x64x512xf32, #tpu.memory_space<vmem>>, vector<16xf32>,
        } {sc.loop_unroll_factor = 2 : i64, sc.parallel_access}
        "tpu.trace_stop"() : () -> ()
        %ne3A_325 = arith.cmpi ne, %add3A_218, %add3A_256 : i32
        %ne3A_326 = arith.cmpi ne, %add3A_216, %add3A_254 : i32
        %or3A_327 = arith.constant false
        %or3A_328 = arith.ori %or3A_327, %ne3A_325 : i1
        %or3A_329 = arith.ori %or3A_328, %ne3A_326 : i1
        %or3A_330 = arith.ori %or3A_329, %eq3A_214 : i1
        %convert_element_type3A_331 = arith.extui %or3A_330 : i1 to i32
        %cond3A_332 = arith.constant 0 : i32
        %cond3A_333 = arith.cmpi ne, %convert_element_type3A_331, %cond3A_332 : i32
        scf.if %cond3A_333 {
        } else {
        }
        %and3A_334 = arith.constant false
        %and3A_335 = arith.andi %or3A_330, %and3A_334 : i1
        %ne3A_336 = arith.cmpi ne, %add3A_218, %add3A_256 : i32
        %ne3A_337 = arith.cmpi ne, %add3A_216, %add3A_254 : i32
        %or3A_338 = arith.constant false
        %or3A_339 = arith.ori %or3A_338, %ne3A_336 : i1
        %or3A_340 = arith.constant false
        %or3A_341 = arith.ori %or3A_339, %or3A_340 : i1
        %or3A_342 = arith.ori %or3A_341, %ne3A_337 : i1
        %or3A_343 = arith.ori %or3A_342, %eq3A_214 : i1
        %convert_element_type3A_344 = arith.extui %or3A_343 : i1 to i32
        %cond3A_345 = arith.constant 0 : i32
        %cond3A_346 = arith.cmpi ne, %convert_element_type3A_344, %cond3A_345 : i32
        scf.if %cond3A_346 {
          "tpu.trace_start"() <{level = 10 : i32, message = "ep_copy_out"}> : () -> ()
          %rem3A_408 = arith.constant 2 : i32
          %rem3A_409 = arith.remui %scan3A_207, %rem3A_408 : i32
          %mul3A_410 = arith.constant 1 : i32
          %mul3A_411 = arith.muli %mul3A_410, %add3A_218 : i32
          %mul3A_412 = arith.constant 512 : i32
          %mul3A_413 = arith.muli %mul3A_412, %add3A_216 : i32
          %dma_start3A_414 = arith.constant 0 : i32
          %dma_start3A_415 = arith.constant 0 : i32
          %dma_start3A_416 = arith.constant 0 : i32
          %dma_start3A_417 = tpu.memref_slice %run_scoped3A_15[%rem3A_409, %dma_start3A_414, %dma_start3A_415, %dma_start3A_416] : memref<2x1x64x512xf32, #tpu.memory_space<vmem>> -> memref<1x1x64x512xf32, #tpu.memory_space<vmem>>
          %dma_start3A_418 = tpu.memref_squeeze %dma_start3A_417 : memref<1x1x64x512xf32, #tpu.memory_space<vmem>> -> memref<1x64x512xf32, #tpu.memory_space<vmem>>
          %dma_start3A_419 = arith.constant 0 : i32
          %dma_start3A_420 = tpu.memref_slice %arg4[%mul3A_411, %dma_start3A_419, %mul3A_413] : memref<200x64x16384xf32, #tpu.memory_space<hbm>> -> memref<1x64x512xf32, #tpu.memory_space<hbm>>
          %dma_start3A_421 = tpu.memref_slice %run_scoped3A_16[%rem3A_409] : memref<2x!tpu.dma_semaphore, #tpu.memory_space<semaphore_mem>> -> memref<1x!tpu.dma_semaphore, #tpu.memory_space<semaphore_mem>>
          %dma_start3A_422 = tpu.memref_squeeze %dma_start3A_421 : memref<1x!tpu.dma_semaphore, #tpu.memory_space<semaphore_mem>> -> memref<!tpu.dma_semaphore, #tpu.memory_space<semaphore_mem>>
          %dma_start3A_423 = arith.constant 0 : i32
          %dma_start3A_424 = tpu.memref_slice %arg4[%mul3A_411, %dma_start3A_423, %mul3A_413] : memref<200x64x16384xf32, #tpu.memory_space<hbm>> -> memref<1x64x512xf32, #tpu.memory_space<hbm>>
          %dma_start3A_425 = arith.constant 0 : i32
          %dma_start3A_426 = arith.constant 0 : i32
          %dma_start3A_427 = arith.constant 0 : i32
          %dma_start3A_428 = tpu.memref_slice %run_scoped3A_15[%rem3A_409, %dma_start3A_425, %dma_start3A_426, %dma_start3A_427] : memref<2x1x64x512xf32, #tpu.memory_space<vmem>> -> memref<1x1x64x512xf32, #tpu.memory_space<vmem>>
          %dma_start3A_429 = tpu.memref_squeeze %dma_start3A_428 : memref<1x1x64x512xf32, #tpu.memory_space<vmem>> -> memref<1x64x512xf32, #tpu.memory_space<vmem>>
          tpu.enqueue_dma source(%dma_start3A_429 : memref<1x64x512xf32, #tpu.memory_space<vmem>>) target(%dma_start3A_424 : memref<1x64x512xf32, #tpu.memory_space<hbm>>) target_semaphore(%dma_start3A_422 : memref<!tpu.dma_semaphore, #tpu.memory_space<semaphore_mem>>)
          "tpu.trace_stop"() : () -> ()
        } else {
        }
        %and3A_347 = arith.constant true
        %and3A_348 = arith.andi %or3A_343, %and3A_347 : i1
        %add3A_349 = arith.constant 1 : i32
        %add3A_350 = arith.addi %scan3A_207, %add3A_349 : i32
        %select_n3A_351 = arith.select %and3A_348, %add3A_350, %scan3A_207 : i32
        %ne3A_352 = arith.cmpi ne, %add3A_218, %add3A_237 : i32
        %ne3A_353 = arith.cmpi ne, %add3A_216, %add3A_235 : i32
        %or3A_354 = arith.constant false
        %or3A_355 = arith.ori %or3A_354, %ne3A_352 : i1
        %or3A_356 = arith.ori %or3A_355, %ne3A_353 : i1
        %not3A_357 = arith.constant true
        %not3A_358 = arith.xori %eq3A_212, %not3A_357 : i1
        %and3A_359 = arith.andi %or3A_356, %not3A_358 : i1
        %convert_element_type3A_360 = arith.extui %and3A_359 : i1 to i32
        %cond3A_361 = arith.constant 0 : i32
        %cond3A_362 = arith.cmpi ne, %convert_element_type3A_360, %cond3A_361 : i32
        scf.if %cond3A_362 {
        } else {
        }
        %and3A_363 = arith.constant false
        %and3A_364 = arith.andi %and3A_359, %and3A_363 : i1
        %ne3A_365 = arith.cmpi ne, %add3A_218, %add3A_237 : i32
        %ne3A_366 = arith.cmpi ne, %add3A_216, %add3A_235 : i32
        %or3A_367 = arith.constant false
        %or3A_368 = arith.ori %or3A_367, %ne3A_365 : i1
        %or3A_369 = arith.constant false
        %or3A_370 = arith.ori %or3A_368, %or3A_369 : i1
        %or3A_371 = arith.ori %or3A_370, %ne3A_366 : i1
        %not3A_372 = arith.constant true
        %not3A_373 = arith.xori %eq3A_212, %not3A_372 : i1
        %and3A_374 = arith.andi %or3A_371, %not3A_373 : i1
        %convert_element_type3A_375 = arith.extui %and3A_374 : i1 to i32
        %cond3A_376 = arith.constant 0 : i32
        %cond3A_377 = arith.cmpi ne, %convert_element_type3A_375, %cond3A_376 : i32
        scf.if %cond3A_377 {
          "tpu.trace_start"() <{level = 10 : i32, message = "ep_wait_out"}> : () -> ()
          %rem3A_408 = arith.constant 2 : i32
          %rem3A_409 = arith.remui %scan3A_208, %rem3A_408 : i32
          %mul3A_410 = arith.constant 1 : i32
          %mul3A_411 = arith.muli %mul3A_410, %add3A_237 : i32
          %mul3A_412 = arith.constant 512 : i32
          %mul3A_413 = arith.muli %mul3A_412, %add3A_235 : i32
          %dma_wait3A_414 = arith.constant 0 : i32
          %dma_wait3A_415 = arith.constant 0 : i32
          %dma_wait3A_416 = arith.constant 0 : i32
          %dma_wait3A_417 = tpu.memref_slice %run_scoped3A_15[%rem3A_409, %dma_wait3A_414, %dma_wait3A_415, %dma_wait3A_416] : memref<2x1x64x512xf32, #tpu.memory_space<vmem>> -> memref<1x1x64x512xf32, #tpu.memory_space<vmem>>
          %dma_wait3A_418 = tpu.memref_squeeze %dma_wait3A_417 : memref<1x1x64x512xf32, #tpu.memory_space<vmem>> -> memref<1x64x512xf32, #tpu.memory_space<vmem>>
          %dma_wait3A_419 = arith.constant 0 : i32
          %dma_wait3A_420 = tpu.memref_slice %arg4[%mul3A_411, %dma_wait3A_419, %mul3A_413] : memref<200x64x16384xf32, #tpu.memory_space<hbm>> -> memref<1x64x512xf32, #tpu.memory_space<hbm>>
          %dma_wait3A_421 = tpu.memref_slice %run_scoped3A_16[%rem3A_409] : memref<2x!tpu.dma_semaphore, #tpu.memory_space<semaphore_mem>> -> memref<1x!tpu.dma_semaphore, #tpu.memory_space<semaphore_mem>>
          %dma_wait3A_422 = tpu.memref_squeeze %dma_wait3A_421 : memref<1x!tpu.dma_semaphore, #tpu.memory_space<semaphore_mem>> -> memref<!tpu.dma_semaphore, #tpu.memory_space<semaphore_mem>>
          %dma_wait3A_423 = arith.constant 0 : i32
          %dma_wait3A_424 = tpu.memref_slice %arg4[%mul3A_411, %dma_wait3A_423, %mul3A_413] : memref<200x64x16384xf32, #tpu.memory_space<hbm>> -> memref<1x64x512xf32, #tpu.memory_space<hbm>>
          %dma_wait3A_425 = arith.constant 0 : i32
          %dma_wait3A_426 = arith.constant 0 : i32
          %dma_wait3A_427 = arith.constant 0 : i32
          %dma_wait3A_428 = tpu.memref_slice %run_scoped3A_15[%rem3A_409, %dma_wait3A_425, %dma_wait3A_426, %dma_wait3A_427] : memref<2x1x64x512xf32, #tpu.memory_space<vmem>> -> memref<1x1x64x512xf32, #tpu.memory_space<vmem>>
          %dma_wait3A_429 = tpu.memref_squeeze %dma_wait3A_428 : memref<1x1x64x512xf32, #tpu.memory_space<vmem>> -> memref<1x64x512xf32, #tpu.memory_space<vmem>>
          tpu.wait_dma2 semaphore(%dma_wait3A_422 : memref<!tpu.dma_semaphore, #tpu.memory_space<semaphore_mem>>) src(%dma_wait3A_429 : memref<1x64x512xf32, #tpu.memory_space<vmem>>) dst(%dma_wait3A_424 : memref<1x64x512xf32, #tpu.memory_space<hbm>>)
          "tpu.trace_stop"() : () -> ()
        } else {
        }
        %and3A_378 = arith.constant true
        %and3A_379 = arith.andi %and3A_374, %and3A_378 : i1
        %add3A_380 = arith.constant 1 : i32
        %add3A_381 = arith.addi %scan3A_208, %add3A_380 : i32
        %select_n3A_382 = arith.select %and3A_379, %add3A_381, %scan3A_208 : i32
        %ne3A_383 = arith.cmpi ne, %add3A_218, %add3A_256 : i32
        %ne3A_384 = arith.cmpi ne, %add3A_216, %add3A_254 : i32
        %or3A_385 = arith.constant false
        %or3A_386 = arith.ori %or3A_385, %ne3A_383 : i1
        %or3A_387 = arith.ori %or3A_386, %ne3A_384 : i1
        %or3A_388 = arith.ori %or3A_387, %eq3A_214 : i1
        %add3A_389 = arith.constant 1 : i32
        %add3A_390 = arith.addi %scan3A_206, %add3A_389 : i32
        %select_n3A_391 = arith.select %or3A_388, %add3A_390, %scan3A_206 : i32
        %add3A_392 = arith.constant 1 : i32
        %add3A_393 = arith.addi %scan3A_210, %add3A_392 : i32
        %select_n3A_394 = arith.constant true
        %select_n3A_395 = arith.select %select_n3A_394, %add3A_393, %scan3A_210 : i32
        %eq3A_396 = arith.constant 200 : i32
        %eq3A_397 = arith.cmpi eq, %select_n3A_395, %eq3A_396 : i32
        %select_n3A_398 = arith.constant 0 : i32
        %select_n3A_399 = arith.select %eq3A_397, %select_n3A_398, %select_n3A_395 : i32
        %select_n3A_400 = arith.constant 0 : i32
        %select_n3A_401 = arith.constant 1 : i32
        %select_n3A_402 = arith.select %eq3A_397, %select_n3A_401, %select_n3A_400 : i32
        %eq3A_403 = arith.constant 1 : i32
        %eq3A_404 = arith.cmpi eq, %select_n3A_402, %eq3A_403 : i32
        %select_n3A_405 = arith.constant 0 : i32
        %select_n3A_406 = arith.select %eq3A_404, %select_n3A_405, %select_n3A_402 : i32
        %scan3A_407 = arith.constant 0 : i32
        scf.yield %select_n3A_286, %select_n3A_391, %select_n3A_351, %select_n3A_382, %scan3A_407, %select_n3A_399 : i32, i32, i32, i32, i32, i32
      }
      %scan3A_107 = arith.constant 200 : i32
      %sub3A = arith.constant 1 : i32
      %sub3A_108 = arith.subi %scan3A_106#5, %sub3A : i32
      %select_n3A_109 = arith.constant true
      %select_n3A_110 = arith.select %select_n3A_109, %sub3A_108, %scan3A_106#5 : i32
      %eq3A_111 = arith.constant -1 : i32
      %eq3A_112 = arith.cmpi eq, %select_n3A_110, %eq3A_111 : i32
      %select_n3A_113 = arith.constant 199 : i32
      %select_n3A_114 = arith.select %eq3A_112, %select_n3A_113, %select_n3A_110 : i32
      %sub3A_115 = arith.constant 1 : i32
      %sub3A_116 = arith.subi %scan3A_106#4, %sub3A_115 : i32
      %select_n3A_117 = arith.select %eq3A_112, %sub3A_116, %scan3A_106#4 : i32
      %eq3A_118 = arith.constant -1 : i32
      %eq3A_119 = arith.cmpi eq, %select_n3A_117, %eq3A_118 : i32
      %select_n3A_120 = arith.constant 0 : i32
      %select_n3A_121 = arith.select %eq3A_119, %select_n3A_120, %select_n3A_117 : i32
      %add3A_122 = arith.constant 0 : i32
      %add3A_123 = arith.addi %add3A_122, %mul3A_13 : i32
      %add3A_124 = arith.constant 0 : i32
      %add3A_125 = arith.addi %select_n3A_114, %add3A_124 : i32
      %sub3A_126 = arith.constant 1 : i32
      %sub3A_127 = arith.subi %select_n3A_114, %sub3A_126 : i32
      %select_n3A_128 = arith.constant true
      %select_n3A_129 = arith.select %select_n3A_128, %sub3A_127, %select_n3A_114 : i32
      %eq3A_130 = arith.constant -1 : i32
      %eq3A_131 = arith.cmpi eq, %select_n3A_129, %eq3A_130 : i32
      %select_n3A_132 = arith.constant 199 : i32
      %select_n3A_133 = arith.select %eq3A_131, %select_n3A_132, %select_n3A_129 : i32
      %select_n3A_134 = arith.constant 0 : i32
      %select_n3A_135 = arith.constant -1 : i32
      %select_n3A_136 = arith.select %eq3A_131, %select_n3A_135, %select_n3A_134 : i32
      %eq3A_137 = arith.constant -1 : i32
      %eq3A_138 = arith.cmpi eq, %select_n3A_136, %eq3A_137 : i32
      %select_n3A_139 = arith.constant 0 : i32
      %select_n3A_140 = arith.select %eq3A_138, %select_n3A_139, %select_n3A_136 : i32
      %add3A_141 = arith.constant 0 : i32
      %add3A_142 = arith.addi %add3A_141, %mul3A_13 : i32
      %add3A_143 = arith.constant 0 : i32
      %add3A_144 = arith.addi %select_n3A_133, %add3A_143 : i32
      %add3A_145 = arith.constant 1 : i32
      %add3A_146 = arith.addi %select_n3A_114, %add3A_145 : i32
      %select_n3A_147 = arith.constant true
      %select_n3A_148 = arith.select %select_n3A_147, %add3A_146, %select_n3A_114 : i32
      %eq3A_149 = arith.constant 200 : i32
      %eq3A_150 = arith.cmpi eq, %select_n3A_148, %eq3A_149 : i32
      %select_n3A_151 = arith.constant 0 : i32
      %select_n3A_152 = arith.select %eq3A_150, %select_n3A_151, %select_n3A_148 : i32
      %select_n3A_153 = arith.constant 0 : i32
      %select_n3A_154 = arith.constant 1 : i32
      %select_n3A_155 = arith.select %eq3A_150, %select_n3A_154, %select_n3A_153 : i32
      %eq3A_156 = arith.constant 1 : i32
      %eq3A_157 = arith.cmpi eq, %select_n3A_155, %eq3A_156 : i32
      %select_n3A_158 = arith.constant 0 : i32
      %select_n3A_159 = arith.select %eq3A_157, %select_n3A_158, %select_n3A_155 : i32
      %add3A_160 = arith.constant 0 : i32
      %add3A_161 = arith.addi %add3A_160, %mul3A_13 : i32
      %add3A_162 = arith.constant 0 : i32
      %add3A_163 = arith.addi %select_n3A_152, %add3A_162 : i32
      %add3A_164 = arith.constant 1 : i32
      %add3A_165 = arith.addi %select_n3A_152, %add3A_164 : i32
      %select_n3A_166 = arith.constant true
      %select_n3A_167 = arith.select %select_n3A_166, %add3A_165, %select_n3A_152 : i32
      %eq3A_168 = arith.constant 200 : i32
      %eq3A_169 = arith.cmpi eq, %select_n3A_167, %eq3A_168 : i32
      %select_n3A_170 = arith.constant 0 : i32
      %select_n3A_171 = arith.select %eq3A_169, %select_n3A_170, %select_n3A_167 : i32
      %select_n3A_172 = arith.constant 0 : i32
      %select_n3A_173 = arith.constant 1 : i32
      %select_n3A_174 = arith.select %eq3A_169, %select_n3A_173, %select_n3A_172 : i32
      %eq3A_175 = arith.constant 1 : i32
      %eq3A_176 = arith.cmpi eq, %select_n3A_174, %eq3A_175 : i32
      %select_n3A_177 = arith.constant 0 : i32
      %select_n3A_178 = arith.select %eq3A_176, %select_n3A_177, %select_n3A_174 : i32
      %add3A_179 = arith.constant 0 : i32
      %add3A_180 = arith.addi %add3A_179, %mul3A_13 : i32
      %add3A_181 = arith.constant 0 : i32
      %add3A_182 = arith.addi %select_n3A_171, %add3A_181 : i32
      "tpu.trace_start"() <{level = 10 : i32, message = "ep_finalize"}> : () -> ()
      %rem3A_183 = arith.constant 2 : i32
      %rem3A_184 = arith.remui %scan3A_106#3, %rem3A_183 : i32
      %mul3A_185 = arith.constant 1 : i32
      %mul3A_186 = arith.muli %mul3A_185, %add3A_125 : i32
      %mul3A_187 = arith.constant 512 : i32
      %mul3A_188 = arith.muli %mul3A_187, %add3A_123 : i32
      %dma_wait3A = arith.constant 0 : i32
      %dma_wait3A_189 = arith.constant 0 : i32
      %dma_wait3A_190 = arith.constant 0 : i32
      %dma_wait3A_191 = tpu.memref_slice %run_scoped3A_15[%rem3A_184, %dma_wait3A, %dma_wait3A_189, %dma_wait3A_190] : memref<2x1x64x512xf32, #tpu.memory_space<vmem>> -> memref<1x1x64x512xf32, #tpu.memory_space<vmem>>
      %dma_wait3A_192 = tpu.memref_squeeze %dma_wait3A_191 : memref<1x1x64x512xf32, #tpu.memory_space<vmem>> -> memref<1x64x512xf32, #tpu.memory_space<vmem>>
      %dma_wait3A_193 = arith.constant 0 : i32
      %dma_wait3A_194 = tpu.memref_slice %arg4[%mul3A_186, %dma_wait3A_193, %mul3A_188] : memref<200x64x16384xf32, #tpu.memory_space<hbm>> -> memref<1x64x512xf32, #tpu.memory_space<hbm>>
      %dma_wait3A_195 = tpu.memref_slice %run_scoped3A_16[%rem3A_184] : memref<2x!tpu.dma_semaphore, #tpu.memory_space<semaphore_mem>> -> memref<1x!tpu.dma_semaphore, #tpu.memory_space<semaphore_mem>>
      %dma_wait3A_196 = tpu.memref_squeeze %dma_wait3A_195 : memref<1x!tpu.dma_semaphore, #tpu.memory_space<semaphore_mem>> -> memref<!tpu.dma_semaphore, #tpu.memory_space<semaphore_mem>>
      %dma_wait3A_197 = arith.constant 0 : i32
      %dma_wait3A_198 = tpu.memref_slice %arg4[%mul3A_186, %dma_wait3A_197, %mul3A_188] : memref<200x64x16384xf32, #tpu.memory_space<hbm>> -> memref<1x64x512xf32, #tpu.memory_space<hbm>>
      %dma_wait3A_199 = arith.constant 0 : i32
      %dma_wait3A_200 = arith.constant 0 : i32
      %dma_wait3A_201 = arith.constant 0 : i32
      %dma_wait3A_202 = tpu.memref_slice %run_scoped3A_15[%rem3A_184, %dma_wait3A_199, %dma_wait3A_200, %dma_wait3A_201] : memref<2x1x64x512xf32, #tpu.memory_space<vmem>> -> memref<1x1x64x512xf32, #tpu.memory_space<vmem>>
      %dma_wait3A_203 = tpu.memref_squeeze %dma_wait3A_202 : memref<1x1x64x512xf32, #tpu.memory_space<vmem>> -> memref<1x64x512xf32, #tpu.memory_space<vmem>>
      tpu.wait_dma2 semaphore(%dma_wait3A_196 : memref<!tpu.dma_semaphore, #tpu.memory_space<semaphore_mem>>) src(%dma_wait3A_203 : memref<1x64x512xf32, #tpu.memory_space<vmem>>) dst(%dma_wait3A_198 : memref<1x64x512xf32, #tpu.memory_space<hbm>>)
      "tpu.trace_stop"() : () -> ()
      tpu.yield
    }) : () -> ()
    return
  }
}

</mosaic_0001>

<sc_bundles>
// kernel: kernel.3.cloned.1.call-start
scs
__scs_entry_jumppad:
0x0: {  	(pc) =	sbr.rel $0x88, $3  }
0x1: {  	(tag) =	ssettag $0x0;
	lr =	simm.s32 $0x1  }
0x2: {  	[smem:$0x3F9F] =	sst lr;
	_ =	strace $0xD0000000  }
0x3: {  	_ = 	snop  }
0x4: {  	_ = 	snop  }
0x5: {  	_ = 	snop  }
0x6: {  	_ = 	snop  }
0x7: {  	_ = 	snop  }
__scs_overlays_trampoline_lowered:
0x8: {  	[smem:$0x3FAE] =	sst s0  }
0x9: {  	[smem:$0x3FAF] =	sst s1  }
0xa: {  	[smem:$0x3FB0] =	sst s2  }
0xb: {  	[smem:$0x3FB1] =	sst s3  }
0xc: {  	[smem:$0x3FB2] =	sst s4  }
0xd: {  	[smem:$0x3FB3] =	sst s5  }
0xe: {  	[smem:$0x3FB4] =	sst s6  }
0xf: {  	[smem:$0x3FB5] =	sst s7  }
0x10: {  	[smem:$0x3FB6] =	sst s8  }
0x11: {  	[smem:$0x3FB7] =	sst s9;
	s0 =	simm.s32 @!p0 $0x0  }
0x12: {  	s1 =	sld [smem:$0x3F9D];
	s0 =	simm.s32 @p0 $0x1  }
0x13: {  	[smem:$0x3FB8] =	sst s0;
	s0 =	simm.s32 @!p1 $0x0  }
0x14: {  	s2 =	sld [smem:$0x3F9C];
	s0 =	simm.s32 @p1 $0x1  }
0x15: {  	[smem:$0x3FB9] =	sst s0;
	s0 =	simm.s32 @!p2 $0x0  }
0x16: {  	s3 =	sld [smem:$0x3FDB];
	s0 =	simm.s32 @p2 $0x1  }
0x17: {  	s4 =	simm.s32 $0x1BF5;
	[smem:$0x3FBB] =	sst s0  }
0x18: {  	s0 =	sld [smem:$0x3F9E];
	_ =	swait.ge [sflag:s4], $0x0  }
0x19: {  	s7 =	sld [smem:$0x3F9F]  }
0x1a: {  	s8 =	sadd.s32 $0xFFFFE003, lr  }
0x1b: {  	s9 =	sadd.s32 $0xFFFFFEF7, lr;
	s5 =	simm.s32 $0xFFFFFFFF;
	p2 =	slt.u32 s8, $0xFFFFF086  }
0x1c: {  	p1 =	slt.u32 s9, $0xF7A;
	s5 =	simm.s32 @!p2 $0x0  }
0x1d: {  	s5 =	simm.s32 @p1 $0x1;
	p0 =	seq.s32 s7, s2  }
0x1e: {  	s7 =	smul.u32 @!p0 $0xF7A, s2;
	p2 =	seq.s32 @!p0 s5, $0x0  }
0x1f: {  	s9 =	smul.u32 $0xF7A, s1;
	s8 =	simm.s32 @!p0 $0x1BF5;
	p2 =	por !p2, p0  }
0x20: {  	[sflag:s8] =	ssyncset.s32 @!p0 $0xFFFFF086;
	s6 =	sadd.s32 @!p0 s3, s7;
	s7 =	simm.s32 @!p0 $0x108  }
0x21: {  	s3 =	sadd.s32 s3, s9;
	s6 =	sadd.s32 @!p0 $0x88, s6;
	s7 =	simm.s32 @p2 $0x1082  }
0x22: {  	[simem:s7], [sflag:s8] =	dma.local @!p0 [hbm:s6], $0xF7A  }
0x23: {  	s9 =	sor.u32 $0xD0000000, s2;
	s6 =	simm.s32 $0x108;
	_ =	swait.ge @!p0 [sflag:s8], $0x0  }
0x24: {  	s3 =	sadd.s32 $0x88, s3;
	s6 =	simm.s32 @!p1 $0x1082;
	[sflag:s4] =	ssyncset.s32 $0xFFFFF086  }
0x25: {  	[simem:s6], [sflag:s4] =	dma.local [hbm:s3], $0xF7A  }
0x26: {  	[smem:$0x3F9F] =	sst s1;
	(tag) =	ssettag s2;
	_ =	strace s9  }
0x27: {  	s1 =	sld [smem:$0x3FAF]  }
0x28: {  	s2 =	sld [smem:$0x3FB0]  }
0x29: {  	s4 =	sld [smem:$0x3FB2]  }
0x2a: {  	p0 =	seq.s32 s5, $0x0;
	s5 =	sld [smem:$0x3FB3]  }
0x2b: {  	s6 =	sld [smem:$0x3FB4]  }
0x2c: {  	s7 =	sld [smem:$0x3FB5]  }
0x2d: {  	s3 =	simm.s32 $0x108;
	s8 =	sld [smem:$0x3FB6]  }
0x2e: {  	s3 =	simm.s32 @!p0 $0x1082;
	s9 =	sld [smem:$0x3FB7]  }
0x2f: {  	lr =	sadd.s32 s0, s3;
	s0 =	sld [smem:$0x3FAE]  }
0x30: {  	s3 =	sld [smem:$0x3FB1]  }
0x31: {  	[smem:$0x3FBA] =	sst s10  }
0x32: {  	s10 =	sld [smem:$0x3FB8];
	_ =	sdelay $0x3  }
0x33: {  	p0 =	seq.s32 s10, $0x1;
	s10 =	sld [smem:$0x3FBA];
	_ =	sdelay $0x3  }
0x34: {  	[smem:$0x3FBA] =	sst s10  }
0x35: {  	s10 =	sld [smem:$0x3FB9];
	_ =	sdelay $0x3  }
0x36: {  	p1 =	seq.s32 s10, $0x1;
	s10 =	sld [smem:$0x3FBA];
	_ =	sdelay $0x3  }
0x37: {  	[smem:$0x3FBA] =	sst s10  }
0x38: {  	s10 =	sld [smem:$0x3FBB]  }
0x39: {  	_ = 	snop;
	(pc) =	sbr.ind lr, $3  }
0x3a: {  	_ = 	snop  }
0x3b: {  	_ = 	snop  }
0x3c: {  	p2 =	seq.s32 s10, $0x1;
	s10 =	sld [smem:$0x3FBA]  }
0x3d: {  	_ =	shalt  }
0x3e: {  	_ =	shalt  }
0x3f: {  	_ =	shalt  }
0x40: {  	_ =	shalt  }
0x41: {  	_ =	shalt  }
0x42: {  	_ =	shalt  }
0x43: {  	_ =	shalt  }
0x44: {  	_ =	shalt  }
0x45: {  	_ =	shalt  }
0x46: {  	_ =	shalt  }
0x47: {  	_ =	shalt  }
0x48: {  	_ =	shalt  }
0x49: {  	_ =	shalt  }
0x4a: {  	_ =	shalt  }
0x4b: {  	_ =	shalt  }
0x4c: {  	_ =	shalt  }
0x4d: {  	_ =	shalt  }
0x4e: {  	_ =	shalt  }
0x4f: {  	_ =	shalt  }
0x50: {  	_ =	shalt  }
0x51: {  	_ =	shalt  }
0x52: {  	_ =	shalt  }
0x53: {  	_ =	shalt  }
0x54: {  	_ =	shalt  }
0x55: {  	_ =	shalt  }
0x56: {  	_ =	shalt  }
0x57: {  	_ =	shalt  }
0x58: {  	_ =	shalt  }
0x59: {  	_ =	shalt  }
0x5a: {  	_ =	shalt  }
0x5b: {  	_ =	shalt  }
0x5c: {  	_ =	shalt  }
0x5d: {  	_ =	shalt  }
0x5e: {  	_ =	shalt  }
0x5f: {  	_ =	shalt  }
0x60: {  	_ =	shalt  }
0x61: {  	_ =	shalt  }
0x62: {  	_ =	shalt  }
0x63: {  	_ =	shalt  }
0x64: {  	_ =	shalt  }
0x65: {  	_ =	shalt  }
0x66: {  	_ =	shalt  }
0x67: {  	_ =	shalt  }
0x68: {  	_ =	shalt  }
0x69: {  	_ =	shalt  }
0x6a: {  	_ =	shalt  }
0x6b: {  	_ =	shalt  }
0x6c: {  	_ =	shalt  }
0x6d: {  	_ =	shalt  }
0x6e: {  	_ =	shalt  }
0x6f: {  	_ =	shalt  }
0x70: {  	_ =	shalt  }
0x71: {  	_ =	shalt  }
0x72: {  	_ =	shalt  }
0x73: {  	_ =	shalt  }
0x74: {  	_ =	shalt  }
0x75: {  	_ =	shalt  }
0x76: {  	_ =	shalt  }
0x77: {  	_ =	shalt  }
0x78: {  	_ =	shalt  }
0x79: {  	_ =	shalt  }
0x7a: {  	_ =	shalt  }
0x7b: {  	_ =	shalt  }
0x7c: {  	_ =	shalt  }
0x7d: {  	_ =	shalt  }
0x7e: {  	_ =	shalt  }
0x7f: {  	_ =	shalt  }
0x80: {  	_ =	shalt  }
0x81: {  	_ =	shalt  }
0x82: {  	_ =	shalt  }
0x83: {  	_ =	shalt  }
0x84: {  	_ =	shalt  }
0x85: {  	_ =	shalt  }
0x86: {  	_ =	shalt  }
0x87: {  	_ =	shalt  }
.Lfunc_end0:
.L_simem_size_0:
called_computation_lowered:
.L_overlay_start_0:
0x88: {  	s2 =	sld [smem:$0x3FD9]  }
0x89: {  	s3 =	sld [smem:$0x3FFE];
	_ =	sdelay $0x1  }
0x8a: {  	s1 =	srdreg.scid  }
0x8b: {  	s0 =	sand.u32 $0x1, s1  }
0x8c: {  	s17 =	sshll.u32 s0, $0xA;
	s2 =	sadd.s32 s3, s2  }
0x8d: {  	s2 =	sadd.s32 s2, s17  }
0x8e: {  	[smem:$0x3FC6] =	sst s2  }
0x8f: {  	_ = 	snop  }
0x90: {  	s2 =	sld [smem:$0x3FC9]  }
0x91: {  	s18 =	sld [smem:$0x3FD0];
	(tm) =	ssettm $0x1  }
0x92: {  	s4 =	sld [smem:$0x3FFB];
	_ =	sdelay $0x3  }
0x93: {  	_ =	strace s4  }
0x94: {  	s4 =	sld [smem:$0x3FFC];
	_ =	sdelay $0x3  }
0x95: {  	_ =	strace s4  }
0x96: {  	s4 =	sld [smem:$0x3FFD];
	_ =	sdelay $0x3  }
0x97: {  	_ =	strace s4  }
0x98: {  	_ =	strace $0x8FFFFFFF  }
0x99: {  	s19 =	sld [smem:$0x3FDB];
	_ =	sdelay $0x1  }
0x9a: {  	s5 =	simm.s32 $_scs_section_size  }
0x9b: {  	s6 =	simm.s32 $_size__tile_overlayer_lowered;
	s7 =	simm.s32 $_tile_overlayer_lowered  }
0x9c: {  	s22 =	simm.s32 $0x1BFF;
	s21 =	sshll.u32 s7, $0x1;
	s4 =	sadd.s32 s5, s19  }
0x9d: {  	s8 =	simm.s32 $0x0;
	s20 =	sshll.u32 s6, $0x1;
	s6 =	sadd.s32 s21, s4  }
0x9e: {  	[timem:s8], [sflag:s22] =	dma.local [hbm:s6], s20  }
0x9f: {  	_ =	swait.ge [sflag:s22], s20  }
0xa0: {  	s5 =	ssub.s32 $0x0, s20;
	[sflag:s22] =	ssyncset.done $0x0  }
0xa1: {  	[sflag:s22] =	ssyncadd.s32 s5;
	_ =	sdelay $0x1  }
0xa2: {  	s23 =	simm.s32 $0x1B8B  }
0xa3: {  	_ =	swait.ge [sflag:s23], $0x1  }
0xa4: {  	[sflag:s23] =	ssyncset.done $0x0  }
0xa5: {  	s25 =	simm.s32 $0x1B8E;
	s24 =	sld [smem:$0x3FFE];
	[sflag:s23] =	ssyncadd.s32 $0xFFFFFFFF  }
0xa6: {  	s26 =	simm.s32 $execute0_lowered;
	[smem:$0x3FD2] =	sst s25  }
0xa7: {  	s6 =	sshll.u32 s26, $0x1;
	_ =	strace $0x80000046;
	[dreg:$0x1] =	wrdreg $0xFFFFFFFF  }
0xa8: {  	s28 =	simm.s32 $_size_execute0_lowered;
	s4 =	sadd.s32 s4, s6;
	[dreg:$0x0] =	wrdreg $0x0  }
0xa9: {  	s6 =	sshll.u32 s28, $0x1;
	[dreg:$0x2] =	wrdreg s4  }
0xaa: {  	[dreg:$0x3] =	wrdreg s6  }
0xab: {  	[dreg:$0x4] =	wrdreg $0xC0  }
0xac: {  	_ =	task [dreg:s8], $0x5FFFF  }
0xad: {  	[dreg:$0x1] =	wrdreg $0xFFFFFFFF  }
0xae: {  	[dreg:$0x0] =	wrdreg $0x60  }
0xaf: {  	[dreg:$0x2] =	wrdreg s24  }
0xb0: {  	[dreg:$0x3] =	wrdreg s2  }
0xb1: {  	[dreg:$0x4] =	wrdreg s18  }
0xb2: {  	[dreg:$0x5] =	wrdreg $0x9  }
0xb3: {  	_ =	task.clear_ibuf [dreg:s8], $0x6FFFF;
	_ =	strace $0x90000046  }
0xb4: {  	s29 =	simm.s32 $0x9;
	_ =	strace $0x8000004F  }
0xb5: {  	_ =	swait.ge [sflag:s29], $0x1  }
0xb6: {  	[sflag:s29] =	ssyncadd.s32 $0xFFFFFFFF  }
0xb7: {  	_ =	strace $0x9000004F  }
0xb8: {  	_ =	sfence  }
0xb9: {  	s30 =	sld [smem:$0x0];
	_ =	sdelay $0x2  }
0xba: {  	s31 =	sshll.u32 s1, $0xD;
	s1 =	sshrl.u32 s1, $0x2  }
0xbb: {  	s3 =	sand.u32 $0x4000, s31;
	s1 =	sadd.s32 s1, s30  }
0xbc: {  	s0 =	sor.u32 s3, s0;
	s1 =	sshll.u32 s1, $0x11  }
0xbd: {  	s0 =	sor.u32 s1, s0  }
0xbe: {  	s0 =	sadd.s32 $0x8F2B, s0  }
0xbf: {  	[sflag:s0] =	ssyncadd.remote.s32 $0x1  }
0xc0: {  	_ =	sfence.sel $0xFFFF  }
0xc1: {  	[dreg:$0x0] =	wrdreg $0xFFFFFFFF;
	(pc) =	sbr.abs _section_cstart, $3  }
0xc2: {  	[dreg:$0x1] =	wrdreg $0xFFFFFFFF  }
0xc3: {  	_ =	task.clear_ibuf [dreg:s8], $0x2FFFF;
	_ =	strace $0x9FFFFFFF  }
0xc4: {  	(tm) =	ssettm $0x7FFFFFFF  }
0xc5: {  	_ =	shalt  }
tec
execute0_lowered:
.L_overlay_start_1:
0x0: {  	(tag) =	ssettag $0x1  }
0x1: {  	v0 =	vlaneseq.u32  }
0x2: {  	v2 =	vmul.u32 $0xC01, v0;
	_ =	sdelay $0x1  }
0x3: {  	v0 =	vadd.s32 $0x2, v2  }
0x4: {  	v57 =	vadd.s32 $0x3, v2;
	[tilespmem:$0x1FDE0] =	vst v0  }
0x5: {  	v58 =	vadd.s32 $0x4, v2;
	[tilespmem:$0x1FDF0] =	vst v57  }
0x6: {  	v59 =	vadd.s32 $0x5, v2;
	[tilespmem:$0x1FE00] =	vst v58  }
0x7: {  	v60 =	vadd.s32 $0x6, v2;
	[tilespmem:$0x1FE10] =	vst v59  }
0x8: {  	v61 =	vadd.s32 $0x7, v2;
	[tilespmem:$0x1FE20] =	vst v60  }
0x9: {  	v62 =	vadd.s32 $0x8, v2;
	[tilespmem:$0x1FE30] =	vst v61  }
0xa: {  	s1 =	rddreg [dreg:$0x0];
	s6 =	simm.s32 $0x0;
	v63 =	vadd.s32 $0x9, v2;
	[tilespmem:$0x1FE40] =	vst v62  }
0xb: {  	[smem:$0x7FF] =	sst s6;
	v1 =	vadd.s32 $0x3F, v2;
	[tilespmem:$0x1FE50] =	vst v63  }
0xc: {  	s0 =	rddreg [dreg:$0x1];
	_ =	strace $0x80000047;
	[tilespmem:$0x1FE60] =	vst v1  }
0xd: {  	v3 =	vadd.s32 $0x1, v2;
	[tilespmem:$0x1FE70] =	vst v2  }
0xe: {  	v35 =	vadd.s32 $0x28, v2;
	[tilespmem:$0x1FE80] =	vst v3  }
0xf: {  	v4 =	vadd.s32 $0x29, v2;
	[tilespmem:$0x1FE90] =	vst v35  }
0x10: {  	v5 =	vadd.s32 $0x2A, v2;
	[tilespmem:$0x1FEA0] =	vst v4  }
0x11: {  	v6 =	vadd.s32 $0x2B, v2;
	[tilespmem:$0x1FEB0] =	vst v5  }
0x12: {  	v7 =	vadd.s32 $0x2C, v2;
	[tilespmem:$0x1FEC0] =	vst v6  }
0x13: {  	v8 =	vadd.s32 $0x2D, v2;
	[tilespmem:$0x1FED0] =	vst v7  }
0x14: {  	v9 =	vadd.s32 $0x2E, v2;
	[tilespmem:$0x1FEE0] =	vst v8  }
0x15: {  	v10 =	vadd.s32 $0x2F, v2;
	[tilespmem:$0x1FEF0] =	vst v9  }
0x16: {  	v11 =	vadd.s32 $0x30, v2;
	[tilespmem:$0x1FF00] =	vst v10  }
0x17: {  	v36 =	vadd.s32 $0xA, v2;
	v12 =	vadd.s32 $0x31, v2;
	[tilespmem:$0x1FF10] =	vst v11  }
0x18: {  	v37 =	vadd.s32 $0xB, v2;
	v38 =	vadd.s32 $0xC, v2;
	v13 =	vadd.s32 $0x32, v2;
	[tilespmem:$0x1FF20] =	vst v12  }
0x19: {  	v39 =	vadd.s32 $0xD, v2;
	v40 =	vadd.s32 $0xE, v2;
	v14 =	vadd.s32 $0x33, v2;
	[tilespmem:$0x1FF30] =	vst v13  }
0x1a: {  	v41 =	vadd.s32 $0xF, v2;
	v42 =	vadd.s32 $0x10, v2;
	v15 =	vadd.s32 $0x34, v2;
	[tilespmem:$0x1FF40] =	vst v14  }
0x1b: {  	v43 =	vadd.s32 $0x11, v2;
	v44 =	vadd.s32 $0x12, v2;
	v16 =	vadd.s32 $0x35, v2;
	[tilespmem:$0x1FF50] =	vst v15  }
0x1c: {  	v45 =	vadd.s32 $0x13, v2;
	v46 =	vadd.s32 $0x14, v2;
	v17 =	vadd.s32 $0x36, v2;
	[tilespmem:$0x1FF60] =	vst v16  }
0x1d: {  	v47 =	vadd.s32 $0x15, v2;
	v48 =	vadd.s32 $0x16, v2;
	v18 =	vadd.s32 $0x37, v2;
	[tilespmem:$0x1FF70] =	vst v17  }
0x1e: {  	s3 =	srdreg.scid;
	v49 =	vadd.s32 $0x17, v2;
	v50 =	vadd.s32 $0x18, v2;
	v19 =	vadd.s32 $0x38, v2;
	[tilespmem:$0x1FF80] =	vst v18  }
0x1f: {  	s2 =	stileid.u32;
	s3 =	sand.u32 $0x1, s3;
	v51 =	vadd.s32 $0x19, v2;
	v52 =	vadd.s32 $0x1A, v2;
	v20 =	vadd.s32 $0x39, v2;
	[tilespmem:$0x1FF90] =	vst v19  }
0x20: {  	s5 =	sshll.u32 s2, $0xC;
	s4 =	ssub.s32 $0x2, s3;
	s3 =	sshll.u32 s3, $0x10;
	v53 =	vadd.s32 $0x1B, v2;
	v54 =	vadd.s32 $0x1C, v2;
	v21 =	vadd.s32 $0x3A, v2;
	[tilespmem:$0x1FFA0] =	vst v20  }
0x21: {  	s1 =	sadd.s32 $0x400, s1;
	v55 =	vadd.s32 $0x1D, v2;
	v56 =	vadd.s32 $0x1E, v2;
	s5 =	sor.u32 s5, s3;
	v22 =	vadd.s32 $0x3B, v2;
	[tilespmem:$0x1FFB0] =	vst v21  }
0x22: {  	s2 =	smov.u32 s0;
	v27 =	vadd.s32 $0x26, v2;
	v28 =	vadd.s32 $0x27, v2;
	s28 =	sshrl.u32 s4, $0x1;
	v23 =	vadd.s32 $0x3C, v2;
	s30 =	sshrl.u32 s5, $0x3;
	[tilespmem:$0x1FFC0] =	vst v22  }
0x23: {  	v24 =	vadd.s32 $0x3D, v2;
	v25 =	vadd.s32 $0x3E, v2;
	v57 =	vadd.s32 $0x1F, v2;
	s29 =	ssub.s32 s4, s28;
	[dreg:$0x5] =	wrdreg s1;
	s0 =	sadd.s32 s0, s30;
	[tilespmem:$0x1FFD0] =	vst v23  }
0x24: {  	v58 =	vadd.s32 $0x20, v2;
	v59 =	vadd.s32 $0x21, v2;
	v60 =	vadd.s32 $0x22, v2;
	s31 =	smax.u32 s29, $0x1;
	[tilespmem:$0x1FFE0] =	vst v24;
	[dreg:$0x6] =	wrdreg s0  }
0x25: {  	s13 =	simm.s32 $0xC00;
	v61 =	vadd.s32 $0x23, v2;
	v62 =	vadd.s32 $0x24, v2;
	v63 =	vadd.s32 $0x25, v2;
	s1 =	simm.s32 $0x0;
	[tilespmem:$0x1FFF0] =	vst v25;
	[dreg:$0x7] =	wrdreg s31  }
.LBB2_1:
0x26: {  	[dreg:$0x8] =	wrdreg s1  }
0x27: {  	s0 =	simm.s32 $0x0;
	s30 =	rddreg [dreg:$0x5];
	s31 =	simm.s32 $0x1  }
0x28: {  	[tilespmem:s0], [sflag:$0x1] =	stream.linear.gather [hbm4b:s30+s0], $0xC00, $0x38;
	[tilespmem:$0x1D080] =	vst v63  }
0x29: {  	_ =	swait.ge [sflag:s31], $0xC00  }
0x2a: {  	[sflag:s31] =	ssyncset.done $0x0  }
0x2b: {  	s1 =	simm.s32 $0xC00;
	s3 =	simm.s32 $0x0;
	[sflag:s31] =	ssyncadd.s32 $0xFFFFF400  }
.LBB2_2:
0x2c: {  	s4 =	simm.s32 $0x0  }
0x2d: {  	v0 =	vmov s1;
	s6 =	simm.s32 $0x40;
	v1 =	vld [tilespmem:s4+$0x0]  }
.LBB2_3:
0x2e: {  	p0 =	sne.s32 s6, $0x2FC0  }
.Ltmp0:
0x2f: {  	_ = 	snop;
	(pc) =	sbr.rel @p0 .LBB2_3-.Ltmp0, $3  }
0x30: {  	_ =	sdelay $0x1  }
0x31: {  	[tilespmem:v0+s4+$0x0 ss:$0x1] =	vst.idx.msk $0xffff, v1;
	s4 =	sshra.s32 s6, $0x2;
	s6 =	sadd.s32 $0x40, s6  }
0x32: {  	v1 =	vld [tilespmem:s4+$0x0]  }
0x33: {  	s3 =	sadd.s32 $0x1, s3  }
0x34: {  	p0 =	sne.s32 s3, $0x10  }
.Ltmp1:
0x35: {  	_ = 	snop;
	(pc) =	sbr.rel @p0 .LBB2_2-.Ltmp1, $2  }
0x36: {  	_ =	sdelay $0x2  }
0x37: {  	s1 =	sadd.s32 $0xC01, s1;
	[tilespmem:v0+s4+$0x0 ss:$0x1] =	vst.idx.msk $0xffff, v1  }
0x38: {  	_ =	strace $0x80000048;
	s1 =	simm.s32 $0x80;
	s3 =	simm.s32 $0x400  }
0x39: {  	s4 =	simm.s32 $0xCC80;
	s15 =	simm.s32 $0x1;
	s21 =	simm.s32 $0x0  }
0x3a: {  	s16 =	simm.s32 $0x0;
	s17 =	simm.s32 $0x0;
	s0 =	rddreg [dreg:$0x6]  }
0x3b: {  	[tilespmem:s4], [sflag:$0x2] =	stream.strided.gather [hbm4b:s0+s1], $0x200, s3, s1, $0x200038;
	[tilespmem:$0x1D080] =	vst v63  }
0x3c: {  	s18 =	simm.s32 $0x0;
	s19 =	simm.s32 $0x0;
	_ =	strace $0x90000048  }
.LBB2_6:
0x3d: {  	s20 =	sadd.s32 $0x1, s21  }
0x3e: {  	p0 =	seq.s32 s20, $0xC8  }
0x3f: {  	s20 =	simm.s32 @p0 $0x0  }
0x40: {  	p6 =	sne.s32 s19, $0xC7;
	p1 =	sne.s32 s21, s20  }
0x41: {  	p0 =	por !p6, !p1  }
0x42: {  	p0 =	por !p0, !p0  }
0x43: {  	s1 =	sshll.u32 @p0 s20, $0x7;
	s3 =	sshll.u32 @p0 s20, $0xE  }
0x44: {  	s25 =	sand.u32 $0x1, s18;
	s1 =	sand.u32 @p0 $0x380, s1;
	s3 =	sand.u32 @p0 $0xFFFE0000, s3  }
0x45: {  	s30 =	sshll.u32 s18, $0x9;
	_ =	strace @p0 $0x80000049;
	s1 =	sor.u32 @p0 s3, s1  }
0x46: {  	s6 =	simm.s32 @p0 $0x80;
	s3 =	sand.u32 @p0 $0x1, s15;
	s1 =	sor.u32 @p0 s5, s1  }
0x47: {  	s7 =	simm.s32 @p0 $0x400;
	s4 =	sshll.u32 @p0 s3, $0x9;
	s1 =	sshrl.u32 @p0 s1, $0x3  }
0x48: {  	s3 =	sor.u32 @p0 $0x2, s3;
	s4 =	sor.u32 @p0 $0xCC80, s4;
	s1 =	sadd.s32 @p0 s2, s1  }
0x49: {  	[tilespmem:s4], [sflag:s3] =	stream.strided.gather @p0 [hbm4b:s1+s6], $0x200, s7, s6, $0x200038;
	[tilespmem:$0x1D080] =	vst v63  }
0x4a: {  	s22 =	sand.u32 $0x1, s17;
	p2 =	por $0x0, $0x0;
	_ =	strace @p0 $0x90000049  }
0x4b: {  	s28 =	simm.s32 $0x0;
	s26 =	sor.u32 $0x2, s25;
	_ =	strace $0x8000004A  }
0x4c: {  	s29 =	simm.s32 $0x0;
	s31 =	sshll.u32 s22, $0xF;
	_ =	swait.ge [sflag:s26], $0x200  }
0x4d: {  	s23 =	sadd.s32 $0xD080, s31;
	s3 =	sand.u32 $0x200, s30;
	[sflag:s26] =	ssyncset.done $0x0  }
0x4e: {  	s1 =	sshll.u32 s25, $0x9;
	s25 =	simm.s32 $0xFFFFFFFE;
	[sflag:s26] =	ssyncadd.s32 $0xFFFFFE00  }
0x4f: {  	v0 =	vmov s23;
	s3 =	sor.u32 $0xCC80, s3;
	s24 =	sor.u32 $0xCCA0, s1;
	_ =	strace $0x9000004A  }
0x50: {  	s26 =	simm.s32 $0x20;
	_ =	strace $0x8000004B;
	[dreg:$0x4] =	wrdreg s3;
	[tilespmem:$0x1FDD0] =	vst v0  }
.LBB2_7:
0x51: {  	v1 =	vld [tilespmem:s24+$0xFFFFFFE0]  }
0x52: {  	v14 =	vld [tilespmem:$0x1FE70]  }
0x53: {  	v9 =	vld [tilespmem:$0x1FE80]  }
0x54: {  	s4 =	sadd.s32 $0xFFFFFFE0, s26;
	v32 =	vld [tilespmem:$0x1FE20]  }
0x55: {  	s1 =	rddreg [dreg:$0x4];
	v0 =	vld [tilespmem:$0x1FDE0];
	s3 =	sand.u32 $0x40, s4;
	s6 =	sand.u32 $0x180, s4  }
0x56: {  	v30 =	vld [tilespmem:$0x1FDF0];
	s30 =	sor.u32 $0x10, s3;
	s6 =	sadd.s32 s6, s1;
	v4 =	vshll.u32 v1, $0x6  }
0x57: {  	v29 =	vld [tilespmem:$0x1FE00];
	s1 =	sadd.s32 s30, s6;
	v1 =	vadd.s32 v14, v4  }
0x58: {  	v3 =	vld [tilespmem:s1+$0x0];
	s1 =	sand.u32 $0x60, s26;
	v2 =	vadd.s32 v9, v4  }
0x59: {  	v31 =	vld [tilespmem:$0x1FE10];
	s31 =	sor.u32 $0x10, s1;
	v23 =	vadd.s32 v32, v4  }
0x5a: {  	v33 =	vld [tilespmem:$0x1FE30];
	v5 =	vadd.s32 v0, v4;
	s6 =	sadd.s32 s31, s6  }
0x5b: {  	v6 =	vadd.s32 v30, v4;
	v22 =	vld [tilespmem:s6+$0x0]  }
0x5c: {  	v7 =	vadd.s32 v29, v4;
	v1 =	vld.idx.msk [tilespmem:v1+s13+$0x0], $0xffff  }
0x5d: {  	v3 =	vshll.u32 v3, $0x6;
	v18 =	vld.idx.msk [tilespmem:v2+s13+$0x0], $0xffff  }
0x5e: {  	v35 =	vadd.s32 v30, v3;
	v2 =	vld.idx.msk [tilespmem:v23+s13+$0x0], $0xffff  }
0x5f: {  	v8 =	vadd.s32 v31, v4;
	v34 =	vld.idx.msk [tilespmem:v5+s13+$0x0], $0xffff  }
0x60: {  	v10 =	vadd.s32 v33, v4;
	v6 =	vld.idx.msk [tilespmem:v6+s13+$0x0], $0xffff  }
0x61: {  	v11 =	vadd.s32 v14, v3;
	v7 =	vld.idx.msk [tilespmem:v7+s13+$0x0], $0xffff  }
0x62: {  	v12 =	vadd.s32 v9, v3;
	v5 =	vld [tilespmem:s24+$0x0]  }
0x63: {  	v13 =	vadd.s32 v0, v3;
	[tilespmem:$0x1FD90] =	vst v2;
	v2 =	vld.idx.msk [tilespmem:v35+s13+$0x0], $0xffff  }
0x64: {  	v8 =	vld.idx.msk [tilespmem:v8+s13+$0x0], $0xffff  }
0x65: {  	v15 =	vadd.s32 v29, v3;
	v10 =	vld.idx.msk [tilespmem:v10+s13+$0x0], $0xffff  }
0x66: {  	v16 =	vadd.s32 v31, v3;
	v11 =	vld.idx.msk [tilespmem:v11+s13+$0x0], $0xffff  }
0x67: {  	v17 =	vadd.s32 v32, v3;
	v12 =	vld.idx.msk [tilespmem:v12+s13+$0x0], $0xffff  }
0x68: {  	v19 =	vadd.s32 v33, v3;
	v13 =	vld.idx.msk [tilespmem:v13+s13+$0x0], $0xffff;
	[tilespmem:$0x1FDA0] =	vst v2;
	v2 =	vshll.u32 v5, $0x6;
	v5 =	vmov v29  }
0x69: {  	v21 =	vadd.s32 v9, v2;
	v23 =	vadd.s32 v0, v2;
	v25 =	vadd.s32 v29, v2;
	v29 =	vmovc v0;
	v0 =	vld [tilespmem:$0x1FDD0]  }
0x6a: {  	s7 =	sand.u32 $0xC00, s29;
	v15 =	vld.idx.msk [tilespmem:v15+s13+$0x0], $0xffff  }
0x6b: {  	s10 =	sadd.s32 s7, s23;
	v16 =	vld.idx.msk [tilespmem:v16+s13+$0x0], $0xffff  }
0x6c: {  	s7 =	sadd.s32 s3, s10;
	s6 =	simm.s32 $0x1;
	v17 =	vld.idx.msk [tilespmem:v17+s13+$0x0], $0xffff  }
0x6d: {  	s6 =	simm.s32 @!p2 $0x0;
	v19 =	vld.idx.msk [tilespmem:v19+s13+$0x0], $0xffff;
	[tilespmem:s7+$0x0] =	vst v1;
	v1 =	vshll.u32 v22, $0x6  }
0x6e: {  	s6 =	sshll.u32 s6, $0x6;
	[tilespmem:s7+$0x180] =	vst v6;
	v6 =	vadd.s32 v14, v1;
	v21 =	vld.idx.msk [tilespmem:v21+s13+$0x0], $0xffff  }
0x6f: {  	s6 =	sadd.s32 s29, s6;
	[tilespmem:s7+$0x80] =	vst v18;
	v20 =	vadd.s32 v14, v2;
	v35 =	vld.idx.msk [tilespmem:v23+s13+$0x0], $0xffff  }
0x70: {  	s8 =	sor.u32 $0x200, s6;
	[tilespmem:s7+$0x100] =	vst v34;
	v18 =	vld [tilespmem:$0x1FD90];
	v24 =	vadd.s32 v30, v2  }
0x71: {  	s9 =	sor.u32 $0x280, s6;
	v34 =	vld [tilespmem:$0x1FE40];
	[tilespmem:v0+s8+$0x0 ss:$0x1] =	vst.idx.msk $0xffff, v7  }
0x72: {  	v7 =	vld.idx.msk [tilespmem:v25+s13+$0x0], $0xffff;
	v25 =	vadd.s32 v29, v1;
	[tilespmem:v0+s9+$0x0 ss:$0x1] =	vst.idx.msk $0xffff, v8  }
0x73: {  	v6 =	vld.idx.msk [tilespmem:v6+s13+$0x0], $0xffff;
	[tilespmem:$0x1FDB0] =	vst v21  }
0x74: {  	s4 =	sor.u32 s4, s29;
	s11 =	sor.u32 $0x300, s6;
	v22 =	vadd.s32 v33, v2;
	v20 =	vld.idx.msk [tilespmem:v20+s13+$0x0], $0xffff;
	[tilespmem:$0x1FDC0] =	vst v35  }
0x75: {  	s4 =	sor.u32 $0x380, s4;
	v26 =	vadd.s32 v31, v2;
	v23 =	vld.idx.msk [tilespmem:v24+s13+$0x0], $0xffff;
	[tilespmem:v0+s11+$0x0 ss:$0x1] =	vst.idx.msk $0xffff, v18  }
0x76: {  	s12 =	sadd.s32 s30, s10;
	v21 =	vadd.s32 v32, v2;
	v35 =	vld [tilespmem:$0x1FE50];
	[tilespmem:v0+s4+$0x0 ss:$0x1] =	vst.idx.msk $0xffff, v10  }
0x77: {  	[tilespmem:s12+$0x100] =	vst v13;
	v13 =	vld.idx.msk [tilespmem:v25+s13+$0x0], $0xffff  }
0x78: {  	v24 =	vadd.s32 v9, v1;
	v25 =	vadd.s32 v33, v1;
	v33 =	vld [tilespmem:$0x1FDA0]  }
0x79: {  	v10 =	vld.idx.msk [tilespmem:v22+s13+$0x0], $0xffff;
	v22 =	vadd.s32 v5, v1  }
0x7a: {  	v8 =	vld.idx.msk [tilespmem:v26+s13+$0x0], $0xffff;
	[tilespmem:s12+$0x0] =	vst v11;
	v11 =	vadd.s32 v31, v1  }
0x7b: {  	v14 =	vld.idx.msk [tilespmem:v21+s13+$0x0], $0xffff;
	v21 =	vadd.s32 v30, v1  }
0x7c: {  	s6 =	sadd.s32 $0x10, s6;
	v26 =	vld [tilespmem:$0x1FE90];
	[tilespmem:s12+$0x80] =	vst v12  }
0x7d: {  	s14 =	sor.u32 $0x200, s6;
	v12 =	vld.idx.msk [tilespmem:v24+s13+$0x0], $0xffff;
	v24 =	vadd.s32 v32, v1;
	v32 =	vadd.s32 v35, v4;
	[tilespmem:s12+$0x180] =	vst v33  }
0x7e: {  	s0 =	sor.u32 $0x280, s6;
	v22 =	vld.idx.msk [tilespmem:v22+s13+$0x0], $0xffff;
	[tilespmem:v0+s14+$0x0 ss:$0x1] =	vst.idx.msk $0xffff, v15  }
0x7f: {  	s7 =	sor.u32 $0x300, s6;
	v11 =	vld.idx.msk [tilespmem:v11+s13+$0x0], $0xffff;
	v33 =	vadd.s32 v36, v4;
	[tilespmem:v0+s0+$0x0 ss:$0x1] =	vst.idx.msk $0xffff, v16  }
0x80: {  	s8 =	sor.u32 $0x380, s6;
	v21 =	vld.idx.msk [tilespmem:v21+s13+$0x0], $0xffff;
	[tilespmem:v0+s7+$0x0 ss:$0x1] =	vst.idx.msk $0xffff, v17  }
0x81: {  	[tilespmem:v0+s8+$0x0 ss:$0x1] =	vst.idx.msk $0xffff, v19  }
0x82: {  	v15 =	vld.idx.msk [tilespmem:v32+s13+$0x0], $0xffff  }
0x83: {  	v5 =	vadd.s32 v34, v4;
	v32 =	vld [tilespmem:$0x1FDB0]  }
0x84: {  	v9 =	vadd.s32 v40, v4;
	v16 =	vld.idx.msk [tilespmem:v33+s13+$0x0], $0xffff  }
0x85: {  	v33 =	vld [tilespmem:$0x1FDC0]  }
0x86: {  	s9 =	sand.u32 $0x3, s28;
	s11 =	sadd.s32 s1, s10;
	v24 =	vld.idx.msk [tilespmem:v24+s13+$0x0], $0xffff  }
0x87: {  	s6 =	sshll.u32 s9, $0x5;
	v17 =	vadd.s32 v37, v4;
	v25 =	vld.idx.msk [tilespmem:v25+s13+$0x0], $0xffff;
	[tilespmem:s11+$0x0] =	vst v20  }
0x88: {  	s6 =	sadd.s32 s6, s29;
	v19 =	vadd.s32 v38, v4;
	v18 =	vld.idx.msk [tilespmem:v5+s13+$0x0], $0xffff;
	[tilespmem:s11+$0x180] =	vst v23  }
0x89: {  	s12 =	sadd.s32 $0x20, s6;
	v20 =	vadd.s32 v39, v4;
	v9 =	vld.idx.msk [tilespmem:v9+s13+$0x0], $0xffff;
	[tilespmem:s11+$0x80] =	vst v32  }
0x8a: {  	s14 =	sor.u32 $0x200, s12;
	v29 =	vld [tilespmem:$0x1FEB0];
	v32 =	vadd.s32 v41, v4;
	[tilespmem:s11+$0x100] =	vst v33  }
0x8b: {  	s0 =	sor.u32 $0x280, s12;
	v30 =	vld [tilespmem:$0x1FEC0];
	v33 =	vadd.s32 v34, v3;
	[tilespmem:v0+s14+$0x0 ss:$0x1] =	vst.idx.msk $0xffff, v7  }
0x8c: {  	s7 =	sor.u32 $0x300, s12;
	s8 =	sor.u32 s26, s29;
	v17 =	vld.idx.msk [tilespmem:v17+s13+$0x0], $0xffff;
	v7 =	vadd.s32 v35, v3;
	[tilespmem:v0+s0+$0x0 ss:$0x1] =	vst.idx.msk $0xffff, v8  }
0x8d: {  	s9 =	sor.u32 $0x380, s8;
	v19 =	vld.idx.msk [tilespmem:v19+s13+$0x0], $0xffff;
	v8 =	vadd.s32 v36, v3;
	[tilespmem:v0+s7+$0x0 ss:$0x1] =	vst.idx.msk $0xffff, v14  }
0x8e: {  	v20 =	vld.idx.msk [tilespmem:v20+s13+$0x0], $0xffff;
	s11 =	sadd.s32 s31, s10;
	v14 =	vadd.s32 v37, v3;
	[tilespmem:v0+s9+$0x0 ss:$0x1] =	vst.idx.msk $0xffff, v10  }
0x8f: {  	v5 =	vld.idx.msk [tilespmem:v32+s13+$0x0], $0xffff;
	v32 =	vadd.s32 v38, v3;
	[tilespmem:s11+$0x0] =	vst v6  }
0x90: {  	v23 =	vld.idx.msk [tilespmem:v33+s13+$0x0], $0xffff;
	v33 =	vadd.s32 v39, v3;
	[tilespmem:s11+$0x80] =	vst v12  }
0x91: {  	s6 =	sadd.s32 $0x30, s6;
	v12 =	vadd.s32 v40, v3;
	[tilespmem:s11+$0x100] =	vst v13;
	v7 =	vld.idx.msk [tilespmem:v7+s13+$0x0], $0xffff  }
0x92: {  	s12 =	sor.u32 $0x200, s6;
	v13 =	vadd.s32 v41, v3;
	[tilespmem:s11+$0x180] =	vst v21;
	v8 =	vld.idx.msk [tilespmem:v8+s13+$0x0], $0xffff  }
0x93: {  	s14 =	sor.u32 $0x280, s6;
	v21 =	vadd.s32 v34, v2;
	[tilespmem:v0+s12+$0x0 ss:$0x1] =	vst.idx.msk $0xffff, v22;
	v14 =	vld.idx.msk [tilespmem:v14+s13+$0x0], $0xffff  }
0x94: {  	s0 =	sor.u32 $0x300, s6;
	[tilespmem:v0+s14+$0x0 ss:$0x1] =	vst.idx.msk $0xffff, v11;
	v10 =	vld.idx.msk [tilespmem:v32+s13+$0x0], $0xffff;
	v32 =	vadd.s32 v35, v2  }
0x95: {  	s6 =	sor.u32 $0x380, s6;
	s11 =	sadd.s32 $0x1000, s10;
	[tilespmem:v0+s0+$0x0 ss:$0x1] =	vst.idx.msk $0xffff, v24;
	v24 =	vadd.s32 v37, v2;
	v6 =	vld.idx.msk [tilespmem:v33+s13+$0x0], $0xffff  }
0x96: {  	s7 =	sadd.s32 s3, s11;
	s12 =	sadd.s32 $0x1080, s10;
	[tilespmem:v0+s6+$0x0 ss:$0x1] =	vst.idx.msk $0xffff, v25;
	v25 =	vadd.s32 v38, v2;
	v12 =	vld.idx.msk [tilespmem:v12+s13+$0x0], $0xffff  }
0x97: {  	s4 =	sadd.s32 $0x1100, s10;
	s8 =	sadd.s32 s3, s12;
	v0 =	vadd.s32 v39, v2;
	v13 =	vld.idx.msk [tilespmem:v13+s13+$0x0], $0xffff;
	[tilespmem:s7+$0x0] =	vst v18  }
0x98: {  	s9 =	sadd.s32 s3, s4;
	s6 =	sadd.s32 $0x1180, s10;
	v33 =	vadd.s32 v36, v2;
	v18 =	vld.idx.msk [tilespmem:v21+s13+$0x0], $0xffff;
	[tilespmem:s8+$0x0] =	vst v15  }
0x99: {  	[tilespmem:s9+$0x0] =	vst v16;
	s8 =	sadd.s32 s3, s6;
	s7 =	sadd.s32 $0x1200, s10;
	v21 =	vadd.s32 v41, v1;
	v15 =	vld.idx.msk [tilespmem:v32+s13+$0x0], $0xffff  }
0x9a: {  	[tilespmem:s8+$0x0] =	vst v17;
	s9 =	sadd.s32 s3, s7;
	s8 =	sadd.s32 $0x1280, s10;
	v32 =	vadd.s32 v40, v2;
	v17 =	vld.idx.msk [tilespmem:v24+s13+$0x0], $0xffff  }
0x9b: {  	[tilespmem:s9+$0x0] =	vst v19;
	s14 =	sadd.s32 s3, s8;
	s9 =	sadd.s32 $0x1300, s10;
	v24 =	vadd.s32 v34, v1;
	v19 =	vld.idx.msk [tilespmem:v25+s13+$0x0], $0xffff  }
0x9c: {  	[tilespmem:s14+$0x0] =	vst v20;
	s0 =	sadd.s32 s3, s9;
	s14 =	sadd.s32 $0x1380, s10;
	v25 =	vadd.s32 v35, v1;
	v20 =	vld.idx.msk [tilespmem:v0+s13+$0x0], $0xffff  }
0x9d: {  	v35 =	vadd.s32 v36, v1;
	[tilespmem:s0+$0x0] =	vst v9;
	s0 =	sadd.s32 s3, s14;
	v11 =	vld.idx.msk [tilespmem:v33+s13+$0x0], $0xffff  }
0x9e: {  	v33 =	vadd.s32 v41, v2;
	[tilespmem:s0+$0x0] =	vst v5;
	s0 =	sadd.s32 s30, s11;
	v21 =	vld.idx.msk [tilespmem:v21+s13+$0x0], $0xffff  }
0x9f: {  	v0 =	vadd.s32 v37, v1;
	[tilespmem:s0+$0x0] =	vst v23;
	s0 =	sadd.s32 s30, s12;
	v9 =	vld.idx.msk [tilespmem:v32+s13+$0x0], $0xffff  }
0xa0: {  	[tilespmem:s0+$0x0] =	vst v7;
	s0 =	sadd.s32 s30, s4;
	v32 =	vadd.s32 v38, v1;
	v23 =	vld.idx.msk [tilespmem:v24+s13+$0x0], $0xffff  }
0xa1: {  	v24 =	vadd.s32 v39, v1;
	[tilespmem:s0+$0x0] =	vst v8;
	s0 =	sadd.s32 s30, s6;
	v7 =	vld.idx.msk [tilespmem:v25+s13+$0x0], $0xffff  }
0xa2: {  	v25 =	vadd.s32 v40, v1;
	v8 =	vld.idx.msk [tilespmem:v35+s13+$0x0], $0xffff;
	[tilespmem:s0+$0x0] =	vst v14;
	s0 =	sadd.s32 s30, s7  }
0xa3: {  	v5 =	vld.idx.msk [tilespmem:v33+s13+$0x0], $0xffff;
	v33 =	vadd.s32 v42, v4;
	[tilespmem:s0+$0x0] =	vst v10;
	s0 =	sadd.s32 s30, s8  }
0xa4: {  	v34 =	vadd.s32 v43, v4;
	v22 =	vld.idx.msk [tilespmem:v0+s13+$0x0], $0xffff;
	[tilespmem:s0+$0x0] =	vst v6;
	s0 =	sadd.s32 s30, s9  }
0xa5: {  	v35 =	vadd.s32 v44, v4;
	[tilespmem:s0+$0x0] =	vst v12;
	s0 =	sadd.s32 s30, s14;
	v16 =	vld.idx.msk [tilespmem:v32+s13+$0x0], $0xffff  }
0xa6: {  	v0 =	vadd.s32 v45, v4;
	v24 =	vld.idx.msk [tilespmem:v24+s13+$0x0], $0xffff;
	[tilespmem:s0+$0x0] =	vst v13;
	s0 =	sadd.s32 s1, s11  }
0xa7: {  	v32 =	vadd.s32 v46, v4;
	v25 =	vld.idx.msk [tilespmem:v25+s13+$0x0], $0xffff;
	[tilespmem:s0+$0x0] =	vst v18;
	s0 =	sadd.s32 s1, s12  }
0xa8: {  	s11 =	sadd.s32 s31, s11;
	v14 =	vld.idx.msk [tilespmem:v33+s13+$0x0], $0xffff;
	v33 =	vadd.s32 v47, v4;
	[tilespmem:s0+$0x0] =	vst v15  }
0xa9: {  	v10 =	vld.idx.msk [tilespmem:v34+s13+$0x0], $0xffff;
	v34 =	vadd.s32 v48, v4;
	s0 =	sadd.s32 s1, s4;
	[tilespmem:s11+$0x0] =	vst v23  }
0xaa: {  	v6 =	vld.idx.msk [tilespmem:v35+s13+$0x0], $0xffff;
	v35 =	vadd.s32 v49, v4;
	s11 =	sadd.s32 s31, s12;
	[tilespmem:s0+$0x0] =	vst v11  }
0xab: {  	v12 =	vld.idx.msk [tilespmem:v0+s13+$0x0], $0xffff;
	v0 =	vadd.s32 v42, v3;
	s0 =	sadd.s32 s1, s6;
	[tilespmem:s11+$0x0] =	vst v7  }
0xac: {  	s12 =	sadd.s32 s31, s4;
	[tilespmem:s0+$0x0] =	vst v17;
	v13 =	vld.idx.msk [tilespmem:v32+s13+$0x0], $0xffff;
	v32 =	vadd.s32 v43, v3  }
0xad: {  	s0 =	sadd.s32 s1, s7;
	[tilespmem:s12+$0x0] =	vst v8;
	v18 =	vld.idx.msk [tilespmem:v33+s13+$0x0], $0xffff;
	v33 =	vadd.s32 v44, v3  }
0xae: {  	s4 =	sadd.s32 s31, s6;
	[tilespmem:s0+$0x0] =	vst v19;
	v15 =	vld.idx.msk [tilespmem:v34+s13+$0x0], $0xffff;
	v34 =	vadd.s32 v45, v3  }
0xaf: {  	s0 =	sadd.s32 s1, s8;
	[tilespmem:s4+$0x0] =	vst v22;
	v11 =	vld.idx.msk [tilespmem:v35+s13+$0x0], $0xffff;
	v35 =	vadd.s32 v46, v3  }
0xb0: {  	s6 =	sadd.s32 s31, s7;
	[tilespmem:s0+$0x0] =	vst v20;
	v17 =	vld.idx.msk [tilespmem:v0+s13+$0x0], $0xffff;
	v0 =	vadd.s32 v47, v3  }
0xb1: {  	s0 =	sadd.s32 s1, s9;
	[tilespmem:s6+$0x0] =	vst v16;
	v19 =	vld.idx.msk [tilespmem:v32+s13+$0x0], $0xffff;
	v32 =	vadd.s32 v48, v3  }
0xb2: {  	s7 =	sadd.s32 s31, s8;
	[tilespmem:s0+$0x0] =	vst v9;
	v20 =	vld.idx.msk [tilespmem:v33+s13+$0x0], $0xffff;
	v33 =	vadd.s32 v49, v3  }
0xb3: {  	v22 =	vadd.s32 v49, v1;
	s0 =	sadd.s32 s1, s14;
	[tilespmem:s7+$0x0] =	vst v24;
	v9 =	vld.idx.msk [tilespmem:v34+s13+$0x0], $0xffff  }
0xb4: {  	s8 =	sadd.s32 s31, s9;
	[tilespmem:s0+$0x0] =	vst v5;
	v34 =	vadd.s32 v42, v2;
	v5 =	vld.idx.msk [tilespmem:v35+s13+$0x0], $0xffff  }
0xb5: {  	s11 =	sadd.s32 $0x2000, s10;
	s9 =	sadd.s32 s31, s14;
	[tilespmem:s8+$0x0] =	vst v25;
	v35 =	vadd.s32 v43, v2;
	v23 =	vld.idx.msk [tilespmem:v0+s13+$0x0], $0xffff  }
0xb6: {  	s12 =	sadd.s32 $0x2080, s10;
	v24 =	vadd.s32 v44, v2;
	s14 =	sadd.s32 s3, s11;
	[tilespmem:s9+$0x0] =	vst v21;
	v7 =	vld.idx.msk [tilespmem:v32+s13+$0x0], $0xffff  }
0xb7: {  	s4 =	sadd.s32 $0x2100, s10;
	s6 =	sadd.s32 s3, s12;
	v25 =	vadd.s32 v45, v2;
	v8 =	vld.idx.msk [tilespmem:v33+s13+$0x0], $0xffff;
	[tilespmem:s14+$0x0] =	vst v14  }
0xb8: {  	s7 =	sadd.s32 s3, s4;
	v22 =	vld.idx.msk [tilespmem:v22+s13+$0x0], $0xffff;
	v0 =	vadd.s32 v46, v2;
	[tilespmem:s6+$0x0] =	vst v10;
	s6 =	sadd.s32 $0x2180, s10  }
0xb9: {  	v32 =	vadd.s32 v47, v2;
	v14 =	vld.idx.msk [tilespmem:v34+s13+$0x0], $0xffff;
	[tilespmem:s7+$0x0] =	vst v6;
	s7 =	sadd.s32 $0x2200, s10;
	s8 =	sadd.s32 s3, s6  }
0xba: {  	v10 =	vld.idx.msk [tilespmem:v35+s13+$0x0], $0xffff;
	v33 =	vadd.s32 v48, v2;
	s9 =	sadd.s32 s3, s7;
	[tilespmem:s8+$0x0] =	vst v12;
	s8 =	sadd.s32 $0x2280, s10  }
0xbb: {  	v6 =	vld.idx.msk [tilespmem:v24+s13+$0x0], $0xffff;
	v24 =	vadd.s32 v49, v2;
	[tilespmem:s9+$0x0] =	vst v13;
	s9 =	sadd.s32 $0x2300, s10;
	s14 =	sadd.s32 s3, s8  }
0xbc: {  	v12 =	vld.idx.msk [tilespmem:v25+s13+$0x0], $0xffff;
	v25 =	vadd.s32 v42, v1;
	s0 =	sadd.s32 s3, s9;
	[tilespmem:s14+$0x0] =	vst v18;
	s14 =	sadd.s32 $0x2380, s10  }
0xbd: {  	v13 =	vld.idx.msk [tilespmem:v0+s13+$0x0], $0xffff;
	v0 =	vadd.s32 v45, v1;
	[tilespmem:s0+$0x0] =	vst v15;
	s0 =	sadd.s32 s3, s14  }
0xbe: {  	v34 =	vadd.s32 v43, v1;
	v18 =	vld.idx.msk [tilespmem:v32+s13+$0x0], $0xffff;
	[tilespmem:s0+$0x0] =	vst v11;
	s0 =	sadd.s32 s30, s11  }
0xbf: {  	v35 =	vadd.s32 v44, v1;
	v15 =	vld.idx.msk [tilespmem:v33+s13+$0x0], $0xffff;
	[tilespmem:s0+$0x0] =	vst v17;
	s0 =	sadd.s32 s30, s12  }
0xc0: {  	v32 =	vadd.s32 v48, v1;
	v11 =	vld.idx.msk [tilespmem:v24+s13+$0x0], $0xffff;
	[tilespmem:s0+$0x0] =	vst v19;
	s0 =	sadd.s32 s30, s4  }
0xc1: {  	v24 =	vadd.s32 v46, v1;
	v17 =	vld.idx.msk [tilespmem:v25+s13+$0x0], $0xffff;
	[tilespmem:s0+$0x0] =	vst v20;
	s0 =	sadd.s32 s30, s6  }
0xc2: {  	v25 =	vadd.s32 v47, v1;
	v16 =	vld.idx.msk [tilespmem:v0+s13+$0x0], $0xffff;
	[tilespmem:s0+$0x0] =	vst v9;
	s0 =	sadd.s32 s30, s7  }
0xc3: {  	v33 =	vadd.s32 v50, v4;
	v19 =	vld.idx.msk [tilespmem:v34+s13+$0x0], $0xffff;
	[tilespmem:s0+$0x0] =	vst v5;
	s0 =	sadd.s32 s30, s8  }
0xc4: {  	v34 =	vadd.s32 v51, v4;
	v20 =	vld.idx.msk [tilespmem:v35+s13+$0x0], $0xffff;
	[tilespmem:s0+$0x0] =	vst v23;
	s0 =	sadd.s32 s30, s9  }
0xc5: {  	v35 =	vadd.s32 v52, v4;
	v21 =	vld.idx.msk [tilespmem:v32+s13+$0x0], $0xffff;
	[tilespmem:s0+$0x0] =	vst v7;
	s0 =	sadd.s32 s30, s14  }
0xc6: {  	v0 =	vadd.s32 v53, v4;
	v24 =	vld.idx.msk [tilespmem:v24+s13+$0x0], $0xffff;
	[tilespmem:s0+$0x0] =	vst v8;
	s0 =	sadd.s32 s1, s11  }
0xc7: {  	v32 =	vadd.s32 v54, v4;
	v25 =	vld.idx.msk [tilespmem:v25+s13+$0x0], $0xffff;
	[tilespmem:s0+$0x0] =	vst v14;
	s0 =	sadd.s32 s1, s12  }
0xc8: {  	s11 =	sadd.s32 s31, s11;
	v9 =	vld.idx.msk [tilespmem:v33+s13+$0x0], $0xffff;
	v33 =	vadd.s32 v55, v4;
	[tilespmem:s0+$0x0] =	vst v10  }
0xc9: {  	v5 =	vld.idx.msk [tilespmem:v34+s13+$0x0], $0xffff;
	v34 =	vadd.s32 v56, v4;
	s0 =	sadd.s32 s1, s4;
	[tilespmem:s11+$0x0] =	vst v17  }
0xca: {  	v23 =	vld.idx.msk [tilespmem:v35+s13+$0x0], $0xffff;
	v35 =	vadd.s32 v57, v4;
	s11 =	sadd.s32 s31, s12;
	[tilespmem:s0+$0x0] =	vst v6  }
0xcb: {  	v7 =	vld.idx.msk [tilespmem:v0+s13+$0x0], $0xffff;
	v0 =	vadd.s32 v50, v3;
	s0 =	sadd.s32 s1, s6;
	[tilespmem:s11+$0x0] =	vst v19  }
0xcc: {  	v8 =	vld.idx.msk [tilespmem:v32+s13+$0x0], $0xffff;
	v32 =	vadd.s32 v51, v3;
	s12 =	sadd.s32 s31, s4;
	[tilespmem:s0+$0x0] =	vst v12  }
0xcd: {  	s0 =	sadd.s32 s1, s7;
	[tilespmem:s12+$0x0] =	vst v20;
	v14 =	vld.idx.msk [tilespmem:v33+s13+$0x0], $0xffff;
	v33 =	vadd.s32 v52, v3  }
0xce: {  	s4 =	sadd.s32 s31, s6;
	[tilespmem:s0+$0x0] =	vst v13;
	v10 =	vld.idx.msk [tilespmem:v34+s13+$0x0], $0xffff;
	v34 =	vadd.s32 v53, v3  }
0xcf: {  	s0 =	sadd.s32 s1, s8;
	[tilespmem:s4+$0x0] =	vst v16;
	v6 =	vld.idx.msk [tilespmem:v35+s13+$0x0], $0xffff;
	v35 =	vadd.s32 v54, v3  }
0xd0: {  	s6 =	sadd.s32 s31, s7;
	[tilespmem:s0+$0x0] =	vst v18;
	v12 =	vld.idx.msk [tilespmem:v0+s13+$0x0], $0xffff;
	v0 =	vadd.s32 v55, v3  }
0xd1: {  	s0 =	sadd.s32 s1, s9;
	v13 =	vld.idx.msk [tilespmem:v32+s13+$0x0], $0xffff;
	v32 =	vadd.s32 v56, v3;
	[tilespmem:s6+$0x0] =	vst v24  }
0xd2: {  	s7 =	sadd.s32 s31, s8;
	[tilespmem:s0+$0x0] =	vst v15;
	v18 =	vld.idx.msk [tilespmem:v33+s13+$0x0], $0xffff;
	v33 =	vadd.s32 v57, v3  }
0xd3: {  	s0 =	sadd.s32 s1, s14;
	[tilespmem:s7+$0x0] =	vst v25;
	v15 =	vld.idx.msk [tilespmem:v34+s13+$0x0], $0xffff;
	v34 =	vadd.s32 v50, v2  }
0xd4: {  	s8 =	sadd.s32 s31, s9;
	v24 =	vadd.s32 v51, v2;
	[tilespmem:s0+$0x0] =	vst v11;
	v11 =	vld.idx.msk [tilespmem:v35+s13+$0x0], $0xffff  }
0xd5: {  	s11 =	sadd.s32 $0x3000, s10;
	s9 =	sadd.s32 s31, s14;
	v25 =	vadd.s32 v52, v2;
	[tilespmem:s8+$0x0] =	vst v21;
	v17 =	vld.idx.msk [tilespmem:v0+s13+$0x0], $0xffff  }
0xd6: {  	s12 =	sadd.s32 $0x3080, s10;
	s14 =	sadd.s32 s3, s11;
	[tilespmem:s9+$0x0] =	vst v22;
	v19 =	vld.idx.msk [tilespmem:v32+s13+$0x0], $0xffff;
	v35 =	vadd.s32 v53, v2  }
0xd7: {  	s4 =	sadd.s32 $0x3100, s10;
	s6 =	sadd.s32 s3, s12;
	v0 =	vadd.s32 v54, v2;
	v20 =	vld.idx.msk [tilespmem:v33+s13+$0x0], $0xffff;
	[tilespmem:s14+$0x0] =	vst v9  }
0xd8: {  	s7 =	sadd.s32 s3, s4;
	v32 =	vadd.s32 v55, v2;
	v9 =	vld.idx.msk [tilespmem:v34+s13+$0x0], $0xffff;
	[tilespmem:s6+$0x0] =	vst v5;
	s6 =	sadd.s32 $0x3180, s10  }
0xd9: {  	v5 =	vld.idx.msk [tilespmem:v24+s13+$0x0], $0xffff;
	v24 =	vadd.s32 v56, v2;
	[tilespmem:s7+$0x0] =	vst v23;
	s7 =	sadd.s32 $0x3200, s10;
	s8 =	sadd.s32 s3, s6  }
0xda: {  	v23 =	vld.idx.msk [tilespmem:v25+s13+$0x0], $0xffff;
	v25 =	vadd.s32 v57, v2;
	s9 =	sadd.s32 s3, s7;
	[tilespmem:s8+$0x0] =	vst v7;
	s8 =	sadd.s32 $0x3280, s10  }
0xdb: {  	v33 =	vadd.s32 v50, v1;
	v7 =	vld.idx.msk [tilespmem:v35+s13+$0x0], $0xffff;
	[tilespmem:s9+$0x0] =	vst v8;
	s9 =	sadd.s32 $0x3300, s10;
	s14 =	sadd.s32 s3, s8  }
0xdc: {  	v8 =	vld.idx.msk [tilespmem:v0+s13+$0x0], $0xffff;
	v35 =	vadd.s32 v52, v1;
	s0 =	sadd.s32 s3, s9;
	[tilespmem:s14+$0x0] =	vst v14;
	s14 =	sadd.s32 $0x3380, s10  }
0xdd: {  	v0 =	vadd.s32 v55, v1;
	v14 =	vld.idx.msk [tilespmem:v32+s13+$0x0], $0xffff;
	[tilespmem:s0+$0x0] =	vst v10;
	s0 =	sadd.s32 s3, s14  }
0xde: {  	v34 =	vadd.s32 v51, v1;
	v10 =	vld.idx.msk [tilespmem:v24+s13+$0x0], $0xffff;
	[tilespmem:s0+$0x0] =	vst v6;
	s0 =	sadd.s32 s30, s11  }
0xdf: {  	v32 =	vadd.s32 v56, v1;
	v6 =	vld.idx.msk [tilespmem:v25+s13+$0x0], $0xffff;
	[tilespmem:s0+$0x0] =	vst v12;
	s0 =	sadd.s32 s30, s12  }
0xe0: {  	v24 =	vadd.s32 v53, v1;
	v12 =	vld.idx.msk [tilespmem:v33+s13+$0x0], $0xffff;
	[tilespmem:s0+$0x0] =	vst v13;
	s0 =	sadd.s32 s30, s4  }
0xe1: {  	v25 =	vadd.s32 v54, v1;
	v16 =	vld.idx.msk [tilespmem:v35+s13+$0x0], $0xffff;
	[tilespmem:s0+$0x0] =	vst v18;
	s0 =	sadd.s32 s30, s6  }
0xe2: {  	v21 =	vld.idx.msk [tilespmem:v0+s13+$0x0], $0xffff;
	v18 =	vadd.s32 v57, v1;
	[tilespmem:s0+$0x0] =	vst v15;
	s0 =	sadd.s32 s30, s7  }
0xe3: {  	v33 =	vadd.s32 v58, v4;
	v13 =	vld.idx.msk [tilespmem:v34+s13+$0x0], $0xffff;
	[tilespmem:s0+$0x0] =	vst v11;
	s0 =	sadd.s32 s30, s8  }
0xe4: {  	v34 =	vadd.s32 v59, v4;
	v22 =	vld.idx.msk [tilespmem:v32+s13+$0x0], $0xffff;
	[tilespmem:s0+$0x0] =	vst v17;
	s0 =	sadd.s32 s30, s9  }
0xe5: {  	v35 =	vadd.s32 v60, v4;
	v24 =	vld.idx.msk [tilespmem:v24+s13+$0x0], $0xffff;
	[tilespmem:s0+$0x0] =	vst v19;
	s0 =	sadd.s32 s30, s14  }
0xe6: {  	v0 =	vadd.s32 v61, v4;
	v25 =	vld.idx.msk [tilespmem:v25+s13+$0x0], $0xffff;
	[tilespmem:s0+$0x0] =	vst v20;
	s0 =	sadd.s32 s1, s11  }
0xe7: {  	v32 =	vadd.s32 v62, v4;
	v18 =	vld.idx.msk [tilespmem:v18+s13+$0x0], $0xffff;
	[tilespmem:s0+$0x0] =	vst v9;
	s0 =	sadd.s32 s1, s12  }
0xe8: {  	s11 =	sadd.s32 s31, s11;
	v15 =	vld.idx.msk [tilespmem:v33+s13+$0x0], $0xffff;
	v33 =	vadd.s32 v63, v4;
	[tilespmem:s0+$0x0] =	vst v5  }
0xe9: {  	v11 =	vld.idx.msk [tilespmem:v34+s13+$0x0], $0xffff;
	v34 =	vadd.s32 v27, v4;
	s0 =	sadd.s32 s1, s4;
	[tilespmem:s11+$0x0] =	vst v12  }
0xea: {  	v17 =	vld.idx.msk [tilespmem:v35+s13+$0x0], $0xffff;
	v35 =	vadd.s32 v28, v4;
	s11 =	sadd.s32 s31, s12;
	[tilespmem:s0+$0x0] =	vst v23  }
0xeb: {  	v19 =	vld.idx.msk [tilespmem:v0+s13+$0x0], $0xffff;
	v0 =	vadd.s32 v58, v3;
	s0 =	sadd.s32 s1, s6;
	[tilespmem:s11+$0x0] =	vst v13  }
0xec: {  	v20 =	vld.idx.msk [tilespmem:v32+s13+$0x0], $0xffff;
	v32 =	vadd.s32 v59, v3;
	s12 =	sadd.s32 s31, s4;
	[tilespmem:s0+$0x0] =	vst v7  }
0xed: {  	s0 =	sadd.s32 s1, s7;
	[tilespmem:s12+$0x0] =	vst v16;
	v9 =	vld.idx.msk [tilespmem:v33+s13+$0x0], $0xffff;
	v33 =	vadd.s32 v60, v3  }
0xee: {  	s4 =	sadd.s32 s31, s6;
	[tilespmem:s0+$0x0] =	vst v8;
	v5 =	vld.idx.msk [tilespmem:v34+s13+$0x0], $0xffff;
	v34 =	vadd.s32 v61, v3  }
0xef: {  	s0 =	sadd.s32 s1, s8;
	[tilespmem:s4+$0x0] =	vst v24;
	v23 =	vld.idx.msk [tilespmem:v35+s13+$0x0], $0xffff;
	v35 =	vadd.s32 v62, v3  }
0xf0: {  	[tilespmem:s0+$0x0] =	vst v14;
	s0 =	sadd.s32 s1, s9;
	v7 =	vld.idx.msk [tilespmem:v0+s13+$0x0], $0xffff;
	v0 =	vadd.s32 v63, v3  }
0xf1: {  	s6 =	sadd.s32 s31, s7;
	s7 =	sadd.s32 s31, s8;
	s8 =	sadd.s32 s31, s9;
	v8 =	vld.idx.msk [tilespmem:v32+s13+$0x0], $0xffff;
	v32 =	vadd.s32 v27, v3;
	[tilespmem:s0+$0x0] =	vst v10  }
0xf2: {  	[tilespmem:s8+$0x0] =	vst v22;
	v22 =	vadd.s32 v63, v1;
	v14 =	vld.idx.msk [tilespmem:v33+s13+$0x0], $0xffff  }
0xf3: {  	[tilespmem:s6+$0x0] =	vst v25;
	s0 =	sadd.s32 s1, s14;
	v33 =	vadd.s32 v28, v3;
	v10 =	vld.idx.msk [tilespmem:v34+s13+$0x0], $0xffff  }
0xf4: {  	v24 =	vadd.s32 v58, v2;
	[tilespmem:s0+$0x0] =	vst v6;
	v6 =	vld.idx.msk [tilespmem:v35+s13+$0x0], $0xffff  }
0xf5: {  	v25 =	vadd.s32 v59, v2;
	s9 =	sadd.s32 s31, s14;
	[tilespmem:s7+$0x0] =	vst v21;
	v12 =	vld.idx.msk [tilespmem:v0+s13+$0x0], $0xffff  }
0xf6: {  	[tilespmem:s9+$0x0] =	vst v18;
	v34 =	vadd.s32 v60, v2;
	v13 =	vld.idx.msk [tilespmem:v32+s13+$0x0], $0xffff  }
0xf7: {  	s11 =	sadd.s32 $0x4000, s10;
	v0 =	vadd.s32 v62, v2;
	v22 =	vld.idx.msk [tilespmem:v22+s13+$0x0], $0xffff  }
0xf8: {  	s12 =	sadd.s32 $0x4080, s10;
	s14 =	sadd.s32 s3, s11;
	v32 =	vadd.s32 v28, v2;
	v16 =	vld.idx.msk [tilespmem:v33+s13+$0x0], $0xffff  }
0xf9: {  	s4 =	sadd.s32 $0x4100, s10;
	s6 =	sadd.s32 s3, s12;
	[tilespmem:s14+$0x0] =	vst v15;
	v15 =	vld.idx.msk [tilespmem:v24+s13+$0x0], $0xffff  }
0xfa: {  	s7 =	sadd.s32 s3, s4;
	v35 =	vadd.s32 v61, v2;
	[tilespmem:s6+$0x0] =	vst v11;
	v11 =	vld.idx.msk [tilespmem:v25+s13+$0x0], $0xffff  }
0xfb: {  	v24 =	vadd.s32 v63, v2;
	s6 =	sadd.s32 $0x4180, s10;
	[tilespmem:s7+$0x0] =	vst v17;
	v17 =	vld.idx.msk [tilespmem:v34+s13+$0x0], $0xffff  }
0xfc: {  	v25 =	vadd.s32 v27, v2;
	s7 =	sadd.s32 $0x4200, s10;
	v18 =	vld.idx.msk [tilespmem:v0+s13+$0x0], $0xffff;
	s8 =	sadd.s32 s3, s6  }
0xfd: {  	v33 =	vadd.s32 v58, v1;
	v21 =	vld.idx.msk [tilespmem:v32+s13+$0x0], $0xffff;
	s9 =	sadd.s32 s3, s7;
	[tilespmem:s8+$0x0] =	vst v19;
	s8 =	sadd.s32 $0x4280, s10  }
0xfe: {  	v0 =	vld [tilespmem:$0x1FEA0];
	[tilespmem:s9+$0x0] =	vst v20;
	s9 =	sadd.s32 $0x4300, s10;
	v20 =	vadd.s32 v27, v1;
	s14 =	sadd.s32 s3, s8  }
0xff: {  	v34 =	vadd.s32 v59, v1;
	v19 =	vld.idx.msk [tilespmem:v35+s13+$0x0], $0xffff;
	s0 =	sadd.s32 s3, s9;
	[tilespmem:s14+$0x0] =	vst v9;
	s14 =	sadd.s32 $0x4380, s10  }
0x100: {  	[tilespmem:s0+$0x0] =	vst v5;
	v9 =	vld.idx.msk [tilespmem:v24+s13+$0x0], $0xffff;
	s0 =	sadd.s32 s3, s14  }
0x101: {  	v24 =	vadd.s32 v60, v1;
	v5 =	vld.idx.msk [tilespmem:v25+s13+$0x0], $0xffff;
	[tilespmem:s0+$0x0] =	vst v23;
	s0 =	sadd.s32 s30, s11  }
0x102: {  	v25 =	vadd.s32 v61, v1;
	[tilespmem:s0+$0x0] =	vst v7;
	v7 =	vld.idx.msk [tilespmem:v33+s13+$0x0], $0xffff  }
0x103: {  	s0 =	sadd.s32 s30, s12;
	v20 =	vld.idx.msk [tilespmem:v20+s13+$0x0], $0xffff  }
0x104: {  	v23 =	vadd.s32 v62, v1;
	[tilespmem:s0+$0x0] =	vst v8;
	s0 =	sadd.s32 s30, s4;
	v8 =	vld.idx.msk [tilespmem:v34+s13+$0x0], $0xffff  }
0x105: {  	v35 =	vadd.s32 v26, v4;
	v34 =	vmov v26;
	v26 =	vld [tilespmem:$0x1FED0];
	[tilespmem:s0+$0x0] =	vst v14;
	s0 =	sadd.s32 s30, s6  }
0x106: {  	v14 =	vld.idx.msk [tilespmem:v24+s13+$0x0], $0xffff;
	v24 =	vadd.s32 v28, v1;
	[tilespmem:s0+$0x0] =	vst v10;
	s0 =	sadd.s32 s30, s7  }
0x107: {  	v33 =	vadd.s32 v0, v4;
	v25 =	vld.idx.msk [tilespmem:v25+s13+$0x0], $0xffff;
	[tilespmem:s0+$0x0] =	vst v6;
	s0 =	sadd.s32 s30, s8  }
0x108: {  	v10 =	vld [tilespmem:$0x1FEE0];
	[tilespmem:s0+$0x0] =	vst v12;
	v12 =	vadd.s32 v29, v4  }
0x109: {  	v23 =	vld.idx.msk [tilespmem:v23+s13+$0x0], $0xffff;
	s0 =	sadd.s32 s30, s9  }
0x10a: {  	v6 =	vld [tilespmem:$0x1FEF0];
	[tilespmem:s0+$0x0] =	vst v13;
	s0 =	sadd.s32 s30, s14  }
0x10b: {  	[tilespmem:s0+$0x0] =	vst v16;
	v24 =	vld.idx.msk [tilespmem:v24+s13+$0x0], $0xffff  }
0x10c: {  	v13 =	vadd.s32 v30, v4;
	s0 =	sadd.s32 s1, s11;
	v32 =	vld.idx.msk [tilespmem:v33+s13+$0x0], $0xffff  }
0x10d: {  	v16 =	vadd.s32 v26, v4;
	[tilespmem:s0+$0x0] =	vst v15;
	s0 =	sadd.s32 s1, s12;
	v33 =	vld.idx.msk [tilespmem:v12+s13+$0x0], $0xffff  }
0x10e: {  	s11 =	sadd.s32 s31, s11;
	v15 =	vadd.s32 v10, v4;
	[tilespmem:s0+$0x0] =	vst v11;
	v12 =	vld [tilespmem:$0x1FF00]  }
0x10f: {  	v11 =	vadd.s32 v6, v4;
	s0 =	sadd.s32 s1, s4;
	[tilespmem:s11+$0x0] =	vst v7  }
0x110: {  	v31 =	vld.idx.msk [tilespmem:v35+s13+$0x0], $0xffff;
	v7 =	vadd.s32 v10, v3;
	s11 =	sadd.s32 s31, s12;
	[tilespmem:s0+$0x0] =	vst v17  }
0x111: {  	s0 =	sadd.s32 s1, s6;
	[tilespmem:s11+$0x0] =	vst v8;
	v8 =	vadd.s32 v6, v3;
	v13 =	vld.idx.msk [tilespmem:v13+s13+$0x0], $0xffff  }
0x112: {  	s12 =	sadd.s32 s31, s4;
	[tilespmem:s0+$0x0] =	vst v19;
	v19 =	vadd.s32 v34, v3;
	v16 =	vld.idx.msk [tilespmem:v16+s13+$0x0], $0xffff  }
0x113: {  	s0 =	sadd.s32 s1, s7;
	[tilespmem:s12+$0x0] =	vst v14;
	v15 =	vld.idx.msk [tilespmem:v15+s13+$0x0], $0xffff;
	v35 =	vadd.s32 v12, v4  }
0x114: {  	[tilespmem:s0+$0x0] =	vst v18;
	v18 =	vadd.s32 v0, v3;
	s0 =	sadd.s32 s1, s8;
	v11 =	vld.idx.msk [tilespmem:v11+s13+$0x0], $0xffff  }
0x115: {  	[tilespmem:s0+$0x0] =	vst v9;
	v9 =	vadd.s32 v29, v3;
	s0 =	sadd.s32 s1, s9;
	v7 =	vld.idx.msk [tilespmem:v7+s13+$0x0], $0xffff  }
0x116: {  	s4 =	sadd.s32 s31, s6;
	[tilespmem:s0+$0x0] =	vst v5;
	v5 =	vadd.s32 v30, v3;
	v8 =	vld.idx.msk [tilespmem:v8+s13+$0x0], $0xffff  }
0x117: {  	s6 =	sadd.s32 s31, s7;
	[tilespmem:s4+$0x0] =	vst v25;
	v14 =	vadd.s32 v12, v3;
	v19 =	vld.idx.msk [tilespmem:v19+s13+$0x0], $0xffff  }
0x118: {  	s7 =	sadd.s32 s31, s8;
	[tilespmem:s6+$0x0] =	vst v23;
	v17 =	vld.idx.msk [tilespmem:v35+s13+$0x0], $0xffff;
	v35 =	vadd.s32 v26, v3  }
0x119: {  	v25 =	vadd.s32 v34, v2;
	s0 =	sadd.s32 s1, s14;
	[tilespmem:s7+$0x0] =	vst v22;
	v18 =	vld.idx.msk [tilespmem:v18+s13+$0x0], $0xffff  }
0x11a: {  	s8 =	sadd.s32 s31, s9;
	v22 =	vadd.s32 v29, v2;
	[tilespmem:s0+$0x0] =	vst v21;
	v9 =	vld.idx.msk [tilespmem:v9+s13+$0x0], $0xffff  }
0x11b: {  	s11 =	sadd.s32 $0x5000, s10;
	s9 =	sadd.s32 s31, s14;
	[tilespmem:s8+$0x0] =	vst v20;
	v20 =	vadd.s32 v30, v2;
	v5 =	vld.idx.msk [tilespmem:v5+s13+$0x0], $0xffff  }
0x11c: {  	s12 =	sadd.s32 $0x5080, s10;
	s14 =	sadd.s32 s3, s11;
	[tilespmem:s9+$0x0] =	vst v24;
	v24 =	vadd.s32 v26, v2;
	v14 =	vld.idx.msk [tilespmem:v14+s13+$0x0], $0xffff  }
0x11d: {  	s4 =	sadd.s32 $0x5100, s10;
	s6 =	sadd.s32 s3, s12;
	v21 =	vld.idx.msk [tilespmem:v35+s13+$0x0], $0xffff;
	[tilespmem:s14+$0x0] =	vst v31  }
0x11e: {  	v23 =	vadd.s32 v6, v2;
	s7 =	sadd.s32 s3, s4;
	v31 =	vld.idx.msk [tilespmem:v25+s13+$0x0], $0xffff;
	[tilespmem:s6+$0x0] =	vst v32;
	s6 =	sadd.s32 $0x5180, s10  }
0x11f: {  	[tilespmem:s7+$0x0] =	vst v33;
	s7 =	sadd.s32 $0x5200, s10;
	v33 =	vld.idx.msk [tilespmem:v22+s13+$0x0], $0xffff;
	s8 =	sadd.s32 s3, s6  }
0x120: {  	v35 =	vadd.s32 v0, v2;
	s9 =	sadd.s32 s3, s7;
	[tilespmem:s8+$0x0] =	vst v13;
	v13 =	vld.idx.msk [tilespmem:v20+s13+$0x0], $0xffff  }
0x121: {  	v25 =	vadd.s32 v10, v2;
	[tilespmem:s9+$0x0] =	vst v16;
	s9 =	sadd.s32 $0x5300, s10;
	v16 =	vld.idx.msk [tilespmem:v24+s13+$0x0], $0xffff  }
0x122: {  	v24 =	vadd.s32 v0, v1;
	v0 =	vld [tilespmem:$0x1FF10];
	s0 =	sadd.s32 s3, s9  }
0x123: {  	v34 =	vadd.s32 v34, v1;
	s8 =	sadd.s32 $0x5280, s10;
	[tilespmem:s0+$0x0] =	vst v11;
	v11 =	vld.idx.msk [tilespmem:v23+s13+$0x0], $0xffff  }
0x124: {  	s14 =	sadd.s32 s3, s8;
	v23 =	vadd.s32 v30, v1;
	v30 =	vld [tilespmem:$0x1FF40]  }
0x125: {  	[tilespmem:s14+$0x0] =	vst v15;
	s14 =	sadd.s32 $0x5380, s10;
	v32 =	vld.idx.msk [tilespmem:v35+s13+$0x0], $0xffff  }
0x126: {  	v35 =	vadd.s32 v12, v2;
	v15 =	vld.idx.msk [tilespmem:v25+s13+$0x0], $0xffff;
	s0 =	sadd.s32 s3, s14  }
0x127: {  	v25 =	vadd.s32 v29, v1;
	v29 =	vld [tilespmem:$0x1FF30];
	[tilespmem:s0+$0x0] =	vst v17;
	s0 =	sadd.s32 s30, s11  }
0x128: {  	[tilespmem:s0+$0x0] =	vst v19;
	s0 =	sadd.s32 s30, s12;
	v19 =	vld.idx.msk [tilespmem:v34+s13+$0x0], $0xffff  }
0x129: {  	v34 =	vadd.s32 v10, v1;
	[tilespmem:s0+$0x0] =	vst v18;
	v18 =	vld.idx.msk [tilespmem:v24+s13+$0x0], $0xffff  }
0x12a: {  	v23 =	vld.idx.msk [tilespmem:v23+s13+$0x0], $0xffff  }
0x12b: {  	s0 =	sadd.s32 s30, s4;
	v24 =	vadd.s32 v6, v1;
	v17 =	vld.idx.msk [tilespmem:v35+s13+$0x0], $0xffff  }
0x12c: {  	[tilespmem:s0+$0x0] =	vst v9;
	v35 =	vadd.s32 v26, v1;
	v9 =	vld.idx.msk [tilespmem:v25+s13+$0x0], $0xffff  }
0x12d: {  	s0 =	sadd.s32 s30, s6;
	v25 =	vadd.s32 v12, v1;
	v26 =	vld [tilespmem:$0x1FF20]  }
0x12e: {  	[tilespmem:s0+$0x0] =	vst v5;
	s0 =	sadd.s32 s30, s7;
	v20 =	vld.idx.msk [tilespmem:v34+s13+$0x0], $0xffff  }
0x12f: {  	v5 =	vadd.s32 v0, v4;
	[tilespmem:s0+$0x0] =	vst v21;
	s0 =	sadd.s32 s30, s8;
	v34 =	vld [tilespmem:$0x1FF50]  }
0x130: {  	[tilespmem:s0+$0x0] =	vst v7;
	s0 =	sadd.s32 s30, s9;
	v24 =	vld.idx.msk [tilespmem:v24+s13+$0x0], $0xffff  }
0x131: {  	v7 =	vadd.s32 v29, v4;
	[tilespmem:s0+$0x0] =	vst v8;
	s0 =	sadd.s32 s30, s14;
	v22 =	vld.idx.msk [tilespmem:v35+s13+$0x0], $0xffff  }
0x132: {  	[tilespmem:s0+$0x0] =	vst v14;
	s0 =	sadd.s32 s1, s11;
	v25 =	vld.idx.msk [tilespmem:v25+s13+$0x0], $0xffff  }
0x133: {  	v8 =	vadd.s32 v30, v4;
	[tilespmem:s0+$0x0] =	vst v31;
	v31 =	vld [tilespmem:$0x1FF60];
	s0 =	sadd.s32 s1, s12  }
0x134: {  	v21 =	vadd.s32 v26, v4;
	v5 =	vld.idx.msk [tilespmem:v5+s13+$0x0], $0xffff;
	[tilespmem:s0+$0x0] =	vst v32;
	s0 =	sadd.s32 s1, s4  }
0x135: {  	v35 =	vadd.s32 v0, v3;
	v32 =	vld [tilespmem:$0x1FF70];
	[tilespmem:s0+$0x0] =	vst v33;
	s0 =	sadd.s32 s1, s6  }
0x136: {  	v14 =	vadd.s32 v34, v4;
	v7 =	vld.idx.msk [tilespmem:v7+s13+$0x0], $0xffff;
	[tilespmem:s0+$0x0] =	vst v13;
	s0 =	sadd.s32 s1, s7  }
0x137: {  	v33 =	vld [tilespmem:$0x1FF80];
	[tilespmem:s0+$0x0] =	vst v16;
	v16 =	vadd.s32 v26, v3  }
0x138: {  	v8 =	vld.idx.msk [tilespmem:v8+s13+$0x0], $0xffff;
	s0 =	sadd.s32 s1, s8;
	v10 =	vadd.s32 v31, v4  }
0x139: {  	v21 =	vld.idx.msk [tilespmem:v21+s13+$0x0], $0xffff;
	[tilespmem:s0+$0x0] =	vst v15;
	v15 =	vadd.s32 v29, v3  }
0x13a: {  	s11 =	sadd.s32 s31, s11;
	v13 =	vld.idx.msk [tilespmem:v35+s13+$0x0], $0xffff;
	v35 =	vadd.s32 v31, v3  }
0x13b: {  	[tilespmem:s11+$0x0] =	vst v19;
	s0 =	sadd.s32 s1, s9;
	v6 =	vadd.s32 v32, v4;
	v14 =	vld.idx.msk [tilespmem:v14+s13+$0x0], $0xffff  }
0x13c: {  	s11 =	sadd.s32 s31, s12;
	[tilespmem:s0+$0x0] =	vst v11;
	v11 =	vadd.s32 v30, v3;
	v16 =	vld.idx.msk [tilespmem:v16+s13+$0x0], $0xffff  }
0x13d: {  	s12 =	sadd.s32 s31, s4;
	[tilespmem:s11+$0x0] =	vst v18;
	v18 =	vadd.s32 v32, v3;
	v10 =	vld.idx.msk [tilespmem:v10+s13+$0x0], $0xffff  }
0x13e: {  	[tilespmem:s12+$0x0] =	vst v9;
	s0 =	sadd.s32 s1, s14;
	v12 =	vadd.s32 v33, v4;
	v15 =	vld.idx.msk [tilespmem:v15+s13+$0x0], $0xffff  }
0x13f: {  	s4 =	sadd.s32 s31, s6;
	[tilespmem:s0+$0x0] =	vst v17;
	v17 =	vadd.s32 v34, v3;
	v19 =	vld.idx.msk [tilespmem:v35+s13+$0x0], $0xffff  }
0x140: {  	s6 =	sadd.s32 s31, s7;
	[tilespmem:s4+$0x0] =	vst v23;
	v9 =	vadd.s32 v33, v3;
	v6 =	vld.idx.msk [tilespmem:v6+s13+$0x0], $0xffff  }
0x141: {  	s7 =	sadd.s32 s31, s8;
	v23 =	vadd.s32 v0, v2;
	[tilespmem:s6+$0x0] =	vst v22;
	v11 =	vld.idx.msk [tilespmem:v11+s13+$0x0], $0xffff  }
0x142: {  	s8 =	sadd.s32 s31, s9;
	v22 =	vadd.s32 v26, v2;
	[tilespmem:s7+$0x0] =	vst v20;
	v18 =	vld.idx.msk [tilespmem:v18+s13+$0x0], $0xffff  }
0x143: {  	s11 =	sadd.s32 $0x6000, s10;
	s9 =	sadd.s32 s31, s14;
	[tilespmem:s8+$0x0] =	vst v24;
	v24 =	vadd.s32 v30, v2;
	v12 =	vld.idx.msk [tilespmem:v12+s13+$0x0], $0xffff  }
0x144: {  	s12 =	sadd.s32 $0x6080, s10;
	s14 =	sadd.s32 s3, s11;
	[tilespmem:s9+$0x0] =	vst v25;
	v25 =	vadd.s32 v34, v2;
	v17 =	vld.idx.msk [tilespmem:v17+s13+$0x0], $0xffff  }
0x145: {  	s4 =	sadd.s32 $0x6100, s10;
	s6 =	sadd.s32 s3, s12;
	v9 =	vld.idx.msk [tilespmem:v9+s13+$0x0], $0xffff;
	[tilespmem:s14+$0x0] =	vst v5  }
0x146: {  	s7 =	sadd.s32 s3, s4;
	v5 =	vld.idx.msk [tilespmem:v23+s13+$0x0], $0xffff;
	[tilespmem:s6+$0x0] =	vst v21;
	s6 =	sadd.s32 $0x6180, s10  }
0x147: {  	v35 =	vadd.s32 v29, v2;
	v21 =	vld.idx.msk [tilespmem:v22+s13+$0x0], $0xffff;
	[tilespmem:s7+$0x0] =	vst v7;
	s7 =	sadd.s32 $0x6200, s10;
	s8 =	sadd.s32 s3, s6  }
0x148: {  	v23 =	vadd.s32 v31, v2;
	s9 =	sadd.s32 s3, s7;
	[tilespmem:s8+$0x0] =	vst v8;
	v8 =	vld.idx.msk [tilespmem:v24+s13+$0x0], $0xffff  }
0x149: {  	v22 =	vadd.s32 v32, v2;
	[tilespmem:s9+$0x0] =	vst v14;
	v14 =	vld.idx.msk [tilespmem:v25+s13+$0x0], $0xffff  }
0x14a: {  	v25 =	vadd.s32 v26, v1;
	v26 =	vld [tilespmem:$0x1FFA0]  }
0x14b: {  	s8 =	sadd.s32 $0x6280, s10;
	v24 =	vadd.s32 v0, v1;
	v0 =	vadd.s32 v29, v1;
	v29 =	vld [tilespmem:$0x1FFB0]  }
0x14c: {  	s9 =	sadd.s32 $0x6300, s10;
	v7 =	vld.idx.msk [tilespmem:v35+s13+$0x0], $0xffff;
	s14 =	sadd.s32 s3, s8  }
0x14d: {  	v35 =	vadd.s32 v33, v2;
	s0 =	sadd.s32 s3, s9;
	[tilespmem:s14+$0x0] =	vst v10;
	s14 =	sadd.s32 $0x6380, s10;
	v10 =	vld.idx.msk [tilespmem:v23+s13+$0x0], $0xffff  }
0x14e: {  	[tilespmem:s0+$0x0] =	vst v6;
	s0 =	sadd.s32 s3, s14;
	v6 =	vld.idx.msk [tilespmem:v22+s13+$0x0], $0xffff  }
0x14f: {  	v22 =	vadd.s32 v30, v1;
	v30 =	vld [tilespmem:$0x1FFC0];
	[tilespmem:s0+$0x0] =	vst v12;
	s0 =	sadd.s32 s30, s11  }
0x150: {  	[tilespmem:s0+$0x0] =	vst v13;
	v13 =	vld.idx.msk [tilespmem:v24+s13+$0x0], $0xffff  }
0x151: {  	v24 =	vadd.s32 v31, v1;
	v31 =	vld [tilespmem:$0x1FE60]  }
0x152: {  	s0 =	sadd.s32 s30, s12;
	v12 =	vld.idx.msk [tilespmem:v35+s13+$0x0], $0xffff  }
0x153: {  	v23 =	vadd.s32 v33, v1;
	[tilespmem:s0+$0x0] =	vst v16;
	v16 =	vld.idx.msk [tilespmem:v25+s13+$0x0], $0xffff  }
0x154: {  	s0 =	sadd.s32 s30, s4;
	v25 =	vadd.s32 v32, v1;
	v32 =	vld [tilespmem:$0x1FFD0]  }
0x155: {  	v35 =	vadd.s32 v34, v1;
	[tilespmem:s0+$0x0] =	vst v15;
	v15 =	vld.idx.msk [tilespmem:v0+s13+$0x0], $0xffff  }
0x156: {  	s0 =	sadd.s32 s30, s6;
	v0 =	vld [tilespmem:$0x1FF90]  }
0x157: {  	v34 =	vadd.s32 v26, v4;
	[tilespmem:s0+$0x0] =	vst v11;
	s0 =	sadd.s32 s30, s7;
	v22 =	vld.idx.msk [tilespmem:v22+s13+$0x0], $0xffff  }
0x158: {  	v23 =	vld.idx.msk [tilespmem:v23+s13+$0x0], $0xffff;
	[tilespmem:s0+$0x0] =	vst v17;
	s0 =	sadd.s32 s30, s8  }
0x159: {  	[tilespmem:s0+$0x0] =	vst v19;
	s0 =	sadd.s32 s30, s9;
	v19 =	vadd.s32 v29, v4;
	v24 =	vld.idx.msk [tilespmem:v24+s13+$0x0], $0xffff  }
0x15a: {  	v20 =	vld.idx.msk [tilespmem:v35+s13+$0x0], $0xffff;
	[tilespmem:s0+$0x0] =	vst v18;
	s0 =	sadd.s32 s30, s14;
	v35 =	vadd.s32 v30, v4  }
0x15b: {  	v25 =	vld.idx.msk [tilespmem:v25+s13+$0x0], $0xffff;
	v33 =	vadd.s32 v0, v4;
	[tilespmem:s0+$0x0] =	vst v9;
	s0 =	sadd.s32 s1, s11  }
0x15c: {  	[tilespmem:s0+$0x0] =	vst v5;
	s0 =	sadd.s32 s1, s12;
	v17 =	vld.idx.msk [tilespmem:v34+s13+$0x0], $0xffff  }
0x15d: {  	v9 =	vadd.s32 v32, v4;
	v34 =	vld [tilespmem:$0x1FFF0];
	[tilespmem:s0+$0x0] =	vst v21;
	s0 =	sadd.s32 s1, s4  }
0x15e: {  	[tilespmem:s0+$0x0] =	vst v7;
	v7 =	vld.idx.msk [tilespmem:v19+s13+$0x0], $0xffff  }
0x15f: {  	v32 =	vadd.s32 v29, v3;
	v18 =	vld.idx.msk [tilespmem:v35+s13+$0x0], $0xffff  }
0x160: {  	v35 =	vadd.s32 v0, v3;
	v11 =	vld.idx.msk [tilespmem:v33+s13+$0x0], $0xffff  }
0x161: {  	s0 =	sadd.s32 s1, s6;
	v33 =	vld [tilespmem:$0x1FFE0]  }
0x162: {  	[tilespmem:s0+$0x0] =	vst v8;
	s0 =	sadd.s32 s1, s7;
	v9 =	vld.idx.msk [tilespmem:v9+s13+$0x0], $0xffff;
	v21 =	vadd.s32 v34, v4  }
0x163: {  	[tilespmem:s0+$0x0] =	vst v14;
	s0 =	sadd.s32 s1, s8;
	v34 =	vld [tilespmem:$0x1FFD0]  }
0x164: {  	[tilespmem:s0+$0x0] =	vst v10;
	v10 =	vld.idx.msk [tilespmem:v32+s13+$0x0], $0xffff  }
0x165: {  	v8 =	vld.idx.msk [tilespmem:v35+s13+$0x0], $0xffff  }
0x166: {  	s11 =	sadd.s32 s31, s11;
	v14 =	vadd.s32 v26, v3;
	v35 =	vld [tilespmem:$0x1FFE0]  }
0x167: {  	[tilespmem:s11+$0x0] =	vst v13;
	s0 =	sadd.s32 s1, s9;
	v19 =	vld.idx.msk [tilespmem:v21+s13+$0x0], $0xffff  }
0x168: {  	s8 =	sadd.s32 s31, s8;
	[tilespmem:s0+$0x0] =	vst v6;
	v5 =	vadd.s32 v33, v4;
	v21 =	vld [tilespmem:$0x1FFF0]  }
0x169: {  	s11 =	sadd.s32 s31, s9;
	[tilespmem:s8+$0x0] =	vst v24;
	v24 =	vld [tilespmem:$0x1FFE0];
	v4 =	vadd.s32 v31, v4  }
0x16a: {  	s0 =	sadd.s32 s1, s14;
	[tilespmem:s11+$0x0] =	vst v25;
	v25 =	vld [tilespmem:$0x1FFF0];
	v33 =	vadd.s32 v30, v3  }
0x16b: {  	[tilespmem:s0+$0x0] =	vst v12;
	v14 =	vld.idx.msk [tilespmem:v14+s13+$0x0], $0xffff;
	v12 =	vadd.s32 v34, v3  }
0x16c: {  	s12 =	sadd.s32 s31, s12;
	v13 =	vadd.s32 v35, v3;
	v35 =	vld [tilespmem:$0x1FFD0]  }
0x16d: {  	[tilespmem:s12+$0x0] =	vst v16;
	v5 =	vld.idx.msk [tilespmem:v5+s13+$0x0], $0xffff;
	v16 =	vadd.s32 v21, v3  }
0x16e: {  	s4 =	sadd.s32 s31, s4;
	v4 =	vld.idx.msk [tilespmem:v4+s13+$0x0], $0xffff;
	v3 =	vadd.s32 v31, v3  }
0x16f: {  	s6 =	sadd.s32 s31, s6;
	[tilespmem:s4+$0x0] =	vst v15;
	v32 =	vadd.s32 v0, v2;
	v6 =	vld.idx.msk [tilespmem:v33+s13+$0x0], $0xffff  }
0x170: {  	s7 =	sadd.s32 s31, s7;
	[tilespmem:s6+$0x0] =	vst v22;
	v33 =	vadd.s32 v26, v2;
	v12 =	vld.idx.msk [tilespmem:v12+s13+$0x0], $0xffff  }
0x171: {  	s12 =	sadd.s32 s31, s14;
	s4 =	sadd.s32 $0x7000, s10;
	[tilespmem:s7+$0x0] =	vst v20;
	v34 =	vadd.s32 v30, v2;
	v13 =	vld.idx.msk [tilespmem:v13+s13+$0x0], $0xffff  }
0x172: {  	s6 =	sadd.s32 $0x7080, s10;
	s14 =	sadd.s32 s3, s4;
	[tilespmem:s12+$0x0] =	vst v23;
	v16 =	vld.idx.msk [tilespmem:v16+s13+$0x0], $0xffff  }
0x173: {  	s7 =	sadd.s32 $0x7100, s10;
	s8 =	sadd.s32 s3, s6;
	v21 =	vadd.s32 v29, v2;
	v3 =	vld.idx.msk [tilespmem:v3+s13+$0x0], $0xffff;
	[tilespmem:s14+$0x0] =	vst v11  }
0x174: {  	s9 =	sadd.s32 s3, s7;
	v23 =	vadd.s32 v35, v2;
	v11 =	vld.idx.msk [tilespmem:v32+s13+$0x0], $0xffff;
	[tilespmem:s8+$0x0] =	vst v17;
	s8 =	sadd.s32 $0x7180, s10  }
0x175: {  	v32 =	vadd.s32 v24, v2;
	v17 =	vld.idx.msk [tilespmem:v33+s13+$0x0], $0xffff;
	[tilespmem:s9+$0x0] =	vst v7;
	s11 =	sadd.s32 s3, s8  }
0x176: {  	v33 =	vadd.s32 v25, v2;
	s9 =	sadd.s32 $0x7200, s10;
	[tilespmem:s11+$0x0] =	vst v18;
	v18 =	vld.idx.msk [tilespmem:v34+s13+$0x0], $0xffff  }
0x177: {  	v2 =	vadd.s32 v31, v2;
	s12 =	sadd.s32 s3, s9;
	s11 =	sadd.s32 $0x7280, s10;
	v34 =	vld [tilespmem:$0x1FFD0]  }
0x178: {  	v7 =	vld.idx.msk [tilespmem:v21+s13+$0x0], $0xffff;
	v21 =	vadd.s32 v0, v1;
	[tilespmem:s12+$0x0] =	vst v9;
	s12 =	sadd.s32 $0x7300, s10;
	s14 =	sadd.s32 s3, s11  }
0x179: {  	v35 =	vadd.s32 v26, v1;
	s10 =	sadd.s32 $0x7380, s10;
	v9 =	vld.idx.msk [tilespmem:v23+s13+$0x0], $0xffff;
	[tilespmem:s14+$0x0] =	vst v5;
	s14 =	sadd.s32 s3, s12  }
0x17a: {  	v5 =	vld.idx.msk [tilespmem:v32+s13+$0x0], $0xffff;
	v32 =	vadd.s32 v29, v1;
	[tilespmem:s14+$0x0] =	vst v19;
	s14 =	sadd.s32 s3, s10  }
0x17b: {  	v19 =	vld.idx.msk [tilespmem:v33+s13+$0x0], $0xffff;
	v33 =	vadd.s32 v30, v1;
	s3 =	sadd.s32 s30, s4;
	[tilespmem:s14+$0x0] =	vst v4  }
0x17c: {  	v2 =	vld.idx.msk [tilespmem:v2+s13+$0x0], $0xffff;
	[tilespmem:s3+$0x0] =	vst v8;
	s14 =	sadd.s32 s30, s6;
	v4 =	vadd.s32 v34, v1  }
0x17d: {  	v8 =	vld.idx.msk [tilespmem:v21+s13+$0x0], $0xffff;
	s3 =	sadd.s32 s30, s7;
	v34 =	vadd.s32 v24, v1;
	[tilespmem:s14+$0x0] =	vst v14  }
0x17e: {  	v14 =	vld.idx.msk [tilespmem:v35+s13+$0x0], $0xffff;
	v35 =	vadd.s32 v25, v1;
	[tilespmem:s3+$0x0] =	vst v10;
	s14 =	sadd.s32 s30, s8  }
0x17f: {  	v1 =	vadd.s32 v31, v1;
	s3 =	sadd.s32 s30, s9;
	[tilespmem:s14+$0x0] =	vst v6;
	v32 =	vld.idx.msk [tilespmem:v32+s13+$0x0], $0xffff  }
0x180: {  	[tilespmem:s3+$0x0] =	vst v12;
	s14 =	sadd.s32 s30, s11;
	v33 =	vld.idx.msk [tilespmem:v33+s13+$0x0], $0xffff  }
0x181: {  	s3 =	sadd.s32 s30, s12;
	[tilespmem:s14+$0x0] =	vst v13;
	v4 =	vld.idx.msk [tilespmem:v4+s13+$0x0], $0xffff  }
0x182: {  	[tilespmem:s3+$0x0] =	vst v16;
	s14 =	sadd.s32 s30, s10;
	v34 =	vld.idx.msk [tilespmem:v34+s13+$0x0], $0xffff  }
0x183: {  	s30 =	sadd.s32 s1, s4;
	[tilespmem:s14+$0x0] =	vst v3;
	v35 =	vld.idx.msk [tilespmem:v35+s13+$0x0], $0xffff  }
0x184: {  	s3 =	sadd.s32 s1, s6;
	v1 =	vld.idx.msk [tilespmem:v1+s13+$0x0], $0xffff;
	[tilespmem:s30+$0x0] =	vst v11  }
0x185: {  	s14 =	sadd.s32 s1, s7;
	[tilespmem:s3+$0x0] =	vst v17  }
0x186: {  	[tilespmem:s14+$0x0] =	vst v7;
	s30 =	sadd.s32 s1, s8  }
0x187: {  	s3 =	sadd.s32 s1, s9;
	[tilespmem:s30+$0x0] =	vst v18  }
0x188: {  	s14 =	sadd.s32 s1, s11;
	[tilespmem:s3+$0x0] =	vst v9  }
0x189: {  	s4 =	sadd.s32 s31, s4;
	[tilespmem:s14+$0x0] =	vst v5  }
0x18a: {  	s6 =	sadd.s32 s31, s6;
	[tilespmem:s4+$0x0] =	vst v8  }
0x18b: {  	s30 =	sadd.s32 s1, s12;
	[tilespmem:s6+$0x0] =	vst v14  }
0x18c: {  	s3 =	sadd.s32 s1, s10;
	[tilespmem:s30+$0x0] =	vst v19  }
0x18d: {  	s25 =	sadd.s32 $0x2, s25;
	s7 =	sadd.s32 s31, s7;
	[tilespmem:s3+$0x0] =	vst v2  }
0x18e: {  	p3 =	slt.u32 s25, $0xE;
	s8 =	sadd.s32 s31, s8;
	[tilespmem:s7+$0x0] =	vst v32  }
.Ltmp2:
0x18f: {  	s9 =	sadd.s32 s31, s9;
	[tilespmem:s8+$0x0] =	vst v33;
	(pc) =	sbr.rel @p3 .LBB2_7-.Ltmp2, $4  }
0x190: {  	s14 =	sadd.s32 s31, s11;
	[tilespmem:s9+$0x0] =	vst v4  }
0x191: {  	s30 =	sadd.s32 s31, s12;
	[tilespmem:s14+$0x0] =	vst v34  }
0x192: {  	p2 =	por !p2, !p2;
	s24 =	sadd.s32 $0x40, s24;
	s31 =	sadd.s32 s31, s10;
	[tilespmem:s30+$0x0] =	vst v35  }
0x193: {  	s28 =	sadd.s32 $0x2, s28;
	s29 =	sadd.s32 $0x200, s29;
	s26 =	sadd.s32 $0x40, s26;
	[tilespmem:s31+$0x0] =	vst v1  }
0x194: {  	p2 =	seq.s32 s19, $0xC7  }
0x195: {  	p1 =	por p2, p1  }
0x196: {  	_ =	strace $0x9000004B;
	s0 =	sshll.u32 @p1 s21, $0x14  }
0x197: {  	_ =	strace @p1 $0x8000004C;
	s0 =	sor.u32 @p1 s5, s0  }
0x198: {  	s1 =	sor.u32 @p1 $0x4, s22;
	s3 =	rddreg [dreg:$0x2];
	s0 =	sshrl.u32 @p1 s0, $0x3  }
0x199: {  	s4 =	simm.s32 @p1 $0x20000;
	s0 =	sadd.s32 @p1 s3, s0;
	s3 =	simm.s32 @p1 $0x1000  }
0x19a: {  	[hbm4b:s0+s3] =	stream.strided.scatter @p1 [tilespmem:s23], [sflag:s1], $0x8000, s4, s3, $0x200038;
	[tilespmem:$0x1D080] =	vst v63  }
0x19b: {  	s0 =	simm.s32 $0x1  }
0x19c: {  	s3 =	simm.s32 $0x1;
	s0 =	simm.s32 @!p0 $0x0;
	p0 =	seq.s32 s19, $0x0  }
0x19d: {  	_ =	strace @p1 $0x9000004C;
	s15 =	sadd.s32 s0, s15;
	s0 =	simm.s32 $0x1  }
0x19e: {  	s0 =	simm.s32 @!p1 $0x0;
	p1 =	sne.s32 s19, $0x0;
	s19 =	sadd.s32 $0x1, s19  }
0x19f: {  	s1 =	sand.u32 @!p0 $0x1, s16;
	s3 =	simm.s32 @!p1 $0x0;
	p1 =	sne.s32 s19, $0xC8  }
.Ltmp3:
0x1a0: {  	_ =	strace @!p0 $0x8000004D;
	s1 =	sor.u32 @!p0 $0x4, s1;
	(pc) =	sbr.rel @p1 .LBB2_6-.Ltmp3, $4  }
0x1a1: {  	_ =	swait.ge @!p0 [sflag:s1], $0x8000  }
0x1a2: {  	[sflag:s1] =	ssyncset.done @!p0 $0x0  }
0x1a3: {  	s21 =	smov.u32 s20;
	s17 =	sadd.s32 s0, s17;
	[sflag:s1] =	ssyncadd.s32 @!p0 $0xFFFF8000  }
0x1a4: {  	s18 =	sadd.s32 s0, s18;
	s16 =	sadd.s32 s3, s16;
	_ =	strace @!p0 $0x9000004D  }
0x1a5: {  	s0 =	sand.u32 $0x1, s16  }
0x1a6: {  	_ =	strace $0x8000004E;
	s0 =	sor.u32 $0x4, s0  }
0x1a7: {  	_ =	swait.ge [sflag:s0], $0x8000  }
0x1a8: {  	s1 =	rddreg [dreg:$0x8]  }
0x1a9: {  	s31 =	rddreg [dreg:$0x7];
	s1 =	sadd.s32 $0x1, s1  }
0x1aa: {  	p0 =	sne.s32 s1, s31  }
.Ltmp4:
0x1ab: {  	_ = 	snop;
	(pc) =	sbr.rel @p0 .LBB2_1-.Ltmp4, $4  }
0x1ac: {  	_ = 	snop  }
0x1ad: {  	[sflag:s0] =	ssyncset.done $0x0  }
0x1ae: {  	[sflag:s0] =	ssyncadd.s32 $0xFFFF8000  }
0x1af: {  	_ =	strace $0x9000004E  }
0x1b0: {  	_ =	sfence.sel $0x180000  }
0x1b1: {  	[bflag:$0x0] =	sbarrier.arrive $0xFFFF  }
0x1b2: {  	_ =	strace $0x90000047  }
0x1b3: {  	s0 =	stileid.u32;
	[bflag:$0x2] =	sbarrier.arrive $0xFFFF  }
0x1b4: {  	p0 =	sne.s32 s0, $0x0;
	s0 =	rddreg [dreg:$0x3]  }
0x1b5: {  	s0 =	sadd.s32 @!p0 $0x100000, s0  }
0x1b6: {  	[sflag:s0] =	ssyncadd.tile.s32 @!p0 $0x1;
	_ =	shalt  }
.Lfunc_end2:
_tile_overlayer_lowered:
.L_overlay_start_2:
0x1b7: {  	(tag) =	ssettag $0x2  }
0x1b8: {  	s0 =	rddreg [dreg:$0x0];
	s2 =	stileid.u32  }
0x1b9: {  	s1 =	rddreg [dreg:$0x1];
	p0 =	sne.s32 s2, $0x0  }
0x1ba: {  	s3 =	rddreg [dreg:$0x2];
	[bflag:$0x3] =	sbarrier.arrive $0xFFFF;
	s2 =	simm.s32 @!p0 $0x1C02  }
0x1bb: {  	[timem:s3], [sflag:s2] =	dma.local @!p0 [hbm:s0], s1  }
0x1bc: {  	s0 =	simm.s32 @!p0 $0x2  }
0x1bd: {  	_ =	swait.ge @!p0 [sflag:s0], s1  }
0x1be: {  	s1 =	ssub.s32 @!p0 $0x0, s1;
	[sflag:s0] =	ssyncset.done @!p0 $0x0  }
0x1bf: {  	[sflag:s0] =	ssyncadd.s32 @!p0 s1  }
0x1c0: {  	[bflag:$0x3] =	sbarrier.arrive $0xFFFF  }
0x1c1: {  	_ =	shalt  }

</sc_bundles>
